<compile_context>
chip_gen: v7x
topology: tpu7x:2x2x1
jax: 0.10.2.dev20260603
libtpu: 0.0.44.dev20260713+nightly
codegen_flags: <defaults>
</compile_context>

<pallas_src>
import functools

import numpy as np
import jax
import jax.numpy as jnp
from jax import lax
from jax.experimental import pallas as pl
from jax.experimental.pallas import tpu as pltpu
from jax.experimental.pallas import tpu_sc as plsc

B, T, N, C = 16, 16, 196, 768
E = 2 * C
K = 8
SPP = K * N // 2
RPD = 56
NDMA = SPP // RPD
NW = 32


_PREC = None

_ERFC_P = [2.326819970068386E-2, -1.387039388740657E-1, 3.687424674597105E-1,
           -5.824733027278666E-1, 6.210004621745983E-1, -4.944515323274145E-1,
           3.404879937665872E-1, -2.741127028184656E-1, 5.638259427386472E-1]
_ERFC_R = [-1.047766399936249E+1, 1.297719955372516E+1, -7.495518717768503E+0,
           2.921019019210786E+0, -1.015265279202700E+0, 4.218463358204948E-1,
           -2.820767439740514E-1, 5.641895067754075E-1]
_ERF_T = [7.853861353153693E-5, -8.010193625184903E-4, 5.188327685732524E-3,
          -2.685381193529856E-2, 1.128358514861418E-1, -3.761262582423300E-1,
          1.128379165726710E+0]
_SQRT_HALF = float(np.float32(0.7071067811865476))


def _poly(y, cs):
    p = jnp.full_like(y, np.float32(cs[0]))
    for c in cs[1:]:
        p = p * y + np.float32(c)
    return p


def _erfc_f32(u):
    au = jnp.abs(u)
    nx2 = -u * u
    z = jnp.exp(nx2)
    q = 1.0 / au
    y = q * q
    p = jnp.where(au < 2.0, _poly(y, _ERFC_P), _poly(y, _ERFC_R))
    yi = z * q * p
    yi = jnp.where(nx2 < -88.72283905206835, jnp.zeros_like(yi), yi)
    yi = jnp.where(u < 0.0, 2.0 - yi, yi)
    es = u * _poly(u * u, _ERF_T)
    return jnp.where(au > 1.0, yi, 1.0 - es)


def _gelu_exact(v):
    return 0.5 * v * _erfc_f32(-v * _SQRT_HALF)


def _tc_body(x_ref, lng_ref, lnb_ref, w1_ref, b1_ref, w2_ref, b2_ref,
             w3_ref, b3_ref, w4_ref, b4_ref, out_ref, pooled_ref):
    bI = pl.program_id(0)
    tI = pl.program_id(1)
    x2f = x_ref[0]
    for f in range(2):
        xb = x2f[f * N:(f + 1) * N]
        s = jnp.sum(xb, axis=0, keepdims=True) * (1.0 / N)
        m = jnp.max(xb, axis=0, keepdims=True)
        row = bI * T + tI * 2 + f
        pooled_ref[pl.ds(row, 1), 0:C] = s
        pooled_ref[pl.ds(row, 1), C:E] = m

    @pl.when((bI == B - 1) & (tI == T // 2 - 1))
    def _():
        p = pooled_ref[...]
        mu = jnp.mean(p, axis=-1, keepdims=True)
        var = jnp.mean((p - mu) ** 2, axis=-1, keepdims=True)
        xn = (p - mu) / jnp.sqrt(var + 1e-5) * lng_ref[...] + lnb_ref[...]
        h1 = _gelu_exact(
            jnp.dot(xn, w1_ref[...], preferred_element_type=jnp.float32,
                    precision=_PREC)
            + b1_ref[...])
        local = h1[:, :C]
        glob = h1[:, C:].reshape(B, T, C)
        gm = jnp.mean(glob, axis=1, keepdims=True)
        gmb = jnp.broadcast_to(gm, (B, T, C)).reshape(B * T, C)
        h = jnp.concatenate([local, gmb], axis=-1)
        h2 = _gelu_exact(
            jnp.dot(h, w2_ref[...], preferred_element_type=jnp.float32,
                    precision=_PREC)
            + b2_ref[...])
        h3 = _gelu_exact(
            jnp.dot(h2, w3_ref[...], preferred_element_type=jnp.float32,
                    precision=_PREC)
            + b3_ref[...])
        w4m = jnp.broadcast_to(w4_ref[...].reshape(C // 2, 1), (C // 2, 128))
        sc = jnp.dot(h3, w4m, preferred_element_type=jnp.float32,
                     precision=_PREC) + b4_ref[...]
        g3 = sc.reshape(B, T, 128)
        smin = jnp.min(g3, axis=1, keepdims=True)
        smax = jnp.max(g3, axis=1, keepdims=True)
        nrm = (g3 - smin) / (smax - smin + 1e-5)
        out_ref[...] = nrm.reshape(B * T, 128)


def _tc_scores(x4, lng, lnb, W1, b1, W2, b2, W3, b3, w4row, b4v):
    full = lambda shape: pl.BlockSpec(shape, lambda b, t: tuple(0 for _ in shape))
    return pl.pallas_call(
        _tc_body,
        grid=(B, T // 2),
        in_specs=[
            pl.BlockSpec((1, 2 * N, C), lambda b, t: (b, t, 0)),
            full((1, E)), full((1, E)),
            full((E, E)), full((1, E)),
            full((E, C)), full((1, C)),
            full((C, C // 2)), full((1, C // 2)),
            full((1, C // 2)), full((1, 1)),
        ],
        out_specs=pl.BlockSpec((B * T, 128), lambda b, t: (0, 0)),
        out_shape=jax.ShapeDtypeStruct((B * T, 128), jnp.float32),
        scratch_shapes=[pltpu.VMEM((B * T, E), jnp.float32)],
    )(x4, lng, lnb, W1, b1, W2, b2, W3, b3, w4row, b4v)


def _sc_body(scores_hbm, x_hbm, out_hbm, score_v, ids_v,
             idx0, idx1, idx2, idx3, idx4, idx5, idx6,
             buf0, buf1, sem0, sem1):
    cid = lax.axis_index("c")
    sid = lax.axis_index("s")
    wid = sid * 2 + cid
    b = wid // 2
    h = wid % 2

    pltpu.sync_copy(scores_hbm.at[pl.ds(b * T, T)], score_v)
    sv = score_v[...]
    lanes = lax.iota(jnp.int32, 16)
    _, by_score = plsc.sort_key_val(sv, lanes, descending=True)
    selk = jnp.where(lanes < K, by_score, jnp.int32(2147483647))
    sids, _ = plsc.sort_key_val(selk, selk)
    ids_v[...] = sids

    idxs = (idx0, idx1, idx2, idx3, idx4, idx5, idx6)
    for i in range(SPP // 16):
        g = h * SPP + i * 16 + lanes
        kk = g // N
        rr = g % N
        idk = plsc.load_gather(ids_v, [kk])
        idxs[i // 7][pl.ds((i % 7) * 16, 16)] = (b * T + idk) * N + rr

    base_out = b * (K * N) + h * SPP
    bufs = (buf0, buf1)
    sems = (sem0, sem1)

    def _src(j):
        return x_hbm.at[idxs[j // 2].at[pl.ds((j % 2) * RPD, RPD)]]

    cps = [None, None]
    cps[0] = pltpu.async_copy(_src(0), buf0, sem0)
    for j in range(1, NDMA + 1):
        if j < NDMA:
            cps[j % 2] = pltpu.async_copy(_src(j), bufs[j % 2], sems[j % 2])
        cps[(j - 1) % 2].wait()
        pltpu.sync_copy(bufs[(j - 1) % 2],
                        out_hbm.at[pl.ds(base_out + (j - 1) * RPD, RPD)])


@functools.cache
def _sc_gather():
    return pl.kernel(
        _sc_body,
        out_type=jax.ShapeDtypeStruct((B * K * N, C), jnp.float32),
        mesh=plsc.VectorSubcoreMesh(core_axis_name="c", subcore_axis_name="s"),
        compiler_params=pltpu.CompilerParams(needs_layout_passes=False),
        scratch_types=[
            pltpu.VMEM((T,), jnp.float32),
            pltpu.VMEM((16,), jnp.int32),
            pltpu.VMEM((112,), jnp.int32),
            pltpu.VMEM((112,), jnp.int32),
            pltpu.VMEM((112,), jnp.int32),
            pltpu.VMEM((112,), jnp.int32),
            pltpu.VMEM((112,), jnp.int32),
            pltpu.VMEM((112,), jnp.int32),
            pltpu.VMEM((112,), jnp.int32),
            pltpu.VMEM((RPD, C), jnp.float32),
            pltpu.VMEM((RPD, C), jnp.float32),
            pltpu.SemaphoreType.DMA,
            pltpu.SemaphoreType.DMA,
        ],
    )


def kernel(x, ln_g, ln_b, W1, b1, W2, b2, W3, b3, W4, b4):
    scores_pad = _tc_scores(
        x,
        ln_g.reshape(1, E), ln_b.reshape(1, E),
        W1, b1.reshape(1, E),
        W2, b2.reshape(1, C),
        W3, b3.reshape(1, C // 2),
        W4.reshape(1, C // 2), b4.reshape(1, 1),
    )
    scores = scores_pad[:, 0]
    x_tab = x.reshape(B * T * N, C)
    out_tab = _sc_gather()(scores, x_tab)
    return out_tab.reshape(B, K * N, C)

# --- scband reference (transcript-rebuilt; emitter-appended) ---
"""Pipeline reference for scband-patch-net-8761733283898 (READ-ONLY COPY).

The authoritative reference and input builder live on the scoring server;
editing this copy changes nothing except your own understanding.
"""

import jax, jax.numpy as jnp
import numpy as np

B, T, N, C = 16, 16, 196, 768
K = 8
E = 2 * C  # PredictorLG embed_dim for score='tpool'


def _gelu(x):
    return jax.nn.gelu(x, approximate=False)


def _layernorm(x, g, b, eps=1e-5):
    mu = jnp.mean(x, axis=-1, keepdims=True)
    var = jnp.mean((x - mu) ** 2, axis=-1, keepdims=True)
    return (x - mu) / jnp.sqrt(var + eps) * g + b


def setup_inputs(seed: int = 0) -> dict:
    key = jax.random.key(seed)
    ks = jax.random.split(key, 8)
    inp = {
        "x": jax.random.normal(ks[0], (B, T * N, C), dtype=jnp.float32),
        "ln_g": jnp.ones((E,), jnp.float32),
        "ln_b": jnp.zeros((E,), jnp.float32),
        "W1": jax.random.normal(ks[1], (E, E), dtype=jnp.float32) * (1.0 / np.sqrt(E)),
        "b1": jnp.zeros((E,), jnp.float32),
        "W2": jax.random.normal(ks[2], (E, E // 2), dtype=jnp.float32) * (1.0 / np.sqrt(E)),
        "b2": jnp.zeros((E // 2,), jnp.float32),
        "W3": jax.random.normal(ks[3], (E // 2, E // 4), dtype=jnp.float32) * (1.0 / np.sqrt(E // 2)),
        "b3": jnp.zeros((E // 4,), jnp.float32),
        "W4": jax.random.normal(ks[4], (E // 4, 1), dtype=jnp.float32) * (1.0 / np.sqrt(E // 4)),
        "b4": jnp.zeros((1,), jnp.float32),
    }
    return inp


def _score_network(x_, ln_g, ln_b, W1, b1, W2, b2, W3, b3, W4, b4):
    # PredictorLG: in_conv = LN -> Linear -> GELU
    h = _gelu(_layernorm(x_, ln_g, ln_b) @ W1 + b1)
    Bc, Nc, Cc = h.shape
    local = h[:, :, : Cc // 2]
    glob = jnp.mean(h[:, :, Cc // 2:], axis=1, keepdims=True)
    h = jnp.concatenate([local, jnp.broadcast_to(glob, (Bc, Nc, Cc // 2))], axis=-1)
    # out_conv: Linear -> GELU -> Linear -> GELU -> Linear
    h = _gelu(h @ W2 + b2)
    h = _gelu(h @ W3 + b3)
    return h @ W4 + b4


def reference(x, ln_g, ln_b, W1, b1, W2, b2, W3, b3, W4, b4):
    # PatchNet.forward with score='tpool', type='time', eval path (hard top-k)
    x4 = x.reshape(B, T, N, C)
    avg = jnp.mean(x4, axis=2)
    mx = jnp.max(x4, axis=2)
    x_ = jnp.concatenate([avg, mx], axis=2)  # [B, T, 2C]
    scores = _score_network(x_, ln_g, ln_b, W1, b1, W2, b2, W3, b3, W4, b4)[..., 0]  # [B, T]
    smin = jnp.min(scores, axis=-1, keepdims=True)
    smax = jnp.max(scores, axis=-1, keepdims=True)
    scores = (scores - smin) / (smax - smin + 1e-5)
    _, idx = jax.lax.top_k(scores, K)
    idx = jnp.sort(idx, axis=-1)  # [B, K]
    x2 = x4.reshape(B, T, N * C)
    patches = jnp.take_along_axis(x2, idx[:, :, None], axis=1)  # [B, K, N*C]
    return patches.reshape(B, K * N, C)

if __name__ == "__main__":
    import jax
    _d = setup_inputs()
    print(jax.jit(kernel)(*tuple(_d.values())))

</pallas_src>

<mosaic_0001>
#map = affine_map<(d0, d1) -> (0)>
#map1 = affine_map<(d0, d1) -> (0, 0)>
module attributes {stable_mosaic.version = 14 : i64} {
  func.func @_sc_body(%arg0: i32, %arg1: i32, %arg2: memref<256xf32, #tpu.memory_space<hbm>>, %arg3: memref<50176x768xf32, #tpu.memory_space<hbm>>, %arg4: memref<25088x768xf32, #tpu.memory_space<hbm>>, %arg5: memref<16xf32, #tpu.memory_space<vmem>>, %arg6: memref<16xi32, #tpu.memory_space<vmem>>, %arg7: memref<112xi32, #tpu.memory_space<vmem>>, %arg8: memref<112xi32, #tpu.memory_space<vmem>>, %arg9: memref<112xi32, #tpu.memory_space<vmem>>, %arg10: memref<112xi32, #tpu.memory_space<vmem>>, %arg11: memref<112xi32, #tpu.memory_space<vmem>>, %arg12: memref<112xi32, #tpu.memory_space<vmem>>, %arg13: memref<112xi32, #tpu.memory_space<vmem>>, %arg14: memref<56x768xf32, #tpu.memory_space<vmem>>, %arg15: memref<56x768xf32, #tpu.memory_space<vmem>>, %arg16: memref<!tpu.dma_semaphore, #tpu.memory_space<semaphore_mem>>, %arg17: memref<!tpu.dma_semaphore, #tpu.memory_space<semaphore_mem>>) attributes {dimension_semantics = [#tpu.dimension_semantics<core_parallel>, #tpu.dimension_semantics<subcore_parallel>], iteration_bounds = array<i64: 2, 16>, scalar_prefetch = 0 : i64, scratch_operands = 13 : i64, tpu.core_type = #tpu.core_type<sc_vector_subcore>, window_params = [{transform_indices = #map}, {transform_indices = #map1}, {transform_indices = #map1}]} {
    %mul3A = arith.constant 2 : i32
    %mul3A_0 = arith.muli %arg1, %mul3A : i32
    %add3A = arith.addi %mul3A_0, %arg0 : i32
    %jit3A = arith.constant 2 : i32
    %div3A = arith.divsi %add3A, %jit3A : i32
    %sign3A = arith.constant 0 : i32
    %sign3A_1 = arith.cmpi sgt, %add3A, %sign3A : i32
    %sign3A_2 = arith.extui %sign3A_1 : i1 to i32
    %sign3A_3 = arith.constant 0 : i32
    %sign3A_4 = arith.cmpi slt, %add3A, %sign3A_3 : i32
    %sign3A_5 = arith.extui %sign3A_4 : i1 to i32
    %sign3A_6 = arith.subi %sign3A_2, %sign3A_5 : i32
    %sign3A_7 = arith.constant 0 : i32
    %sign3A_8 = arith.cmpi sgt, %jit3A, %sign3A_7 : i32
    %sign3A_9 = arith.extui %sign3A_8 : i1 to i32
    %sign3A_10 = arith.constant 0 : i32
    %sign3A_11 = arith.cmpi slt, %jit3A, %sign3A_10 : i32
    %sign3A_12 = arith.extui %sign3A_11 : i1 to i32
    %sign3A_13 = arith.subi %sign3A_9, %sign3A_12 : i32
    %ne3A = arith.cmpi ne, %sign3A_6, %sign3A_13 : i32
    %rem3A = arith.remsi %add3A, %jit3A : i32
    %ne3A_14 = arith.constant 0 : i32
    %ne3A_15 = arith.cmpi ne, %rem3A, %ne3A_14 : i32
    %and3A = arith.andi %ne3A, %ne3A_15 : i1
    %sub3A = arith.constant 1 : i32
    %sub3A_16 = arith.subi %div3A, %sub3A : i32
    %select_n3A = arith.select %and3A, %sub3A_16, %div3A : i32
    %jit3A_17 = arith.constant 2 : i32
    %eq3A = arith.constant 0 : i32
    %eq3A_18 = arith.cmpi eq, %jit3A_17, %eq3A : i32
    %jit3A_19 = arith.constant 1 : i32
    %select_n3A_20 = arith.select %eq3A_18, %jit3A_19, %jit3A_17 : i32
    %rem3A_21 = arith.remsi %add3A, %select_n3A_20 : i32
    %ne3A_22 = arith.constant 0 : i32
    %ne3A_23 = arith.cmpi ne, %rem3A_21, %ne3A_22 : i32
    %lt3A = arith.constant 0 : i32
    %lt3A_24 = arith.cmpi slt, %rem3A_21, %lt3A : i32
    %lt3A_25 = arith.constant 0 : i32
    %lt3A_26 = arith.cmpi slt, %select_n3A_20, %lt3A_25 : i32
    %ne3A_27 = arith.xori %lt3A_24, %lt3A_26 : i1
    %and3A_28 = arith.andi %ne3A_27, %ne3A_23 : i1
    %add3A_29 = arith.addi %rem3A_21, %select_n3A_20 : i32
    %select_n3A_30 = arith.select %and3A_28, %add3A_29, %rem3A_21 : i32
    %mul3A_31 = arith.constant 16 : i32
    %mul3A_32 = arith.muli %select_n3A, %mul3A_31 : i32
    "tpu.region"() ({
      %run_scoped3A = tpu.sem_alloc : memref<!tpu.dma_semaphore, #tpu.memory_space<semaphore_mem>>
      %dma_start3A_3651 = tpu.memref_slice %arg2[%mul3A_32] : memref<256xf32, #tpu.memory_space<hbm>> -> memref<16xf32, #tpu.memory_space<hbm>>
      %dma_start3A_3652 = tpu.memref_slice %arg2[%mul3A_32] : memref<256xf32, #tpu.memory_space<hbm>> -> memref<16xf32, #tpu.memory_space<hbm>>
      tpu.enqueue_dma source(%dma_start3A_3652 : memref<16xf32, #tpu.memory_space<hbm>>) target(%arg5 : memref<16xf32, #tpu.memory_space<vmem>>) target_semaphore(%run_scoped3A : memref<!tpu.dma_semaphore, #tpu.memory_space<semaphore_mem>>)
      %dma_wait3A_3653 = tpu.memref_slice %arg2[%mul3A_32] : memref<256xf32, #tpu.memory_space<hbm>> -> memref<16xf32, #tpu.memory_space<hbm>>
      %dma_wait3A_3654 = tpu.memref_slice %arg2[%mul3A_32] : memref<256xf32, #tpu.memory_space<hbm>> -> memref<16xf32, #tpu.memory_space<hbm>>
      tpu.wait_dma2 semaphore(%run_scoped3A : memref<!tpu.dma_semaphore, #tpu.memory_space<semaphore_mem>>) src(%dma_wait3A_3654 : memref<16xf32, #tpu.memory_space<hbm>>) dst(%arg5 : memref<16xf32, #tpu.memory_space<vmem>>)
      tpu.yield
    }) : () -> ()
    %get3A = arith.constant 0 : index
    %get3A_33 = tpu.vector_load %arg5[%get3A] {strides = array<i32>} : memref<16xf32, #tpu.memory_space<vmem>>, vector<16xf32>,
    %iota3A = tpu.iota {dimensions = array<i32: 0>} : vector<16xi32>
    %masked_sort3A = arith.constant dense<true> : vector<16xi1>
    %masked_sort3A_34, %masked_sort3A_35, %masked_sort3A_36 = tpu.sort %get3A_33, %iota3A masked %masked_sort3A {descending = true} : (vector<16xf32>, vector<16xi32>, vector<16xi1>) -> (vector<16xi1>, vector<16xf32>, vector<16xi32>)
    %lt3A_37 = arith.constant 8 : i32
    %lt3A_38 = vector.broadcast %lt3A_37 : i32 to vector<16xi32>
    %lt3A_39 = arith.cmpi slt, %iota3A, %lt3A_38 : vector<16xi32>
    %jit3A_40 = arith.constant 2147483647 : i32
    %broadcast_in_dim3A = vector.broadcast %jit3A_40 : i32 to vector<16xi32>
    %select_n3A_41 = arith.select %lt3A_39, %masked_sort3A_36, %broadcast_in_dim3A : vector<16xi1>, vector<16xi32>
    %masked_sort3A_42 = arith.constant dense<true> : vector<16xi1>
    %masked_sort3A_43 = arith.constant -2147483648 : i32
    %masked_sort3A_44 = vector.broadcast %masked_sort3A_43 : i32 to vector<16xi32>
    %masked_sort3A_45 = arith.xori %select_n3A_41, %masked_sort3A_44 : vector<16xi32>
    %masked_sort3A_46, %masked_sort3A_47, %masked_sort3A_48 = tpu.sort %masked_sort3A_45, %select_n3A_41 masked %masked_sort3A_42 : (vector<16xi32>, vector<16xi32>, vector<16xi1>) -> (vector<16xi1>, vector<16xi32>, vector<16xi32>)
    %masked_sort3A_49 = arith.xori %masked_sort3A_47, %masked_sort3A_44 : vector<16xi32>
    %swap3A = arith.constant 0 : index
    %swap3A_50 = tpu.vector_load %arg6[%swap3A] {strides = array<i32>} : memref<16xi32, #tpu.memory_space<vmem>>, vector<16xi32>,
    tpu.vector_store %arg6[%swap3A], %masked_sort3A_49 {strides = array<i32>} : memref<16xi32, #tpu.memory_space<vmem>>, vector<16xi32>,
    %mul3A_51 = arith.constant 784 : i32
    %mul3A_52 = arith.muli %select_n3A_30, %mul3A_51 : i32
    %add3A_53 = arith.constant 0 : i32
    %add3A_54 = arith.addi %mul3A_52, %add3A_53 : i32
    %add3A_55 = vector.broadcast %add3A_54 : i32 to vector<16xi32>
    %add3A_56 = arith.addi %add3A_55, %iota3A : vector<16xi32>
    %jit3A_57 = arith.constant 196 : i32
    %div3A_58 = vector.broadcast %jit3A_57 : i32 to vector<16xi32>
    %div3A_59 = arith.divsi %add3A_56, %div3A_58 : vector<16xi32>
    %sign3A_60 = arith.constant 0 : i32
    %sign3A_61 = vector.broadcast %sign3A_60 : i32 to vector<16xi32>
    %sign3A_62 = arith.cmpi sgt, %add3A_56, %sign3A_61 : vector<16xi32>
    %sign3A_63 = arith.extui %sign3A_62 : vector<16xi1> to vector<16xi32>
    %sign3A_64 = arith.constant 0 : i32
    %sign3A_65 = vector.broadcast %sign3A_64 : i32 to vector<16xi32>
    %sign3A_66 = arith.cmpi slt, %add3A_56, %sign3A_65 : vector<16xi32>
    %sign3A_67 = arith.extui %sign3A_66 : vector<16xi1> to vector<16xi32>
    %sign3A_68 = arith.subi %sign3A_63, %sign3A_67 : vector<16xi32>
    %sign3A_69 = arith.constant 0 : i32
    %sign3A_70 = arith.cmpi sgt, %jit3A_57, %sign3A_69 : i32
    %sign3A_71 = arith.extui %sign3A_70 : i1 to i32
    %sign3A_72 = arith.constant 0 : i32
    %sign3A_73 = arith.cmpi slt, %jit3A_57, %sign3A_72 : i32
    %sign3A_74 = arith.extui %sign3A_73 : i1 to i32
    %sign3A_75 = arith.subi %sign3A_71, %sign3A_74 : i32
    %ne3A_76 = vector.broadcast %sign3A_75 : i32 to vector<16xi32>
    %ne3A_77 = arith.cmpi ne, %sign3A_68, %ne3A_76 : vector<16xi32>
    %rem3A_78 = vector.broadcast %jit3A_57 : i32 to vector<16xi32>
    %rem3A_79 = arith.remsi %add3A_56, %rem3A_78 : vector<16xi32>
    %ne3A_80 = arith.constant 0 : i32
    %ne3A_81 = vector.broadcast %ne3A_80 : i32 to vector<16xi32>
    %ne3A_82 = arith.cmpi ne, %rem3A_79, %ne3A_81 : vector<16xi32>
    %and3A_83 = arith.andi %ne3A_77, %ne3A_82 : vector<16xi1>
    %sub3A_84 = arith.constant 1 : i32
    %sub3A_85 = vector.broadcast %sub3A_84 : i32 to vector<16xi32>
    %sub3A_86 = arith.subi %div3A_59, %sub3A_85 : vector<16xi32>
    %select_n3A_87 = arith.select %and3A_83, %sub3A_86, %div3A_59 : vector<16xi1>, vector<16xi32>
    %jit3A_88 = arith.constant 196 : i32
    %eq3A_89 = arith.constant 0 : i32
    %eq3A_90 = arith.cmpi eq, %jit3A_88, %eq3A_89 : i32
    %jit3A_91 = arith.constant 1 : i32
    %select_n3A_92 = arith.select %eq3A_90, %jit3A_91, %jit3A_88 : i32
    %rem3A_93 = vector.broadcast %select_n3A_92 : i32 to vector<16xi32>
    %rem3A_94 = arith.remsi %add3A_56, %rem3A_93 : vector<16xi32>
    %ne3A_95 = arith.constant 0 : i32
    %ne3A_96 = vector.broadcast %ne3A_95 : i32 to vector<16xi32>
    %ne3A_97 = arith.cmpi ne, %rem3A_94, %ne3A_96 : vector<16xi32>
    %lt3A_98 = arith.constant 0 : i32
    %lt3A_99 = vector.broadcast %lt3A_98 : i32 to vector<16xi32>
    %lt3A_100 = arith.cmpi slt, %rem3A_94, %lt3A_99 : vector<16xi32>
    %lt3A_101 = arith.constant 0 : i32
    %lt3A_102 = arith.cmpi slt, %select_n3A_92, %lt3A_101 : i32
    %ne3A_103 = vector.broadcast %lt3A_102 : i1 to vector<16xi1>
    %ne3A_104 = vector.broadcast %ne3A_103 : vector<16xi1> to vector<16xi1>
    %ne3A_105 = arith.xori %lt3A_100, %ne3A_104 : vector<16xi1>
    %and3A_106 = arith.andi %ne3A_105, %ne3A_97 : vector<16xi1>
    %add3A_107 = vector.broadcast %select_n3A_92 : i32 to vector<16xi32>
    %add3A_108 = arith.addi %rem3A_94, %add3A_107 : vector<16xi32>
    %select_n3A_109 = arith.select %and3A_106, %add3A_108, %rem3A_94 : vector<16xi1>, vector<16xi32>
    %gather3A = tpu.vector_load_idx %arg6[%select_n3A_87] : memref<16xi32, #tpu.memory_space<vmem>>[vector<16xi32>], vector<16xi32>,
    %mul3A_110 = arith.constant 16 : i32
    %mul3A_111 = arith.muli %select_n3A, %mul3A_110 : i32
    %add3A_112 = vector.broadcast %mul3A_111 : i32 to vector<16xi32>
    %add3A_113 = arith.addi %add3A_112, %gather3A : vector<16xi32>
    %mul3A_114 = arith.constant 196 : i32
    %mul3A_115 = vector.broadcast %mul3A_114 : i32 to vector<16xi32>
    %mul3A_116 = arith.muli %add3A_113, %mul3A_115 : vector<16xi32>
    %add3A_117 = arith.addi %mul3A_116, %select_n3A_109 : vector<16xi32>
    %swap3A_118 = arith.constant 0 : index
    %swap3A_119 = tpu.vector_load %arg7[%swap3A_118] {strides = array<i32>} : memref<112xi32, #tpu.memory_space<vmem>>, vector<16xi32>,
    tpu.vector_store %arg7[%swap3A_118], %add3A_117 {strides = array<i32>} : memref<112xi32, #tpu.memory_space<vmem>>, vector<16xi32>,
    %mul3A_120 = arith.constant 784 : i32
    %mul3A_121 = arith.muli %select_n3A_30, %mul3A_120 : i32
    %add3A_122 = arith.constant 16 : i32
    %add3A_123 = arith.addi %mul3A_121, %add3A_122 : i32
    %add3A_124 = vector.broadcast %add3A_123 : i32 to vector<16xi32>
    %add3A_125 = arith.addi %add3A_124, %iota3A : vector<16xi32>
    %jit3A_126 = arith.constant 196 : i32
    %div3A_127 = vector.broadcast %jit3A_126 : i32 to vector<16xi32>
    %div3A_128 = arith.divsi %add3A_125, %div3A_127 : vector<16xi32>
    %sign3A_129 = arith.constant 0 : i32
    %sign3A_130 = vector.broadcast %sign3A_129 : i32 to vector<16xi32>
    %sign3A_131 = arith.cmpi sgt, %add3A_125, %sign3A_130 : vector<16xi32>
    %sign3A_132 = arith.extui %sign3A_131 : vector<16xi1> to vector<16xi32>
    %sign3A_133 = arith.constant 0 : i32
    %sign3A_134 = vector.broadcast %sign3A_133 : i32 to vector<16xi32>
    %sign3A_135 = arith.cmpi slt, %add3A_125, %sign3A_134 : vector<16xi32>
    %sign3A_136 = arith.extui %sign3A_135 : vector<16xi1> to vector<16xi32>
    %sign3A_137 = arith.subi %sign3A_132, %sign3A_136 : vector<16xi32>
    %sign3A_138 = arith.constant 0 : i32
    %sign3A_139 = arith.cmpi sgt, %jit3A_126, %sign3A_138 : i32
    %sign3A_140 = arith.extui %sign3A_139 : i1 to i32
    %sign3A_141 = arith.constant 0 : i32
    %sign3A_142 = arith.cmpi slt, %jit3A_126, %sign3A_141 : i32
    %sign3A_143 = arith.extui %sign3A_142 : i1 to i32
    %sign3A_144 = arith.subi %sign3A_140, %sign3A_143 : i32
    %ne3A_145 = vector.broadcast %sign3A_144 : i32 to vector<16xi32>
    %ne3A_146 = arith.cmpi ne, %sign3A_137, %ne3A_145 : vector<16xi32>
    %rem3A_147 = vector.broadcast %jit3A_126 : i32 to vector<16xi32>
    %rem3A_148 = arith.remsi %add3A_125, %rem3A_147 : vector<16xi32>
    %ne3A_149 = arith.constant 0 : i32
    %ne3A_150 = vector.broadcast %ne3A_149 : i32 to vector<16xi32>
    %ne3A_151 = arith.cmpi ne, %rem3A_148, %ne3A_150 : vector<16xi32>
    %and3A_152 = arith.andi %ne3A_146, %ne3A_151 : vector<16xi1>
    %sub3A_153 = arith.constant 1 : i32
    %sub3A_154 = vector.broadcast %sub3A_153 : i32 to vector<16xi32>
    %sub3A_155 = arith.subi %div3A_128, %sub3A_154 : vector<16xi32>
    %select_n3A_156 = arith.select %and3A_152, %sub3A_155, %div3A_128 : vector<16xi1>, vector<16xi32>
    %jit3A_157 = arith.constant 196 : i32
    %eq3A_158 = arith.constant 0 : i32
    %eq3A_159 = arith.cmpi eq, %jit3A_157, %eq3A_158 : i32
    %jit3A_160 = arith.constant 1 : i32
    %select_n3A_161 = arith.select %eq3A_159, %jit3A_160, %jit3A_157 : i32
    %rem3A_162 = vector.broadcast %select_n3A_161 : i32 to vector<16xi32>
    %rem3A_163 = arith.remsi %add3A_125, %rem3A_162 : vector<16xi32>
    %ne3A_164 = arith.constant 0 : i32
    %ne3A_165 = vector.broadcast %ne3A_164 : i32 to vector<16xi32>
    %ne3A_166 = arith.cmpi ne, %rem3A_163, %ne3A_165 : vector<16xi32>
    %lt3A_167 = arith.constant 0 : i32
    %lt3A_168 = vector.broadcast %lt3A_167 : i32 to vector<16xi32>
    %lt3A_169 = arith.cmpi slt, %rem3A_163, %lt3A_168 : vector<16xi32>
    %lt3A_170 = arith.constant 0 : i32
    %lt3A_171 = arith.cmpi slt, %select_n3A_161, %lt3A_170 : i32
    %ne3A_172 = vector.broadcast %lt3A_171 : i1 to vector<16xi1>
    %ne3A_173 = vector.broadcast %ne3A_172 : vector<16xi1> to vector<16xi1>
    %ne3A_174 = arith.xori %lt3A_169, %ne3A_173 : vector<16xi1>
    %and3A_175 = arith.andi %ne3A_174, %ne3A_166 : vector<16xi1>
    %add3A_176 = vector.broadcast %select_n3A_161 : i32 to vector<16xi32>
    %add3A_177 = arith.addi %rem3A_163, %add3A_176 : vector<16xi32>
    %select_n3A_178 = arith.select %and3A_175, %add3A_177, %rem3A_163 : vector<16xi1>, vector<16xi32>
    %gather3A_179 = tpu.vector_load_idx %arg6[%select_n3A_156] : memref<16xi32, #tpu.memory_space<vmem>>[vector<16xi32>], vector<16xi32>,
    %mul3A_180 = arith.constant 16 : i32
    %mul3A_181 = arith.muli %select_n3A, %mul3A_180 : i32
    %add3A_182 = vector.broadcast %mul3A_181 : i32 to vector<16xi32>
    %add3A_183 = arith.addi %add3A_182, %gather3A_179 : vector<16xi32>
    %mul3A_184 = arith.constant 196 : i32
    %mul3A_185 = vector.broadcast %mul3A_184 : i32 to vector<16xi32>
    %mul3A_186 = arith.muli %add3A_183, %mul3A_185 : vector<16xi32>
    %add3A_187 = arith.addi %mul3A_186, %select_n3A_178 : vector<16xi32>
    %swap3A_188 = arith.constant 16 : index
    %swap3A_189 = tpu.vector_load %arg7[%swap3A_188] {strides = array<i32>} : memref<112xi32, #tpu.memory_space<vmem>>, vector<16xi32>,
    tpu.vector_store %arg7[%swap3A_188], %add3A_187 {strides = array<i32>} : memref<112xi32, #tpu.memory_space<vmem>>, vector<16xi32>,
    %mul3A_190 = arith.constant 784 : i32
    %mul3A_191 = arith.muli %select_n3A_30, %mul3A_190 : i32
    %add3A_192 = arith.constant 32 : i32
    %add3A_193 = arith.addi %mul3A_191, %add3A_192 : i32
    %add3A_194 = vector.broadcast %add3A_193 : i32 to vector<16xi32>
    %add3A_195 = arith.addi %add3A_194, %iota3A : vector<16xi32>
    %jit3A_196 = arith.constant 196 : i32
    %div3A_197 = vector.broadcast %jit3A_196 : i32 to vector<16xi32>
    %div3A_198 = arith.divsi %add3A_195, %div3A_197 : vector<16xi32>
    %sign3A_199 = arith.constant 0 : i32
    %sign3A_200 = vector.broadcast %sign3A_199 : i32 to vector<16xi32>
    %sign3A_201 = arith.cmpi sgt, %add3A_195, %sign3A_200 : vector<16xi32>
    %sign3A_202 = arith.extui %sign3A_201 : vector<16xi1> to vector<16xi32>
    %sign3A_203 = arith.constant 0 : i32
    %sign3A_204 = vector.broadcast %sign3A_203 : i32 to vector<16xi32>
    %sign3A_205 = arith.cmpi slt, %add3A_195, %sign3A_204 : vector<16xi32>
    %sign3A_206 = arith.extui %sign3A_205 : vector<16xi1> to vector<16xi32>
    %sign3A_207 = arith.subi %sign3A_202, %sign3A_206 : vector<16xi32>
    %sign3A_208 = arith.constant 0 : i32
    %sign3A_209 = arith.cmpi sgt, %jit3A_196, %sign3A_208 : i32
    %sign3A_210 = arith.extui %sign3A_209 : i1 to i32
    %sign3A_211 = arith.constant 0 : i32
    %sign3A_212 = arith.cmpi slt, %jit3A_196, %sign3A_211 : i32
    %sign3A_213 = arith.extui %sign3A_212 : i1 to i32
    %sign3A_214 = arith.subi %sign3A_210, %sign3A_213 : i32
    %ne3A_215 = vector.broadcast %sign3A_214 : i32 to vector<16xi32>
    %ne3A_216 = arith.cmpi ne, %sign3A_207, %ne3A_215 : vector<16xi32>
    %rem3A_217 = vector.broadcast %jit3A_196 : i32 to vector<16xi32>
    %rem3A_218 = arith.remsi %add3A_195, %rem3A_217 : vector<16xi32>
    %ne3A_219 = arith.constant 0 : i32
    %ne3A_220 = vector.broadcast %ne3A_219 : i32 to vector<16xi32>
    %ne3A_221 = arith.cmpi ne, %rem3A_218, %ne3A_220 : vector<16xi32>
    %and3A_222 = arith.andi %ne3A_216, %ne3A_221 : vector<16xi1>
    %sub3A_223 = arith.constant 1 : i32
    %sub3A_224 = vector.broadcast %sub3A_223 : i32 to vector<16xi32>
    %sub3A_225 = arith.subi %div3A_198, %sub3A_224 : vector<16xi32>
    %select_n3A_226 = arith.select %and3A_222, %sub3A_225, %div3A_198 : vector<16xi1>, vector<16xi32>
    %jit3A_227 = arith.constant 196 : i32
    %eq3A_228 = arith.constant 0 : i32
    %eq3A_229 = arith.cmpi eq, %jit3A_227, %eq3A_228 : i32
    %jit3A_230 = arith.constant 1 : i32
    %select_n3A_231 = arith.select %eq3A_229, %jit3A_230, %jit3A_227 : i32
    %rem3A_232 = vector.broadcast %select_n3A_231 : i32 to vector<16xi32>
    %rem3A_233 = arith.remsi %add3A_195, %rem3A_232 : vector<16xi32>
    %ne3A_234 = arith.constant 0 : i32
    %ne3A_235 = vector.broadcast %ne3A_234 : i32 to vector<16xi32>
    %ne3A_236 = arith.cmpi ne, %rem3A_233, %ne3A_235 : vector<16xi32>
    %lt3A_237 = arith.constant 0 : i32
    %lt3A_238 = vector.broadcast %lt3A_237 : i32 to vector<16xi32>
    %lt3A_239 = arith.cmpi slt, %rem3A_233, %lt3A_238 : vector<16xi32>
    %lt3A_240 = arith.constant 0 : i32
    %lt3A_241 = arith.cmpi slt, %select_n3A_231, %lt3A_240 : i32
    %ne3A_242 = vector.broadcast %lt3A_241 : i1 to vector<16xi1>
    %ne3A_243 = vector.broadcast %ne3A_242 : vector<16xi1> to vector<16xi1>
    %ne3A_244 = arith.xori %lt3A_239, %ne3A_243 : vector<16xi1>
    %and3A_245 = arith.andi %ne3A_244, %ne3A_236 : vector<16xi1>
    %add3A_246 = vector.broadcast %select_n3A_231 : i32 to vector<16xi32>
    %add3A_247 = arith.addi %rem3A_233, %add3A_246 : vector<16xi32>
    %select_n3A_248 = arith.select %and3A_245, %add3A_247, %rem3A_233 : vector<16xi1>, vector<16xi32>
    %gather3A_249 = tpu.vector_load_idx %arg6[%select_n3A_226] : memref<16xi32, #tpu.memory_space<vmem>>[vector<16xi32>], vector<16xi32>,
    %mul3A_250 = arith.constant 16 : i32
    %mul3A_251 = arith.muli %select_n3A, %mul3A_250 : i32
    %add3A_252 = vector.broadcast %mul3A_251 : i32 to vector<16xi32>
    %add3A_253 = arith.addi %add3A_252, %gather3A_249 : vector<16xi32>
    %mul3A_254 = arith.constant 196 : i32
    %mul3A_255 = vector.broadcast %mul3A_254 : i32 to vector<16xi32>
    %mul3A_256 = arith.muli %add3A_253, %mul3A_255 : vector<16xi32>
    %add3A_257 = arith.addi %mul3A_256, %select_n3A_248 : vector<16xi32>
    %swap3A_258 = arith.constant 32 : index
    %swap3A_259 = tpu.vector_load %arg7[%swap3A_258] {strides = array<i32>} : memref<112xi32, #tpu.memory_space<vmem>>, vector<16xi32>,
    tpu.vector_store %arg7[%swap3A_258], %add3A_257 {strides = array<i32>} : memref<112xi32, #tpu.memory_space<vmem>>, vector<16xi32>,
    %mul3A_260 = arith.constant 784 : i32
    %mul3A_261 = arith.muli %select_n3A_30, %mul3A_260 : i32
    %add3A_262 = arith.constant 48 : i32
    %add3A_263 = arith.addi %mul3A_261, %add3A_262 : i32
    %add3A_264 = vector.broadcast %add3A_263 : i32 to vector<16xi32>
    %add3A_265 = arith.addi %add3A_264, %iota3A : vector<16xi32>
    %jit3A_266 = arith.constant 196 : i32
    %div3A_267 = vector.broadcast %jit3A_266 : i32 to vector<16xi32>
    %div3A_268 = arith.divsi %add3A_265, %div3A_267 : vector<16xi32>
    %sign3A_269 = arith.constant 0 : i32
    %sign3A_270 = vector.broadcast %sign3A_269 : i32 to vector<16xi32>
    %sign3A_271 = arith.cmpi sgt, %add3A_265, %sign3A_270 : vector<16xi32>
    %sign3A_272 = arith.extui %sign3A_271 : vector<16xi1> to vector<16xi32>
    %sign3A_273 = arith.constant 0 : i32
    %sign3A_274 = vector.broadcast %sign3A_273 : i32 to vector<16xi32>
    %sign3A_275 = arith.cmpi slt, %add3A_265, %sign3A_274 : vector<16xi32>
    %sign3A_276 = arith.extui %sign3A_275 : vector<16xi1> to vector<16xi32>
    %sign3A_277 = arith.subi %sign3A_272, %sign3A_276 : vector<16xi32>
    %sign3A_278 = arith.constant 0 : i32
    %sign3A_279 = arith.cmpi sgt, %jit3A_266, %sign3A_278 : i32
    %sign3A_280 = arith.extui %sign3A_279 : i1 to i32
    %sign3A_281 = arith.constant 0 : i32
    %sign3A_282 = arith.cmpi slt, %jit3A_266, %sign3A_281 : i32
    %sign3A_283 = arith.extui %sign3A_282 : i1 to i32
    %sign3A_284 = arith.subi %sign3A_280, %sign3A_283 : i32
    %ne3A_285 = vector.broadcast %sign3A_284 : i32 to vector<16xi32>
    %ne3A_286 = arith.cmpi ne, %sign3A_277, %ne3A_285 : vector<16xi32>
    %rem3A_287 = vector.broadcast %jit3A_266 : i32 to vector<16xi32>
    %rem3A_288 = arith.remsi %add3A_265, %rem3A_287 : vector<16xi32>
    %ne3A_289 = arith.constant 0 : i32
    %ne3A_290 = vector.broadcast %ne3A_289 : i32 to vector<16xi32>
    %ne3A_291 = arith.cmpi ne, %rem3A_288, %ne3A_290 : vector<16xi32>
    %and3A_292 = arith.andi %ne3A_286, %ne3A_291 : vector<16xi1>
    %sub3A_293 = arith.constant 1 : i32
    %sub3A_294 = vector.broadcast %sub3A_293 : i32 to vector<16xi32>
    %sub3A_295 = arith.subi %div3A_268, %sub3A_294 : vector<16xi32>
    %select_n3A_296 = arith.select %and3A_292, %sub3A_295, %div3A_268 : vector<16xi1>, vector<16xi32>
    %jit3A_297 = arith.constant 196 : i32
    %eq3A_298 = arith.constant 0 : i32
    %eq3A_299 = arith.cmpi eq, %jit3A_297, %eq3A_298 : i32
    %jit3A_300 = arith.constant 1 : i32
    %select_n3A_301 = arith.select %eq3A_299, %jit3A_300, %jit3A_297 : i32
    %rem3A_302 = vector.broadcast %select_n3A_301 : i32 to vector<16xi32>
    %rem3A_303 = arith.remsi %add3A_265, %rem3A_302 : vector<16xi32>
    %ne3A_304 = arith.constant 0 : i32
    %ne3A_305 = vector.broadcast %ne3A_304 : i32 to vector<16xi32>
    %ne3A_306 = arith.cmpi ne, %rem3A_303, %ne3A_305 : vector<16xi32>
    %lt3A_307 = arith.constant 0 : i32
    %lt3A_308 = vector.broadcast %lt3A_307 : i32 to vector<16xi32>
    %lt3A_309 = arith.cmpi slt, %rem3A_303, %lt3A_308 : vector<16xi32>
    %lt3A_310 = arith.constant 0 : i32
    %lt3A_311 = arith.cmpi slt, %select_n3A_301, %lt3A_310 : i32
    %ne3A_312 = vector.broadcast %lt3A_311 : i1 to vector<16xi1>
    %ne3A_313 = vector.broadcast %ne3A_312 : vector<16xi1> to vector<16xi1>
    %ne3A_314 = arith.xori %lt3A_309, %ne3A_313 : vector<16xi1>
    %and3A_315 = arith.andi %ne3A_314, %ne3A_306 : vector<16xi1>
    %add3A_316 = vector.broadcast %select_n3A_301 : i32 to vector<16xi32>
    %add3A_317 = arith.addi %rem3A_303, %add3A_316 : vector<16xi32>
    %select_n3A_318 = arith.select %and3A_315, %add3A_317, %rem3A_303 : vector<16xi1>, vector<16xi32>
    %gather3A_319 = tpu.vector_load_idx %arg6[%select_n3A_296] : memref<16xi32, #tpu.memory_space<vmem>>[vector<16xi32>], vector<16xi32>,
    %mul3A_320 = arith.constant 16 : i32
    %mul3A_321 = arith.muli %select_n3A, %mul3A_320 : i32
    %add3A_322 = vector.broadcast %mul3A_321 : i32 to vector<16xi32>
    %add3A_323 = arith.addi %add3A_322, %gather3A_319 : vector<16xi32>
    %mul3A_324 = arith.constant 196 : i32
    %mul3A_325 = vector.broadcast %mul3A_324 : i32 to vector<16xi32>
    %mul3A_326 = arith.muli %add3A_323, %mul3A_325 : vector<16xi32>
    %add3A_327 = arith.addi %mul3A_326, %select_n3A_318 : vector<16xi32>
    %swap3A_328 = arith.constant 48 : index
    %swap3A_329 = tpu.vector_load %arg7[%swap3A_328] {strides = array<i32>} : memref<112xi32, #tpu.memory_space<vmem>>, vector<16xi32>,
    tpu.vector_store %arg7[%swap3A_328], %add3A_327 {strides = array<i32>} : memref<112xi32, #tpu.memory_space<vmem>>, vector<16xi32>,
    %mul3A_330 = arith.constant 784 : i32
    %mul3A_331 = arith.muli %select_n3A_30, %mul3A_330 : i32
    %add3A_332 = arith.constant 64 : i32
    %add3A_333 = arith.addi %mul3A_331, %add3A_332 : i32
    %add3A_334 = vector.broadcast %add3A_333 : i32 to vector<16xi32>
    %add3A_335 = arith.addi %add3A_334, %iota3A : vector<16xi32>
    %jit3A_336 = arith.constant 196 : i32
    %div3A_337 = vector.broadcast %jit3A_336 : i32 to vector<16xi32>
    %div3A_338 = arith.divsi %add3A_335, %div3A_337 : vector<16xi32>
    %sign3A_339 = arith.constant 0 : i32
    %sign3A_340 = vector.broadcast %sign3A_339 : i32 to vector<16xi32>
    %sign3A_341 = arith.cmpi sgt, %add3A_335, %sign3A_340 : vector<16xi32>
    %sign3A_342 = arith.extui %sign3A_341 : vector<16xi1> to vector<16xi32>
    %sign3A_343 = arith.constant 0 : i32
    %sign3A_344 = vector.broadcast %sign3A_343 : i32 to vector<16xi32>
    %sign3A_345 = arith.cmpi slt, %add3A_335, %sign3A_344 : vector<16xi32>
    %sign3A_346 = arith.extui %sign3A_345 : vector<16xi1> to vector<16xi32>
    %sign3A_347 = arith.subi %sign3A_342, %sign3A_346 : vector<16xi32>
    %sign3A_348 = arith.constant 0 : i32
    %sign3A_349 = arith.cmpi sgt, %jit3A_336, %sign3A_348 : i32
    %sign3A_350 = arith.extui %sign3A_349 : i1 to i32
    %sign3A_351 = arith.constant 0 : i32
    %sign3A_352 = arith.cmpi slt, %jit3A_336, %sign3A_351 : i32
    %sign3A_353 = arith.extui %sign3A_352 : i1 to i32
    %sign3A_354 = arith.subi %sign3A_350, %sign3A_353 : i32
    %ne3A_355 = vector.broadcast %sign3A_354 : i32 to vector<16xi32>
    %ne3A_356 = arith.cmpi ne, %sign3A_347, %ne3A_355 : vector<16xi32>
    %rem3A_357 = vector.broadcast %jit3A_336 : i32 to vector<16xi32>
    %rem3A_358 = arith.remsi %add3A_335, %rem3A_357 : vector<16xi32>
    %ne3A_359 = arith.constant 0 : i32
    %ne3A_360 = vector.broadcast %ne3A_359 : i32 to vector<16xi32>
    %ne3A_361 = arith.cmpi ne, %rem3A_358, %ne3A_360 : vector<16xi32>
    %and3A_362 = arith.andi %ne3A_356, %ne3A_361 : vector<16xi1>
    %sub3A_363 = arith.constant 1 : i32
    %sub3A_364 = vector.broadcast %sub3A_363 : i32 to vector<16xi32>
    %sub3A_365 = arith.subi %div3A_338, %sub3A_364 : vector<16xi32>
    %select_n3A_366 = arith.select %and3A_362, %sub3A_365, %div3A_338 : vector<16xi1>, vector<16xi32>
    %jit3A_367 = arith.constant 196 : i32
    %eq3A_368 = arith.constant 0 : i32
    %eq3A_369 = arith.cmpi eq, %jit3A_367, %eq3A_368 : i32
    %jit3A_370 = arith.constant 1 : i32
    %select_n3A_371 = arith.select %eq3A_369, %jit3A_370, %jit3A_367 : i32
    %rem3A_372 = vector.broadcast %select_n3A_371 : i32 to vector<16xi32>
    %rem3A_373 = arith.remsi %add3A_335, %rem3A_372 : vector<16xi32>
    %ne3A_374 = arith.constant 0 : i32
    %ne3A_375 = vector.broadcast %ne3A_374 : i32 to vector<16xi32>
    %ne3A_376 = arith.cmpi ne, %rem3A_373, %ne3A_375 : vector<16xi32>
    %lt3A_377 = arith.constant 0 : i32
    %lt3A_378 = vector.broadcast %lt3A_377 : i32 to vector<16xi32>
    %lt3A_379 = arith.cmpi slt, %rem3A_373, %lt3A_378 : vector<16xi32>
    %lt3A_380 = arith.constant 0 : i32
    %lt3A_381 = arith.cmpi slt, %select_n3A_371, %lt3A_380 : i32
    %ne3A_382 = vector.broadcast %lt3A_381 : i1 to vector<16xi1>
    %ne3A_383 = vector.broadcast %ne3A_382 : vector<16xi1> to vector<16xi1>
    %ne3A_384 = arith.xori %lt3A_379, %ne3A_383 : vector<16xi1>
    %and3A_385 = arith.andi %ne3A_384, %ne3A_376 : vector<16xi1>
    %add3A_386 = vector.broadcast %select_n3A_371 : i32 to vector<16xi32>
    %add3A_387 = arith.addi %rem3A_373, %add3A_386 : vector<16xi32>
    %select_n3A_388 = arith.select %and3A_385, %add3A_387, %rem3A_373 : vector<16xi1>, vector<16xi32>
    %gather3A_389 = tpu.vector_load_idx %arg6[%select_n3A_366] : memref<16xi32, #tpu.memory_space<vmem>>[vector<16xi32>], vector<16xi32>,
    %mul3A_390 = arith.constant 16 : i32
    %mul3A_391 = arith.muli %select_n3A, %mul3A_390 : i32
    %add3A_392 = vector.broadcast %mul3A_391 : i32 to vector<16xi32>
    %add3A_393 = arith.addi %add3A_392, %gather3A_389 : vector<16xi32>
    %mul3A_394 = arith.constant 196 : i32
    %mul3A_395 = vector.broadcast %mul3A_394 : i32 to vector<16xi32>
    %mul3A_396 = arith.muli %add3A_393, %mul3A_395 : vector<16xi32>
    %add3A_397 = arith.addi %mul3A_396, %select_n3A_388 : vector<16xi32>
    %swap3A_398 = arith.constant 64 : index
    %swap3A_399 = tpu.vector_load %arg7[%swap3A_398] {strides = array<i32>} : memref<112xi32, #tpu.memory_space<vmem>>, vector<16xi32>,
    tpu.vector_store %arg7[%swap3A_398], %add3A_397 {strides = array<i32>} : memref<112xi32, #tpu.memory_space<vmem>>, vector<16xi32>,
    %mul3A_400 = arith.constant 784 : i32
    %mul3A_401 = arith.muli %select_n3A_30, %mul3A_400 : i32
    %add3A_402 = arith.constant 80 : i32
    %add3A_403 = arith.addi %mul3A_401, %add3A_402 : i32
    %add3A_404 = vector.broadcast %add3A_403 : i32 to vector<16xi32>
    %add3A_405 = arith.addi %add3A_404, %iota3A : vector<16xi32>
    %jit3A_406 = arith.constant 196 : i32
    %div3A_407 = vector.broadcast %jit3A_406 : i32 to vector<16xi32>
    %div3A_408 = arith.divsi %add3A_405, %div3A_407 : vector<16xi32>
    %sign3A_409 = arith.constant 0 : i32
    %sign3A_410 = vector.broadcast %sign3A_409 : i32 to vector<16xi32>
    %sign3A_411 = arith.cmpi sgt, %add3A_405, %sign3A_410 : vector<16xi32>
    %sign3A_412 = arith.extui %sign3A_411 : vector<16xi1> to vector<16xi32>
    %sign3A_413 = arith.constant 0 : i32
    %sign3A_414 = vector.broadcast %sign3A_413 : i32 to vector<16xi32>
    %sign3A_415 = arith.cmpi slt, %add3A_405, %sign3A_414 : vector<16xi32>
    %sign3A_416 = arith.extui %sign3A_415 : vector<16xi1> to vector<16xi32>
    %sign3A_417 = arith.subi %sign3A_412, %sign3A_416 : vector<16xi32>
    %sign3A_418 = arith.constant 0 : i32
    %sign3A_419 = arith.cmpi sgt, %jit3A_406, %sign3A_418 : i32
    %sign3A_420 = arith.extui %sign3A_419 : i1 to i32
    %sign3A_421 = arith.constant 0 : i32
    %sign3A_422 = arith.cmpi slt, %jit3A_406, %sign3A_421 : i32
    %sign3A_423 = arith.extui %sign3A_422 : i1 to i32
    %sign3A_424 = arith.subi %sign3A_420, %sign3A_423 : i32
    %ne3A_425 = vector.broadcast %sign3A_424 : i32 to vector<16xi32>
    %ne3A_426 = arith.cmpi ne, %sign3A_417, %ne3A_425 : vector<16xi32>
    %rem3A_427 = vector.broadcast %jit3A_406 : i32 to vector<16xi32>
    %rem3A_428 = arith.remsi %add3A_405, %rem3A_427 : vector<16xi32>
    %ne3A_429 = arith.constant 0 : i32
    %ne3A_430 = vector.broadcast %ne3A_429 : i32 to vector<16xi32>
    %ne3A_431 = arith.cmpi ne, %rem3A_428, %ne3A_430 : vector<16xi32>
    %and3A_432 = arith.andi %ne3A_426, %ne3A_431 : vector<16xi1>
    %sub3A_433 = arith.constant 1 : i32
    %sub3A_434 = vector.broadcast %sub3A_433 : i32 to vector<16xi32>
    %sub3A_435 = arith.subi %div3A_408, %sub3A_434 : vector<16xi32>
    %select_n3A_436 = arith.select %and3A_432, %sub3A_435, %div3A_408 : vector<16xi1>, vector<16xi32>
    %jit3A_437 = arith.constant 196 : i32
    %eq3A_438 = arith.constant 0 : i32
    %eq3A_439 = arith.cmpi eq, %jit3A_437, %eq3A_438 : i32
    %jit3A_440 = arith.constant 1 : i32
    %select_n3A_441 = arith.select %eq3A_439, %jit3A_440, %jit3A_437 : i32
    %rem3A_442 = vector.broadcast %select_n3A_441 : i32 to vector<16xi32>
    %rem3A_443 = arith.remsi %add3A_405, %rem3A_442 : vector<16xi32>
    %ne3A_444 = arith.constant 0 : i32
    %ne3A_445 = vector.broadcast %ne3A_444 : i32 to vector<16xi32>
    %ne3A_446 = arith.cmpi ne, %rem3A_443, %ne3A_445 : vector<16xi32>
    %lt3A_447 = arith.constant 0 : i32
    %lt3A_448 = vector.broadcast %lt3A_447 : i32 to vector<16xi32>
    %lt3A_449 = arith.cmpi slt, %rem3A_443, %lt3A_448 : vector<16xi32>
    %lt3A_450 = arith.constant 0 : i32
    %lt3A_451 = arith.cmpi slt, %select_n3A_441, %lt3A_450 : i32
    %ne3A_452 = vector.broadcast %lt3A_451 : i1 to vector<16xi1>
    %ne3A_453 = vector.broadcast %ne3A_452 : vector<16xi1> to vector<16xi1>
    %ne3A_454 = arith.xori %lt3A_449, %ne3A_453 : vector<16xi1>
    %and3A_455 = arith.andi %ne3A_454, %ne3A_446 : vector<16xi1>
    %add3A_456 = vector.broadcast %select_n3A_441 : i32 to vector<16xi32>
    %add3A_457 = arith.addi %rem3A_443, %add3A_456 : vector<16xi32>
    %select_n3A_458 = arith.select %and3A_455, %add3A_457, %rem3A_443 : vector<16xi1>, vector<16xi32>
    %gather3A_459 = tpu.vector_load_idx %arg6[%select_n3A_436] : memref<16xi32, #tpu.memory_space<vmem>>[vector<16xi32>], vector<16xi32>,
    %mul3A_460 = arith.constant 16 : i32
    %mul3A_461 = arith.muli %select_n3A, %mul3A_460 : i32
    %add3A_462 = vector.broadcast %mul3A_461 : i32 to vector<16xi32>
    %add3A_463 = arith.addi %add3A_462, %gather3A_459 : vector<16xi32>
    %mul3A_464 = arith.constant 196 : i32
    %mul3A_465 = vector.broadcast %mul3A_464 : i32 to vector<16xi32>
    %mul3A_466 = arith.muli %add3A_463, %mul3A_465 : vector<16xi32>
    %add3A_467 = arith.addi %mul3A_466, %select_n3A_458 : vector<16xi32>
    %swap3A_468 = arith.constant 80 : index
    %swap3A_469 = tpu.vector_load %arg7[%swap3A_468] {strides = array<i32>} : memref<112xi32, #tpu.memory_space<vmem>>, vector<16xi32>,
    tpu.vector_store %arg7[%swap3A_468], %add3A_467 {strides = array<i32>} : memref<112xi32, #tpu.memory_space<vmem>>, vector<16xi32>,
    %mul3A_470 = arith.constant 784 : i32
    %mul3A_471 = arith.muli %select_n3A_30, %mul3A_470 : i32
    %add3A_472 = arith.constant 96 : i32
    %add3A_473 = arith.addi %mul3A_471, %add3A_472 : i32
    %add3A_474 = vector.broadcast %add3A_473 : i32 to vector<16xi32>
    %add3A_475 = arith.addi %add3A_474, %iota3A : vector<16xi32>
    %jit3A_476 = arith.constant 196 : i32
    %div3A_477 = vector.broadcast %jit3A_476 : i32 to vector<16xi32>
    %div3A_478 = arith.divsi %add3A_475, %div3A_477 : vector<16xi32>
    %sign3A_479 = arith.constant 0 : i32
    %sign3A_480 = vector.broadcast %sign3A_479 : i32 to vector<16xi32>
    %sign3A_481 = arith.cmpi sgt, %add3A_475, %sign3A_480 : vector<16xi32>
    %sign3A_482 = arith.extui %sign3A_481 : vector<16xi1> to vector<16xi32>
    %sign3A_483 = arith.constant 0 : i32
    %sign3A_484 = vector.broadcast %sign3A_483 : i32 to vector<16xi32>
    %sign3A_485 = arith.cmpi slt, %add3A_475, %sign3A_484 : vector<16xi32>
    %sign3A_486 = arith.extui %sign3A_485 : vector<16xi1> to vector<16xi32>
    %sign3A_487 = arith.subi %sign3A_482, %sign3A_486 : vector<16xi32>
    %sign3A_488 = arith.constant 0 : i32
    %sign3A_489 = arith.cmpi sgt, %jit3A_476, %sign3A_488 : i32
    %sign3A_490 = arith.extui %sign3A_489 : i1 to i32
    %sign3A_491 = arith.constant 0 : i32
    %sign3A_492 = arith.cmpi slt, %jit3A_476, %sign3A_491 : i32
    %sign3A_493 = arith.extui %sign3A_492 : i1 to i32
    %sign3A_494 = arith.subi %sign3A_490, %sign3A_493 : i32
    %ne3A_495 = vector.broadcast %sign3A_494 : i32 to vector<16xi32>
    %ne3A_496 = arith.cmpi ne, %sign3A_487, %ne3A_495 : vector<16xi32>
    %rem3A_497 = vector.broadcast %jit3A_476 : i32 to vector<16xi32>
    %rem3A_498 = arith.remsi %add3A_475, %rem3A_497 : vector<16xi32>
    %ne3A_499 = arith.constant 0 : i32
    %ne3A_500 = vector.broadcast %ne3A_499 : i32 to vector<16xi32>
    %ne3A_501 = arith.cmpi ne, %rem3A_498, %ne3A_500 : vector<16xi32>
    %and3A_502 = arith.andi %ne3A_496, %ne3A_501 : vector<16xi1>
    %sub3A_503 = arith.constant 1 : i32
    %sub3A_504 = vector.broadcast %sub3A_503 : i32 to vector<16xi32>
    %sub3A_505 = arith.subi %div3A_478, %sub3A_504 : vector<16xi32>
    %select_n3A_506 = arith.select %and3A_502, %sub3A_505, %div3A_478 : vector<16xi1>, vector<16xi32>
    %jit3A_507 = arith.constant 196 : i32
    %eq3A_508 = arith.constant 0 : i32
    %eq3A_509 = arith.cmpi eq, %jit3A_507, %eq3A_508 : i32
    %jit3A_510 = arith.constant 1 : i32
    %select_n3A_511 = arith.select %eq3A_509, %jit3A_510, %jit3A_507 : i32
    %rem3A_512 = vector.broadcast %select_n3A_511 : i32 to vector<16xi32>
    %rem3A_513 = arith.remsi %add3A_475, %rem3A_512 : vector<16xi32>
    %ne3A_514 = arith.constant 0 : i32
    %ne3A_515 = vector.broadcast %ne3A_514 : i32 to vector<16xi32>
    %ne3A_516 = arith.cmpi ne, %rem3A_513, %ne3A_515 : vector<16xi32>
    %lt3A_517 = arith.constant 0 : i32
    %lt3A_518 = vector.broadcast %lt3A_517 : i32 to vector<16xi32>
    %lt3A_519 = arith.cmpi slt, %rem3A_513, %lt3A_518 : vector<16xi32>
    %lt3A_520 = arith.constant 0 : i32
    %lt3A_521 = arith.cmpi slt, %select_n3A_511, %lt3A_520 : i32
    %ne3A_522 = vector.broadcast %lt3A_521 : i1 to vector<16xi1>
    %ne3A_523 = vector.broadcast %ne3A_522 : vector<16xi1> to vector<16xi1>
    %ne3A_524 = arith.xori %lt3A_519, %ne3A_523 : vector<16xi1>
    %and3A_525 = arith.andi %ne3A_524, %ne3A_516 : vector<16xi1>
    %add3A_526 = vector.broadcast %select_n3A_511 : i32 to vector<16xi32>
    %add3A_527 = arith.addi %rem3A_513, %add3A_526 : vector<16xi32>
    %select_n3A_528 = arith.select %and3A_525, %add3A_527, %rem3A_513 : vector<16xi1>, vector<16xi32>
    %gather3A_529 = tpu.vector_load_idx %arg6[%select_n3A_506] : memref<16xi32, #tpu.memory_space<vmem>>[vector<16xi32>], vector<16xi32>,
    %mul3A_530 = arith.constant 16 : i32
    %mul3A_531 = arith.muli %select_n3A, %mul3A_530 : i32
    %add3A_532 = vector.broadcast %mul3A_531 : i32 to vector<16xi32>
    %add3A_533 = arith.addi %add3A_532, %gather3A_529 : vector<16xi32>
    %mul3A_534 = arith.constant 196 : i32
    %mul3A_535 = vector.broadcast %mul3A_534 : i32 to vector<16xi32>
    %mul3A_536 = arith.muli %add3A_533, %mul3A_535 : vector<16xi32>
    %add3A_537 = arith.addi %mul3A_536, %select_n3A_528 : vector<16xi32>
    %swap3A_538 = arith.constant 96 : index
    %swap3A_539 = tpu.vector_load %arg7[%swap3A_538] {strides = array<i32>} : memref<112xi32, #tpu.memory_space<vmem>>, vector<16xi32>,
    tpu.vector_store %arg7[%swap3A_538], %add3A_537 {strides = array<i32>} : memref<112xi32, #tpu.memory_space<vmem>>, vector<16xi32>,
    %mul3A_540 = arith.constant 784 : i32
    %mul3A_541 = arith.muli %select_n3A_30, %mul3A_540 : i32
    %add3A_542 = arith.constant 112 : i32
    %add3A_543 = arith.addi %mul3A_541, %add3A_542 : i32
    %add3A_544 = vector.broadcast %add3A_543 : i32 to vector<16xi32>
    %add3A_545 = arith.addi %add3A_544, %iota3A : vector<16xi32>
    %jit3A_546 = arith.constant 196 : i32
    %div3A_547 = vector.broadcast %jit3A_546 : i32 to vector<16xi32>
    %div3A_548 = arith.divsi %add3A_545, %div3A_547 : vector<16xi32>
    %sign3A_549 = arith.constant 0 : i32
    %sign3A_550 = vector.broadcast %sign3A_549 : i32 to vector<16xi32>
    %sign3A_551 = arith.cmpi sgt, %add3A_545, %sign3A_550 : vector<16xi32>
    %sign3A_552 = arith.extui %sign3A_551 : vector<16xi1> to vector<16xi32>
    %sign3A_553 = arith.constant 0 : i32
    %sign3A_554 = vector.broadcast %sign3A_553 : i32 to vector<16xi32>
    %sign3A_555 = arith.cmpi slt, %add3A_545, %sign3A_554 : vector<16xi32>
    %sign3A_556 = arith.extui %sign3A_555 : vector<16xi1> to vector<16xi32>
    %sign3A_557 = arith.subi %sign3A_552, %sign3A_556 : vector<16xi32>
    %sign3A_558 = arith.constant 0 : i32
    %sign3A_559 = arith.cmpi sgt, %jit3A_546, %sign3A_558 : i32
    %sign3A_560 = arith.extui %sign3A_559 : i1 to i32
    %sign3A_561 = arith.constant 0 : i32
    %sign3A_562 = arith.cmpi slt, %jit3A_546, %sign3A_561 : i32
    %sign3A_563 = arith.extui %sign3A_562 : i1 to i32
    %sign3A_564 = arith.subi %sign3A_560, %sign3A_563 : i32
    %ne3A_565 = vector.broadcast %sign3A_564 : i32 to vector<16xi32>
    %ne3A_566 = arith.cmpi ne, %sign3A_557, %ne3A_565 : vector<16xi32>
    %rem3A_567 = vector.broadcast %jit3A_546 : i32 to vector<16xi32>
    %rem3A_568 = arith.remsi %add3A_545, %rem3A_567 : vector<16xi32>
    %ne3A_569 = arith.constant 0 : i32
    %ne3A_570 = vector.broadcast %ne3A_569 : i32 to vector<16xi32>
    %ne3A_571 = arith.cmpi ne, %rem3A_568, %ne3A_570 : vector<16xi32>
    %and3A_572 = arith.andi %ne3A_566, %ne3A_571 : vector<16xi1>
    %sub3A_573 = arith.constant 1 : i32
    %sub3A_574 = vector.broadcast %sub3A_573 : i32 to vector<16xi32>
    %sub3A_575 = arith.subi %div3A_548, %sub3A_574 : vector<16xi32>
    %select_n3A_576 = arith.select %and3A_572, %sub3A_575, %div3A_548 : vector<16xi1>, vector<16xi32>
    %jit3A_577 = arith.constant 196 : i32
    %eq3A_578 = arith.constant 0 : i32
    %eq3A_579 = arith.cmpi eq, %jit3A_577, %eq3A_578 : i32
    %jit3A_580 = arith.constant 1 : i32
    %select_n3A_581 = arith.select %eq3A_579, %jit3A_580, %jit3A_577 : i32
    %rem3A_582 = vector.broadcast %select_n3A_581 : i32 to vector<16xi32>
    %rem3A_583 = arith.remsi %add3A_545, %rem3A_582 : vector<16xi32>
    %ne3A_584 = arith.constant 0 : i32
    %ne3A_585 = vector.broadcast %ne3A_584 : i32 to vector<16xi32>
    %ne3A_586 = arith.cmpi ne, %rem3A_583, %ne3A_585 : vector<16xi32>
    %lt3A_587 = arith.constant 0 : i32
    %lt3A_588 = vector.broadcast %lt3A_587 : i32 to vector<16xi32>
    %lt3A_589 = arith.cmpi slt, %rem3A_583, %lt3A_588 : vector<16xi32>
    %lt3A_590 = arith.constant 0 : i32
    %lt3A_591 = arith.cmpi slt, %select_n3A_581, %lt3A_590 : i32
    %ne3A_592 = vector.broadcast %lt3A_591 : i1 to vector<16xi1>
    %ne3A_593 = vector.broadcast %ne3A_592 : vector<16xi1> to vector<16xi1>
    %ne3A_594 = arith.xori %lt3A_589, %ne3A_593 : vector<16xi1>
    %and3A_595 = arith.andi %ne3A_594, %ne3A_586 : vector<16xi1>
    %add3A_596 = vector.broadcast %select_n3A_581 : i32 to vector<16xi32>
    %add3A_597 = arith.addi %rem3A_583, %add3A_596 : vector<16xi32>
    %select_n3A_598 = arith.select %and3A_595, %add3A_597, %rem3A_583 : vector<16xi1>, vector<16xi32>
    %gather3A_599 = tpu.vector_load_idx %arg6[%select_n3A_576] : memref<16xi32, #tpu.memory_space<vmem>>[vector<16xi32>], vector<16xi32>,
    %mul3A_600 = arith.constant 16 : i32
    %mul3A_601 = arith.muli %select_n3A, %mul3A_600 : i32
    %add3A_602 = vector.broadcast %mul3A_601 : i32 to vector<16xi32>
    %add3A_603 = arith.addi %add3A_602, %gather3A_599 : vector<16xi32>
    %mul3A_604 = arith.constant 196 : i32
    %mul3A_605 = vector.broadcast %mul3A_604 : i32 to vector<16xi32>
    %mul3A_606 = arith.muli %add3A_603, %mul3A_605 : vector<16xi32>
    %add3A_607 = arith.addi %mul3A_606, %select_n3A_598 : vector<16xi32>
    %swap3A_608 = arith.constant 0 : index
    %swap3A_609 = tpu.vector_load %arg8[%swap3A_608] {strides = array<i32>} : memref<112xi32, #tpu.memory_space<vmem>>, vector<16xi32>,
    tpu.vector_store %arg8[%swap3A_608], %add3A_607 {strides = array<i32>} : memref<112xi32, #tpu.memory_space<vmem>>, vector<16xi32>,
    %mul3A_610 = arith.constant 784 : i32
    %mul3A_611 = arith.muli %select_n3A_30, %mul3A_610 : i32
    %add3A_612 = arith.constant 128 : i32
    %add3A_613 = arith.addi %mul3A_611, %add3A_612 : i32
    %add3A_614 = vector.broadcast %add3A_613 : i32 to vector<16xi32>
    %add3A_615 = arith.addi %add3A_614, %iota3A : vector<16xi32>
    %jit3A_616 = arith.constant 196 : i32
    %div3A_617 = vector.broadcast %jit3A_616 : i32 to vector<16xi32>
    %div3A_618 = arith.divsi %add3A_615, %div3A_617 : vector<16xi32>
    %sign3A_619 = arith.constant 0 : i32
    %sign3A_620 = vector.broadcast %sign3A_619 : i32 to vector<16xi32>
    %sign3A_621 = arith.cmpi sgt, %add3A_615, %sign3A_620 : vector<16xi32>
    %sign3A_622 = arith.extui %sign3A_621 : vector<16xi1> to vector<16xi32>
    %sign3A_623 = arith.constant 0 : i32
    %sign3A_624 = vector.broadcast %sign3A_623 : i32 to vector<16xi32>
    %sign3A_625 = arith.cmpi slt, %add3A_615, %sign3A_624 : vector<16xi32>
    %sign3A_626 = arith.extui %sign3A_625 : vector<16xi1> to vector<16xi32>
    %sign3A_627 = arith.subi %sign3A_622, %sign3A_626 : vector<16xi32>
    %sign3A_628 = arith.constant 0 : i32
    %sign3A_629 = arith.cmpi sgt, %jit3A_616, %sign3A_628 : i32
    %sign3A_630 = arith.extui %sign3A_629 : i1 to i32
    %sign3A_631 = arith.constant 0 : i32
    %sign3A_632 = arith.cmpi slt, %jit3A_616, %sign3A_631 : i32
    %sign3A_633 = arith.extui %sign3A_632 : i1 to i32
    %sign3A_634 = arith.subi %sign3A_630, %sign3A_633 : i32
    %ne3A_635 = vector.broadcast %sign3A_634 : i32 to vector<16xi32>
    %ne3A_636 = arith.cmpi ne, %sign3A_627, %ne3A_635 : vector<16xi32>
    %rem3A_637 = vector.broadcast %jit3A_616 : i32 to vector<16xi32>
    %rem3A_638 = arith.remsi %add3A_615, %rem3A_637 : vector<16xi32>
    %ne3A_639 = arith.constant 0 : i32
    %ne3A_640 = vector.broadcast %ne3A_639 : i32 to vector<16xi32>
    %ne3A_641 = arith.cmpi ne, %rem3A_638, %ne3A_640 : vector<16xi32>
    %and3A_642 = arith.andi %ne3A_636, %ne3A_641 : vector<16xi1>
    %sub3A_643 = arith.constant 1 : i32
    %sub3A_644 = vector.broadcast %sub3A_643 : i32 to vector<16xi32>
    %sub3A_645 = arith.subi %div3A_618, %sub3A_644 : vector<16xi32>
    %select_n3A_646 = arith.select %and3A_642, %sub3A_645, %div3A_618 : vector<16xi1>, vector<16xi32>
    %jit3A_647 = arith.constant 196 : i32
    %eq3A_648 = arith.constant 0 : i32
    %eq3A_649 = arith.cmpi eq, %jit3A_647, %eq3A_648 : i32
    %jit3A_650 = arith.constant 1 : i32
    %select_n3A_651 = arith.select %eq3A_649, %jit3A_650, %jit3A_647 : i32
    %rem3A_652 = vector.broadcast %select_n3A_651 : i32 to vector<16xi32>
    %rem3A_653 = arith.remsi %add3A_615, %rem3A_652 : vector<16xi32>
    %ne3A_654 = arith.constant 0 : i32
    %ne3A_655 = vector.broadcast %ne3A_654 : i32 to vector<16xi32>
    %ne3A_656 = arith.cmpi ne, %rem3A_653, %ne3A_655 : vector<16xi32>
    %lt3A_657 = arith.constant 0 : i32
    %lt3A_658 = vector.broadcast %lt3A_657 : i32 to vector<16xi32>
    %lt3A_659 = arith.cmpi slt, %rem3A_653, %lt3A_658 : vector<16xi32>
    %lt3A_660 = arith.constant 0 : i32
    %lt3A_661 = arith.cmpi slt, %select_n3A_651, %lt3A_660 : i32
    %ne3A_662 = vector.broadcast %lt3A_661 : i1 to vector<16xi1>
    %ne3A_663 = vector.broadcast %ne3A_662 : vector<16xi1> to vector<16xi1>
    %ne3A_664 = arith.xori %lt3A_659, %ne3A_663 : vector<16xi1>
    %and3A_665 = arith.andi %ne3A_664, %ne3A_656 : vector<16xi1>
    %add3A_666 = vector.broadcast %select_n3A_651 : i32 to vector<16xi32>
    %add3A_667 = arith.addi %rem3A_653, %add3A_666 : vector<16xi32>
    %select_n3A_668 = arith.select %and3A_665, %add3A_667, %rem3A_653 : vector<16xi1>, vector<16xi32>
    %gather3A_669 = tpu.vector_load_idx %arg6[%select_n3A_646] : memref<16xi32, #tpu.memory_space<vmem>>[vector<16xi32>], vector<16xi32>,
    %mul3A_670 = arith.constant 16 : i32
    %mul3A_671 = arith.muli %select_n3A, %mul3A_670 : i32
    %add3A_672 = vector.broadcast %mul3A_671 : i32 to vector<16xi32>
    %add3A_673 = arith.addi %add3A_672, %gather3A_669 : vector<16xi32>
    %mul3A_674 = arith.constant 196 : i32
    %mul3A_675 = vector.broadcast %mul3A_674 : i32 to vector<16xi32>
    %mul3A_676 = arith.muli %add3A_673, %mul3A_675 : vector<16xi32>
    %add3A_677 = arith.addi %mul3A_676, %select_n3A_668 : vector<16xi32>
    %swap3A_678 = arith.constant 16 : index
    %swap3A_679 = tpu.vector_load %arg8[%swap3A_678] {strides = array<i32>} : memref<112xi32, #tpu.memory_space<vmem>>, vector<16xi32>,
    tpu.vector_store %arg8[%swap3A_678], %add3A_677 {strides = array<i32>} : memref<112xi32, #tpu.memory_space<vmem>>, vector<16xi32>,
    %mul3A_680 = arith.constant 784 : i32
    %mul3A_681 = arith.muli %select_n3A_30, %mul3A_680 : i32
    %add3A_682 = arith.constant 144 : i32
    %add3A_683 = arith.addi %mul3A_681, %add3A_682 : i32
    %add3A_684 = vector.broadcast %add3A_683 : i32 to vector<16xi32>
    %add3A_685 = arith.addi %add3A_684, %iota3A : vector<16xi32>
    %jit3A_686 = arith.constant 196 : i32
    %div3A_687 = vector.broadcast %jit3A_686 : i32 to vector<16xi32>
    %div3A_688 = arith.divsi %add3A_685, %div3A_687 : vector<16xi32>
    %sign3A_689 = arith.constant 0 : i32
    %sign3A_690 = vector.broadcast %sign3A_689 : i32 to vector<16xi32>
    %sign3A_691 = arith.cmpi sgt, %add3A_685, %sign3A_690 : vector<16xi32>
    %sign3A_692 = arith.extui %sign3A_691 : vector<16xi1> to vector<16xi32>
    %sign3A_693 = arith.constant 0 : i32
    %sign3A_694 = vector.broadcast %sign3A_693 : i32 to vector<16xi32>
    %sign3A_695 = arith.cmpi slt, %add3A_685, %sign3A_694 : vector<16xi32>
    %sign3A_696 = arith.extui %sign3A_695 : vector<16xi1> to vector<16xi32>
    %sign3A_697 = arith.subi %sign3A_692, %sign3A_696 : vector<16xi32>
    %sign3A_698 = arith.constant 0 : i32
    %sign3A_699 = arith.cmpi sgt, %jit3A_686, %sign3A_698 : i32
    %sign3A_700 = arith.extui %sign3A_699 : i1 to i32
    %sign3A_701 = arith.constant 0 : i32
    %sign3A_702 = arith.cmpi slt, %jit3A_686, %sign3A_701 : i32
    %sign3A_703 = arith.extui %sign3A_702 : i1 to i32
    %sign3A_704 = arith.subi %sign3A_700, %sign3A_703 : i32
    %ne3A_705 = vector.broadcast %sign3A_704 : i32 to vector<16xi32>
    %ne3A_706 = arith.cmpi ne, %sign3A_697, %ne3A_705 : vector<16xi32>
    %rem3A_707 = vector.broadcast %jit3A_686 : i32 to vector<16xi32>
    %rem3A_708 = arith.remsi %add3A_685, %rem3A_707 : vector<16xi32>
    %ne3A_709 = arith.constant 0 : i32
    %ne3A_710 = vector.broadcast %ne3A_709 : i32 to vector<16xi32>
    %ne3A_711 = arith.cmpi ne, %rem3A_708, %ne3A_710 : vector<16xi32>
    %and3A_712 = arith.andi %ne3A_706, %ne3A_711 : vector<16xi1>
    %sub3A_713 = arith.constant 1 : i32
    %sub3A_714 = vector.broadcast %sub3A_713 : i32 to vector<16xi32>
    %sub3A_715 = arith.subi %div3A_688, %sub3A_714 : vector<16xi32>
    %select_n3A_716 = arith.select %and3A_712, %sub3A_715, %div3A_688 : vector<16xi1>, vector<16xi32>
    %jit3A_717 = arith.constant 196 : i32
    %eq3A_718 = arith.constant 0 : i32
    %eq3A_719 = arith.cmpi eq, %jit3A_717, %eq3A_718 : i32
    %jit3A_720 = arith.constant 1 : i32
    %select_n3A_721 = arith.select %eq3A_719, %jit3A_720, %jit3A_717 : i32
    %rem3A_722 = vector.broadcast %select_n3A_721 : i32 to vector<16xi32>
    %rem3A_723 = arith.remsi %add3A_685, %rem3A_722 : vector<16xi32>
    %ne3A_724 = arith.constant 0 : i32
    %ne3A_725 = vector.broadcast %ne3A_724 : i32 to vector<16xi32>
    %ne3A_726 = arith.cmpi ne, %rem3A_723, %ne3A_725 : vector<16xi32>
    %lt3A_727 = arith.constant 0 : i32
    %lt3A_728 = vector.broadcast %lt3A_727 : i32 to vector<16xi32>
    %lt3A_729 = arith.cmpi slt, %rem3A_723, %lt3A_728 : vector<16xi32>
    %lt3A_730 = arith.constant 0 : i32
    %lt3A_731 = arith.cmpi slt, %select_n3A_721, %lt3A_730 : i32
    %ne3A_732 = vector.broadcast %lt3A_731 : i1 to vector<16xi1>
    %ne3A_733 = vector.broadcast %ne3A_732 : vector<16xi1> to vector<16xi1>
    %ne3A_734 = arith.xori %lt3A_729, %ne3A_733 : vector<16xi1>
    %and3A_735 = arith.andi %ne3A_734, %ne3A_726 : vector<16xi1>
    %add3A_736 = vector.broadcast %select_n3A_721 : i32 to vector<16xi32>
    %add3A_737 = arith.addi %rem3A_723, %add3A_736 : vector<16xi32>
    %select_n3A_738 = arith.select %and3A_735, %add3A_737, %rem3A_723 : vector<16xi1>, vector<16xi32>
    %gather3A_739 = tpu.vector_load_idx %arg6[%select_n3A_716] : memref<16xi32, #tpu.memory_space<vmem>>[vector<16xi32>], vector<16xi32>,
    %mul3A_740 = arith.constant 16 : i32
    %mul3A_741 = arith.muli %select_n3A, %mul3A_740 : i32
    %add3A_742 = vector.broadcast %mul3A_741 : i32 to vector<16xi32>
    %add3A_743 = arith.addi %add3A_742, %gather3A_739 : vector<16xi32>
    %mul3A_744 = arith.constant 196 : i32
    %mul3A_745 = vector.broadcast %mul3A_744 : i32 to vector<16xi32>
    %mul3A_746 = arith.muli %add3A_743, %mul3A_745 : vector<16xi32>
    %add3A_747 = arith.addi %mul3A_746, %select_n3A_738 : vector<16xi32>
    %swap3A_748 = arith.constant 32 : index
    %swap3A_749 = tpu.vector_load %arg8[%swap3A_748] {strides = array<i32>} : memref<112xi32, #tpu.memory_space<vmem>>, vector<16xi32>,
    tpu.vector_store %arg8[%swap3A_748], %add3A_747 {strides = array<i32>} : memref<112xi32, #tpu.memory_space<vmem>>, vector<16xi32>,
    %mul3A_750 = arith.constant 784 : i32
    %mul3A_751 = arith.muli %select_n3A_30, %mul3A_750 : i32
    %add3A_752 = arith.constant 160 : i32
    %add3A_753 = arith.addi %mul3A_751, %add3A_752 : i32
    %add3A_754 = vector.broadcast %add3A_753 : i32 to vector<16xi32>
    %add3A_755 = arith.addi %add3A_754, %iota3A : vector<16xi32>
    %jit3A_756 = arith.constant 196 : i32
    %div3A_757 = vector.broadcast %jit3A_756 : i32 to vector<16xi32>
    %div3A_758 = arith.divsi %add3A_755, %div3A_757 : vector<16xi32>
    %sign3A_759 = arith.constant 0 : i32
    %sign3A_760 = vector.broadcast %sign3A_759 : i32 to vector<16xi32>
    %sign3A_761 = arith.cmpi sgt, %add3A_755, %sign3A_760 : vector<16xi32>
    %sign3A_762 = arith.extui %sign3A_761 : vector<16xi1> to vector<16xi32>
    %sign3A_763 = arith.constant 0 : i32
    %sign3A_764 = vector.broadcast %sign3A_763 : i32 to vector<16xi32>
    %sign3A_765 = arith.cmpi slt, %add3A_755, %sign3A_764 : vector<16xi32>
    %sign3A_766 = arith.extui %sign3A_765 : vector<16xi1> to vector<16xi32>
    %sign3A_767 = arith.subi %sign3A_762, %sign3A_766 : vector<16xi32>
    %sign3A_768 = arith.constant 0 : i32
    %sign3A_769 = arith.cmpi sgt, %jit3A_756, %sign3A_768 : i32
    %sign3A_770 = arith.extui %sign3A_769 : i1 to i32
    %sign3A_771 = arith.constant 0 : i32
    %sign3A_772 = arith.cmpi slt, %jit3A_756, %sign3A_771 : i32
    %sign3A_773 = arith.extui %sign3A_772 : i1 to i32
    %sign3A_774 = arith.subi %sign3A_770, %sign3A_773 : i32
    %ne3A_775 = vector.broadcast %sign3A_774 : i32 to vector<16xi32>
    %ne3A_776 = arith.cmpi ne, %sign3A_767, %ne3A_775 : vector<16xi32>
    %rem3A_777 = vector.broadcast %jit3A_756 : i32 to vector<16xi32>
    %rem3A_778 = arith.remsi %add3A_755, %rem3A_777 : vector<16xi32>
    %ne3A_779 = arith.constant 0 : i32
    %ne3A_780 = vector.broadcast %ne3A_779 : i32 to vector<16xi32>
    %ne3A_781 = arith.cmpi ne, %rem3A_778, %ne3A_780 : vector<16xi32>
    %and3A_782 = arith.andi %ne3A_776, %ne3A_781 : vector<16xi1>
    %sub3A_783 = arith.constant 1 : i32
    %sub3A_784 = vector.broadcast %sub3A_783 : i32 to vector<16xi32>
    %sub3A_785 = arith.subi %div3A_758, %sub3A_784 : vector<16xi32>
    %select_n3A_786 = arith.select %and3A_782, %sub3A_785, %div3A_758 : vector<16xi1>, vector<16xi32>
    %jit3A_787 = arith.constant 196 : i32
    %eq3A_788 = arith.constant 0 : i32
    %eq3A_789 = arith.cmpi eq, %jit3A_787, %eq3A_788 : i32
    %jit3A_790 = arith.constant 1 : i32
    %select_n3A_791 = arith.select %eq3A_789, %jit3A_790, %jit3A_787 : i32
    %rem3A_792 = vector.broadcast %select_n3A_791 : i32 to vector<16xi32>
    %rem3A_793 = arith.remsi %add3A_755, %rem3A_792 : vector<16xi32>
    %ne3A_794 = arith.constant 0 : i32
    %ne3A_795 = vector.broadcast %ne3A_794 : i32 to vector<16xi32>
    %ne3A_796 = arith.cmpi ne, %rem3A_793, %ne3A_795 : vector<16xi32>
    %lt3A_797 = arith.constant 0 : i32
    %lt3A_798 = vector.broadcast %lt3A_797 : i32 to vector<16xi32>
    %lt3A_799 = arith.cmpi slt, %rem3A_793, %lt3A_798 : vector<16xi32>
    %lt3A_800 = arith.constant 0 : i32
    %lt3A_801 = arith.cmpi slt, %select_n3A_791, %lt3A_800 : i32
    %ne3A_802 = vector.broadcast %lt3A_801 : i1 to vector<16xi1>
    %ne3A_803 = vector.broadcast %ne3A_802 : vector<16xi1> to vector<16xi1>
    %ne3A_804 = arith.xori %lt3A_799, %ne3A_803 : vector<16xi1>
    %and3A_805 = arith.andi %ne3A_804, %ne3A_796 : vector<16xi1>
    %add3A_806 = vector.broadcast %select_n3A_791 : i32 to vector<16xi32>
    %add3A_807 = arith.addi %rem3A_793, %add3A_806 : vector<16xi32>
    %select_n3A_808 = arith.select %and3A_805, %add3A_807, %rem3A_793 : vector<16xi1>, vector<16xi32>
    %gather3A_809 = tpu.vector_load_idx %arg6[%select_n3A_786] : memref<16xi32, #tpu.memory_space<vmem>>[vector<16xi32>], vector<16xi32>,
    %mul3A_810 = arith.constant 16 : i32
    %mul3A_811 = arith.muli %select_n3A, %mul3A_810 : i32
    %add3A_812 = vector.broadcast %mul3A_811 : i32 to vector<16xi32>
    %add3A_813 = arith.addi %add3A_812, %gather3A_809 : vector<16xi32>
    %mul3A_814 = arith.constant 196 : i32
    %mul3A_815 = vector.broadcast %mul3A_814 : i32 to vector<16xi32>
    %mul3A_816 = arith.muli %add3A_813, %mul3A_815 : vector<16xi32>
    %add3A_817 = arith.addi %mul3A_816, %select_n3A_808 : vector<16xi32>
    %swap3A_818 = arith.constant 48 : index
    %swap3A_819 = tpu.vector_load %arg8[%swap3A_818] {strides = array<i32>} : memref<112xi32, #tpu.memory_space<vmem>>, vector<16xi32>,
    tpu.vector_store %arg8[%swap3A_818], %add3A_817 {strides = array<i32>} : memref<112xi32, #tpu.memory_space<vmem>>, vector<16xi32>,
    %mul3A_820 = arith.constant 784 : i32
    %mul3A_821 = arith.muli %select_n3A_30, %mul3A_820 : i32
    %add3A_822 = arith.constant 176 : i32
    %add3A_823 = arith.addi %mul3A_821, %add3A_822 : i32
    %add3A_824 = vector.broadcast %add3A_823 : i32 to vector<16xi32>
    %add3A_825 = arith.addi %add3A_824, %iota3A : vector<16xi32>
    %jit3A_826 = arith.constant 196 : i32
    %div3A_827 = vector.broadcast %jit3A_826 : i32 to vector<16xi32>
    %div3A_828 = arith.divsi %add3A_825, %div3A_827 : vector<16xi32>
    %sign3A_829 = arith.constant 0 : i32
    %sign3A_830 = vector.broadcast %sign3A_829 : i32 to vector<16xi32>
    %sign3A_831 = arith.cmpi sgt, %add3A_825, %sign3A_830 : vector<16xi32>
    %sign3A_832 = arith.extui %sign3A_831 : vector<16xi1> to vector<16xi32>
    %sign3A_833 = arith.constant 0 : i32
    %sign3A_834 = vector.broadcast %sign3A_833 : i32 to vector<16xi32>
    %sign3A_835 = arith.cmpi slt, %add3A_825, %sign3A_834 : vector<16xi32>
    %sign3A_836 = arith.extui %sign3A_835 : vector<16xi1> to vector<16xi32>
    %sign3A_837 = arith.subi %sign3A_832, %sign3A_836 : vector<16xi32>
    %sign3A_838 = arith.constant 0 : i32
    %sign3A_839 = arith.cmpi sgt, %jit3A_826, %sign3A_838 : i32
    %sign3A_840 = arith.extui %sign3A_839 : i1 to i32
    %sign3A_841 = arith.constant 0 : i32
    %sign3A_842 = arith.cmpi slt, %jit3A_826, %sign3A_841 : i32
    %sign3A_843 = arith.extui %sign3A_842 : i1 to i32
    %sign3A_844 = arith.subi %sign3A_840, %sign3A_843 : i32
    %ne3A_845 = vector.broadcast %sign3A_844 : i32 to vector<16xi32>
    %ne3A_846 = arith.cmpi ne, %sign3A_837, %ne3A_845 : vector<16xi32>
    %rem3A_847 = vector.broadcast %jit3A_826 : i32 to vector<16xi32>
    %rem3A_848 = arith.remsi %add3A_825, %rem3A_847 : vector<16xi32>
    %ne3A_849 = arith.constant 0 : i32
    %ne3A_850 = vector.broadcast %ne3A_849 : i32 to vector<16xi32>
    %ne3A_851 = arith.cmpi ne, %rem3A_848, %ne3A_850 : vector<16xi32>
    %and3A_852 = arith.andi %ne3A_846, %ne3A_851 : vector<16xi1>
    %sub3A_853 = arith.constant 1 : i32
    %sub3A_854 = vector.broadcast %sub3A_853 : i32 to vector<16xi32>
    %sub3A_855 = arith.subi %div3A_828, %sub3A_854 : vector<16xi32>
    %select_n3A_856 = arith.select %and3A_852, %sub3A_855, %div3A_828 : vector<16xi1>, vector<16xi32>
    %jit3A_857 = arith.constant 196 : i32
    %eq3A_858 = arith.constant 0 : i32
    %eq3A_859 = arith.cmpi eq, %jit3A_857, %eq3A_858 : i32
    %jit3A_860 = arith.constant 1 : i32
    %select_n3A_861 = arith.select %eq3A_859, %jit3A_860, %jit3A_857 : i32
    %rem3A_862 = vector.broadcast %select_n3A_861 : i32 to vector<16xi32>
    %rem3A_863 = arith.remsi %add3A_825, %rem3A_862 : vector<16xi32>
    %ne3A_864 = arith.constant 0 : i32
    %ne3A_865 = vector.broadcast %ne3A_864 : i32 to vector<16xi32>
    %ne3A_866 = arith.cmpi ne, %rem3A_863, %ne3A_865 : vector<16xi32>
    %lt3A_867 = arith.constant 0 : i32
    %lt3A_868 = vector.broadcast %lt3A_867 : i32 to vector<16xi32>
    %lt3A_869 = arith.cmpi slt, %rem3A_863, %lt3A_868 : vector<16xi32>
    %lt3A_870 = arith.constant 0 : i32
    %lt3A_871 = arith.cmpi slt, %select_n3A_861, %lt3A_870 : i32
    %ne3A_872 = vector.broadcast %lt3A_871 : i1 to vector<16xi1>
    %ne3A_873 = vector.broadcast %ne3A_872 : vector<16xi1> to vector<16xi1>
    %ne3A_874 = arith.xori %lt3A_869, %ne3A_873 : vector<16xi1>
    %and3A_875 = arith.andi %ne3A_874, %ne3A_866 : vector<16xi1>
    %add3A_876 = vector.broadcast %select_n3A_861 : i32 to vector<16xi32>
    %add3A_877 = arith.addi %rem3A_863, %add3A_876 : vector<16xi32>
    %select_n3A_878 = arith.select %and3A_875, %add3A_877, %rem3A_863 : vector<16xi1>, vector<16xi32>
    %gather3A_879 = tpu.vector_load_idx %arg6[%select_n3A_856] : memref<16xi32, #tpu.memory_space<vmem>>[vector<16xi32>], vector<16xi32>,
    %mul3A_880 = arith.constant 16 : i32
    %mul3A_881 = arith.muli %select_n3A, %mul3A_880 : i32
    %add3A_882 = vector.broadcast %mul3A_881 : i32 to vector<16xi32>
    %add3A_883 = arith.addi %add3A_882, %gather3A_879 : vector<16xi32>
    %mul3A_884 = arith.constant 196 : i32
    %mul3A_885 = vector.broadcast %mul3A_884 : i32 to vector<16xi32>
    %mul3A_886 = arith.muli %add3A_883, %mul3A_885 : vector<16xi32>
    %add3A_887 = arith.addi %mul3A_886, %select_n3A_878 : vector<16xi32>
    %swap3A_888 = arith.constant 64 : index
    %swap3A_889 = tpu.vector_load %arg8[%swap3A_888] {strides = array<i32>} : memref<112xi32, #tpu.memory_space<vmem>>, vector<16xi32>,
    tpu.vector_store %arg8[%swap3A_888], %add3A_887 {strides = array<i32>} : memref<112xi32, #tpu.memory_space<vmem>>, vector<16xi32>,
    %mul3A_890 = arith.constant 784 : i32
    %mul3A_891 = arith.muli %select_n3A_30, %mul3A_890 : i32
    %add3A_892 = arith.constant 192 : i32
    %add3A_893 = arith.addi %mul3A_891, %add3A_892 : i32
    %add3A_894 = vector.broadcast %add3A_893 : i32 to vector<16xi32>
    %add3A_895 = arith.addi %add3A_894, %iota3A : vector<16xi32>
    %jit3A_896 = arith.constant 196 : i32
    %div3A_897 = vector.broadcast %jit3A_896 : i32 to vector<16xi32>
    %div3A_898 = arith.divsi %add3A_895, %div3A_897 : vector<16xi32>
    %sign3A_899 = arith.constant 0 : i32
    %sign3A_900 = vector.broadcast %sign3A_899 : i32 to vector<16xi32>
    %sign3A_901 = arith.cmpi sgt, %add3A_895, %sign3A_900 : vector<16xi32>
    %sign3A_902 = arith.extui %sign3A_901 : vector<16xi1> to vector<16xi32>
    %sign3A_903 = arith.constant 0 : i32
    %sign3A_904 = vector.broadcast %sign3A_903 : i32 to vector<16xi32>
    %sign3A_905 = arith.cmpi slt, %add3A_895, %sign3A_904 : vector<16xi32>
    %sign3A_906 = arith.extui %sign3A_905 : vector<16xi1> to vector<16xi32>
    %sign3A_907 = arith.subi %sign3A_902, %sign3A_906 : vector<16xi32>
    %sign3A_908 = arith.constant 0 : i32
    %sign3A_909 = arith.cmpi sgt, %jit3A_896, %sign3A_908 : i32
    %sign3A_910 = arith.extui %sign3A_909 : i1 to i32
    %sign3A_911 = arith.constant 0 : i32
    %sign3A_912 = arith.cmpi slt, %jit3A_896, %sign3A_911 : i32
    %sign3A_913 = arith.extui %sign3A_912 : i1 to i32
    %sign3A_914 = arith.subi %sign3A_910, %sign3A_913 : i32
    %ne3A_915 = vector.broadcast %sign3A_914 : i32 to vector<16xi32>
    %ne3A_916 = arith.cmpi ne, %sign3A_907, %ne3A_915 : vector<16xi32>
    %rem3A_917 = vector.broadcast %jit3A_896 : i32 to vector<16xi32>
    %rem3A_918 = arith.remsi %add3A_895, %rem3A_917 : vector<16xi32>
    %ne3A_919 = arith.constant 0 : i32
    %ne3A_920 = vector.broadcast %ne3A_919 : i32 to vector<16xi32>
    %ne3A_921 = arith.cmpi ne, %rem3A_918, %ne3A_920 : vector<16xi32>
    %and3A_922 = arith.andi %ne3A_916, %ne3A_921 : vector<16xi1>
    %sub3A_923 = arith.constant 1 : i32
    %sub3A_924 = vector.broadcast %sub3A_923 : i32 to vector<16xi32>
    %sub3A_925 = arith.subi %div3A_898, %sub3A_924 : vector<16xi32>
    %select_n3A_926 = arith.select %and3A_922, %sub3A_925, %div3A_898 : vector<16xi1>, vector<16xi32>
    %jit3A_927 = arith.constant 196 : i32
    %eq3A_928 = arith.constant 0 : i32
    %eq3A_929 = arith.cmpi eq, %jit3A_927, %eq3A_928 : i32
    %jit3A_930 = arith.constant 1 : i32
    %select_n3A_931 = arith.select %eq3A_929, %jit3A_930, %jit3A_927 : i32
    %rem3A_932 = vector.broadcast %select_n3A_931 : i32 to vector<16xi32>
    %rem3A_933 = arith.remsi %add3A_895, %rem3A_932 : vector<16xi32>
    %ne3A_934 = arith.constant 0 : i32
    %ne3A_935 = vector.broadcast %ne3A_934 : i32 to vector<16xi32>
    %ne3A_936 = arith.cmpi ne, %rem3A_933, %ne3A_935 : vector<16xi32>
    %lt3A_937 = arith.constant 0 : i32
    %lt3A_938 = vector.broadcast %lt3A_937 : i32 to vector<16xi32>
    %lt3A_939 = arith.cmpi slt, %rem3A_933, %lt3A_938 : vector<16xi32>
    %lt3A_940 = arith.constant 0 : i32
    %lt3A_941 = arith.cmpi slt, %select_n3A_931, %lt3A_940 : i32
    %ne3A_942 = vector.broadcast %lt3A_941 : i1 to vector<16xi1>
    %ne3A_943 = vector.broadcast %ne3A_942 : vector<16xi1> to vector<16xi1>
    %ne3A_944 = arith.xori %lt3A_939, %ne3A_943 : vector<16xi1>
    %and3A_945 = arith.andi %ne3A_944, %ne3A_936 : vector<16xi1>
    %add3A_946 = vector.broadcast %select_n3A_931 : i32 to vector<16xi32>
    %add3A_947 = arith.addi %rem3A_933, %add3A_946 : vector<16xi32>
    %select_n3A_948 = arith.select %and3A_945, %add3A_947, %rem3A_933 : vector<16xi1>, vector<16xi32>
    %gather3A_949 = tpu.vector_load_idx %arg6[%select_n3A_926] : memref<16xi32, #tpu.memory_space<vmem>>[vector<16xi32>], vector<16xi32>,
    %mul3A_950 = arith.constant 16 : i32
    %mul3A_951 = arith.muli %select_n3A, %mul3A_950 : i32
    %add3A_952 = vector.broadcast %mul3A_951 : i32 to vector<16xi32>
    %add3A_953 = arith.addi %add3A_952, %gather3A_949 : vector<16xi32>
    %mul3A_954 = arith.constant 196 : i32
    %mul3A_955 = vector.broadcast %mul3A_954 : i32 to vector<16xi32>
    %mul3A_956 = arith.muli %add3A_953, %mul3A_955 : vector<16xi32>
    %add3A_957 = arith.addi %mul3A_956, %select_n3A_948 : vector<16xi32>
    %swap3A_958 = arith.constant 80 : index
    %swap3A_959 = tpu.vector_load %arg8[%swap3A_958] {strides = array<i32>} : memref<112xi32, #tpu.memory_space<vmem>>, vector<16xi32>,
    tpu.vector_store %arg8[%swap3A_958], %add3A_957 {strides = array<i32>} : memref<112xi32, #tpu.memory_space<vmem>>, vector<16xi32>,
    %mul3A_960 = arith.constant 784 : i32
    %mul3A_961 = arith.muli %select_n3A_30, %mul3A_960 : i32
    %add3A_962 = arith.constant 208 : i32
    %add3A_963 = arith.addi %mul3A_961, %add3A_962 : i32
    %add3A_964 = vector.broadcast %add3A_963 : i32 to vector<16xi32>
    %add3A_965 = arith.addi %add3A_964, %iota3A : vector<16xi32>
    %jit3A_966 = arith.constant 196 : i32
    %div3A_967 = vector.broadcast %jit3A_966 : i32 to vector<16xi32>
    %div3A_968 = arith.divsi %add3A_965, %div3A_967 : vector<16xi32>
    %sign3A_969 = arith.constant 0 : i32
    %sign3A_970 = vector.broadcast %sign3A_969 : i32 to vector<16xi32>
    %sign3A_971 = arith.cmpi sgt, %add3A_965, %sign3A_970 : vector<16xi32>
    %sign3A_972 = arith.extui %sign3A_971 : vector<16xi1> to vector<16xi32>
    %sign3A_973 = arith.constant 0 : i32
    %sign3A_974 = vector.broadcast %sign3A_973 : i32 to vector<16xi32>
    %sign3A_975 = arith.cmpi slt, %add3A_965, %sign3A_974 : vector<16xi32>
    %sign3A_976 = arith.extui %sign3A_975 : vector<16xi1> to vector<16xi32>
    %sign3A_977 = arith.subi %sign3A_972, %sign3A_976 : vector<16xi32>
    %sign3A_978 = arith.constant 0 : i32
    %sign3A_979 = arith.cmpi sgt, %jit3A_966, %sign3A_978 : i32
    %sign3A_980 = arith.extui %sign3A_979 : i1 to i32
    %sign3A_981 = arith.constant 0 : i32
    %sign3A_982 = arith.cmpi slt, %jit3A_966, %sign3A_981 : i32
    %sign3A_983 = arith.extui %sign3A_982 : i1 to i32
    %sign3A_984 = arith.subi %sign3A_980, %sign3A_983 : i32
    %ne3A_985 = vector.broadcast %sign3A_984 : i32 to vector<16xi32>
    %ne3A_986 = arith.cmpi ne, %sign3A_977, %ne3A_985 : vector<16xi32>
    %rem3A_987 = vector.broadcast %jit3A_966 : i32 to vector<16xi32>
    %rem3A_988 = arith.remsi %add3A_965, %rem3A_987 : vector<16xi32>
    %ne3A_989 = arith.constant 0 : i32
    %ne3A_990 = vector.broadcast %ne3A_989 : i32 to vector<16xi32>
    %ne3A_991 = arith.cmpi ne, %rem3A_988, %ne3A_990 : vector<16xi32>
    %and3A_992 = arith.andi %ne3A_986, %ne3A_991 : vector<16xi1>
    %sub3A_993 = arith.constant 1 : i32
    %sub3A_994 = vector.broadcast %sub3A_993 : i32 to vector<16xi32>
    %sub3A_995 = arith.subi %div3A_968, %sub3A_994 : vector<16xi32>
    %select_n3A_996 = arith.select %and3A_992, %sub3A_995, %div3A_968 : vector<16xi1>, vector<16xi32>
    %jit3A_997 = arith.constant 196 : i32
    %eq3A_998 = arith.constant 0 : i32
    %eq3A_999 = arith.cmpi eq, %jit3A_997, %eq3A_998 : i32
    %jit3A_1000 = arith.constant 1 : i32
    %select_n3A_1001 = arith.select %eq3A_999, %jit3A_1000, %jit3A_997 : i32
    %rem3A_1002 = vector.broadcast %select_n3A_1001 : i32 to vector<16xi32>
    %rem3A_1003 = arith.remsi %add3A_965, %rem3A_1002 : vector<16xi32>
    %ne3A_1004 = arith.constant 0 : i32
    %ne3A_1005 = vector.broadcast %ne3A_1004 : i32 to vector<16xi32>
    %ne3A_1006 = arith.cmpi ne, %rem3A_1003, %ne3A_1005 : vector<16xi32>
    %lt3A_1007 = arith.constant 0 : i32
    %lt3A_1008 = vector.broadcast %lt3A_1007 : i32 to vector<16xi32>
    %lt3A_1009 = arith.cmpi slt, %rem3A_1003, %lt3A_1008 : vector<16xi32>
    %lt3A_1010 = arith.constant 0 : i32
    %lt3A_1011 = arith.cmpi slt, %select_n3A_1001, %lt3A_1010 : i32
    %ne3A_1012 = vector.broadcast %lt3A_1011 : i1 to vector<16xi1>
    %ne3A_1013 = vector.broadcast %ne3A_1012 : vector<16xi1> to vector<16xi1>
    %ne3A_1014 = arith.xori %lt3A_1009, %ne3A_1013 : vector<16xi1>
    %and3A_1015 = arith.andi %ne3A_1014, %ne3A_1006 : vector<16xi1>
    %add3A_1016 = vector.broadcast %select_n3A_1001 : i32 to vector<16xi32>
    %add3A_1017 = arith.addi %rem3A_1003, %add3A_1016 : vector<16xi32>
    %select_n3A_1018 = arith.select %and3A_1015, %add3A_1017, %rem3A_1003 : vector<16xi1>, vector<16xi32>
    %gather3A_1019 = tpu.vector_load_idx %arg6[%select_n3A_996] : memref<16xi32, #tpu.memory_space<vmem>>[vector<16xi32>], vector<16xi32>,
    %mul3A_1020 = arith.constant 16 : i32
    %mul3A_1021 = arith.muli %select_n3A, %mul3A_1020 : i32
    %add3A_1022 = vector.broadcast %mul3A_1021 : i32 to vector<16xi32>
    %add3A_1023 = arith.addi %add3A_1022, %gather3A_1019 : vector<16xi32>
    %mul3A_1024 = arith.constant 196 : i32
    %mul3A_1025 = vector.broadcast %mul3A_1024 : i32 to vector<16xi32>
    %mul3A_1026 = arith.muli %add3A_1023, %mul3A_1025 : vector<16xi32>
    %add3A_1027 = arith.addi %mul3A_1026, %select_n3A_1018 : vector<16xi32>
    %swap3A_1028 = arith.constant 96 : index
    %swap3A_1029 = tpu.vector_load %arg8[%swap3A_1028] {strides = array<i32>} : memref<112xi32, #tpu.memory_space<vmem>>, vector<16xi32>,
    tpu.vector_store %arg8[%swap3A_1028], %add3A_1027 {strides = array<i32>} : memref<112xi32, #tpu.memory_space<vmem>>, vector<16xi32>,
    %mul3A_1030 = arith.constant 784 : i32
    %mul3A_1031 = arith.muli %select_n3A_30, %mul3A_1030 : i32
    %add3A_1032 = arith.constant 224 : i32
    %add3A_1033 = arith.addi %mul3A_1031, %add3A_1032 : i32
    %add3A_1034 = vector.broadcast %add3A_1033 : i32 to vector<16xi32>
    %add3A_1035 = arith.addi %add3A_1034, %iota3A : vector<16xi32>
    %jit3A_1036 = arith.constant 196 : i32
    %div3A_1037 = vector.broadcast %jit3A_1036 : i32 to vector<16xi32>
    %div3A_1038 = arith.divsi %add3A_1035, %div3A_1037 : vector<16xi32>
    %sign3A_1039 = arith.constant 0 : i32
    %sign3A_1040 = vector.broadcast %sign3A_1039 : i32 to vector<16xi32>
    %sign3A_1041 = arith.cmpi sgt, %add3A_1035, %sign3A_1040 : vector<16xi32>
    %sign3A_1042 = arith.extui %sign3A_1041 : vector<16xi1> to vector<16xi32>
    %sign3A_1043 = arith.constant 0 : i32
    %sign3A_1044 = vector.broadcast %sign3A_1043 : i32 to vector<16xi32>
    %sign3A_1045 = arith.cmpi slt, %add3A_1035, %sign3A_1044 : vector<16xi32>
    %sign3A_1046 = arith.extui %sign3A_1045 : vector<16xi1> to vector<16xi32>
    %sign3A_1047 = arith.subi %sign3A_1042, %sign3A_1046 : vector<16xi32>
    %sign3A_1048 = arith.constant 0 : i32
    %sign3A_1049 = arith.cmpi sgt, %jit3A_1036, %sign3A_1048 : i32
    %sign3A_1050 = arith.extui %sign3A_1049 : i1 to i32
    %sign3A_1051 = arith.constant 0 : i32
    %sign3A_1052 = arith.cmpi slt, %jit3A_1036, %sign3A_1051 : i32
    %sign3A_1053 = arith.extui %sign3A_1052 : i1 to i32
    %sign3A_1054 = arith.subi %sign3A_1050, %sign3A_1053 : i32
    %ne3A_1055 = vector.broadcast %sign3A_1054 : i32 to vector<16xi32>
    %ne3A_1056 = arith.cmpi ne, %sign3A_1047, %ne3A_1055 : vector<16xi32>
    %rem3A_1057 = vector.broadcast %jit3A_1036 : i32 to vector<16xi32>
    %rem3A_1058 = arith.remsi %add3A_1035, %rem3A_1057 : vector<16xi32>
    %ne3A_1059 = arith.constant 0 : i32
    %ne3A_1060 = vector.broadcast %ne3A_1059 : i32 to vector<16xi32>
    %ne3A_1061 = arith.cmpi ne, %rem3A_1058, %ne3A_1060 : vector<16xi32>
    %and3A_1062 = arith.andi %ne3A_1056, %ne3A_1061 : vector<16xi1>
    %sub3A_1063 = arith.constant 1 : i32
    %sub3A_1064 = vector.broadcast %sub3A_1063 : i32 to vector<16xi32>
    %sub3A_1065 = arith.subi %div3A_1038, %sub3A_1064 : vector<16xi32>
    %select_n3A_1066 = arith.select %and3A_1062, %sub3A_1065, %div3A_1038 : vector<16xi1>, vector<16xi32>
    %jit3A_1067 = arith.constant 196 : i32
    %eq3A_1068 = arith.constant 0 : i32
    %eq3A_1069 = arith.cmpi eq, %jit3A_1067, %eq3A_1068 : i32
    %jit3A_1070 = arith.constant 1 : i32
    %select_n3A_1071 = arith.select %eq3A_1069, %jit3A_1070, %jit3A_1067 : i32
    %rem3A_1072 = vector.broadcast %select_n3A_1071 : i32 to vector<16xi32>
    %rem3A_1073 = arith.remsi %add3A_1035, %rem3A_1072 : vector<16xi32>
    %ne3A_1074 = arith.constant 0 : i32
    %ne3A_1075 = vector.broadcast %ne3A_1074 : i32 to vector<16xi32>
    %ne3A_1076 = arith.cmpi ne, %rem3A_1073, %ne3A_1075 : vector<16xi32>
    %lt3A_1077 = arith.constant 0 : i32
    %lt3A_1078 = vector.broadcast %lt3A_1077 : i32 to vector<16xi32>
    %lt3A_1079 = arith.cmpi slt, %rem3A_1073, %lt3A_1078 : vector<16xi32>
    %lt3A_1080 = arith.constant 0 : i32
    %lt3A_1081 = arith.cmpi slt, %select_n3A_1071, %lt3A_1080 : i32
    %ne3A_1082 = vector.broadcast %lt3A_1081 : i1 to vector<16xi1>
    %ne3A_1083 = vector.broadcast %ne3A_1082 : vector<16xi1> to vector<16xi1>
    %ne3A_1084 = arith.xori %lt3A_1079, %ne3A_1083 : vector<16xi1>
    %and3A_1085 = arith.andi %ne3A_1084, %ne3A_1076 : vector<16xi1>
    %add3A_1086 = vector.broadcast %select_n3A_1071 : i32 to vector<16xi32>
    %add3A_1087 = arith.addi %rem3A_1073, %add3A_1086 : vector<16xi32>
    %select_n3A_1088 = arith.select %and3A_1085, %add3A_1087, %rem3A_1073 : vector<16xi1>, vector<16xi32>
    %gather3A_1089 = tpu.vector_load_idx %arg6[%select_n3A_1066] : memref<16xi32, #tpu.memory_space<vmem>>[vector<16xi32>], vector<16xi32>,
    %mul3A_1090 = arith.constant 16 : i32
    %mul3A_1091 = arith.muli %select_n3A, %mul3A_1090 : i32
    %add3A_1092 = vector.broadcast %mul3A_1091 : i32 to vector<16xi32>
    %add3A_1093 = arith.addi %add3A_1092, %gather3A_1089 : vector<16xi32>
    %mul3A_1094 = arith.constant 196 : i32
    %mul3A_1095 = vector.broadcast %mul3A_1094 : i32 to vector<16xi32>
    %mul3A_1096 = arith.muli %add3A_1093, %mul3A_1095 : vector<16xi32>
    %add3A_1097 = arith.addi %mul3A_1096, %select_n3A_1088 : vector<16xi32>
    %swap3A_1098 = arith.constant 0 : index
    %swap3A_1099 = tpu.vector_load %arg9[%swap3A_1098] {strides = array<i32>} : memref<112xi32, #tpu.memory_space<vmem>>, vector<16xi32>,
    tpu.vector_store %arg9[%swap3A_1098], %add3A_1097 {strides = array<i32>} : memref<112xi32, #tpu.memory_space<vmem>>, vector<16xi32>,
    %mul3A_1100 = arith.constant 784 : i32
    %mul3A_1101 = arith.muli %select_n3A_30, %mul3A_1100 : i32
    %add3A_1102 = arith.constant 240 : i32
    %add3A_1103 = arith.addi %mul3A_1101, %add3A_1102 : i32
    %add3A_1104 = vector.broadcast %add3A_1103 : i32 to vector<16xi32>
    %add3A_1105 = arith.addi %add3A_1104, %iota3A : vector<16xi32>
    %jit3A_1106 = arith.constant 196 : i32
    %div3A_1107 = vector.broadcast %jit3A_1106 : i32 to vector<16xi32>
    %div3A_1108 = arith.divsi %add3A_1105, %div3A_1107 : vector<16xi32>
    %sign3A_1109 = arith.constant 0 : i32
    %sign3A_1110 = vector.broadcast %sign3A_1109 : i32 to vector<16xi32>
    %sign3A_1111 = arith.cmpi sgt, %add3A_1105, %sign3A_1110 : vector<16xi32>
    %sign3A_1112 = arith.extui %sign3A_1111 : vector<16xi1> to vector<16xi32>
    %sign3A_1113 = arith.constant 0 : i32
    %sign3A_1114 = vector.broadcast %sign3A_1113 : i32 to vector<16xi32>
    %sign3A_1115 = arith.cmpi slt, %add3A_1105, %sign3A_1114 : vector<16xi32>
    %sign3A_1116 = arith.extui %sign3A_1115 : vector<16xi1> to vector<16xi32>
    %sign3A_1117 = arith.subi %sign3A_1112, %sign3A_1116 : vector<16xi32>
    %sign3A_1118 = arith.constant 0 : i32
    %sign3A_1119 = arith.cmpi sgt, %jit3A_1106, %sign3A_1118 : i32
    %sign3A_1120 = arith.extui %sign3A_1119 : i1 to i32
    %sign3A_1121 = arith.constant 0 : i32
    %sign3A_1122 = arith.cmpi slt, %jit3A_1106, %sign3A_1121 : i32
    %sign3A_1123 = arith.extui %sign3A_1122 : i1 to i32
    %sign3A_1124 = arith.subi %sign3A_1120, %sign3A_1123 : i32
    %ne3A_1125 = vector.broadcast %sign3A_1124 : i32 to vector<16xi32>
    %ne3A_1126 = arith.cmpi ne, %sign3A_1117, %ne3A_1125 : vector<16xi32>
    %rem3A_1127 = vector.broadcast %jit3A_1106 : i32 to vector<16xi32>
    %rem3A_1128 = arith.remsi %add3A_1105, %rem3A_1127 : vector<16xi32>
    %ne3A_1129 = arith.constant 0 : i32
    %ne3A_1130 = vector.broadcast %ne3A_1129 : i32 to vector<16xi32>
    %ne3A_1131 = arith.cmpi ne, %rem3A_1128, %ne3A_1130 : vector<16xi32>
    %and3A_1132 = arith.andi %ne3A_1126, %ne3A_1131 : vector<16xi1>
    %sub3A_1133 = arith.constant 1 : i32
    %sub3A_1134 = vector.broadcast %sub3A_1133 : i32 to vector<16xi32>
    %sub3A_1135 = arith.subi %div3A_1108, %sub3A_1134 : vector<16xi32>
    %select_n3A_1136 = arith.select %and3A_1132, %sub3A_1135, %div3A_1108 : vector<16xi1>, vector<16xi32>
    %jit3A_1137 = arith.constant 196 : i32
    %eq3A_1138 = arith.constant 0 : i32
    %eq3A_1139 = arith.cmpi eq, %jit3A_1137, %eq3A_1138 : i32
    %jit3A_1140 = arith.constant 1 : i32
    %select_n3A_1141 = arith.select %eq3A_1139, %jit3A_1140, %jit3A_1137 : i32
    %rem3A_1142 = vector.broadcast %select_n3A_1141 : i32 to vector<16xi32>
    %rem3A_1143 = arith.remsi %add3A_1105, %rem3A_1142 : vector<16xi32>
    %ne3A_1144 = arith.constant 0 : i32
    %ne3A_1145 = vector.broadcast %ne3A_1144 : i32 to vector<16xi32>
    %ne3A_1146 = arith.cmpi ne, %rem3A_1143, %ne3A_1145 : vector<16xi32>
    %lt3A_1147 = arith.constant 0 : i32
    %lt3A_1148 = vector.broadcast %lt3A_1147 : i32 to vector<16xi32>
    %lt3A_1149 = arith.cmpi slt, %rem3A_1143, %lt3A_1148 : vector<16xi32>
    %lt3A_1150 = arith.constant 0 : i32
    %lt3A_1151 = arith.cmpi slt, %select_n3A_1141, %lt3A_1150 : i32
    %ne3A_1152 = vector.broadcast %lt3A_1151 : i1 to vector<16xi1>
    %ne3A_1153 = vector.broadcast %ne3A_1152 : vector<16xi1> to vector<16xi1>
    %ne3A_1154 = arith.xori %lt3A_1149, %ne3A_1153 : vector<16xi1>
    %and3A_1155 = arith.andi %ne3A_1154, %ne3A_1146 : vector<16xi1>
    %add3A_1156 = vector.broadcast %select_n3A_1141 : i32 to vector<16xi32>
    %add3A_1157 = arith.addi %rem3A_1143, %add3A_1156 : vector<16xi32>
    %select_n3A_1158 = arith.select %and3A_1155, %add3A_1157, %rem3A_1143 : vector<16xi1>, vector<16xi32>
    %gather3A_1159 = tpu.vector_load_idx %arg6[%select_n3A_1136] : memref<16xi32, #tpu.memory_space<vmem>>[vector<16xi32>], vector<16xi32>,
    %mul3A_1160 = arith.constant 16 : i32
    %mul3A_1161 = arith.muli %select_n3A, %mul3A_1160 : i32
    %add3A_1162 = vector.broadcast %mul3A_1161 : i32 to vector<16xi32>
    %add3A_1163 = arith.addi %add3A_1162, %gather3A_1159 : vector<16xi32>
    %mul3A_1164 = arith.constant 196 : i32
    %mul3A_1165 = vector.broadcast %mul3A_1164 : i32 to vector<16xi32>
    %mul3A_1166 = arith.muli %add3A_1163, %mul3A_1165 : vector<16xi32>
    %add3A_1167 = arith.addi %mul3A_1166, %select_n3A_1158 : vector<16xi32>
    %swap3A_1168 = arith.constant 16 : index
    %swap3A_1169 = tpu.vector_load %arg9[%swap3A_1168] {strides = array<i32>} : memref<112xi32, #tpu.memory_space<vmem>>, vector<16xi32>,
    tpu.vector_store %arg9[%swap3A_1168], %add3A_1167 {strides = array<i32>} : memref<112xi32, #tpu.memory_space<vmem>>, vector<16xi32>,
    %mul3A_1170 = arith.constant 784 : i32
    %mul3A_1171 = arith.muli %select_n3A_30, %mul3A_1170 : i32
    %add3A_1172 = arith.constant 256 : i32
    %add3A_1173 = arith.addi %mul3A_1171, %add3A_1172 : i32
    %add3A_1174 = vector.broadcast %add3A_1173 : i32 to vector<16xi32>
    %add3A_1175 = arith.addi %add3A_1174, %iota3A : vector<16xi32>
    %jit3A_1176 = arith.constant 196 : i32
    %div3A_1177 = vector.broadcast %jit3A_1176 : i32 to vector<16xi32>
    %div3A_1178 = arith.divsi %add3A_1175, %div3A_1177 : vector<16xi32>
    %sign3A_1179 = arith.constant 0 : i32
    %sign3A_1180 = vector.broadcast %sign3A_1179 : i32 to vector<16xi32>
    %sign3A_1181 = arith.cmpi sgt, %add3A_1175, %sign3A_1180 : vector<16xi32>
    %sign3A_1182 = arith.extui %sign3A_1181 : vector<16xi1> to vector<16xi32>
    %sign3A_1183 = arith.constant 0 : i32
    %sign3A_1184 = vector.broadcast %sign3A_1183 : i32 to vector<16xi32>
    %sign3A_1185 = arith.cmpi slt, %add3A_1175, %sign3A_1184 : vector<16xi32>
    %sign3A_1186 = arith.extui %sign3A_1185 : vector<16xi1> to vector<16xi32>
    %sign3A_1187 = arith.subi %sign3A_1182, %sign3A_1186 : vector<16xi32>
    %sign3A_1188 = arith.constant 0 : i32
    %sign3A_1189 = arith.cmpi sgt, %jit3A_1176, %sign3A_1188 : i32
    %sign3A_1190 = arith.extui %sign3A_1189 : i1 to i32
    %sign3A_1191 = arith.constant 0 : i32
    %sign3A_1192 = arith.cmpi slt, %jit3A_1176, %sign3A_1191 : i32
    %sign3A_1193 = arith.extui %sign3A_1192 : i1 to i32
    %sign3A_1194 = arith.subi %sign3A_1190, %sign3A_1193 : i32
    %ne3A_1195 = vector.broadcast %sign3A_1194 : i32 to vector<16xi32>
    %ne3A_1196 = arith.cmpi ne, %sign3A_1187, %ne3A_1195 : vector<16xi32>
    %rem3A_1197 = vector.broadcast %jit3A_1176 : i32 to vector<16xi32>
    %rem3A_1198 = arith.remsi %add3A_1175, %rem3A_1197 : vector<16xi32>
    %ne3A_1199 = arith.constant 0 : i32
    %ne3A_1200 = vector.broadcast %ne3A_1199 : i32 to vector<16xi32>
    %ne3A_1201 = arith.cmpi ne, %rem3A_1198, %ne3A_1200 : vector<16xi32>
    %and3A_1202 = arith.andi %ne3A_1196, %ne3A_1201 : vector<16xi1>
    %sub3A_1203 = arith.constant 1 : i32
    %sub3A_1204 = vector.broadcast %sub3A_1203 : i32 to vector<16xi32>
    %sub3A_1205 = arith.subi %div3A_1178, %sub3A_1204 : vector<16xi32>
    %select_n3A_1206 = arith.select %and3A_1202, %sub3A_1205, %div3A_1178 : vector<16xi1>, vector<16xi32>
    %jit3A_1207 = arith.constant 196 : i32
    %eq3A_1208 = arith.constant 0 : i32
    %eq3A_1209 = arith.cmpi eq, %jit3A_1207, %eq3A_1208 : i32
    %jit3A_1210 = arith.constant 1 : i32
    %select_n3A_1211 = arith.select %eq3A_1209, %jit3A_1210, %jit3A_1207 : i32
    %rem3A_1212 = vector.broadcast %select_n3A_1211 : i32 to vector<16xi32>
    %rem3A_1213 = arith.remsi %add3A_1175, %rem3A_1212 : vector<16xi32>
    %ne3A_1214 = arith.constant 0 : i32
    %ne3A_1215 = vector.broadcast %ne3A_1214 : i32 to vector<16xi32>
    %ne3A_1216 = arith.cmpi ne, %rem3A_1213, %ne3A_1215 : vector<16xi32>
    %lt3A_1217 = arith.constant 0 : i32
    %lt3A_1218 = vector.broadcast %lt3A_1217 : i32 to vector<16xi32>
    %lt3A_1219 = arith.cmpi slt, %rem3A_1213, %lt3A_1218 : vector<16xi32>
    %lt3A_1220 = arith.constant 0 : i32
    %lt3A_1221 = arith.cmpi slt, %select_n3A_1211, %lt3A_1220 : i32
    %ne3A_1222 = vector.broadcast %lt3A_1221 : i1 to vector<16xi1>
    %ne3A_1223 = vector.broadcast %ne3A_1222 : vector<16xi1> to vector<16xi1>
    %ne3A_1224 = arith.xori %lt3A_1219, %ne3A_1223 : vector<16xi1>
    %and3A_1225 = arith.andi %ne3A_1224, %ne3A_1216 : vector<16xi1>
    %add3A_1226 = vector.broadcast %select_n3A_1211 : i32 to vector<16xi32>
    %add3A_1227 = arith.addi %rem3A_1213, %add3A_1226 : vector<16xi32>
    %select_n3A_1228 = arith.select %and3A_1225, %add3A_1227, %rem3A_1213 : vector<16xi1>, vector<16xi32>
    %gather3A_1229 = tpu.vector_load_idx %arg6[%select_n3A_1206] : memref<16xi32, #tpu.memory_space<vmem>>[vector<16xi32>], vector<16xi32>,
    %mul3A_1230 = arith.constant 16 : i32
    %mul3A_1231 = arith.muli %select_n3A, %mul3A_1230 : i32
    %add3A_1232 = vector.broadcast %mul3A_1231 : i32 to vector<16xi32>
    %add3A_1233 = arith.addi %add3A_1232, %gather3A_1229 : vector<16xi32>
    %mul3A_1234 = arith.constant 196 : i32
    %mul3A_1235 = vector.broadcast %mul3A_1234 : i32 to vector<16xi32>
    %mul3A_1236 = arith.muli %add3A_1233, %mul3A_1235 : vector<16xi32>
    %add3A_1237 = arith.addi %mul3A_1236, %select_n3A_1228 : vector<16xi32>
    %swap3A_1238 = arith.constant 32 : index
    %swap3A_1239 = tpu.vector_load %arg9[%swap3A_1238] {strides = array<i32>} : memref<112xi32, #tpu.memory_space<vmem>>, vector<16xi32>,
    tpu.vector_store %arg9[%swap3A_1238], %add3A_1237 {strides = array<i32>} : memref<112xi32, #tpu.memory_space<vmem>>, vector<16xi32>,
    %mul3A_1240 = arith.constant 784 : i32
    %mul3A_1241 = arith.muli %select_n3A_30, %mul3A_1240 : i32
    %add3A_1242 = arith.constant 272 : i32
    %add3A_1243 = arith.addi %mul3A_1241, %add3A_1242 : i32
    %add3A_1244 = vector.broadcast %add3A_1243 : i32 to vector<16xi32>
    %add3A_1245 = arith.addi %add3A_1244, %iota3A : vector<16xi32>
    %jit3A_1246 = arith.constant 196 : i32
    %div3A_1247 = vector.broadcast %jit3A_1246 : i32 to vector<16xi32>
    %div3A_1248 = arith.divsi %add3A_1245, %div3A_1247 : vector<16xi32>
    %sign3A_1249 = arith.constant 0 : i32
    %sign3A_1250 = vector.broadcast %sign3A_1249 : i32 to vector<16xi32>
    %sign3A_1251 = arith.cmpi sgt, %add3A_1245, %sign3A_1250 : vector<16xi32>
    %sign3A_1252 = arith.extui %sign3A_1251 : vector<16xi1> to vector<16xi32>
    %sign3A_1253 = arith.constant 0 : i32
    %sign3A_1254 = vector.broadcast %sign3A_1253 : i32 to vector<16xi32>
    %sign3A_1255 = arith.cmpi slt, %add3A_1245, %sign3A_1254 : vector<16xi32>
    %sign3A_1256 = arith.extui %sign3A_1255 : vector<16xi1> to vector<16xi32>
    %sign3A_1257 = arith.subi %sign3A_1252, %sign3A_1256 : vector<16xi32>
    %sign3A_1258 = arith.constant 0 : i32
    %sign3A_1259 = arith.cmpi sgt, %jit3A_1246, %sign3A_1258 : i32
    %sign3A_1260 = arith.extui %sign3A_1259 : i1 to i32
    %sign3A_1261 = arith.constant 0 : i32
    %sign3A_1262 = arith.cmpi slt, %jit3A_1246, %sign3A_1261 : i32
    %sign3A_1263 = arith.extui %sign3A_1262 : i1 to i32
    %sign3A_1264 = arith.subi %sign3A_1260, %sign3A_1263 : i32
    %ne3A_1265 = vector.broadcast %sign3A_1264 : i32 to vector<16xi32>
    %ne3A_1266 = arith.cmpi ne, %sign3A_1257, %ne3A_1265 : vector<16xi32>
    %rem3A_1267 = vector.broadcast %jit3A_1246 : i32 to vector<16xi32>
    %rem3A_1268 = arith.remsi %add3A_1245, %rem3A_1267 : vector<16xi32>
    %ne3A_1269 = arith.constant 0 : i32
    %ne3A_1270 = vector.broadcast %ne3A_1269 : i32 to vector<16xi32>
    %ne3A_1271 = arith.cmpi ne, %rem3A_1268, %ne3A_1270 : vector<16xi32>
    %and3A_1272 = arith.andi %ne3A_1266, %ne3A_1271 : vector<16xi1>
    %sub3A_1273 = arith.constant 1 : i32
    %sub3A_1274 = vector.broadcast %sub3A_1273 : i32 to vector<16xi32>
    %sub3A_1275 = arith.subi %div3A_1248, %sub3A_1274 : vector<16xi32>
    %select_n3A_1276 = arith.select %and3A_1272, %sub3A_1275, %div3A_1248 : vector<16xi1>, vector<16xi32>
    %jit3A_1277 = arith.constant 196 : i32
    %eq3A_1278 = arith.constant 0 : i32
    %eq3A_1279 = arith.cmpi eq, %jit3A_1277, %eq3A_1278 : i32
    %jit3A_1280 = arith.constant 1 : i32
    %select_n3A_1281 = arith.select %eq3A_1279, %jit3A_1280, %jit3A_1277 : i32
    %rem3A_1282 = vector.broadcast %select_n3A_1281 : i32 to vector<16xi32>
    %rem3A_1283 = arith.remsi %add3A_1245, %rem3A_1282 : vector<16xi32>
    %ne3A_1284 = arith.constant 0 : i32
    %ne3A_1285 = vector.broadcast %ne3A_1284 : i32 to vector<16xi32>
    %ne3A_1286 = arith.cmpi ne, %rem3A_1283, %ne3A_1285 : vector<16xi32>
    %lt3A_1287 = arith.constant 0 : i32
    %lt3A_1288 = vector.broadcast %lt3A_1287 : i32 to vector<16xi32>
    %lt3A_1289 = arith.cmpi slt, %rem3A_1283, %lt3A_1288 : vector<16xi32>
    %lt3A_1290 = arith.constant 0 : i32
    %lt3A_1291 = arith.cmpi slt, %select_n3A_1281, %lt3A_1290 : i32
    %ne3A_1292 = vector.broadcast %lt3A_1291 : i1 to vector<16xi1>
    %ne3A_1293 = vector.broadcast %ne3A_1292 : vector<16xi1> to vector<16xi1>
    %ne3A_1294 = arith.xori %lt3A_1289, %ne3A_1293 : vector<16xi1>
    %and3A_1295 = arith.andi %ne3A_1294, %ne3A_1286 : vector<16xi1>
    %add3A_1296 = vector.broadcast %select_n3A_1281 : i32 to vector<16xi32>
    %add3A_1297 = arith.addi %rem3A_1283, %add3A_1296 : vector<16xi32>
    %select_n3A_1298 = arith.select %and3A_1295, %add3A_1297, %rem3A_1283 : vector<16xi1>, vector<16xi32>
    %gather3A_1299 = tpu.vector_load_idx %arg6[%select_n3A_1276] : memref<16xi32, #tpu.memory_space<vmem>>[vector<16xi32>], vector<16xi32>,
    %mul3A_1300 = arith.constant 16 : i32
    %mul3A_1301 = arith.muli %select_n3A, %mul3A_1300 : i32
    %add3A_1302 = vector.broadcast %mul3A_1301 : i32 to vector<16xi32>
    %add3A_1303 = arith.addi %add3A_1302, %gather3A_1299 : vector<16xi32>
    %mul3A_1304 = arith.constant 196 : i32
    %mul3A_1305 = vector.broadcast %mul3A_1304 : i32 to vector<16xi32>
    %mul3A_1306 = arith.muli %add3A_1303, %mul3A_1305 : vector<16xi32>
    %add3A_1307 = arith.addi %mul3A_1306, %select_n3A_1298 : vector<16xi32>
    %swap3A_1308 = arith.constant 48 : index
    %swap3A_1309 = tpu.vector_load %arg9[%swap3A_1308] {strides = array<i32>} : memref<112xi32, #tpu.memory_space<vmem>>, vector<16xi32>,
    tpu.vector_store %arg9[%swap3A_1308], %add3A_1307 {strides = array<i32>} : memref<112xi32, #tpu.memory_space<vmem>>, vector<16xi32>,
    %mul3A_1310 = arith.constant 784 : i32
    %mul3A_1311 = arith.muli %select_n3A_30, %mul3A_1310 : i32
    %add3A_1312 = arith.constant 288 : i32
    %add3A_1313 = arith.addi %mul3A_1311, %add3A_1312 : i32
    %add3A_1314 = vector.broadcast %add3A_1313 : i32 to vector<16xi32>
    %add3A_1315 = arith.addi %add3A_1314, %iota3A : vector<16xi32>
    %jit3A_1316 = arith.constant 196 : i32
    %div3A_1317 = vector.broadcast %jit3A_1316 : i32 to vector<16xi32>
    %div3A_1318 = arith.divsi %add3A_1315, %div3A_1317 : vector<16xi32>
    %sign3A_1319 = arith.constant 0 : i32
    %sign3A_1320 = vector.broadcast %sign3A_1319 : i32 to vector<16xi32>
    %sign3A_1321 = arith.cmpi sgt, %add3A_1315, %sign3A_1320 : vector<16xi32>
    %sign3A_1322 = arith.extui %sign3A_1321 : vector<16xi1> to vector<16xi32>
    %sign3A_1323 = arith.constant 0 : i32
    %sign3A_1324 = vector.broadcast %sign3A_1323 : i32 to vector<16xi32>
    %sign3A_1325 = arith.cmpi slt, %add3A_1315, %sign3A_1324 : vector<16xi32>
    %sign3A_1326 = arith.extui %sign3A_1325 : vector<16xi1> to vector<16xi32>
    %sign3A_1327 = arith.subi %sign3A_1322, %sign3A_1326 : vector<16xi32>
    %sign3A_1328 = arith.constant 0 : i32
    %sign3A_1329 = arith.cmpi sgt, %jit3A_1316, %sign3A_1328 : i32
    %sign3A_1330 = arith.extui %sign3A_1329 : i1 to i32
    %sign3A_1331 = arith.constant 0 : i32
    %sign3A_1332 = arith.cmpi slt, %jit3A_1316, %sign3A_1331 : i32
    %sign3A_1333 = arith.extui %sign3A_1332 : i1 to i32
    %sign3A_1334 = arith.subi %sign3A_1330, %sign3A_1333 : i32
    %ne3A_1335 = vector.broadcast %sign3A_1334 : i32 to vector<16xi32>
    %ne3A_1336 = arith.cmpi ne, %sign3A_1327, %ne3A_1335 : vector<16xi32>
    %rem3A_1337 = vector.broadcast %jit3A_1316 : i32 to vector<16xi32>
    %rem3A_1338 = arith.remsi %add3A_1315, %rem3A_1337 : vector<16xi32>
    %ne3A_1339 = arith.constant 0 : i32
    %ne3A_1340 = vector.broadcast %ne3A_1339 : i32 to vector<16xi32>
    %ne3A_1341 = arith.cmpi ne, %rem3A_1338, %ne3A_1340 : vector<16xi32>
    %and3A_1342 = arith.andi %ne3A_1336, %ne3A_1341 : vector<16xi1>
    %sub3A_1343 = arith.constant 1 : i32
    %sub3A_1344 = vector.broadcast %sub3A_1343 : i32 to vector<16xi32>
    %sub3A_1345 = arith.subi %div3A_1318, %sub3A_1344 : vector<16xi32>
    %select_n3A_1346 = arith.select %and3A_1342, %sub3A_1345, %div3A_1318 : vector<16xi1>, vector<16xi32>
    %jit3A_1347 = arith.constant 196 : i32
    %eq3A_1348 = arith.constant 0 : i32
    %eq3A_1349 = arith.cmpi eq, %jit3A_1347, %eq3A_1348 : i32
    %jit3A_1350 = arith.constant 1 : i32
    %select_n3A_1351 = arith.select %eq3A_1349, %jit3A_1350, %jit3A_1347 : i32
    %rem3A_1352 = vector.broadcast %select_n3A_1351 : i32 to vector<16xi32>
    %rem3A_1353 = arith.remsi %add3A_1315, %rem3A_1352 : vector<16xi32>
    %ne3A_1354 = arith.constant 0 : i32
    %ne3A_1355 = vector.broadcast %ne3A_1354 : i32 to vector<16xi32>
    %ne3A_1356 = arith.cmpi ne, %rem3A_1353, %ne3A_1355 : vector<16xi32>
    %lt3A_1357 = arith.constant 0 : i32
    %lt3A_1358 = vector.broadcast %lt3A_1357 : i32 to vector<16xi32>
    %lt3A_1359 = arith.cmpi slt, %rem3A_1353, %lt3A_1358 : vector<16xi32>
    %lt3A_1360 = arith.constant 0 : i32
    %lt3A_1361 = arith.cmpi slt, %select_n3A_1351, %lt3A_1360 : i32
    %ne3A_1362 = vector.broadcast %lt3A_1361 : i1 to vector<16xi1>
    %ne3A_1363 = vector.broadcast %ne3A_1362 : vector<16xi1> to vector<16xi1>
    %ne3A_1364 = arith.xori %lt3A_1359, %ne3A_1363 : vector<16xi1>
    %and3A_1365 = arith.andi %ne3A_1364, %ne3A_1356 : vector<16xi1>
    %add3A_1366 = vector.broadcast %select_n3A_1351 : i32 to vector<16xi32>
    %add3A_1367 = arith.addi %rem3A_1353, %add3A_1366 : vector<16xi32>
    %select_n3A_1368 = arith.select %and3A_1365, %add3A_1367, %rem3A_1353 : vector<16xi1>, vector<16xi32>
    %gather3A_1369 = tpu.vector_load_idx %arg6[%select_n3A_1346] : memref<16xi32, #tpu.memory_space<vmem>>[vector<16xi32>], vector<16xi32>,
    %mul3A_1370 = arith.constant 16 : i32
    %mul3A_1371 = arith.muli %select_n3A, %mul3A_1370 : i32
    %add3A_1372 = vector.broadcast %mul3A_1371 : i32 to vector<16xi32>
    %add3A_1373 = arith.addi %add3A_1372, %gather3A_1369 : vector<16xi32>
    %mul3A_1374 = arith.constant 196 : i32
    %mul3A_1375 = vector.broadcast %mul3A_1374 : i32 to vector<16xi32>
    %mul3A_1376 = arith.muli %add3A_1373, %mul3A_1375 : vector<16xi32>
    %add3A_1377 = arith.addi %mul3A_1376, %select_n3A_1368 : vector<16xi32>
    %swap3A_1378 = arith.constant 64 : index
    %swap3A_1379 = tpu.vector_load %arg9[%swap3A_1378] {strides = array<i32>} : memref<112xi32, #tpu.memory_space<vmem>>, vector<16xi32>,
    tpu.vector_store %arg9[%swap3A_1378], %add3A_1377 {strides = array<i32>} : memref<112xi32, #tpu.memory_space<vmem>>, vector<16xi32>,
    %mul3A_1380 = arith.constant 784 : i32
    %mul3A_1381 = arith.muli %select_n3A_30, %mul3A_1380 : i32
    %add3A_1382 = arith.constant 304 : i32
    %add3A_1383 = arith.addi %mul3A_1381, %add3A_1382 : i32
    %add3A_1384 = vector.broadcast %add3A_1383 : i32 to vector<16xi32>
    %add3A_1385 = arith.addi %add3A_1384, %iota3A : vector<16xi32>
    %jit3A_1386 = arith.constant 196 : i32
    %div3A_1387 = vector.broadcast %jit3A_1386 : i32 to vector<16xi32>
    %div3A_1388 = arith.divsi %add3A_1385, %div3A_1387 : vector<16xi32>
    %sign3A_1389 = arith.constant 0 : i32
    %sign3A_1390 = vector.broadcast %sign3A_1389 : i32 to vector<16xi32>
    %sign3A_1391 = arith.cmpi sgt, %add3A_1385, %sign3A_1390 : vector<16xi32>
    %sign3A_1392 = arith.extui %sign3A_1391 : vector<16xi1> to vector<16xi32>
    %sign3A_1393 = arith.constant 0 : i32
    %sign3A_1394 = vector.broadcast %sign3A_1393 : i32 to vector<16xi32>
    %sign3A_1395 = arith.cmpi slt, %add3A_1385, %sign3A_1394 : vector<16xi32>
    %sign3A_1396 = arith.extui %sign3A_1395 : vector<16xi1> to vector<16xi32>
    %sign3A_1397 = arith.subi %sign3A_1392, %sign3A_1396 : vector<16xi32>
    %sign3A_1398 = arith.constant 0 : i32
    %sign3A_1399 = arith.cmpi sgt, %jit3A_1386, %sign3A_1398 : i32
    %sign3A_1400 = arith.extui %sign3A_1399 : i1 to i32
    %sign3A_1401 = arith.constant 0 : i32
    %sign3A_1402 = arith.cmpi slt, %jit3A_1386, %sign3A_1401 : i32
    %sign3A_1403 = arith.extui %sign3A_1402 : i1 to i32
    %sign3A_1404 = arith.subi %sign3A_1400, %sign3A_1403 : i32
    %ne3A_1405 = vector.broadcast %sign3A_1404 : i32 to vector<16xi32>
    %ne3A_1406 = arith.cmpi ne, %sign3A_1397, %ne3A_1405 : vector<16xi32>
    %rem3A_1407 = vector.broadcast %jit3A_1386 : i32 to vector<16xi32>
    %rem3A_1408 = arith.remsi %add3A_1385, %rem3A_1407 : vector<16xi32>
    %ne3A_1409 = arith.constant 0 : i32
    %ne3A_1410 = vector.broadcast %ne3A_1409 : i32 to vector<16xi32>
    %ne3A_1411 = arith.cmpi ne, %rem3A_1408, %ne3A_1410 : vector<16xi32>
    %and3A_1412 = arith.andi %ne3A_1406, %ne3A_1411 : vector<16xi1>
    %sub3A_1413 = arith.constant 1 : i32
    %sub3A_1414 = vector.broadcast %sub3A_1413 : i32 to vector<16xi32>
    %sub3A_1415 = arith.subi %div3A_1388, %sub3A_1414 : vector<16xi32>
    %select_n3A_1416 = arith.select %and3A_1412, %sub3A_1415, %div3A_1388 : vector<16xi1>, vector<16xi32>
    %jit3A_1417 = arith.constant 196 : i32
    %eq3A_1418 = arith.constant 0 : i32
    %eq3A_1419 = arith.cmpi eq, %jit3A_1417, %eq3A_1418 : i32
    %jit3A_1420 = arith.constant 1 : i32
    %select_n3A_1421 = arith.select %eq3A_1419, %jit3A_1420, %jit3A_1417 : i32
    %rem3A_1422 = vector.broadcast %select_n3A_1421 : i32 to vector<16xi32>
    %rem3A_1423 = arith.remsi %add3A_1385, %rem3A_1422 : vector<16xi32>
    %ne3A_1424 = arith.constant 0 : i32
    %ne3A_1425 = vector.broadcast %ne3A_1424 : i32 to vector<16xi32>
    %ne3A_1426 = arith.cmpi ne, %rem3A_1423, %ne3A_1425 : vector<16xi32>
    %lt3A_1427 = arith.constant 0 : i32
    %lt3A_1428 = vector.broadcast %lt3A_1427 : i32 to vector<16xi32>
    %lt3A_1429 = arith.cmpi slt, %rem3A_1423, %lt3A_1428 : vector<16xi32>
    %lt3A_1430 = arith.constant 0 : i32
    %lt3A_1431 = arith.cmpi slt, %select_n3A_1421, %lt3A_1430 : i32
    %ne3A_1432 = vector.broadcast %lt3A_1431 : i1 to vector<16xi1>
    %ne3A_1433 = vector.broadcast %ne3A_1432 : vector<16xi1> to vector<16xi1>
    %ne3A_1434 = arith.xori %lt3A_1429, %ne3A_1433 : vector<16xi1>
    %and3A_1435 = arith.andi %ne3A_1434, %ne3A_1426 : vector<16xi1>
    %add3A_1436 = vector.broadcast %select_n3A_1421 : i32 to vector<16xi32>
    %add3A_1437 = arith.addi %rem3A_1423, %add3A_1436 : vector<16xi32>
    %select_n3A_1438 = arith.select %and3A_1435, %add3A_1437, %rem3A_1423 : vector<16xi1>, vector<16xi32>
    %gather3A_1439 = tpu.vector_load_idx %arg6[%select_n3A_1416] : memref<16xi32, #tpu.memory_space<vmem>>[vector<16xi32>], vector<16xi32>,
    %mul3A_1440 = arith.constant 16 : i32
    %mul3A_1441 = arith.muli %select_n3A, %mul3A_1440 : i32
    %add3A_1442 = vector.broadcast %mul3A_1441 : i32 to vector<16xi32>
    %add3A_1443 = arith.addi %add3A_1442, %gather3A_1439 : vector<16xi32>
    %mul3A_1444 = arith.constant 196 : i32
    %mul3A_1445 = vector.broadcast %mul3A_1444 : i32 to vector<16xi32>
    %mul3A_1446 = arith.muli %add3A_1443, %mul3A_1445 : vector<16xi32>
    %add3A_1447 = arith.addi %mul3A_1446, %select_n3A_1438 : vector<16xi32>
    %swap3A_1448 = arith.constant 80 : index
    %swap3A_1449 = tpu.vector_load %arg9[%swap3A_1448] {strides = array<i32>} : memref<112xi32, #tpu.memory_space<vmem>>, vector<16xi32>,
    tpu.vector_store %arg9[%swap3A_1448], %add3A_1447 {strides = array<i32>} : memref<112xi32, #tpu.memory_space<vmem>>, vector<16xi32>,
    %mul3A_1450 = arith.constant 784 : i32
    %mul3A_1451 = arith.muli %select_n3A_30, %mul3A_1450 : i32
    %add3A_1452 = arith.constant 320 : i32
    %add3A_1453 = arith.addi %mul3A_1451, %add3A_1452 : i32
    %add3A_1454 = vector.broadcast %add3A_1453 : i32 to vector<16xi32>
    %add3A_1455 = arith.addi %add3A_1454, %iota3A : vector<16xi32>
    %jit3A_1456 = arith.constant 196 : i32
    %div3A_1457 = vector.broadcast %jit3A_1456 : i32 to vector<16xi32>
    %div3A_1458 = arith.divsi %add3A_1455, %div3A_1457 : vector<16xi32>
    %sign3A_1459 = arith.constant 0 : i32
    %sign3A_1460 = vector.broadcast %sign3A_1459 : i32 to vector<16xi32>
    %sign3A_1461 = arith.cmpi sgt, %add3A_1455, %sign3A_1460 : vector<16xi32>
    %sign3A_1462 = arith.extui %sign3A_1461 : vector<16xi1> to vector<16xi32>
    %sign3A_1463 = arith.constant 0 : i32
    %sign3A_1464 = vector.broadcast %sign3A_1463 : i32 to vector<16xi32>
    %sign3A_1465 = arith.cmpi slt, %add3A_1455, %sign3A_1464 : vector<16xi32>
    %sign3A_1466 = arith.extui %sign3A_1465 : vector<16xi1> to vector<16xi32>
    %sign3A_1467 = arith.subi %sign3A_1462, %sign3A_1466 : vector<16xi32>
    %sign3A_1468 = arith.constant 0 : i32
    %sign3A_1469 = arith.cmpi sgt, %jit3A_1456, %sign3A_1468 : i32
    %sign3A_1470 = arith.extui %sign3A_1469 : i1 to i32
    %sign3A_1471 = arith.constant 0 : i32
    %sign3A_1472 = arith.cmpi slt, %jit3A_1456, %sign3A_1471 : i32
    %sign3A_1473 = arith.extui %sign3A_1472 : i1 to i32
    %sign3A_1474 = arith.subi %sign3A_1470, %sign3A_1473 : i32
    %ne3A_1475 = vector.broadcast %sign3A_1474 : i32 to vector<16xi32>
    %ne3A_1476 = arith.cmpi ne, %sign3A_1467, %ne3A_1475 : vector<16xi32>
    %rem3A_1477 = vector.broadcast %jit3A_1456 : i32 to vector<16xi32>
    %rem3A_1478 = arith.remsi %add3A_1455, %rem3A_1477 : vector<16xi32>
    %ne3A_1479 = arith.constant 0 : i32
    %ne3A_1480 = vector.broadcast %ne3A_1479 : i32 to vector<16xi32>
    %ne3A_1481 = arith.cmpi ne, %rem3A_1478, %ne3A_1480 : vector<16xi32>
    %and3A_1482 = arith.andi %ne3A_1476, %ne3A_1481 : vector<16xi1>
    %sub3A_1483 = arith.constant 1 : i32
    %sub3A_1484 = vector.broadcast %sub3A_1483 : i32 to vector<16xi32>
    %sub3A_1485 = arith.subi %div3A_1458, %sub3A_1484 : vector<16xi32>
    %select_n3A_1486 = arith.select %and3A_1482, %sub3A_1485, %div3A_1458 : vector<16xi1>, vector<16xi32>
    %jit3A_1487 = arith.constant 196 : i32
    %eq3A_1488 = arith.constant 0 : i32
    %eq3A_1489 = arith.cmpi eq, %jit3A_1487, %eq3A_1488 : i32
    %jit3A_1490 = arith.constant 1 : i32
    %select_n3A_1491 = arith.select %eq3A_1489, %jit3A_1490, %jit3A_1487 : i32
    %rem3A_1492 = vector.broadcast %select_n3A_1491 : i32 to vector<16xi32>
    %rem3A_1493 = arith.remsi %add3A_1455, %rem3A_1492 : vector<16xi32>
    %ne3A_1494 = arith.constant 0 : i32
    %ne3A_1495 = vector.broadcast %ne3A_1494 : i32 to vector<16xi32>
    %ne3A_1496 = arith.cmpi ne, %rem3A_1493, %ne3A_1495 : vector<16xi32>
    %lt3A_1497 = arith.constant 0 : i32
    %lt3A_1498 = vector.broadcast %lt3A_1497 : i32 to vector<16xi32>
    %lt3A_1499 = arith.cmpi slt, %rem3A_1493, %lt3A_1498 : vector<16xi32>
    %lt3A_1500 = arith.constant 0 : i32
    %lt3A_1501 = arith.cmpi slt, %select_n3A_1491, %lt3A_1500 : i32
    %ne3A_1502 = vector.broadcast %lt3A_1501 : i1 to vector<16xi1>
    %ne3A_1503 = vector.broadcast %ne3A_1502 : vector<16xi1> to vector<16xi1>
    %ne3A_1504 = arith.xori %lt3A_1499, %ne3A_1503 : vector<16xi1>
    %and3A_1505 = arith.andi %ne3A_1504, %ne3A_1496 : vector<16xi1>
    %add3A_1506 = vector.broadcast %select_n3A_1491 : i32 to vector<16xi32>
    %add3A_1507 = arith.addi %rem3A_1493, %add3A_1506 : vector<16xi32>
    %select_n3A_1508 = arith.select %and3A_1505, %add3A_1507, %rem3A_1493 : vector<16xi1>, vector<16xi32>
    %gather3A_1509 = tpu.vector_load_idx %arg6[%select_n3A_1486] : memref<16xi32, #tpu.memory_space<vmem>>[vector<16xi32>], vector<16xi32>,
    %mul3A_1510 = arith.constant 16 : i32
    %mul3A_1511 = arith.muli %select_n3A, %mul3A_1510 : i32
    %add3A_1512 = vector.broadcast %mul3A_1511 : i32 to vector<16xi32>
    %add3A_1513 = arith.addi %add3A_1512, %gather3A_1509 : vector<16xi32>
    %mul3A_1514 = arith.constant 196 : i32
    %mul3A_1515 = vector.broadcast %mul3A_1514 : i32 to vector<16xi32>
    %mul3A_1516 = arith.muli %add3A_1513, %mul3A_1515 : vector<16xi32>
    %add3A_1517 = arith.addi %mul3A_1516, %select_n3A_1508 : vector<16xi32>
    %swap3A_1518 = arith.constant 96 : index
    %swap3A_1519 = tpu.vector_load %arg9[%swap3A_1518] {strides = array<i32>} : memref<112xi32, #tpu.memory_space<vmem>>, vector<16xi32>,
    tpu.vector_store %arg9[%swap3A_1518], %add3A_1517 {strides = array<i32>} : memref<112xi32, #tpu.memory_space<vmem>>, vector<16xi32>,
    %mul3A_1520 = arith.constant 784 : i32
    %mul3A_1521 = arith.muli %select_n3A_30, %mul3A_1520 : i32
    %add3A_1522 = arith.constant 336 : i32
    %add3A_1523 = arith.addi %mul3A_1521, %add3A_1522 : i32
    %add3A_1524 = vector.broadcast %add3A_1523 : i32 to vector<16xi32>
    %add3A_1525 = arith.addi %add3A_1524, %iota3A : vector<16xi32>
    %jit3A_1526 = arith.constant 196 : i32
    %div3A_1527 = vector.broadcast %jit3A_1526 : i32 to vector<16xi32>
    %div3A_1528 = arith.divsi %add3A_1525, %div3A_1527 : vector<16xi32>
    %sign3A_1529 = arith.constant 0 : i32
    %sign3A_1530 = vector.broadcast %sign3A_1529 : i32 to vector<16xi32>
    %sign3A_1531 = arith.cmpi sgt, %add3A_1525, %sign3A_1530 : vector<16xi32>
    %sign3A_1532 = arith.extui %sign3A_1531 : vector<16xi1> to vector<16xi32>
    %sign3A_1533 = arith.constant 0 : i32
    %sign3A_1534 = vector.broadcast %sign3A_1533 : i32 to vector<16xi32>
    %sign3A_1535 = arith.cmpi slt, %add3A_1525, %sign3A_1534 : vector<16xi32>
    %sign3A_1536 = arith.extui %sign3A_1535 : vector<16xi1> to vector<16xi32>
    %sign3A_1537 = arith.subi %sign3A_1532, %sign3A_1536 : vector<16xi32>
    %sign3A_1538 = arith.constant 0 : i32
    %sign3A_1539 = arith.cmpi sgt, %jit3A_1526, %sign3A_1538 : i32
    %sign3A_1540 = arith.extui %sign3A_1539 : i1 to i32
    %sign3A_1541 = arith.constant 0 : i32
    %sign3A_1542 = arith.cmpi slt, %jit3A_1526, %sign3A_1541 : i32
    %sign3A_1543 = arith.extui %sign3A_1542 : i1 to i32
    %sign3A_1544 = arith.subi %sign3A_1540, %sign3A_1543 : i32
    %ne3A_1545 = vector.broadcast %sign3A_1544 : i32 to vector<16xi32>
    %ne3A_1546 = arith.cmpi ne, %sign3A_1537, %ne3A_1545 : vector<16xi32>
    %rem3A_1547 = vector.broadcast %jit3A_1526 : i32 to vector<16xi32>
    %rem3A_1548 = arith.remsi %add3A_1525, %rem3A_1547 : vector<16xi32>
    %ne3A_1549 = arith.constant 0 : i32
    %ne3A_1550 = vector.broadcast %ne3A_1549 : i32 to vector<16xi32>
    %ne3A_1551 = arith.cmpi ne, %rem3A_1548, %ne3A_1550 : vector<16xi32>
    %and3A_1552 = arith.andi %ne3A_1546, %ne3A_1551 : vector<16xi1>
    %sub3A_1553 = arith.constant 1 : i32
    %sub3A_1554 = vector.broadcast %sub3A_1553 : i32 to vector<16xi32>
    %sub3A_1555 = arith.subi %div3A_1528, %sub3A_1554 : vector<16xi32>
    %select_n3A_1556 = arith.select %and3A_1552, %sub3A_1555, %div3A_1528 : vector<16xi1>, vector<16xi32>
    %jit3A_1557 = arith.constant 196 : i32
    %eq3A_1558 = arith.constant 0 : i32
    %eq3A_1559 = arith.cmpi eq, %jit3A_1557, %eq3A_1558 : i32
    %jit3A_1560 = arith.constant 1 : i32
    %select_n3A_1561 = arith.select %eq3A_1559, %jit3A_1560, %jit3A_1557 : i32
    %rem3A_1562 = vector.broadcast %select_n3A_1561 : i32 to vector<16xi32>
    %rem3A_1563 = arith.remsi %add3A_1525, %rem3A_1562 : vector<16xi32>
    %ne3A_1564 = arith.constant 0 : i32
    %ne3A_1565 = vector.broadcast %ne3A_1564 : i32 to vector<16xi32>
    %ne3A_1566 = arith.cmpi ne, %rem3A_1563, %ne3A_1565 : vector<16xi32>
    %lt3A_1567 = arith.constant 0 : i32
    %lt3A_1568 = vector.broadcast %lt3A_1567 : i32 to vector<16xi32>
    %lt3A_1569 = arith.cmpi slt, %rem3A_1563, %lt3A_1568 : vector<16xi32>
    %lt3A_1570 = arith.constant 0 : i32
    %lt3A_1571 = arith.cmpi slt, %select_n3A_1561, %lt3A_1570 : i32
    %ne3A_1572 = vector.broadcast %lt3A_1571 : i1 to vector<16xi1>
    %ne3A_1573 = vector.broadcast %ne3A_1572 : vector<16xi1> to vector<16xi1>
    %ne3A_1574 = arith.xori %lt3A_1569, %ne3A_1573 : vector<16xi1>
    %and3A_1575 = arith.andi %ne3A_1574, %ne3A_1566 : vector<16xi1>
    %add3A_1576 = vector.broadcast %select_n3A_1561 : i32 to vector<16xi32>
    %add3A_1577 = arith.addi %rem3A_1563, %add3A_1576 : vector<16xi32>
    %select_n3A_1578 = arith.select %and3A_1575, %add3A_1577, %rem3A_1563 : vector<16xi1>, vector<16xi32>
    %gather3A_1579 = tpu.vector_load_idx %arg6[%select_n3A_1556] : memref<16xi32, #tpu.memory_space<vmem>>[vector<16xi32>], vector<16xi32>,
    %mul3A_1580 = arith.constant 16 : i32
    %mul3A_1581 = arith.muli %select_n3A, %mul3A_1580 : i32
    %add3A_1582 = vector.broadcast %mul3A_1581 : i32 to vector<16xi32>
    %add3A_1583 = arith.addi %add3A_1582, %gather3A_1579 : vector<16xi32>
    %mul3A_1584 = arith.constant 196 : i32
    %mul3A_1585 = vector.broadcast %mul3A_1584 : i32 to vector<16xi32>
    %mul3A_1586 = arith.muli %add3A_1583, %mul3A_1585 : vector<16xi32>
    %add3A_1587 = arith.addi %mul3A_1586, %select_n3A_1578 : vector<16xi32>
    %swap3A_1588 = arith.constant 0 : index
    %swap3A_1589 = tpu.vector_load %arg10[%swap3A_1588] {strides = array<i32>} : memref<112xi32, #tpu.memory_space<vmem>>, vector<16xi32>,
    tpu.vector_store %arg10[%swap3A_1588], %add3A_1587 {strides = array<i32>} : memref<112xi32, #tpu.memory_space<vmem>>, vector<16xi32>,
    %mul3A_1590 = arith.constant 784 : i32
    %mul3A_1591 = arith.muli %select_n3A_30, %mul3A_1590 : i32
    %add3A_1592 = arith.constant 352 : i32
    %add3A_1593 = arith.addi %mul3A_1591, %add3A_1592 : i32
    %add3A_1594 = vector.broadcast %add3A_1593 : i32 to vector<16xi32>
    %add3A_1595 = arith.addi %add3A_1594, %iota3A : vector<16xi32>
    %jit3A_1596 = arith.constant 196 : i32
    %div3A_1597 = vector.broadcast %jit3A_1596 : i32 to vector<16xi32>
    %div3A_1598 = arith.divsi %add3A_1595, %div3A_1597 : vector<16xi32>
    %sign3A_1599 = arith.constant 0 : i32
    %sign3A_1600 = vector.broadcast %sign3A_1599 : i32 to vector<16xi32>
    %sign3A_1601 = arith.cmpi sgt, %add3A_1595, %sign3A_1600 : vector<16xi32>
    %sign3A_1602 = arith.extui %sign3A_1601 : vector<16xi1> to vector<16xi32>
    %sign3A_1603 = arith.constant 0 : i32
    %sign3A_1604 = vector.broadcast %sign3A_1603 : i32 to vector<16xi32>
    %sign3A_1605 = arith.cmpi slt, %add3A_1595, %sign3A_1604 : vector<16xi32>
    %sign3A_1606 = arith.extui %sign3A_1605 : vector<16xi1> to vector<16xi32>
    %sign3A_1607 = arith.subi %sign3A_1602, %sign3A_1606 : vector<16xi32>
    %sign3A_1608 = arith.constant 0 : i32
    %sign3A_1609 = arith.cmpi sgt, %jit3A_1596, %sign3A_1608 : i32
    %sign3A_1610 = arith.extui %sign3A_1609 : i1 to i32
    %sign3A_1611 = arith.constant 0 : i32
    %sign3A_1612 = arith.cmpi slt, %jit3A_1596, %sign3A_1611 : i32
    %sign3A_1613 = arith.extui %sign3A_1612 : i1 to i32
    %sign3A_1614 = arith.subi %sign3A_1610, %sign3A_1613 : i32
    %ne3A_1615 = vector.broadcast %sign3A_1614 : i32 to vector<16xi32>
    %ne3A_1616 = arith.cmpi ne, %sign3A_1607, %ne3A_1615 : vector<16xi32>
    %rem3A_1617 = vector.broadcast %jit3A_1596 : i32 to vector<16xi32>
    %rem3A_1618 = arith.remsi %add3A_1595, %rem3A_1617 : vector<16xi32>
    %ne3A_1619 = arith.constant 0 : i32
    %ne3A_1620 = vector.broadcast %ne3A_1619 : i32 to vector<16xi32>
    %ne3A_1621 = arith.cmpi ne, %rem3A_1618, %ne3A_1620 : vector<16xi32>
    %and3A_1622 = arith.andi %ne3A_1616, %ne3A_1621 : vector<16xi1>
    %sub3A_1623 = arith.constant 1 : i32
    %sub3A_1624 = vector.broadcast %sub3A_1623 : i32 to vector<16xi32>
    %sub3A_1625 = arith.subi %div3A_1598, %sub3A_1624 : vector<16xi32>
    %select_n3A_1626 = arith.select %and3A_1622, %sub3A_1625, %div3A_1598 : vector<16xi1>, vector<16xi32>
    %jit3A_1627 = arith.constant 196 : i32
    %eq3A_1628 = arith.constant 0 : i32
    %eq3A_1629 = arith.cmpi eq, %jit3A_1627, %eq3A_1628 : i32
    %jit3A_1630 = arith.constant 1 : i32
    %select_n3A_1631 = arith.select %eq3A_1629, %jit3A_1630, %jit3A_1627 : i32
    %rem3A_1632 = vector.broadcast %select_n3A_1631 : i32 to vector<16xi32>
    %rem3A_1633 = arith.remsi %add3A_1595, %rem3A_1632 : vector<16xi32>
    %ne3A_1634 = arith.constant 0 : i32
    %ne3A_1635 = vector.broadcast %ne3A_1634 : i32 to vector<16xi32>
    %ne3A_1636 = arith.cmpi ne, %rem3A_1633, %ne3A_1635 : vector<16xi32>
    %lt3A_1637 = arith.constant 0 : i32
    %lt3A_1638 = vector.broadcast %lt3A_1637 : i32 to vector<16xi32>
    %lt3A_1639 = arith.cmpi slt, %rem3A_1633, %lt3A_1638 : vector<16xi32>
    %lt3A_1640 = arith.constant 0 : i32
    %lt3A_1641 = arith.cmpi slt, %select_n3A_1631, %lt3A_1640 : i32
    %ne3A_1642 = vector.broadcast %lt3A_1641 : i1 to vector<16xi1>
    %ne3A_1643 = vector.broadcast %ne3A_1642 : vector<16xi1> to vector<16xi1>
    %ne3A_1644 = arith.xori %lt3A_1639, %ne3A_1643 : vector<16xi1>
    %and3A_1645 = arith.andi %ne3A_1644, %ne3A_1636 : vector<16xi1>
    %add3A_1646 = vector.broadcast %select_n3A_1631 : i32 to vector<16xi32>
    %add3A_1647 = arith.addi %rem3A_1633, %add3A_1646 : vector<16xi32>
    %select_n3A_1648 = arith.select %and3A_1645, %add3A_1647, %rem3A_1633 : vector<16xi1>, vector<16xi32>
    %gather3A_1649 = tpu.vector_load_idx %arg6[%select_n3A_1626] : memref<16xi32, #tpu.memory_space<vmem>>[vector<16xi32>], vector<16xi32>,
    %mul3A_1650 = arith.constant 16 : i32
    %mul3A_1651 = arith.muli %select_n3A, %mul3A_1650 : i32
    %add3A_1652 = vector.broadcast %mul3A_1651 : i32 to vector<16xi32>
    %add3A_1653 = arith.addi %add3A_1652, %gather3A_1649 : vector<16xi32>
    %mul3A_1654 = arith.constant 196 : i32
    %mul3A_1655 = vector.broadcast %mul3A_1654 : i32 to vector<16xi32>
    %mul3A_1656 = arith.muli %add3A_1653, %mul3A_1655 : vector<16xi32>
    %add3A_1657 = arith.addi %mul3A_1656, %select_n3A_1648 : vector<16xi32>
    %swap3A_1658 = arith.constant 16 : index
    %swap3A_1659 = tpu.vector_load %arg10[%swap3A_1658] {strides = array<i32>} : memref<112xi32, #tpu.memory_space<vmem>>, vector<16xi32>,
    tpu.vector_store %arg10[%swap3A_1658], %add3A_1657 {strides = array<i32>} : memref<112xi32, #tpu.memory_space<vmem>>, vector<16xi32>,
    %mul3A_1660 = arith.constant 784 : i32
    %mul3A_1661 = arith.muli %select_n3A_30, %mul3A_1660 : i32
    %add3A_1662 = arith.constant 368 : i32
    %add3A_1663 = arith.addi %mul3A_1661, %add3A_1662 : i32
    %add3A_1664 = vector.broadcast %add3A_1663 : i32 to vector<16xi32>
    %add3A_1665 = arith.addi %add3A_1664, %iota3A : vector<16xi32>
    %jit3A_1666 = arith.constant 196 : i32
    %div3A_1667 = vector.broadcast %jit3A_1666 : i32 to vector<16xi32>
    %div3A_1668 = arith.divsi %add3A_1665, %div3A_1667 : vector<16xi32>
    %sign3A_1669 = arith.constant 0 : i32
    %sign3A_1670 = vector.broadcast %sign3A_1669 : i32 to vector<16xi32>
    %sign3A_1671 = arith.cmpi sgt, %add3A_1665, %sign3A_1670 : vector<16xi32>
    %sign3A_1672 = arith.extui %sign3A_1671 : vector<16xi1> to vector<16xi32>
    %sign3A_1673 = arith.constant 0 : i32
    %sign3A_1674 = vector.broadcast %sign3A_1673 : i32 to vector<16xi32>
    %sign3A_1675 = arith.cmpi slt, %add3A_1665, %sign3A_1674 : vector<16xi32>
    %sign3A_1676 = arith.extui %sign3A_1675 : vector<16xi1> to vector<16xi32>
    %sign3A_1677 = arith.subi %sign3A_1672, %sign3A_1676 : vector<16xi32>
    %sign3A_1678 = arith.constant 0 : i32
    %sign3A_1679 = arith.cmpi sgt, %jit3A_1666, %sign3A_1678 : i32
    %sign3A_1680 = arith.extui %sign3A_1679 : i1 to i32
    %sign3A_1681 = arith.constant 0 : i32
    %sign3A_1682 = arith.cmpi slt, %jit3A_1666, %sign3A_1681 : i32
    %sign3A_1683 = arith.extui %sign3A_1682 : i1 to i32
    %sign3A_1684 = arith.subi %sign3A_1680, %sign3A_1683 : i32
    %ne3A_1685 = vector.broadcast %sign3A_1684 : i32 to vector<16xi32>
    %ne3A_1686 = arith.cmpi ne, %sign3A_1677, %ne3A_1685 : vector<16xi32>
    %rem3A_1687 = vector.broadcast %jit3A_1666 : i32 to vector<16xi32>
    %rem3A_1688 = arith.remsi %add3A_1665, %rem3A_1687 : vector<16xi32>
    %ne3A_1689 = arith.constant 0 : i32
    %ne3A_1690 = vector.broadcast %ne3A_1689 : i32 to vector<16xi32>
    %ne3A_1691 = arith.cmpi ne, %rem3A_1688, %ne3A_1690 : vector<16xi32>
    %and3A_1692 = arith.andi %ne3A_1686, %ne3A_1691 : vector<16xi1>
    %sub3A_1693 = arith.constant 1 : i32
    %sub3A_1694 = vector.broadcast %sub3A_1693 : i32 to vector<16xi32>
    %sub3A_1695 = arith.subi %div3A_1668, %sub3A_1694 : vector<16xi32>
    %select_n3A_1696 = arith.select %and3A_1692, %sub3A_1695, %div3A_1668 : vector<16xi1>, vector<16xi32>
    %jit3A_1697 = arith.constant 196 : i32
    %eq3A_1698 = arith.constant 0 : i32
    %eq3A_1699 = arith.cmpi eq, %jit3A_1697, %eq3A_1698 : i32
    %jit3A_1700 = arith.constant 1 : i32
    %select_n3A_1701 = arith.select %eq3A_1699, %jit3A_1700, %jit3A_1697 : i32
    %rem3A_1702 = vector.broadcast %select_n3A_1701 : i32 to vector<16xi32>
    %rem3A_1703 = arith.remsi %add3A_1665, %rem3A_1702 : vector<16xi32>
    %ne3A_1704 = arith.constant 0 : i32
    %ne3A_1705 = vector.broadcast %ne3A_1704 : i32 to vector<16xi32>
    %ne3A_1706 = arith.cmpi ne, %rem3A_1703, %ne3A_1705 : vector<16xi32>
    %lt3A_1707 = arith.constant 0 : i32
    %lt3A_1708 = vector.broadcast %lt3A_1707 : i32 to vector<16xi32>
    %lt3A_1709 = arith.cmpi slt, %rem3A_1703, %lt3A_1708 : vector<16xi32>
    %lt3A_1710 = arith.constant 0 : i32
    %lt3A_1711 = arith.cmpi slt, %select_n3A_1701, %lt3A_1710 : i32
    %ne3A_1712 = vector.broadcast %lt3A_1711 : i1 to vector<16xi1>
    %ne3A_1713 = vector.broadcast %ne3A_1712 : vector<16xi1> to vector<16xi1>
    %ne3A_1714 = arith.xori %lt3A_1709, %ne3A_1713 : vector<16xi1>
    %and3A_1715 = arith.andi %ne3A_1714, %ne3A_1706 : vector<16xi1>
    %add3A_1716 = vector.broadcast %select_n3A_1701 : i32 to vector<16xi32>
    %add3A_1717 = arith.addi %rem3A_1703, %add3A_1716 : vector<16xi32>
    %select_n3A_1718 = arith.select %and3A_1715, %add3A_1717, %rem3A_1703 : vector<16xi1>, vector<16xi32>
    %gather3A_1719 = tpu.vector_load_idx %arg6[%select_n3A_1696] : memref<16xi32, #tpu.memory_space<vmem>>[vector<16xi32>], vector<16xi32>,
    %mul3A_1720 = arith.constant 16 : i32
    %mul3A_1721 = arith.muli %select_n3A, %mul3A_1720 : i32
    %add3A_1722 = vector.broadcast %mul3A_1721 : i32 to vector<16xi32>
    %add3A_1723 = arith.addi %add3A_1722, %gather3A_1719 : vector<16xi32>
    %mul3A_1724 = arith.constant 196 : i32
    %mul3A_1725 = vector.broadcast %mul3A_1724 : i32 to vector<16xi32>
    %mul3A_1726 = arith.muli %add3A_1723, %mul3A_1725 : vector<16xi32>
    %add3A_1727 = arith.addi %mul3A_1726, %select_n3A_1718 : vector<16xi32>
    %swap3A_1728 = arith.constant 32 : index
    %swap3A_1729 = tpu.vector_load %arg10[%swap3A_1728] {strides = array<i32>} : memref<112xi32, #tpu.memory_space<vmem>>, vector<16xi32>,
    tpu.vector_store %arg10[%swap3A_1728], %add3A_1727 {strides = array<i32>} : memref<112xi32, #tpu.memory_space<vmem>>, vector<16xi32>,
    %mul3A_1730 = arith.constant 784 : i32
    %mul3A_1731 = arith.muli %select_n3A_30, %mul3A_1730 : i32
    %add3A_1732 = arith.constant 384 : i32
    %add3A_1733 = arith.addi %mul3A_1731, %add3A_1732 : i32
    %add3A_1734 = vector.broadcast %add3A_1733 : i32 to vector<16xi32>
    %add3A_1735 = arith.addi %add3A_1734, %iota3A : vector<16xi32>
    %jit3A_1736 = arith.constant 196 : i32
    %div3A_1737 = vector.broadcast %jit3A_1736 : i32 to vector<16xi32>
    %div3A_1738 = arith.divsi %add3A_1735, %div3A_1737 : vector<16xi32>
    %sign3A_1739 = arith.constant 0 : i32
    %sign3A_1740 = vector.broadcast %sign3A_1739 : i32 to vector<16xi32>
    %sign3A_1741 = arith.cmpi sgt, %add3A_1735, %sign3A_1740 : vector<16xi32>
    %sign3A_1742 = arith.extui %sign3A_1741 : vector<16xi1> to vector<16xi32>
    %sign3A_1743 = arith.constant 0 : i32
    %sign3A_1744 = vector.broadcast %sign3A_1743 : i32 to vector<16xi32>
    %sign3A_1745 = arith.cmpi slt, %add3A_1735, %sign3A_1744 : vector<16xi32>
    %sign3A_1746 = arith.extui %sign3A_1745 : vector<16xi1> to vector<16xi32>
    %sign3A_1747 = arith.subi %sign3A_1742, %sign3A_1746 : vector<16xi32>
    %sign3A_1748 = arith.constant 0 : i32
    %sign3A_1749 = arith.cmpi sgt, %jit3A_1736, %sign3A_1748 : i32
    %sign3A_1750 = arith.extui %sign3A_1749 : i1 to i32
    %sign3A_1751 = arith.constant 0 : i32
    %sign3A_1752 = arith.cmpi slt, %jit3A_1736, %sign3A_1751 : i32
    %sign3A_1753 = arith.extui %sign3A_1752 : i1 to i32
    %sign3A_1754 = arith.subi %sign3A_1750, %sign3A_1753 : i32
    %ne3A_1755 = vector.broadcast %sign3A_1754 : i32 to vector<16xi32>
    %ne3A_1756 = arith.cmpi ne, %sign3A_1747, %ne3A_1755 : vector<16xi32>
    %rem3A_1757 = vector.broadcast %jit3A_1736 : i32 to vector<16xi32>
    %rem3A_1758 = arith.remsi %add3A_1735, %rem3A_1757 : vector<16xi32>
    %ne3A_1759 = arith.constant 0 : i32
    %ne3A_1760 = vector.broadcast %ne3A_1759 : i32 to vector<16xi32>
    %ne3A_1761 = arith.cmpi ne, %rem3A_1758, %ne3A_1760 : vector<16xi32>
    %and3A_1762 = arith.andi %ne3A_1756, %ne3A_1761 : vector<16xi1>
    %sub3A_1763 = arith.constant 1 : i32
    %sub3A_1764 = vector.broadcast %sub3A_1763 : i32 to vector<16xi32>
    %sub3A_1765 = arith.subi %div3A_1738, %sub3A_1764 : vector<16xi32>
    %select_n3A_1766 = arith.select %and3A_1762, %sub3A_1765, %div3A_1738 : vector<16xi1>, vector<16xi32>
    %jit3A_1767 = arith.constant 196 : i32
    %eq3A_1768 = arith.constant 0 : i32
    %eq3A_1769 = arith.cmpi eq, %jit3A_1767, %eq3A_1768 : i32
    %jit3A_1770 = arith.constant 1 : i32
    %select_n3A_1771 = arith.select %eq3A_1769, %jit3A_1770, %jit3A_1767 : i32
    %rem3A_1772 = vector.broadcast %select_n3A_1771 : i32 to vector<16xi32>
    %rem3A_1773 = arith.remsi %add3A_1735, %rem3A_1772 : vector<16xi32>
    %ne3A_1774 = arith.constant 0 : i32
    %ne3A_1775 = vector.broadcast %ne3A_1774 : i32 to vector<16xi32>
    %ne3A_1776 = arith.cmpi ne, %rem3A_1773, %ne3A_1775 : vector<16xi32>
    %lt3A_1777 = arith.constant 0 : i32
    %lt3A_1778 = vector.broadcast %lt3A_1777 : i32 to vector<16xi32>
    %lt3A_1779 = arith.cmpi slt, %rem3A_1773, %lt3A_1778 : vector<16xi32>
    %lt3A_1780 = arith.constant 0 : i32
    %lt3A_1781 = arith.cmpi slt, %select_n3A_1771, %lt3A_1780 : i32
    %ne3A_1782 = vector.broadcast %lt3A_1781 : i1 to vector<16xi1>
    %ne3A_1783 = vector.broadcast %ne3A_1782 : vector<16xi1> to vector<16xi1>
    %ne3A_1784 = arith.xori %lt3A_1779, %ne3A_1783 : vector<16xi1>
    %and3A_1785 = arith.andi %ne3A_1784, %ne3A_1776 : vector<16xi1>
    %add3A_1786 = vector.broadcast %select_n3A_1771 : i32 to vector<16xi32>
    %add3A_1787 = arith.addi %rem3A_1773, %add3A_1786 : vector<16xi32>
    %select_n3A_1788 = arith.select %and3A_1785, %add3A_1787, %rem3A_1773 : vector<16xi1>, vector<16xi32>
    %gather3A_1789 = tpu.vector_load_idx %arg6[%select_n3A_1766] : memref<16xi32, #tpu.memory_space<vmem>>[vector<16xi32>], vector<16xi32>,
    %mul3A_1790 = arith.constant 16 : i32
    %mul3A_1791 = arith.muli %select_n3A, %mul3A_1790 : i32
    %add3A_1792 = vector.broadcast %mul3A_1791 : i32 to vector<16xi32>
    %add3A_1793 = arith.addi %add3A_1792, %gather3A_1789 : vector<16xi32>
    %mul3A_1794 = arith.constant 196 : i32
    %mul3A_1795 = vector.broadcast %mul3A_1794 : i32 to vector<16xi32>
    %mul3A_1796 = arith.muli %add3A_1793, %mul3A_1795 : vector<16xi32>
    %add3A_1797 = arith.addi %mul3A_1796, %select_n3A_1788 : vector<16xi32>
    %swap3A_1798 = arith.constant 48 : index
    %swap3A_1799 = tpu.vector_load %arg10[%swap3A_1798] {strides = array<i32>} : memref<112xi32, #tpu.memory_space<vmem>>, vector<16xi32>,
    tpu.vector_store %arg10[%swap3A_1798], %add3A_1797 {strides = array<i32>} : memref<112xi32, #tpu.memory_space<vmem>>, vector<16xi32>,
    %mul3A_1800 = arith.constant 784 : i32
    %mul3A_1801 = arith.muli %select_n3A_30, %mul3A_1800 : i32
    %add3A_1802 = arith.constant 400 : i32
    %add3A_1803 = arith.addi %mul3A_1801, %add3A_1802 : i32
    %add3A_1804 = vector.broadcast %add3A_1803 : i32 to vector<16xi32>
    %add3A_1805 = arith.addi %add3A_1804, %iota3A : vector<16xi32>
    %jit3A_1806 = arith.constant 196 : i32
    %div3A_1807 = vector.broadcast %jit3A_1806 : i32 to vector<16xi32>
    %div3A_1808 = arith.divsi %add3A_1805, %div3A_1807 : vector<16xi32>
    %sign3A_1809 = arith.constant 0 : i32
    %sign3A_1810 = vector.broadcast %sign3A_1809 : i32 to vector<16xi32>
    %sign3A_1811 = arith.cmpi sgt, %add3A_1805, %sign3A_1810 : vector<16xi32>
    %sign3A_1812 = arith.extui %sign3A_1811 : vector<16xi1> to vector<16xi32>
    %sign3A_1813 = arith.constant 0 : i32
    %sign3A_1814 = vector.broadcast %sign3A_1813 : i32 to vector<16xi32>
    %sign3A_1815 = arith.cmpi slt, %add3A_1805, %sign3A_1814 : vector<16xi32>
    %sign3A_1816 = arith.extui %sign3A_1815 : vector<16xi1> to vector<16xi32>
    %sign3A_1817 = arith.subi %sign3A_1812, %sign3A_1816 : vector<16xi32>
    %sign3A_1818 = arith.constant 0 : i32
    %sign3A_1819 = arith.cmpi sgt, %jit3A_1806, %sign3A_1818 : i32
    %sign3A_1820 = arith.extui %sign3A_1819 : i1 to i32
    %sign3A_1821 = arith.constant 0 : i32
    %sign3A_1822 = arith.cmpi slt, %jit3A_1806, %sign3A_1821 : i32
    %sign3A_1823 = arith.extui %sign3A_1822 : i1 to i32
    %sign3A_1824 = arith.subi %sign3A_1820, %sign3A_1823 : i32
    %ne3A_1825 = vector.broadcast %sign3A_1824 : i32 to vector<16xi32>
    %ne3A_1826 = arith.cmpi ne, %sign3A_1817, %ne3A_1825 : vector<16xi32>
    %rem3A_1827 = vector.broadcast %jit3A_1806 : i32 to vector<16xi32>
    %rem3A_1828 = arith.remsi %add3A_1805, %rem3A_1827 : vector<16xi32>
    %ne3A_1829 = arith.constant 0 : i32
    %ne3A_1830 = vector.broadcast %ne3A_1829 : i32 to vector<16xi32>
    %ne3A_1831 = arith.cmpi ne, %rem3A_1828, %ne3A_1830 : vector<16xi32>
    %and3A_1832 = arith.andi %ne3A_1826, %ne3A_1831 : vector<16xi1>
    %sub3A_1833 = arith.constant 1 : i32
    %sub3A_1834 = vector.broadcast %sub3A_1833 : i32 to vector<16xi32>
    %sub3A_1835 = arith.subi %div3A_1808, %sub3A_1834 : vector<16xi32>
    %select_n3A_1836 = arith.select %and3A_1832, %sub3A_1835, %div3A_1808 : vector<16xi1>, vector<16xi32>
    %jit3A_1837 = arith.constant 196 : i32
    %eq3A_1838 = arith.constant 0 : i32
    %eq3A_1839 = arith.cmpi eq, %jit3A_1837, %eq3A_1838 : i32
    %jit3A_1840 = arith.constant 1 : i32
    %select_n3A_1841 = arith.select %eq3A_1839, %jit3A_1840, %jit3A_1837 : i32
    %rem3A_1842 = vector.broadcast %select_n3A_1841 : i32 to vector<16xi32>
    %rem3A_1843 = arith.remsi %add3A_1805, %rem3A_1842 : vector<16xi32>
    %ne3A_1844 = arith.constant 0 : i32
    %ne3A_1845 = vector.broadcast %ne3A_1844 : i32 to vector<16xi32>
    %ne3A_1846 = arith.cmpi ne, %rem3A_1843, %ne3A_1845 : vector<16xi32>
    %lt3A_1847 = arith.constant 0 : i32
    %lt3A_1848 = vector.broadcast %lt3A_1847 : i32 to vector<16xi32>
    %lt3A_1849 = arith.cmpi slt, %rem3A_1843, %lt3A_1848 : vector<16xi32>
    %lt3A_1850 = arith.constant 0 : i32
    %lt3A_1851 = arith.cmpi slt, %select_n3A_1841, %lt3A_1850 : i32
    %ne3A_1852 = vector.broadcast %lt3A_1851 : i1 to vector<16xi1>
    %ne3A_1853 = vector.broadcast %ne3A_1852 : vector<16xi1> to vector<16xi1>
    %ne3A_1854 = arith.xori %lt3A_1849, %ne3A_1853 : vector<16xi1>
    %and3A_1855 = arith.andi %ne3A_1854, %ne3A_1846 : vector<16xi1>
    %add3A_1856 = vector.broadcast %select_n3A_1841 : i32 to vector<16xi32>
    %add3A_1857 = arith.addi %rem3A_1843, %add3A_1856 : vector<16xi32>
    %select_n3A_1858 = arith.select %and3A_1855, %add3A_1857, %rem3A_1843 : vector<16xi1>, vector<16xi32>
    %gather3A_1859 = tpu.vector_load_idx %arg6[%select_n3A_1836] : memref<16xi32, #tpu.memory_space<vmem>>[vector<16xi32>], vector<16xi32>,
    %mul3A_1860 = arith.constant 16 : i32
    %mul3A_1861 = arith.muli %select_n3A, %mul3A_1860 : i32
    %add3A_1862 = vector.broadcast %mul3A_1861 : i32 to vector<16xi32>
    %add3A_1863 = arith.addi %add3A_1862, %gather3A_1859 : vector<16xi32>
    %mul3A_1864 = arith.constant 196 : i32
    %mul3A_1865 = vector.broadcast %mul3A_1864 : i32 to vector<16xi32>
    %mul3A_1866 = arith.muli %add3A_1863, %mul3A_1865 : vector<16xi32>
    %add3A_1867 = arith.addi %mul3A_1866, %select_n3A_1858 : vector<16xi32>
    %swap3A_1868 = arith.constant 64 : index
    %swap3A_1869 = tpu.vector_load %arg10[%swap3A_1868] {strides = array<i32>} : memref<112xi32, #tpu.memory_space<vmem>>, vector<16xi32>,
    tpu.vector_store %arg10[%swap3A_1868], %add3A_1867 {strides = array<i32>} : memref<112xi32, #tpu.memory_space<vmem>>, vector<16xi32>,
    %mul3A_1870 = arith.constant 784 : i32
    %mul3A_1871 = arith.muli %select_n3A_30, %mul3A_1870 : i32
    %add3A_1872 = arith.constant 416 : i32
    %add3A_1873 = arith.addi %mul3A_1871, %add3A_1872 : i32
    %add3A_1874 = vector.broadcast %add3A_1873 : i32 to vector<16xi32>
    %add3A_1875 = arith.addi %add3A_1874, %iota3A : vector<16xi32>
    %jit3A_1876 = arith.constant 196 : i32
    %div3A_1877 = vector.broadcast %jit3A_1876 : i32 to vector<16xi32>
    %div3A_1878 = arith.divsi %add3A_1875, %div3A_1877 : vector<16xi32>
    %sign3A_1879 = arith.constant 0 : i32
    %sign3A_1880 = vector.broadcast %sign3A_1879 : i32 to vector<16xi32>
    %sign3A_1881 = arith.cmpi sgt, %add3A_1875, %sign3A_1880 : vector<16xi32>
    %sign3A_1882 = arith.extui %sign3A_1881 : vector<16xi1> to vector<16xi32>
    %sign3A_1883 = arith.constant 0 : i32
    %sign3A_1884 = vector.broadcast %sign3A_1883 : i32 to vector<16xi32>
    %sign3A_1885 = arith.cmpi slt, %add3A_1875, %sign3A_1884 : vector<16xi32>
    %sign3A_1886 = arith.extui %sign3A_1885 : vector<16xi1> to vector<16xi32>
    %sign3A_1887 = arith.subi %sign3A_1882, %sign3A_1886 : vector<16xi32>
    %sign3A_1888 = arith.constant 0 : i32
    %sign3A_1889 = arith.cmpi sgt, %jit3A_1876, %sign3A_1888 : i32
    %sign3A_1890 = arith.extui %sign3A_1889 : i1 to i32
    %sign3A_1891 = arith.constant 0 : i32
    %sign3A_1892 = arith.cmpi slt, %jit3A_1876, %sign3A_1891 : i32
    %sign3A_1893 = arith.extui %sign3A_1892 : i1 to i32
    %sign3A_1894 = arith.subi %sign3A_1890, %sign3A_1893 : i32
    %ne3A_1895 = vector.broadcast %sign3A_1894 : i32 to vector<16xi32>
    %ne3A_1896 = arith.cmpi ne, %sign3A_1887, %ne3A_1895 : vector<16xi32>
    %rem3A_1897 = vector.broadcast %jit3A_1876 : i32 to vector<16xi32>
    %rem3A_1898 = arith.remsi %add3A_1875, %rem3A_1897 : vector<16xi32>
    %ne3A_1899 = arith.constant 0 : i32
    %ne3A_1900 = vector.broadcast %ne3A_1899 : i32 to vector<16xi32>
    %ne3A_1901 = arith.cmpi ne, %rem3A_1898, %ne3A_1900 : vector<16xi32>
    %and3A_1902 = arith.andi %ne3A_1896, %ne3A_1901 : vector<16xi1>
    %sub3A_1903 = arith.constant 1 : i32
    %sub3A_1904 = vector.broadcast %sub3A_1903 : i32 to vector<16xi32>
    %sub3A_1905 = arith.subi %div3A_1878, %sub3A_1904 : vector<16xi32>
    %select_n3A_1906 = arith.select %and3A_1902, %sub3A_1905, %div3A_1878 : vector<16xi1>, vector<16xi32>
    %jit3A_1907 = arith.constant 196 : i32
    %eq3A_1908 = arith.constant 0 : i32
    %eq3A_1909 = arith.cmpi eq, %jit3A_1907, %eq3A_1908 : i32
    %jit3A_1910 = arith.constant 1 : i32
    %select_n3A_1911 = arith.select %eq3A_1909, %jit3A_1910, %jit3A_1907 : i32
    %rem3A_1912 = vector.broadcast %select_n3A_1911 : i32 to vector<16xi32>
    %rem3A_1913 = arith.remsi %add3A_1875, %rem3A_1912 : vector<16xi32>
    %ne3A_1914 = arith.constant 0 : i32
    %ne3A_1915 = vector.broadcast %ne3A_1914 : i32 to vector<16xi32>
    %ne3A_1916 = arith.cmpi ne, %rem3A_1913, %ne3A_1915 : vector<16xi32>
    %lt3A_1917 = arith.constant 0 : i32
    %lt3A_1918 = vector.broadcast %lt3A_1917 : i32 to vector<16xi32>
    %lt3A_1919 = arith.cmpi slt, %rem3A_1913, %lt3A_1918 : vector<16xi32>
    %lt3A_1920 = arith.constant 0 : i32
    %lt3A_1921 = arith.cmpi slt, %select_n3A_1911, %lt3A_1920 : i32
    %ne3A_1922 = vector.broadcast %lt3A_1921 : i1 to vector<16xi1>
    %ne3A_1923 = vector.broadcast %ne3A_1922 : vector<16xi1> to vector<16xi1>
    %ne3A_1924 = arith.xori %lt3A_1919, %ne3A_1923 : vector<16xi1>
    %and3A_1925 = arith.andi %ne3A_1924, %ne3A_1916 : vector<16xi1>
    %add3A_1926 = vector.broadcast %select_n3A_1911 : i32 to vector<16xi32>
    %add3A_1927 = arith.addi %rem3A_1913, %add3A_1926 : vector<16xi32>
    %select_n3A_1928 = arith.select %and3A_1925, %add3A_1927, %rem3A_1913 : vector<16xi1>, vector<16xi32>
    %gather3A_1929 = tpu.vector_load_idx %arg6[%select_n3A_1906] : memref<16xi32, #tpu.memory_space<vmem>>[vector<16xi32>], vector<16xi32>,
    %mul3A_1930 = arith.constant 16 : i32
    %mul3A_1931 = arith.muli %select_n3A, %mul3A_1930 : i32
    %add3A_1932 = vector.broadcast %mul3A_1931 : i32 to vector<16xi32>
    %add3A_1933 = arith.addi %add3A_1932, %gather3A_1929 : vector<16xi32>
    %mul3A_1934 = arith.constant 196 : i32
    %mul3A_1935 = vector.broadcast %mul3A_1934 : i32 to vector<16xi32>
    %mul3A_1936 = arith.muli %add3A_1933, %mul3A_1935 : vector<16xi32>
    %add3A_1937 = arith.addi %mul3A_1936, %select_n3A_1928 : vector<16xi32>
    %swap3A_1938 = arith.constant 80 : index
    %swap3A_1939 = tpu.vector_load %arg10[%swap3A_1938] {strides = array<i32>} : memref<112xi32, #tpu.memory_space<vmem>>, vector<16xi32>,
    tpu.vector_store %arg10[%swap3A_1938], %add3A_1937 {strides = array<i32>} : memref<112xi32, #tpu.memory_space<vmem>>, vector<16xi32>,
    %mul3A_1940 = arith.constant 784 : i32
    %mul3A_1941 = arith.muli %select_n3A_30, %mul3A_1940 : i32
    %add3A_1942 = arith.constant 432 : i32
    %add3A_1943 = arith.addi %mul3A_1941, %add3A_1942 : i32
    %add3A_1944 = vector.broadcast %add3A_1943 : i32 to vector<16xi32>
    %add3A_1945 = arith.addi %add3A_1944, %iota3A : vector<16xi32>
    %jit3A_1946 = arith.constant 196 : i32
    %div3A_1947 = vector.broadcast %jit3A_1946 : i32 to vector<16xi32>
    %div3A_1948 = arith.divsi %add3A_1945, %div3A_1947 : vector<16xi32>
    %sign3A_1949 = arith.constant 0 : i32
    %sign3A_1950 = vector.broadcast %sign3A_1949 : i32 to vector<16xi32>
    %sign3A_1951 = arith.cmpi sgt, %add3A_1945, %sign3A_1950 : vector<16xi32>
    %sign3A_1952 = arith.extui %sign3A_1951 : vector<16xi1> to vector<16xi32>
    %sign3A_1953 = arith.constant 0 : i32
    %sign3A_1954 = vector.broadcast %sign3A_1953 : i32 to vector<16xi32>
    %sign3A_1955 = arith.cmpi slt, %add3A_1945, %sign3A_1954 : vector<16xi32>
    %sign3A_1956 = arith.extui %sign3A_1955 : vector<16xi1> to vector<16xi32>
    %sign3A_1957 = arith.subi %sign3A_1952, %sign3A_1956 : vector<16xi32>
    %sign3A_1958 = arith.constant 0 : i32
    %sign3A_1959 = arith.cmpi sgt, %jit3A_1946, %sign3A_1958 : i32
    %sign3A_1960 = arith.extui %sign3A_1959 : i1 to i32
    %sign3A_1961 = arith.constant 0 : i32
    %sign3A_1962 = arith.cmpi slt, %jit3A_1946, %sign3A_1961 : i32
    %sign3A_1963 = arith.extui %sign3A_1962 : i1 to i32
    %sign3A_1964 = arith.subi %sign3A_1960, %sign3A_1963 : i32
    %ne3A_1965 = vector.broadcast %sign3A_1964 : i32 to vector<16xi32>
    %ne3A_1966 = arith.cmpi ne, %sign3A_1957, %ne3A_1965 : vector<16xi32>
    %rem3A_1967 = vector.broadcast %jit3A_1946 : i32 to vector<16xi32>
    %rem3A_1968 = arith.remsi %add3A_1945, %rem3A_1967 : vector<16xi32>
    %ne3A_1969 = arith.constant 0 : i32
    %ne3A_1970 = vector.broadcast %ne3A_1969 : i32 to vector<16xi32>
    %ne3A_1971 = arith.cmpi ne, %rem3A_1968, %ne3A_1970 : vector<16xi32>
    %and3A_1972 = arith.andi %ne3A_1966, %ne3A_1971 : vector<16xi1>
    %sub3A_1973 = arith.constant 1 : i32
    %sub3A_1974 = vector.broadcast %sub3A_1973 : i32 to vector<16xi32>
    %sub3A_1975 = arith.subi %div3A_1948, %sub3A_1974 : vector<16xi32>
    %select_n3A_1976 = arith.select %and3A_1972, %sub3A_1975, %div3A_1948 : vector<16xi1>, vector<16xi32>
    %jit3A_1977 = arith.constant 196 : i32
    %eq3A_1978 = arith.constant 0 : i32
    %eq3A_1979 = arith.cmpi eq, %jit3A_1977, %eq3A_1978 : i32
    %jit3A_1980 = arith.constant 1 : i32
    %select_n3A_1981 = arith.select %eq3A_1979, %jit3A_1980, %jit3A_1977 : i32
    %rem3A_1982 = vector.broadcast %select_n3A_1981 : i32 to vector<16xi32>
    %rem3A_1983 = arith.remsi %add3A_1945, %rem3A_1982 : vector<16xi32>
    %ne3A_1984 = arith.constant 0 : i32
    %ne3A_1985 = vector.broadcast %ne3A_1984 : i32 to vector<16xi32>
    %ne3A_1986 = arith.cmpi ne, %rem3A_1983, %ne3A_1985 : vector<16xi32>
    %lt3A_1987 = arith.constant 0 : i32
    %lt3A_1988 = vector.broadcast %lt3A_1987 : i32 to vector<16xi32>
    %lt3A_1989 = arith.cmpi slt, %rem3A_1983, %lt3A_1988 : vector<16xi32>
    %lt3A_1990 = arith.constant 0 : i32
    %lt3A_1991 = arith.cmpi slt, %select_n3A_1981, %lt3A_1990 : i32
    %ne3A_1992 = vector.broadcast %lt3A_1991 : i1 to vector<16xi1>
    %ne3A_1993 = vector.broadcast %ne3A_1992 : vector<16xi1> to vector<16xi1>
    %ne3A_1994 = arith.xori %lt3A_1989, %ne3A_1993 : vector<16xi1>
    %and3A_1995 = arith.andi %ne3A_1994, %ne3A_1986 : vector<16xi1>
    %add3A_1996 = vector.broadcast %select_n3A_1981 : i32 to vector<16xi32>
    %add3A_1997 = arith.addi %rem3A_1983, %add3A_1996 : vector<16xi32>
    %select_n3A_1998 = arith.select %and3A_1995, %add3A_1997, %rem3A_1983 : vector<16xi1>, vector<16xi32>
    %gather3A_1999 = tpu.vector_load_idx %arg6[%select_n3A_1976] : memref<16xi32, #tpu.memory_space<vmem>>[vector<16xi32>], vector<16xi32>,
    %mul3A_2000 = arith.constant 16 : i32
    %mul3A_2001 = arith.muli %select_n3A, %mul3A_2000 : i32
    %add3A_2002 = vector.broadcast %mul3A_2001 : i32 to vector<16xi32>
    %add3A_2003 = arith.addi %add3A_2002, %gather3A_1999 : vector<16xi32>
    %mul3A_2004 = arith.constant 196 : i32
    %mul3A_2005 = vector.broadcast %mul3A_2004 : i32 to vector<16xi32>
    %mul3A_2006 = arith.muli %add3A_2003, %mul3A_2005 : vector<16xi32>
    %add3A_2007 = arith.addi %mul3A_2006, %select_n3A_1998 : vector<16xi32>
    %swap3A_2008 = arith.constant 96 : index
    %swap3A_2009 = tpu.vector_load %arg10[%swap3A_2008] {strides = array<i32>} : memref<112xi32, #tpu.memory_space<vmem>>, vector<16xi32>,
    tpu.vector_store %arg10[%swap3A_2008], %add3A_2007 {strides = array<i32>} : memref<112xi32, #tpu.memory_space<vmem>>, vector<16xi32>,
    %mul3A_2010 = arith.constant 784 : i32
    %mul3A_2011 = arith.muli %select_n3A_30, %mul3A_2010 : i32
    %add3A_2012 = arith.constant 448 : i32
    %add3A_2013 = arith.addi %mul3A_2011, %add3A_2012 : i32
    %add3A_2014 = vector.broadcast %add3A_2013 : i32 to vector<16xi32>
    %add3A_2015 = arith.addi %add3A_2014, %iota3A : vector<16xi32>
    %jit3A_2016 = arith.constant 196 : i32
    %div3A_2017 = vector.broadcast %jit3A_2016 : i32 to vector<16xi32>
    %div3A_2018 = arith.divsi %add3A_2015, %div3A_2017 : vector<16xi32>
    %sign3A_2019 = arith.constant 0 : i32
    %sign3A_2020 = vector.broadcast %sign3A_2019 : i32 to vector<16xi32>
    %sign3A_2021 = arith.cmpi sgt, %add3A_2015, %sign3A_2020 : vector<16xi32>
    %sign3A_2022 = arith.extui %sign3A_2021 : vector<16xi1> to vector<16xi32>
    %sign3A_2023 = arith.constant 0 : i32
    %sign3A_2024 = vector.broadcast %sign3A_2023 : i32 to vector<16xi32>
    %sign3A_2025 = arith.cmpi slt, %add3A_2015, %sign3A_2024 : vector<16xi32>
    %sign3A_2026 = arith.extui %sign3A_2025 : vector<16xi1> to vector<16xi32>
    %sign3A_2027 = arith.subi %sign3A_2022, %sign3A_2026 : vector<16xi32>
    %sign3A_2028 = arith.constant 0 : i32
    %sign3A_2029 = arith.cmpi sgt, %jit3A_2016, %sign3A_2028 : i32
    %sign3A_2030 = arith.extui %sign3A_2029 : i1 to i32
    %sign3A_2031 = arith.constant 0 : i32
    %sign3A_2032 = arith.cmpi slt, %jit3A_2016, %sign3A_2031 : i32
    %sign3A_2033 = arith.extui %sign3A_2032 : i1 to i32
    %sign3A_2034 = arith.subi %sign3A_2030, %sign3A_2033 : i32
    %ne3A_2035 = vector.broadcast %sign3A_2034 : i32 to vector<16xi32>
    %ne3A_2036 = arith.cmpi ne, %sign3A_2027, %ne3A_2035 : vector<16xi32>
    %rem3A_2037 = vector.broadcast %jit3A_2016 : i32 to vector<16xi32>
    %rem3A_2038 = arith.remsi %add3A_2015, %rem3A_2037 : vector<16xi32>
    %ne3A_2039 = arith.constant 0 : i32
    %ne3A_2040 = vector.broadcast %ne3A_2039 : i32 to vector<16xi32>
    %ne3A_2041 = arith.cmpi ne, %rem3A_2038, %ne3A_2040 : vector<16xi32>
    %and3A_2042 = arith.andi %ne3A_2036, %ne3A_2041 : vector<16xi1>
    %sub3A_2043 = arith.constant 1 : i32
    %sub3A_2044 = vector.broadcast %sub3A_2043 : i32 to vector<16xi32>
    %sub3A_2045 = arith.subi %div3A_2018, %sub3A_2044 : vector<16xi32>
    %select_n3A_2046 = arith.select %and3A_2042, %sub3A_2045, %div3A_2018 : vector<16xi1>, vector<16xi32>
    %jit3A_2047 = arith.constant 196 : i32
    %eq3A_2048 = arith.constant 0 : i32
    %eq3A_2049 = arith.cmpi eq, %jit3A_2047, %eq3A_2048 : i32
    %jit3A_2050 = arith.constant 1 : i32
    %select_n3A_2051 = arith.select %eq3A_2049, %jit3A_2050, %jit3A_2047 : i32
    %rem3A_2052 = vector.broadcast %select_n3A_2051 : i32 to vector<16xi32>
    %rem3A_2053 = arith.remsi %add3A_2015, %rem3A_2052 : vector<16xi32>
    %ne3A_2054 = arith.constant 0 : i32
    %ne3A_2055 = vector.broadcast %ne3A_2054 : i32 to vector<16xi32>
    %ne3A_2056 = arith.cmpi ne, %rem3A_2053, %ne3A_2055 : vector<16xi32>
    %lt3A_2057 = arith.constant 0 : i32
    %lt3A_2058 = vector.broadcast %lt3A_2057 : i32 to vector<16xi32>
    %lt3A_2059 = arith.cmpi slt, %rem3A_2053, %lt3A_2058 : vector<16xi32>
    %lt3A_2060 = arith.constant 0 : i32
    %lt3A_2061 = arith.cmpi slt, %select_n3A_2051, %lt3A_2060 : i32
    %ne3A_2062 = vector.broadcast %lt3A_2061 : i1 to vector<16xi1>
    %ne3A_2063 = vector.broadcast %ne3A_2062 : vector<16xi1> to vector<16xi1>
    %ne3A_2064 = arith.xori %lt3A_2059, %ne3A_2063 : vector<16xi1>
    %and3A_2065 = arith.andi %ne3A_2064, %ne3A_2056 : vector<16xi1>
    %add3A_2066 = vector.broadcast %select_n3A_2051 : i32 to vector<16xi32>
    %add3A_2067 = arith.addi %rem3A_2053, %add3A_2066 : vector<16xi32>
    %select_n3A_2068 = arith.select %and3A_2065, %add3A_2067, %rem3A_2053 : vector<16xi1>, vector<16xi32>
    %gather3A_2069 = tpu.vector_load_idx %arg6[%select_n3A_2046] : memref<16xi32, #tpu.memory_space<vmem>>[vector<16xi32>], vector<16xi32>,
    %mul3A_2070 = arith.constant 16 : i32
    %mul3A_2071 = arith.muli %select_n3A, %mul3A_2070 : i32
    %add3A_2072 = vector.broadcast %mul3A_2071 : i32 to vector<16xi32>
    %add3A_2073 = arith.addi %add3A_2072, %gather3A_2069 : vector<16xi32>
    %mul3A_2074 = arith.constant 196 : i32
    %mul3A_2075 = vector.broadcast %mul3A_2074 : i32 to vector<16xi32>
    %mul3A_2076 = arith.muli %add3A_2073, %mul3A_2075 : vector<16xi32>
    %add3A_2077 = arith.addi %mul3A_2076, %select_n3A_2068 : vector<16xi32>
    %swap3A_2078 = arith.constant 0 : index
    %swap3A_2079 = tpu.vector_load %arg11[%swap3A_2078] {strides = array<i32>} : memref<112xi32, #tpu.memory_space<vmem>>, vector<16xi32>,
    tpu.vector_store %arg11[%swap3A_2078], %add3A_2077 {strides = array<i32>} : memref<112xi32, #tpu.memory_space<vmem>>, vector<16xi32>,
    %mul3A_2080 = arith.constant 784 : i32
    %mul3A_2081 = arith.muli %select_n3A_30, %mul3A_2080 : i32
    %add3A_2082 = arith.constant 464 : i32
    %add3A_2083 = arith.addi %mul3A_2081, %add3A_2082 : i32
    %add3A_2084 = vector.broadcast %add3A_2083 : i32 to vector<16xi32>
    %add3A_2085 = arith.addi %add3A_2084, %iota3A : vector<16xi32>
    %jit3A_2086 = arith.constant 196 : i32
    %div3A_2087 = vector.broadcast %jit3A_2086 : i32 to vector<16xi32>
    %div3A_2088 = arith.divsi %add3A_2085, %div3A_2087 : vector<16xi32>
    %sign3A_2089 = arith.constant 0 : i32
    %sign3A_2090 = vector.broadcast %sign3A_2089 : i32 to vector<16xi32>
    %sign3A_2091 = arith.cmpi sgt, %add3A_2085, %sign3A_2090 : vector<16xi32>
    %sign3A_2092 = arith.extui %sign3A_2091 : vector<16xi1> to vector<16xi32>
    %sign3A_2093 = arith.constant 0 : i32
    %sign3A_2094 = vector.broadcast %sign3A_2093 : i32 to vector<16xi32>
    %sign3A_2095 = arith.cmpi slt, %add3A_2085, %sign3A_2094 : vector<16xi32>
    %sign3A_2096 = arith.extui %sign3A_2095 : vector<16xi1> to vector<16xi32>
    %sign3A_2097 = arith.subi %sign3A_2092, %sign3A_2096 : vector<16xi32>
    %sign3A_2098 = arith.constant 0 : i32
    %sign3A_2099 = arith.cmpi sgt, %jit3A_2086, %sign3A_2098 : i32
    %sign3A_2100 = arith.extui %sign3A_2099 : i1 to i32
    %sign3A_2101 = arith.constant 0 : i32
    %sign3A_2102 = arith.cmpi slt, %jit3A_2086, %sign3A_2101 : i32
    %sign3A_2103 = arith.extui %sign3A_2102 : i1 to i32
    %sign3A_2104 = arith.subi %sign3A_2100, %sign3A_2103 : i32
    %ne3A_2105 = vector.broadcast %sign3A_2104 : i32 to vector<16xi32>
    %ne3A_2106 = arith.cmpi ne, %sign3A_2097, %ne3A_2105 : vector<16xi32>
    %rem3A_2107 = vector.broadcast %jit3A_2086 : i32 to vector<16xi32>
    %rem3A_2108 = arith.remsi %add3A_2085, %rem3A_2107 : vector<16xi32>
    %ne3A_2109 = arith.constant 0 : i32
    %ne3A_2110 = vector.broadcast %ne3A_2109 : i32 to vector<16xi32>
    %ne3A_2111 = arith.cmpi ne, %rem3A_2108, %ne3A_2110 : vector<16xi32>
    %and3A_2112 = arith.andi %ne3A_2106, %ne3A_2111 : vector<16xi1>
    %sub3A_2113 = arith.constant 1 : i32
    %sub3A_2114 = vector.broadcast %sub3A_2113 : i32 to vector<16xi32>
    %sub3A_2115 = arith.subi %div3A_2088, %sub3A_2114 : vector<16xi32>
    %select_n3A_2116 = arith.select %and3A_2112, %sub3A_2115, %div3A_2088 : vector<16xi1>, vector<16xi32>
    %jit3A_2117 = arith.constant 196 : i32
    %eq3A_2118 = arith.constant 0 : i32
    %eq3A_2119 = arith.cmpi eq, %jit3A_2117, %eq3A_2118 : i32
    %jit3A_2120 = arith.constant 1 : i32
    %select_n3A_2121 = arith.select %eq3A_2119, %jit3A_2120, %jit3A_2117 : i32
    %rem3A_2122 = vector.broadcast %select_n3A_2121 : i32 to vector<16xi32>
    %rem3A_2123 = arith.remsi %add3A_2085, %rem3A_2122 : vector<16xi32>
    %ne3A_2124 = arith.constant 0 : i32
    %ne3A_2125 = vector.broadcast %ne3A_2124 : i32 to vector<16xi32>
    %ne3A_2126 = arith.cmpi ne, %rem3A_2123, %ne3A_2125 : vector<16xi32>
    %lt3A_2127 = arith.constant 0 : i32
    %lt3A_2128 = vector.broadcast %lt3A_2127 : i32 to vector<16xi32>
    %lt3A_2129 = arith.cmpi slt, %rem3A_2123, %lt3A_2128 : vector<16xi32>
    %lt3A_2130 = arith.constant 0 : i32
    %lt3A_2131 = arith.cmpi slt, %select_n3A_2121, %lt3A_2130 : i32
    %ne3A_2132 = vector.broadcast %lt3A_2131 : i1 to vector<16xi1>
    %ne3A_2133 = vector.broadcast %ne3A_2132 : vector<16xi1> to vector<16xi1>
    %ne3A_2134 = arith.xori %lt3A_2129, %ne3A_2133 : vector<16xi1>
    %and3A_2135 = arith.andi %ne3A_2134, %ne3A_2126 : vector<16xi1>
    %add3A_2136 = vector.broadcast %select_n3A_2121 : i32 to vector<16xi32>
    %add3A_2137 = arith.addi %rem3A_2123, %add3A_2136 : vector<16xi32>
    %select_n3A_2138 = arith.select %and3A_2135, %add3A_2137, %rem3A_2123 : vector<16xi1>, vector<16xi32>
    %gather3A_2139 = tpu.vector_load_idx %arg6[%select_n3A_2116] : memref<16xi32, #tpu.memory_space<vmem>>[vector<16xi32>], vector<16xi32>,
    %mul3A_2140 = arith.constant 16 : i32
    %mul3A_2141 = arith.muli %select_n3A, %mul3A_2140 : i32
    %add3A_2142 = vector.broadcast %mul3A_2141 : i32 to vector<16xi32>
    %add3A_2143 = arith.addi %add3A_2142, %gather3A_2139 : vector<16xi32>
    %mul3A_2144 = arith.constant 196 : i32
    %mul3A_2145 = vector.broadcast %mul3A_2144 : i32 to vector<16xi32>
    %mul3A_2146 = arith.muli %add3A_2143, %mul3A_2145 : vector<16xi32>
    %add3A_2147 = arith.addi %mul3A_2146, %select_n3A_2138 : vector<16xi32>
    %swap3A_2148 = arith.constant 16 : index
    %swap3A_2149 = tpu.vector_load %arg11[%swap3A_2148] {strides = array<i32>} : memref<112xi32, #tpu.memory_space<vmem>>, vector<16xi32>,
    tpu.vector_store %arg11[%swap3A_2148], %add3A_2147 {strides = array<i32>} : memref<112xi32, #tpu.memory_space<vmem>>, vector<16xi32>,
    %mul3A_2150 = arith.constant 784 : i32
    %mul3A_2151 = arith.muli %select_n3A_30, %mul3A_2150 : i32
    %add3A_2152 = arith.constant 480 : i32
    %add3A_2153 = arith.addi %mul3A_2151, %add3A_2152 : i32
    %add3A_2154 = vector.broadcast %add3A_2153 : i32 to vector<16xi32>
    %add3A_2155 = arith.addi %add3A_2154, %iota3A : vector<16xi32>
    %jit3A_2156 = arith.constant 196 : i32
    %div3A_2157 = vector.broadcast %jit3A_2156 : i32 to vector<16xi32>
    %div3A_2158 = arith.divsi %add3A_2155, %div3A_2157 : vector<16xi32>
    %sign3A_2159 = arith.constant 0 : i32
    %sign3A_2160 = vector.broadcast %sign3A_2159 : i32 to vector<16xi32>
    %sign3A_2161 = arith.cmpi sgt, %add3A_2155, %sign3A_2160 : vector<16xi32>
    %sign3A_2162 = arith.extui %sign3A_2161 : vector<16xi1> to vector<16xi32>
    %sign3A_2163 = arith.constant 0 : i32
    %sign3A_2164 = vector.broadcast %sign3A_2163 : i32 to vector<16xi32>
    %sign3A_2165 = arith.cmpi slt, %add3A_2155, %sign3A_2164 : vector<16xi32>
    %sign3A_2166 = arith.extui %sign3A_2165 : vector<16xi1> to vector<16xi32>
    %sign3A_2167 = arith.subi %sign3A_2162, %sign3A_2166 : vector<16xi32>
    %sign3A_2168 = arith.constant 0 : i32
    %sign3A_2169 = arith.cmpi sgt, %jit3A_2156, %sign3A_2168 : i32
    %sign3A_2170 = arith.extui %sign3A_2169 : i1 to i32
    %sign3A_2171 = arith.constant 0 : i32
    %sign3A_2172 = arith.cmpi slt, %jit3A_2156, %sign3A_2171 : i32
    %sign3A_2173 = arith.extui %sign3A_2172 : i1 to i32
    %sign3A_2174 = arith.subi %sign3A_2170, %sign3A_2173 : i32
    %ne3A_2175 = vector.broadcast %sign3A_2174 : i32 to vector<16xi32>
    %ne3A_2176 = arith.cmpi ne, %sign3A_2167, %ne3A_2175 : vector<16xi32>
    %rem3A_2177 = vector.broadcast %jit3A_2156 : i32 to vector<16xi32>
    %rem3A_2178 = arith.remsi %add3A_2155, %rem3A_2177 : vector<16xi32>
    %ne3A_2179 = arith.constant 0 : i32
    %ne3A_2180 = vector.broadcast %ne3A_2179 : i32 to vector<16xi32>
    %ne3A_2181 = arith.cmpi ne, %rem3A_2178, %ne3A_2180 : vector<16xi32>
    %and3A_2182 = arith.andi %ne3A_2176, %ne3A_2181 : vector<16xi1>
    %sub3A_2183 = arith.constant 1 : i32
    %sub3A_2184 = vector.broadcast %sub3A_2183 : i32 to vector<16xi32>
    %sub3A_2185 = arith.subi %div3A_2158, %sub3A_2184 : vector<16xi32>
    %select_n3A_2186 = arith.select %and3A_2182, %sub3A_2185, %div3A_2158 : vector<16xi1>, vector<16xi32>
    %jit3A_2187 = arith.constant 196 : i32
    %eq3A_2188 = arith.constant 0 : i32
    %eq3A_2189 = arith.cmpi eq, %jit3A_2187, %eq3A_2188 : i32
    %jit3A_2190 = arith.constant 1 : i32
    %select_n3A_2191 = arith.select %eq3A_2189, %jit3A_2190, %jit3A_2187 : i32
    %rem3A_2192 = vector.broadcast %select_n3A_2191 : i32 to vector<16xi32>
    %rem3A_2193 = arith.remsi %add3A_2155, %rem3A_2192 : vector<16xi32>
    %ne3A_2194 = arith.constant 0 : i32
    %ne3A_2195 = vector.broadcast %ne3A_2194 : i32 to vector<16xi32>
    %ne3A_2196 = arith.cmpi ne, %rem3A_2193, %ne3A_2195 : vector<16xi32>
    %lt3A_2197 = arith.constant 0 : i32
    %lt3A_2198 = vector.broadcast %lt3A_2197 : i32 to vector<16xi32>
    %lt3A_2199 = arith.cmpi slt, %rem3A_2193, %lt3A_2198 : vector<16xi32>
    %lt3A_2200 = arith.constant 0 : i32
    %lt3A_2201 = arith.cmpi slt, %select_n3A_2191, %lt3A_2200 : i32
    %ne3A_2202 = vector.broadcast %lt3A_2201 : i1 to vector<16xi1>
    %ne3A_2203 = vector.broadcast %ne3A_2202 : vector<16xi1> to vector<16xi1>
    %ne3A_2204 = arith.xori %lt3A_2199, %ne3A_2203 : vector<16xi1>
    %and3A_2205 = arith.andi %ne3A_2204, %ne3A_2196 : vector<16xi1>
    %add3A_2206 = vector.broadcast %select_n3A_2191 : i32 to vector<16xi32>
    %add3A_2207 = arith.addi %rem3A_2193, %add3A_2206 : vector<16xi32>
    %select_n3A_2208 = arith.select %and3A_2205, %add3A_2207, %rem3A_2193 : vector<16xi1>, vector<16xi32>
    %gather3A_2209 = tpu.vector_load_idx %arg6[%select_n3A_2186] : memref<16xi32, #tpu.memory_space<vmem>>[vector<16xi32>], vector<16xi32>,
    %mul3A_2210 = arith.constant 16 : i32
    %mul3A_2211 = arith.muli %select_n3A, %mul3A_2210 : i32
    %add3A_2212 = vector.broadcast %mul3A_2211 : i32 to vector<16xi32>
    %add3A_2213 = arith.addi %add3A_2212, %gather3A_2209 : vector<16xi32>
    %mul3A_2214 = arith.constant 196 : i32
    %mul3A_2215 = vector.broadcast %mul3A_2214 : i32 to vector<16xi32>
    %mul3A_2216 = arith.muli %add3A_2213, %mul3A_2215 : vector<16xi32>
    %add3A_2217 = arith.addi %mul3A_2216, %select_n3A_2208 : vector<16xi32>
    %swap3A_2218 = arith.constant 32 : index
    %swap3A_2219 = tpu.vector_load %arg11[%swap3A_2218] {strides = array<i32>} : memref<112xi32, #tpu.memory_space<vmem>>, vector<16xi32>,
    tpu.vector_store %arg11[%swap3A_2218], %add3A_2217 {strides = array<i32>} : memref<112xi32, #tpu.memory_space<vmem>>, vector<16xi32>,
    %mul3A_2220 = arith.constant 784 : i32
    %mul3A_2221 = arith.muli %select_n3A_30, %mul3A_2220 : i32
    %add3A_2222 = arith.constant 496 : i32
    %add3A_2223 = arith.addi %mul3A_2221, %add3A_2222 : i32
    %add3A_2224 = vector.broadcast %add3A_2223 : i32 to vector<16xi32>
    %add3A_2225 = arith.addi %add3A_2224, %iota3A : vector<16xi32>
    %jit3A_2226 = arith.constant 196 : i32
    %div3A_2227 = vector.broadcast %jit3A_2226 : i32 to vector<16xi32>
    %div3A_2228 = arith.divsi %add3A_2225, %div3A_2227 : vector<16xi32>
    %sign3A_2229 = arith.constant 0 : i32
    %sign3A_2230 = vector.broadcast %sign3A_2229 : i32 to vector<16xi32>
    %sign3A_2231 = arith.cmpi sgt, %add3A_2225, %sign3A_2230 : vector<16xi32>
    %sign3A_2232 = arith.extui %sign3A_2231 : vector<16xi1> to vector<16xi32>
    %sign3A_2233 = arith.constant 0 : i32
    %sign3A_2234 = vector.broadcast %sign3A_2233 : i32 to vector<16xi32>
    %sign3A_2235 = arith.cmpi slt, %add3A_2225, %sign3A_2234 : vector<16xi32>
    %sign3A_2236 = arith.extui %sign3A_2235 : vector<16xi1> to vector<16xi32>
    %sign3A_2237 = arith.subi %sign3A_2232, %sign3A_2236 : vector<16xi32>
    %sign3A_2238 = arith.constant 0 : i32
    %sign3A_2239 = arith.cmpi sgt, %jit3A_2226, %sign3A_2238 : i32
    %sign3A_2240 = arith.extui %sign3A_2239 : i1 to i32
    %sign3A_2241 = arith.constant 0 : i32
    %sign3A_2242 = arith.cmpi slt, %jit3A_2226, %sign3A_2241 : i32
    %sign3A_2243 = arith.extui %sign3A_2242 : i1 to i32
    %sign3A_2244 = arith.subi %sign3A_2240, %sign3A_2243 : i32
    %ne3A_2245 = vector.broadcast %sign3A_2244 : i32 to vector<16xi32>
    %ne3A_2246 = arith.cmpi ne, %sign3A_2237, %ne3A_2245 : vector<16xi32>
    %rem3A_2247 = vector.broadcast %jit3A_2226 : i32 to vector<16xi32>
    %rem3A_2248 = arith.remsi %add3A_2225, %rem3A_2247 : vector<16xi32>
    %ne3A_2249 = arith.constant 0 : i32
    %ne3A_2250 = vector.broadcast %ne3A_2249 : i32 to vector<16xi32>
    %ne3A_2251 = arith.cmpi ne, %rem3A_2248, %ne3A_2250 : vector<16xi32>
    %and3A_2252 = arith.andi %ne3A_2246, %ne3A_2251 : vector<16xi1>
    %sub3A_2253 = arith.constant 1 : i32
    %sub3A_2254 = vector.broadcast %sub3A_2253 : i32 to vector<16xi32>
    %sub3A_2255 = arith.subi %div3A_2228, %sub3A_2254 : vector<16xi32>
    %select_n3A_2256 = arith.select %and3A_2252, %sub3A_2255, %div3A_2228 : vector<16xi1>, vector<16xi32>
    %jit3A_2257 = arith.constant 196 : i32
    %eq3A_2258 = arith.constant 0 : i32
    %eq3A_2259 = arith.cmpi eq, %jit3A_2257, %eq3A_2258 : i32
    %jit3A_2260 = arith.constant 1 : i32
    %select_n3A_2261 = arith.select %eq3A_2259, %jit3A_2260, %jit3A_2257 : i32
    %rem3A_2262 = vector.broadcast %select_n3A_2261 : i32 to vector<16xi32>
    %rem3A_2263 = arith.remsi %add3A_2225, %rem3A_2262 : vector<16xi32>
    %ne3A_2264 = arith.constant 0 : i32
    %ne3A_2265 = vector.broadcast %ne3A_2264 : i32 to vector<16xi32>
    %ne3A_2266 = arith.cmpi ne, %rem3A_2263, %ne3A_2265 : vector<16xi32>
    %lt3A_2267 = arith.constant 0 : i32
    %lt3A_2268 = vector.broadcast %lt3A_2267 : i32 to vector<16xi32>
    %lt3A_2269 = arith.cmpi slt, %rem3A_2263, %lt3A_2268 : vector<16xi32>
    %lt3A_2270 = arith.constant 0 : i32
    %lt3A_2271 = arith.cmpi slt, %select_n3A_2261, %lt3A_2270 : i32
    %ne3A_2272 = vector.broadcast %lt3A_2271 : i1 to vector<16xi1>
    %ne3A_2273 = vector.broadcast %ne3A_2272 : vector<16xi1> to vector<16xi1>
    %ne3A_2274 = arith.xori %lt3A_2269, %ne3A_2273 : vector<16xi1>
    %and3A_2275 = arith.andi %ne3A_2274, %ne3A_2266 : vector<16xi1>
    %add3A_2276 = vector.broadcast %select_n3A_2261 : i32 to vector<16xi32>
    %add3A_2277 = arith.addi %rem3A_2263, %add3A_2276 : vector<16xi32>
    %select_n3A_2278 = arith.select %and3A_2275, %add3A_2277, %rem3A_2263 : vector<16xi1>, vector<16xi32>
    %gather3A_2279 = tpu.vector_load_idx %arg6[%select_n3A_2256] : memref<16xi32, #tpu.memory_space<vmem>>[vector<16xi32>], vector<16xi32>,
    %mul3A_2280 = arith.constant 16 : i32
    %mul3A_2281 = arith.muli %select_n3A, %mul3A_2280 : i32
    %add3A_2282 = vector.broadcast %mul3A_2281 : i32 to vector<16xi32>
    %add3A_2283 = arith.addi %add3A_2282, %gather3A_2279 : vector<16xi32>
    %mul3A_2284 = arith.constant 196 : i32
    %mul3A_2285 = vector.broadcast %mul3A_2284 : i32 to vector<16xi32>
    %mul3A_2286 = arith.muli %add3A_2283, %mul3A_2285 : vector<16xi32>
    %add3A_2287 = arith.addi %mul3A_2286, %select_n3A_2278 : vector<16xi32>
    %swap3A_2288 = arith.constant 48 : index
    %swap3A_2289 = tpu.vector_load %arg11[%swap3A_2288] {strides = array<i32>} : memref<112xi32, #tpu.memory_space<vmem>>, vector<16xi32>,
    tpu.vector_store %arg11[%swap3A_2288], %add3A_2287 {strides = array<i32>} : memref<112xi32, #tpu.memory_space<vmem>>, vector<16xi32>,
    %mul3A_2290 = arith.constant 784 : i32
    %mul3A_2291 = arith.muli %select_n3A_30, %mul3A_2290 : i32
    %add3A_2292 = arith.constant 512 : i32
    %add3A_2293 = arith.addi %mul3A_2291, %add3A_2292 : i32
    %add3A_2294 = vector.broadcast %add3A_2293 : i32 to vector<16xi32>
    %add3A_2295 = arith.addi %add3A_2294, %iota3A : vector<16xi32>
    %jit3A_2296 = arith.constant 196 : i32
    %div3A_2297 = vector.broadcast %jit3A_2296 : i32 to vector<16xi32>
    %div3A_2298 = arith.divsi %add3A_2295, %div3A_2297 : vector<16xi32>
    %sign3A_2299 = arith.constant 0 : i32
    %sign3A_2300 = vector.broadcast %sign3A_2299 : i32 to vector<16xi32>
    %sign3A_2301 = arith.cmpi sgt, %add3A_2295, %sign3A_2300 : vector<16xi32>
    %sign3A_2302 = arith.extui %sign3A_2301 : vector<16xi1> to vector<16xi32>
    %sign3A_2303 = arith.constant 0 : i32
    %sign3A_2304 = vector.broadcast %sign3A_2303 : i32 to vector<16xi32>
    %sign3A_2305 = arith.cmpi slt, %add3A_2295, %sign3A_2304 : vector<16xi32>
    %sign3A_2306 = arith.extui %sign3A_2305 : vector<16xi1> to vector<16xi32>
    %sign3A_2307 = arith.subi %sign3A_2302, %sign3A_2306 : vector<16xi32>
    %sign3A_2308 = arith.constant 0 : i32
    %sign3A_2309 = arith.cmpi sgt, %jit3A_2296, %sign3A_2308 : i32
    %sign3A_2310 = arith.extui %sign3A_2309 : i1 to i32
    %sign3A_2311 = arith.constant 0 : i32
    %sign3A_2312 = arith.cmpi slt, %jit3A_2296, %sign3A_2311 : i32
    %sign3A_2313 = arith.extui %sign3A_2312 : i1 to i32
    %sign3A_2314 = arith.subi %sign3A_2310, %sign3A_2313 : i32
    %ne3A_2315 = vector.broadcast %sign3A_2314 : i32 to vector<16xi32>
    %ne3A_2316 = arith.cmpi ne, %sign3A_2307, %ne3A_2315 : vector<16xi32>
    %rem3A_2317 = vector.broadcast %jit3A_2296 : i32 to vector<16xi32>
    %rem3A_2318 = arith.remsi %add3A_2295, %rem3A_2317 : vector<16xi32>
    %ne3A_2319 = arith.constant 0 : i32
    %ne3A_2320 = vector.broadcast %ne3A_2319 : i32 to vector<16xi32>
    %ne3A_2321 = arith.cmpi ne, %rem3A_2318, %ne3A_2320 : vector<16xi32>
    %and3A_2322 = arith.andi %ne3A_2316, %ne3A_2321 : vector<16xi1>
    %sub3A_2323 = arith.constant 1 : i32
    %sub3A_2324 = vector.broadcast %sub3A_2323 : i32 to vector<16xi32>
    %sub3A_2325 = arith.subi %div3A_2298, %sub3A_2324 : vector<16xi32>
    %select_n3A_2326 = arith.select %and3A_2322, %sub3A_2325, %div3A_2298 : vector<16xi1>, vector<16xi32>
    %jit3A_2327 = arith.constant 196 : i32
    %eq3A_2328 = arith.constant 0 : i32
    %eq3A_2329 = arith.cmpi eq, %jit3A_2327, %eq3A_2328 : i32
    %jit3A_2330 = arith.constant 1 : i32
    %select_n3A_2331 = arith.select %eq3A_2329, %jit3A_2330, %jit3A_2327 : i32
    %rem3A_2332 = vector.broadcast %select_n3A_2331 : i32 to vector<16xi32>
    %rem3A_2333 = arith.remsi %add3A_2295, %rem3A_2332 : vector<16xi32>
    %ne3A_2334 = arith.constant 0 : i32
    %ne3A_2335 = vector.broadcast %ne3A_2334 : i32 to vector<16xi32>
    %ne3A_2336 = arith.cmpi ne, %rem3A_2333, %ne3A_2335 : vector<16xi32>
    %lt3A_2337 = arith.constant 0 : i32
    %lt3A_2338 = vector.broadcast %lt3A_2337 : i32 to vector<16xi32>
    %lt3A_2339 = arith.cmpi slt, %rem3A_2333, %lt3A_2338 : vector<16xi32>
    %lt3A_2340 = arith.constant 0 : i32
    %lt3A_2341 = arith.cmpi slt, %select_n3A_2331, %lt3A_2340 : i32
    %ne3A_2342 = vector.broadcast %lt3A_2341 : i1 to vector<16xi1>
    %ne3A_2343 = vector.broadcast %ne3A_2342 : vector<16xi1> to vector<16xi1>
    %ne3A_2344 = arith.xori %lt3A_2339, %ne3A_2343 : vector<16xi1>
    %and3A_2345 = arith.andi %ne3A_2344, %ne3A_2336 : vector<16xi1>
    %add3A_2346 = vector.broadcast %select_n3A_2331 : i32 to vector<16xi32>
    %add3A_2347 = arith.addi %rem3A_2333, %add3A_2346 : vector<16xi32>
    %select_n3A_2348 = arith.select %and3A_2345, %add3A_2347, %rem3A_2333 : vector<16xi1>, vector<16xi32>
    %gather3A_2349 = tpu.vector_load_idx %arg6[%select_n3A_2326] : memref<16xi32, #tpu.memory_space<vmem>>[vector<16xi32>], vector<16xi32>,
    %mul3A_2350 = arith.constant 16 : i32
    %mul3A_2351 = arith.muli %select_n3A, %mul3A_2350 : i32
    %add3A_2352 = vector.broadcast %mul3A_2351 : i32 to vector<16xi32>
    %add3A_2353 = arith.addi %add3A_2352, %gather3A_2349 : vector<16xi32>
    %mul3A_2354 = arith.constant 196 : i32
    %mul3A_2355 = vector.broadcast %mul3A_2354 : i32 to vector<16xi32>
    %mul3A_2356 = arith.muli %add3A_2353, %mul3A_2355 : vector<16xi32>
    %add3A_2357 = arith.addi %mul3A_2356, %select_n3A_2348 : vector<16xi32>
    %swap3A_2358 = arith.constant 64 : index
    %swap3A_2359 = tpu.vector_load %arg11[%swap3A_2358] {strides = array<i32>} : memref<112xi32, #tpu.memory_space<vmem>>, vector<16xi32>,
    tpu.vector_store %arg11[%swap3A_2358], %add3A_2357 {strides = array<i32>} : memref<112xi32, #tpu.memory_space<vmem>>, vector<16xi32>,
    %mul3A_2360 = arith.constant 784 : i32
    %mul3A_2361 = arith.muli %select_n3A_30, %mul3A_2360 : i32
    %add3A_2362 = arith.constant 528 : i32
    %add3A_2363 = arith.addi %mul3A_2361, %add3A_2362 : i32
    %add3A_2364 = vector.broadcast %add3A_2363 : i32 to vector<16xi32>
    %add3A_2365 = arith.addi %add3A_2364, %iota3A : vector<16xi32>
    %jit3A_2366 = arith.constant 196 : i32
    %div3A_2367 = vector.broadcast %jit3A_2366 : i32 to vector<16xi32>
    %div3A_2368 = arith.divsi %add3A_2365, %div3A_2367 : vector<16xi32>
    %sign3A_2369 = arith.constant 0 : i32
    %sign3A_2370 = vector.broadcast %sign3A_2369 : i32 to vector<16xi32>
    %sign3A_2371 = arith.cmpi sgt, %add3A_2365, %sign3A_2370 : vector<16xi32>
    %sign3A_2372 = arith.extui %sign3A_2371 : vector<16xi1> to vector<16xi32>
    %sign3A_2373 = arith.constant 0 : i32
    %sign3A_2374 = vector.broadcast %sign3A_2373 : i32 to vector<16xi32>
    %sign3A_2375 = arith.cmpi slt, %add3A_2365, %sign3A_2374 : vector<16xi32>
    %sign3A_2376 = arith.extui %sign3A_2375 : vector<16xi1> to vector<16xi32>
    %sign3A_2377 = arith.subi %sign3A_2372, %sign3A_2376 : vector<16xi32>
    %sign3A_2378 = arith.constant 0 : i32
    %sign3A_2379 = arith.cmpi sgt, %jit3A_2366, %sign3A_2378 : i32
    %sign3A_2380 = arith.extui %sign3A_2379 : i1 to i32
    %sign3A_2381 = arith.constant 0 : i32
    %sign3A_2382 = arith.cmpi slt, %jit3A_2366, %sign3A_2381 : i32
    %sign3A_2383 = arith.extui %sign3A_2382 : i1 to i32
    %sign3A_2384 = arith.subi %sign3A_2380, %sign3A_2383 : i32
    %ne3A_2385 = vector.broadcast %sign3A_2384 : i32 to vector<16xi32>
    %ne3A_2386 = arith.cmpi ne, %sign3A_2377, %ne3A_2385 : vector<16xi32>
    %rem3A_2387 = vector.broadcast %jit3A_2366 : i32 to vector<16xi32>
    %rem3A_2388 = arith.remsi %add3A_2365, %rem3A_2387 : vector<16xi32>
    %ne3A_2389 = arith.constant 0 : i32
    %ne3A_2390 = vector.broadcast %ne3A_2389 : i32 to vector<16xi32>
    %ne3A_2391 = arith.cmpi ne, %rem3A_2388, %ne3A_2390 : vector<16xi32>
    %and3A_2392 = arith.andi %ne3A_2386, %ne3A_2391 : vector<16xi1>
    %sub3A_2393 = arith.constant 1 : i32
    %sub3A_2394 = vector.broadcast %sub3A_2393 : i32 to vector<16xi32>
    %sub3A_2395 = arith.subi %div3A_2368, %sub3A_2394 : vector<16xi32>
    %select_n3A_2396 = arith.select %and3A_2392, %sub3A_2395, %div3A_2368 : vector<16xi1>, vector<16xi32>
    %jit3A_2397 = arith.constant 196 : i32
    %eq3A_2398 = arith.constant 0 : i32
    %eq3A_2399 = arith.cmpi eq, %jit3A_2397, %eq3A_2398 : i32
    %jit3A_2400 = arith.constant 1 : i32
    %select_n3A_2401 = arith.select %eq3A_2399, %jit3A_2400, %jit3A_2397 : i32
    %rem3A_2402 = vector.broadcast %select_n3A_2401 : i32 to vector<16xi32>
    %rem3A_2403 = arith.remsi %add3A_2365, %rem3A_2402 : vector<16xi32>
    %ne3A_2404 = arith.constant 0 : i32
    %ne3A_2405 = vector.broadcast %ne3A_2404 : i32 to vector<16xi32>
    %ne3A_2406 = arith.cmpi ne, %rem3A_2403, %ne3A_2405 : vector<16xi32>
    %lt3A_2407 = arith.constant 0 : i32
    %lt3A_2408 = vector.broadcast %lt3A_2407 : i32 to vector<16xi32>
    %lt3A_2409 = arith.cmpi slt, %rem3A_2403, %lt3A_2408 : vector<16xi32>
    %lt3A_2410 = arith.constant 0 : i32
    %lt3A_2411 = arith.cmpi slt, %select_n3A_2401, %lt3A_2410 : i32
    %ne3A_2412 = vector.broadcast %lt3A_2411 : i1 to vector<16xi1>
    %ne3A_2413 = vector.broadcast %ne3A_2412 : vector<16xi1> to vector<16xi1>
    %ne3A_2414 = arith.xori %lt3A_2409, %ne3A_2413 : vector<16xi1>
    %and3A_2415 = arith.andi %ne3A_2414, %ne3A_2406 : vector<16xi1>
    %add3A_2416 = vector.broadcast %select_n3A_2401 : i32 to vector<16xi32>
    %add3A_2417 = arith.addi %rem3A_2403, %add3A_2416 : vector<16xi32>
    %select_n3A_2418 = arith.select %and3A_2415, %add3A_2417, %rem3A_2403 : vector<16xi1>, vector<16xi32>
    %gather3A_2419 = tpu.vector_load_idx %arg6[%select_n3A_2396] : memref<16xi32, #tpu.memory_space<vmem>>[vector<16xi32>], vector<16xi32>,
    %mul3A_2420 = arith.constant 16 : i32
    %mul3A_2421 = arith.muli %select_n3A, %mul3A_2420 : i32
    %add3A_2422 = vector.broadcast %mul3A_2421 : i32 to vector<16xi32>
    %add3A_2423 = arith.addi %add3A_2422, %gather3A_2419 : vector<16xi32>
    %mul3A_2424 = arith.constant 196 : i32
    %mul3A_2425 = vector.broadcast %mul3A_2424 : i32 to vector<16xi32>
    %mul3A_2426 = arith.muli %add3A_2423, %mul3A_2425 : vector<16xi32>
    %add3A_2427 = arith.addi %mul3A_2426, %select_n3A_2418 : vector<16xi32>
    %swap3A_2428 = arith.constant 80 : index
    %swap3A_2429 = tpu.vector_load %arg11[%swap3A_2428] {strides = array<i32>} : memref<112xi32, #tpu.memory_space<vmem>>, vector<16xi32>,
    tpu.vector_store %arg11[%swap3A_2428], %add3A_2427 {strides = array<i32>} : memref<112xi32, #tpu.memory_space<vmem>>, vector<16xi32>,
    %mul3A_2430 = arith.constant 784 : i32
    %mul3A_2431 = arith.muli %select_n3A_30, %mul3A_2430 : i32
    %add3A_2432 = arith.constant 544 : i32
    %add3A_2433 = arith.addi %mul3A_2431, %add3A_2432 : i32
    %add3A_2434 = vector.broadcast %add3A_2433 : i32 to vector<16xi32>
    %add3A_2435 = arith.addi %add3A_2434, %iota3A : vector<16xi32>
    %jit3A_2436 = arith.constant 196 : i32
    %div3A_2437 = vector.broadcast %jit3A_2436 : i32 to vector<16xi32>
    %div3A_2438 = arith.divsi %add3A_2435, %div3A_2437 : vector<16xi32>
    %sign3A_2439 = arith.constant 0 : i32
    %sign3A_2440 = vector.broadcast %sign3A_2439 : i32 to vector<16xi32>
    %sign3A_2441 = arith.cmpi sgt, %add3A_2435, %sign3A_2440 : vector<16xi32>
    %sign3A_2442 = arith.extui %sign3A_2441 : vector<16xi1> to vector<16xi32>
    %sign3A_2443 = arith.constant 0 : i32
    %sign3A_2444 = vector.broadcast %sign3A_2443 : i32 to vector<16xi32>
    %sign3A_2445 = arith.cmpi slt, %add3A_2435, %sign3A_2444 : vector<16xi32>
    %sign3A_2446 = arith.extui %sign3A_2445 : vector<16xi1> to vector<16xi32>
    %sign3A_2447 = arith.subi %sign3A_2442, %sign3A_2446 : vector<16xi32>
    %sign3A_2448 = arith.constant 0 : i32
    %sign3A_2449 = arith.cmpi sgt, %jit3A_2436, %sign3A_2448 : i32
    %sign3A_2450 = arith.extui %sign3A_2449 : i1 to i32
    %sign3A_2451 = arith.constant 0 : i32
    %sign3A_2452 = arith.cmpi slt, %jit3A_2436, %sign3A_2451 : i32
    %sign3A_2453 = arith.extui %sign3A_2452 : i1 to i32
    %sign3A_2454 = arith.subi %sign3A_2450, %sign3A_2453 : i32
    %ne3A_2455 = vector.broadcast %sign3A_2454 : i32 to vector<16xi32>
    %ne3A_2456 = arith.cmpi ne, %sign3A_2447, %ne3A_2455 : vector<16xi32>
    %rem3A_2457 = vector.broadcast %jit3A_2436 : i32 to vector<16xi32>
    %rem3A_2458 = arith.remsi %add3A_2435, %rem3A_2457 : vector<16xi32>
    %ne3A_2459 = arith.constant 0 : i32
    %ne3A_2460 = vector.broadcast %ne3A_2459 : i32 to vector<16xi32>
    %ne3A_2461 = arith.cmpi ne, %rem3A_2458, %ne3A_2460 : vector<16xi32>
    %and3A_2462 = arith.andi %ne3A_2456, %ne3A_2461 : vector<16xi1>
    %sub3A_2463 = arith.constant 1 : i32
    %sub3A_2464 = vector.broadcast %sub3A_2463 : i32 to vector<16xi32>
    %sub3A_2465 = arith.subi %div3A_2438, %sub3A_2464 : vector<16xi32>
    %select_n3A_2466 = arith.select %and3A_2462, %sub3A_2465, %div3A_2438 : vector<16xi1>, vector<16xi32>
    %jit3A_2467 = arith.constant 196 : i32
    %eq3A_2468 = arith.constant 0 : i32
    %eq3A_2469 = arith.cmpi eq, %jit3A_2467, %eq3A_2468 : i32
    %jit3A_2470 = arith.constant 1 : i32
    %select_n3A_2471 = arith.select %eq3A_2469, %jit3A_2470, %jit3A_2467 : i32
    %rem3A_2472 = vector.broadcast %select_n3A_2471 : i32 to vector<16xi32>
    %rem3A_2473 = arith.remsi %add3A_2435, %rem3A_2472 : vector<16xi32>
    %ne3A_2474 = arith.constant 0 : i32
    %ne3A_2475 = vector.broadcast %ne3A_2474 : i32 to vector<16xi32>
    %ne3A_2476 = arith.cmpi ne, %rem3A_2473, %ne3A_2475 : vector<16xi32>
    %lt3A_2477 = arith.constant 0 : i32
    %lt3A_2478 = vector.broadcast %lt3A_2477 : i32 to vector<16xi32>
    %lt3A_2479 = arith.cmpi slt, %rem3A_2473, %lt3A_2478 : vector<16xi32>
    %lt3A_2480 = arith.constant 0 : i32
    %lt3A_2481 = arith.cmpi slt, %select_n3A_2471, %lt3A_2480 : i32
    %ne3A_2482 = vector.broadcast %lt3A_2481 : i1 to vector<16xi1>
    %ne3A_2483 = vector.broadcast %ne3A_2482 : vector<16xi1> to vector<16xi1>
    %ne3A_2484 = arith.xori %lt3A_2479, %ne3A_2483 : vector<16xi1>
    %and3A_2485 = arith.andi %ne3A_2484, %ne3A_2476 : vector<16xi1>
    %add3A_2486 = vector.broadcast %select_n3A_2471 : i32 to vector<16xi32>
    %add3A_2487 = arith.addi %rem3A_2473, %add3A_2486 : vector<16xi32>
    %select_n3A_2488 = arith.select %and3A_2485, %add3A_2487, %rem3A_2473 : vector<16xi1>, vector<16xi32>
    %gather3A_2489 = tpu.vector_load_idx %arg6[%select_n3A_2466] : memref<16xi32, #tpu.memory_space<vmem>>[vector<16xi32>], vector<16xi32>,
    %mul3A_2490 = arith.constant 16 : i32
    %mul3A_2491 = arith.muli %select_n3A, %mul3A_2490 : i32
    %add3A_2492 = vector.broadcast %mul3A_2491 : i32 to vector<16xi32>
    %add3A_2493 = arith.addi %add3A_2492, %gather3A_2489 : vector<16xi32>
    %mul3A_2494 = arith.constant 196 : i32
    %mul3A_2495 = vector.broadcast %mul3A_2494 : i32 to vector<16xi32>
    %mul3A_2496 = arith.muli %add3A_2493, %mul3A_2495 : vector<16xi32>
    %add3A_2497 = arith.addi %mul3A_2496, %select_n3A_2488 : vector<16xi32>
    %swap3A_2498 = arith.constant 96 : index
    %swap3A_2499 = tpu.vector_load %arg11[%swap3A_2498] {strides = array<i32>} : memref<112xi32, #tpu.memory_space<vmem>>, vector<16xi32>,
    tpu.vector_store %arg11[%swap3A_2498], %add3A_2497 {strides = array<i32>} : memref<112xi32, #tpu.memory_space<vmem>>, vector<16xi32>,
    %mul3A_2500 = arith.constant 784 : i32
    %mul3A_2501 = arith.muli %select_n3A_30, %mul3A_2500 : i32
    %add3A_2502 = arith.constant 560 : i32
    %add3A_2503 = arith.addi %mul3A_2501, %add3A_2502 : i32
    %add3A_2504 = vector.broadcast %add3A_2503 : i32 to vector<16xi32>
    %add3A_2505 = arith.addi %add3A_2504, %iota3A : vector<16xi32>
    %jit3A_2506 = arith.constant 196 : i32
    %div3A_2507 = vector.broadcast %jit3A_2506 : i32 to vector<16xi32>
    %div3A_2508 = arith.divsi %add3A_2505, %div3A_2507 : vector<16xi32>
    %sign3A_2509 = arith.constant 0 : i32
    %sign3A_2510 = vector.broadcast %sign3A_2509 : i32 to vector<16xi32>
    %sign3A_2511 = arith.cmpi sgt, %add3A_2505, %sign3A_2510 : vector<16xi32>
    %sign3A_2512 = arith.extui %sign3A_2511 : vector<16xi1> to vector<16xi32>
    %sign3A_2513 = arith.constant 0 : i32
    %sign3A_2514 = vector.broadcast %sign3A_2513 : i32 to vector<16xi32>
    %sign3A_2515 = arith.cmpi slt, %add3A_2505, %sign3A_2514 : vector<16xi32>
    %sign3A_2516 = arith.extui %sign3A_2515 : vector<16xi1> to vector<16xi32>
    %sign3A_2517 = arith.subi %sign3A_2512, %sign3A_2516 : vector<16xi32>
    %sign3A_2518 = arith.constant 0 : i32
    %sign3A_2519 = arith.cmpi sgt, %jit3A_2506, %sign3A_2518 : i32
    %sign3A_2520 = arith.extui %sign3A_2519 : i1 to i32
    %sign3A_2521 = arith.constant 0 : i32
    %sign3A_2522 = arith.cmpi slt, %jit3A_2506, %sign3A_2521 : i32
    %sign3A_2523 = arith.extui %sign3A_2522 : i1 to i32
    %sign3A_2524 = arith.subi %sign3A_2520, %sign3A_2523 : i32
    %ne3A_2525 = vector.broadcast %sign3A_2524 : i32 to vector<16xi32>
    %ne3A_2526 = arith.cmpi ne, %sign3A_2517, %ne3A_2525 : vector<16xi32>
    %rem3A_2527 = vector.broadcast %jit3A_2506 : i32 to vector<16xi32>
    %rem3A_2528 = arith.remsi %add3A_2505, %rem3A_2527 : vector<16xi32>
    %ne3A_2529 = arith.constant 0 : i32
    %ne3A_2530 = vector.broadcast %ne3A_2529 : i32 to vector<16xi32>
    %ne3A_2531 = arith.cmpi ne, %rem3A_2528, %ne3A_2530 : vector<16xi32>
    %and3A_2532 = arith.andi %ne3A_2526, %ne3A_2531 : vector<16xi1>
    %sub3A_2533 = arith.constant 1 : i32
    %sub3A_2534 = vector.broadcast %sub3A_2533 : i32 to vector<16xi32>
    %sub3A_2535 = arith.subi %div3A_2508, %sub3A_2534 : vector<16xi32>
    %select_n3A_2536 = arith.select %and3A_2532, %sub3A_2535, %div3A_2508 : vector<16xi1>, vector<16xi32>
    %jit3A_2537 = arith.constant 196 : i32
    %eq3A_2538 = arith.constant 0 : i32
    %eq3A_2539 = arith.cmpi eq, %jit3A_2537, %eq3A_2538 : i32
    %jit3A_2540 = arith.constant 1 : i32
    %select_n3A_2541 = arith.select %eq3A_2539, %jit3A_2540, %jit3A_2537 : i32
    %rem3A_2542 = vector.broadcast %select_n3A_2541 : i32 to vector<16xi32>
    %rem3A_2543 = arith.remsi %add3A_2505, %rem3A_2542 : vector<16xi32>
    %ne3A_2544 = arith.constant 0 : i32
    %ne3A_2545 = vector.broadcast %ne3A_2544 : i32 to vector<16xi32>
    %ne3A_2546 = arith.cmpi ne, %rem3A_2543, %ne3A_2545 : vector<16xi32>
    %lt3A_2547 = arith.constant 0 : i32
    %lt3A_2548 = vector.broadcast %lt3A_2547 : i32 to vector<16xi32>
    %lt3A_2549 = arith.cmpi slt, %rem3A_2543, %lt3A_2548 : vector<16xi32>
    %lt3A_2550 = arith.constant 0 : i32
    %lt3A_2551 = arith.cmpi slt, %select_n3A_2541, %lt3A_2550 : i32
    %ne3A_2552 = vector.broadcast %lt3A_2551 : i1 to vector<16xi1>
    %ne3A_2553 = vector.broadcast %ne3A_2552 : vector<16xi1> to vector<16xi1>
    %ne3A_2554 = arith.xori %lt3A_2549, %ne3A_2553 : vector<16xi1>
    %and3A_2555 = arith.andi %ne3A_2554, %ne3A_2546 : vector<16xi1>
    %add3A_2556 = vector.broadcast %select_n3A_2541 : i32 to vector<16xi32>
    %add3A_2557 = arith.addi %rem3A_2543, %add3A_2556 : vector<16xi32>
    %select_n3A_2558 = arith.select %and3A_2555, %add3A_2557, %rem3A_2543 : vector<16xi1>, vector<16xi32>
    %gather3A_2559 = tpu.vector_load_idx %arg6[%select_n3A_2536] : memref<16xi32, #tpu.memory_space<vmem>>[vector<16xi32>], vector<16xi32>,
    %mul3A_2560 = arith.constant 16 : i32
    %mul3A_2561 = arith.muli %select_n3A, %mul3A_2560 : i32
    %add3A_2562 = vector.broadcast %mul3A_2561 : i32 to vector<16xi32>
    %add3A_2563 = arith.addi %add3A_2562, %gather3A_2559 : vector<16xi32>
    %mul3A_2564 = arith.constant 196 : i32
    %mul3A_2565 = vector.broadcast %mul3A_2564 : i32 to vector<16xi32>
    %mul3A_2566 = arith.muli %add3A_2563, %mul3A_2565 : vector<16xi32>
    %add3A_2567 = arith.addi %mul3A_2566, %select_n3A_2558 : vector<16xi32>
    %swap3A_2568 = arith.constant 0 : index
    %swap3A_2569 = tpu.vector_load %arg12[%swap3A_2568] {strides = array<i32>} : memref<112xi32, #tpu.memory_space<vmem>>, vector<16xi32>,
    tpu.vector_store %arg12[%swap3A_2568], %add3A_2567 {strides = array<i32>} : memref<112xi32, #tpu.memory_space<vmem>>, vector<16xi32>,
    %mul3A_2570 = arith.constant 784 : i32
    %mul3A_2571 = arith.muli %select_n3A_30, %mul3A_2570 : i32
    %add3A_2572 = arith.constant 576 : i32
    %add3A_2573 = arith.addi %mul3A_2571, %add3A_2572 : i32
    %add3A_2574 = vector.broadcast %add3A_2573 : i32 to vector<16xi32>
    %add3A_2575 = arith.addi %add3A_2574, %iota3A : vector<16xi32>
    %jit3A_2576 = arith.constant 196 : i32
    %div3A_2577 = vector.broadcast %jit3A_2576 : i32 to vector<16xi32>
    %div3A_2578 = arith.divsi %add3A_2575, %div3A_2577 : vector<16xi32>
    %sign3A_2579 = arith.constant 0 : i32
    %sign3A_2580 = vector.broadcast %sign3A_2579 : i32 to vector<16xi32>
    %sign3A_2581 = arith.cmpi sgt, %add3A_2575, %sign3A_2580 : vector<16xi32>
    %sign3A_2582 = arith.extui %sign3A_2581 : vector<16xi1> to vector<16xi32>
    %sign3A_2583 = arith.constant 0 : i32
    %sign3A_2584 = vector.broadcast %sign3A_2583 : i32 to vector<16xi32>
    %sign3A_2585 = arith.cmpi slt, %add3A_2575, %sign3A_2584 : vector<16xi32>
    %sign3A_2586 = arith.extui %sign3A_2585 : vector<16xi1> to vector<16xi32>
    %sign3A_2587 = arith.subi %sign3A_2582, %sign3A_2586 : vector<16xi32>
    %sign3A_2588 = arith.constant 0 : i32
    %sign3A_2589 = arith.cmpi sgt, %jit3A_2576, %sign3A_2588 : i32
    %sign3A_2590 = arith.extui %sign3A_2589 : i1 to i32
    %sign3A_2591 = arith.constant 0 : i32
    %sign3A_2592 = arith.cmpi slt, %jit3A_2576, %sign3A_2591 : i32
    %sign3A_2593 = arith.extui %sign3A_2592 : i1 to i32
    %sign3A_2594 = arith.subi %sign3A_2590, %sign3A_2593 : i32
    %ne3A_2595 = vector.broadcast %sign3A_2594 : i32 to vector<16xi32>
    %ne3A_2596 = arith.cmpi ne, %sign3A_2587, %ne3A_2595 : vector<16xi32>
    %rem3A_2597 = vector.broadcast %jit3A_2576 : i32 to vector<16xi32>
    %rem3A_2598 = arith.remsi %add3A_2575, %rem3A_2597 : vector<16xi32>
    %ne3A_2599 = arith.constant 0 : i32
    %ne3A_2600 = vector.broadcast %ne3A_2599 : i32 to vector<16xi32>
    %ne3A_2601 = arith.cmpi ne, %rem3A_2598, %ne3A_2600 : vector<16xi32>
    %and3A_2602 = arith.andi %ne3A_2596, %ne3A_2601 : vector<16xi1>
    %sub3A_2603 = arith.constant 1 : i32
    %sub3A_2604 = vector.broadcast %sub3A_2603 : i32 to vector<16xi32>
    %sub3A_2605 = arith.subi %div3A_2578, %sub3A_2604 : vector<16xi32>
    %select_n3A_2606 = arith.select %and3A_2602, %sub3A_2605, %div3A_2578 : vector<16xi1>, vector<16xi32>
    %jit3A_2607 = arith.constant 196 : i32
    %eq3A_2608 = arith.constant 0 : i32
    %eq3A_2609 = arith.cmpi eq, %jit3A_2607, %eq3A_2608 : i32
    %jit3A_2610 = arith.constant 1 : i32
    %select_n3A_2611 = arith.select %eq3A_2609, %jit3A_2610, %jit3A_2607 : i32
    %rem3A_2612 = vector.broadcast %select_n3A_2611 : i32 to vector<16xi32>
    %rem3A_2613 = arith.remsi %add3A_2575, %rem3A_2612 : vector<16xi32>
    %ne3A_2614 = arith.constant 0 : i32
    %ne3A_2615 = vector.broadcast %ne3A_2614 : i32 to vector<16xi32>
    %ne3A_2616 = arith.cmpi ne, %rem3A_2613, %ne3A_2615 : vector<16xi32>
    %lt3A_2617 = arith.constant 0 : i32
    %lt3A_2618 = vector.broadcast %lt3A_2617 : i32 to vector<16xi32>
    %lt3A_2619 = arith.cmpi slt, %rem3A_2613, %lt3A_2618 : vector<16xi32>
    %lt3A_2620 = arith.constant 0 : i32
    %lt3A_2621 = arith.cmpi slt, %select_n3A_2611, %lt3A_2620 : i32
    %ne3A_2622 = vector.broadcast %lt3A_2621 : i1 to vector<16xi1>
    %ne3A_2623 = vector.broadcast %ne3A_2622 : vector<16xi1> to vector<16xi1>
    %ne3A_2624 = arith.xori %lt3A_2619, %ne3A_2623 : vector<16xi1>
    %and3A_2625 = arith.andi %ne3A_2624, %ne3A_2616 : vector<16xi1>
    %add3A_2626 = vector.broadcast %select_n3A_2611 : i32 to vector<16xi32>
    %add3A_2627 = arith.addi %rem3A_2613, %add3A_2626 : vector<16xi32>
    %select_n3A_2628 = arith.select %and3A_2625, %add3A_2627, %rem3A_2613 : vector<16xi1>, vector<16xi32>
    %gather3A_2629 = tpu.vector_load_idx %arg6[%select_n3A_2606] : memref<16xi32, #tpu.memory_space<vmem>>[vector<16xi32>], vector<16xi32>,
    %mul3A_2630 = arith.constant 16 : i32
    %mul3A_2631 = arith.muli %select_n3A, %mul3A_2630 : i32
    %add3A_2632 = vector.broadcast %mul3A_2631 : i32 to vector<16xi32>
    %add3A_2633 = arith.addi %add3A_2632, %gather3A_2629 : vector<16xi32>
    %mul3A_2634 = arith.constant 196 : i32
    %mul3A_2635 = vector.broadcast %mul3A_2634 : i32 to vector<16xi32>
    %mul3A_2636 = arith.muli %add3A_2633, %mul3A_2635 : vector<16xi32>
    %add3A_2637 = arith.addi %mul3A_2636, %select_n3A_2628 : vector<16xi32>
    %swap3A_2638 = arith.constant 16 : index
    %swap3A_2639 = tpu.vector_load %arg12[%swap3A_2638] {strides = array<i32>} : memref<112xi32, #tpu.memory_space<vmem>>, vector<16xi32>,
    tpu.vector_store %arg12[%swap3A_2638], %add3A_2637 {strides = array<i32>} : memref<112xi32, #tpu.memory_space<vmem>>, vector<16xi32>,
    %mul3A_2640 = arith.constant 784 : i32
    %mul3A_2641 = arith.muli %select_n3A_30, %mul3A_2640 : i32
    %add3A_2642 = arith.constant 592 : i32
    %add3A_2643 = arith.addi %mul3A_2641, %add3A_2642 : i32
    %add3A_2644 = vector.broadcast %add3A_2643 : i32 to vector<16xi32>
    %add3A_2645 = arith.addi %add3A_2644, %iota3A : vector<16xi32>
    %jit3A_2646 = arith.constant 196 : i32
    %div3A_2647 = vector.broadcast %jit3A_2646 : i32 to vector<16xi32>
    %div3A_2648 = arith.divsi %add3A_2645, %div3A_2647 : vector<16xi32>
    %sign3A_2649 = arith.constant 0 : i32
    %sign3A_2650 = vector.broadcast %sign3A_2649 : i32 to vector<16xi32>
    %sign3A_2651 = arith.cmpi sgt, %add3A_2645, %sign3A_2650 : vector<16xi32>
    %sign3A_2652 = arith.extui %sign3A_2651 : vector<16xi1> to vector<16xi32>
    %sign3A_2653 = arith.constant 0 : i32
    %sign3A_2654 = vector.broadcast %sign3A_2653 : i32 to vector<16xi32>
    %sign3A_2655 = arith.cmpi slt, %add3A_2645, %sign3A_2654 : vector<16xi32>
    %sign3A_2656 = arith.extui %sign3A_2655 : vector<16xi1> to vector<16xi32>
    %sign3A_2657 = arith.subi %sign3A_2652, %sign3A_2656 : vector<16xi32>
    %sign3A_2658 = arith.constant 0 : i32
    %sign3A_2659 = arith.cmpi sgt, %jit3A_2646, %sign3A_2658 : i32
    %sign3A_2660 = arith.extui %sign3A_2659 : i1 to i32
    %sign3A_2661 = arith.constant 0 : i32
    %sign3A_2662 = arith.cmpi slt, %jit3A_2646, %sign3A_2661 : i32
    %sign3A_2663 = arith.extui %sign3A_2662 : i1 to i32
    %sign3A_2664 = arith.subi %sign3A_2660, %sign3A_2663 : i32
    %ne3A_2665 = vector.broadcast %sign3A_2664 : i32 to vector<16xi32>
    %ne3A_2666 = arith.cmpi ne, %sign3A_2657, %ne3A_2665 : vector<16xi32>
    %rem3A_2667 = vector.broadcast %jit3A_2646 : i32 to vector<16xi32>
    %rem3A_2668 = arith.remsi %add3A_2645, %rem3A_2667 : vector<16xi32>
    %ne3A_2669 = arith.constant 0 : i32
    %ne3A_2670 = vector.broadcast %ne3A_2669 : i32 to vector<16xi32>
    %ne3A_2671 = arith.cmpi ne, %rem3A_2668, %ne3A_2670 : vector<16xi32>
    %and3A_2672 = arith.andi %ne3A_2666, %ne3A_2671 : vector<16xi1>
    %sub3A_2673 = arith.constant 1 : i32
    %sub3A_2674 = vector.broadcast %sub3A_2673 : i32 to vector<16xi32>
    %sub3A_2675 = arith.subi %div3A_2648, %sub3A_2674 : vector<16xi32>
    %select_n3A_2676 = arith.select %and3A_2672, %sub3A_2675, %div3A_2648 : vector<16xi1>, vector<16xi32>
    %jit3A_2677 = arith.constant 196 : i32
    %eq3A_2678 = arith.constant 0 : i32
    %eq3A_2679 = arith.cmpi eq, %jit3A_2677, %eq3A_2678 : i32
    %jit3A_2680 = arith.constant 1 : i32
    %select_n3A_2681 = arith.select %eq3A_2679, %jit3A_2680, %jit3A_2677 : i32
    %rem3A_2682 = vector.broadcast %select_n3A_2681 : i32 to vector<16xi32>
    %rem3A_2683 = arith.remsi %add3A_2645, %rem3A_2682 : vector<16xi32>
    %ne3A_2684 = arith.constant 0 : i32
    %ne3A_2685 = vector.broadcast %ne3A_2684 : i32 to vector<16xi32>
    %ne3A_2686 = arith.cmpi ne, %rem3A_2683, %ne3A_2685 : vector<16xi32>
    %lt3A_2687 = arith.constant 0 : i32
    %lt3A_2688 = vector.broadcast %lt3A_2687 : i32 to vector<16xi32>
    %lt3A_2689 = arith.cmpi slt, %rem3A_2683, %lt3A_2688 : vector<16xi32>
    %lt3A_2690 = arith.constant 0 : i32
    %lt3A_2691 = arith.cmpi slt, %select_n3A_2681, %lt3A_2690 : i32
    %ne3A_2692 = vector.broadcast %lt3A_2691 : i1 to vector<16xi1>
    %ne3A_2693 = vector.broadcast %ne3A_2692 : vector<16xi1> to vector<16xi1>
    %ne3A_2694 = arith.xori %lt3A_2689, %ne3A_2693 : vector<16xi1>
    %and3A_2695 = arith.andi %ne3A_2694, %ne3A_2686 : vector<16xi1>
    %add3A_2696 = vector.broadcast %select_n3A_2681 : i32 to vector<16xi32>
    %add3A_2697 = arith.addi %rem3A_2683, %add3A_2696 : vector<16xi32>
    %select_n3A_2698 = arith.select %and3A_2695, %add3A_2697, %rem3A_2683 : vector<16xi1>, vector<16xi32>
    %gather3A_2699 = tpu.vector_load_idx %arg6[%select_n3A_2676] : memref<16xi32, #tpu.memory_space<vmem>>[vector<16xi32>], vector<16xi32>,
    %mul3A_2700 = arith.constant 16 : i32
    %mul3A_2701 = arith.muli %select_n3A, %mul3A_2700 : i32
    %add3A_2702 = vector.broadcast %mul3A_2701 : i32 to vector<16xi32>
    %add3A_2703 = arith.addi %add3A_2702, %gather3A_2699 : vector<16xi32>
    %mul3A_2704 = arith.constant 196 : i32
    %mul3A_2705 = vector.broadcast %mul3A_2704 : i32 to vector<16xi32>
    %mul3A_2706 = arith.muli %add3A_2703, %mul3A_2705 : vector<16xi32>
    %add3A_2707 = arith.addi %mul3A_2706, %select_n3A_2698 : vector<16xi32>
    %swap3A_2708 = arith.constant 32 : index
    %swap3A_2709 = tpu.vector_load %arg12[%swap3A_2708] {strides = array<i32>} : memref<112xi32, #tpu.memory_space<vmem>>, vector<16xi32>,
    tpu.vector_store %arg12[%swap3A_2708], %add3A_2707 {strides = array<i32>} : memref<112xi32, #tpu.memory_space<vmem>>, vector<16xi32>,
    %mul3A_2710 = arith.constant 784 : i32
    %mul3A_2711 = arith.muli %select_n3A_30, %mul3A_2710 : i32
    %add3A_2712 = arith.constant 608 : i32
    %add3A_2713 = arith.addi %mul3A_2711, %add3A_2712 : i32
    %add3A_2714 = vector.broadcast %add3A_2713 : i32 to vector<16xi32>
    %add3A_2715 = arith.addi %add3A_2714, %iota3A : vector<16xi32>
    %jit3A_2716 = arith.constant 196 : i32
    %div3A_2717 = vector.broadcast %jit3A_2716 : i32 to vector<16xi32>
    %div3A_2718 = arith.divsi %add3A_2715, %div3A_2717 : vector<16xi32>
    %sign3A_2719 = arith.constant 0 : i32
    %sign3A_2720 = vector.broadcast %sign3A_2719 : i32 to vector<16xi32>
    %sign3A_2721 = arith.cmpi sgt, %add3A_2715, %sign3A_2720 : vector<16xi32>
    %sign3A_2722 = arith.extui %sign3A_2721 : vector<16xi1> to vector<16xi32>
    %sign3A_2723 = arith.constant 0 : i32
    %sign3A_2724 = vector.broadcast %sign3A_2723 : i32 to vector<16xi32>
    %sign3A_2725 = arith.cmpi slt, %add3A_2715, %sign3A_2724 : vector<16xi32>
    %sign3A_2726 = arith.extui %sign3A_2725 : vector<16xi1> to vector<16xi32>
    %sign3A_2727 = arith.subi %sign3A_2722, %sign3A_2726 : vector<16xi32>
    %sign3A_2728 = arith.constant 0 : i32
    %sign3A_2729 = arith.cmpi sgt, %jit3A_2716, %sign3A_2728 : i32
    %sign3A_2730 = arith.extui %sign3A_2729 : i1 to i32
    %sign3A_2731 = arith.constant 0 : i32
    %sign3A_2732 = arith.cmpi slt, %jit3A_2716, %sign3A_2731 : i32
    %sign3A_2733 = arith.extui %sign3A_2732 : i1 to i32
    %sign3A_2734 = arith.subi %sign3A_2730, %sign3A_2733 : i32
    %ne3A_2735 = vector.broadcast %sign3A_2734 : i32 to vector<16xi32>
    %ne3A_2736 = arith.cmpi ne, %sign3A_2727, %ne3A_2735 : vector<16xi32>
    %rem3A_2737 = vector.broadcast %jit3A_2716 : i32 to vector<16xi32>
    %rem3A_2738 = arith.remsi %add3A_2715, %rem3A_2737 : vector<16xi32>
    %ne3A_2739 = arith.constant 0 : i32
    %ne3A_2740 = vector.broadcast %ne3A_2739 : i32 to vector<16xi32>
    %ne3A_2741 = arith.cmpi ne, %rem3A_2738, %ne3A_2740 : vector<16xi32>
    %and3A_2742 = arith.andi %ne3A_2736, %ne3A_2741 : vector<16xi1>
    %sub3A_2743 = arith.constant 1 : i32
    %sub3A_2744 = vector.broadcast %sub3A_2743 : i32 to vector<16xi32>
    %sub3A_2745 = arith.subi %div3A_2718, %sub3A_2744 : vector<16xi32>
    %select_n3A_2746 = arith.select %and3A_2742, %sub3A_2745, %div3A_2718 : vector<16xi1>, vector<16xi32>
    %jit3A_2747 = arith.constant 196 : i32
    %eq3A_2748 = arith.constant 0 : i32
    %eq3A_2749 = arith.cmpi eq, %jit3A_2747, %eq3A_2748 : i32
    %jit3A_2750 = arith.constant 1 : i32
    %select_n3A_2751 = arith.select %eq3A_2749, %jit3A_2750, %jit3A_2747 : i32
    %rem3A_2752 = vector.broadcast %select_n3A_2751 : i32 to vector<16xi32>
    %rem3A_2753 = arith.remsi %add3A_2715, %rem3A_2752 : vector<16xi32>
    %ne3A_2754 = arith.constant 0 : i32
    %ne3A_2755 = vector.broadcast %ne3A_2754 : i32 to vector<16xi32>
    %ne3A_2756 = arith.cmpi ne, %rem3A_2753, %ne3A_2755 : vector<16xi32>
    %lt3A_2757 = arith.constant 0 : i32
    %lt3A_2758 = vector.broadcast %lt3A_2757 : i32 to vector<16xi32>
    %lt3A_2759 = arith.cmpi slt, %rem3A_2753, %lt3A_2758 : vector<16xi32>
    %lt3A_2760 = arith.constant 0 : i32
    %lt3A_2761 = arith.cmpi slt, %select_n3A_2751, %lt3A_2760 : i32
    %ne3A_2762 = vector.broadcast %lt3A_2761 : i1 to vector<16xi1>
    %ne3A_2763 = vector.broadcast %ne3A_2762 : vector<16xi1> to vector<16xi1>
    %ne3A_2764 = arith.xori %lt3A_2759, %ne3A_2763 : vector<16xi1>
    %and3A_2765 = arith.andi %ne3A_2764, %ne3A_2756 : vector<16xi1>
    %add3A_2766 = vector.broadcast %select_n3A_2751 : i32 to vector<16xi32>
    %add3A_2767 = arith.addi %rem3A_2753, %add3A_2766 : vector<16xi32>
    %select_n3A_2768 = arith.select %and3A_2765, %add3A_2767, %rem3A_2753 : vector<16xi1>, vector<16xi32>
    %gather3A_2769 = tpu.vector_load_idx %arg6[%select_n3A_2746] : memref<16xi32, #tpu.memory_space<vmem>>[vector<16xi32>], vector<16xi32>,
    %mul3A_2770 = arith.constant 16 : i32
    %mul3A_2771 = arith.muli %select_n3A, %mul3A_2770 : i32
    %add3A_2772 = vector.broadcast %mul3A_2771 : i32 to vector<16xi32>
    %add3A_2773 = arith.addi %add3A_2772, %gather3A_2769 : vector<16xi32>
    %mul3A_2774 = arith.constant 196 : i32
    %mul3A_2775 = vector.broadcast %mul3A_2774 : i32 to vector<16xi32>
    %mul3A_2776 = arith.muli %add3A_2773, %mul3A_2775 : vector<16xi32>
    %add3A_2777 = arith.addi %mul3A_2776, %select_n3A_2768 : vector<16xi32>
    %swap3A_2778 = arith.constant 48 : index
    %swap3A_2779 = tpu.vector_load %arg12[%swap3A_2778] {strides = array<i32>} : memref<112xi32, #tpu.memory_space<vmem>>, vector<16xi32>,
    tpu.vector_store %arg12[%swap3A_2778], %add3A_2777 {strides = array<i32>} : memref<112xi32, #tpu.memory_space<vmem>>, vector<16xi32>,
    %mul3A_2780 = arith.constant 784 : i32
    %mul3A_2781 = arith.muli %select_n3A_30, %mul3A_2780 : i32
    %add3A_2782 = arith.constant 624 : i32
    %add3A_2783 = arith.addi %mul3A_2781, %add3A_2782 : i32
    %add3A_2784 = vector.broadcast %add3A_2783 : i32 to vector<16xi32>
    %add3A_2785 = arith.addi %add3A_2784, %iota3A : vector<16xi32>
    %jit3A_2786 = arith.constant 196 : i32
    %div3A_2787 = vector.broadcast %jit3A_2786 : i32 to vector<16xi32>
    %div3A_2788 = arith.divsi %add3A_2785, %div3A_2787 : vector<16xi32>
    %sign3A_2789 = arith.constant 0 : i32
    %sign3A_2790 = vector.broadcast %sign3A_2789 : i32 to vector<16xi32>
    %sign3A_2791 = arith.cmpi sgt, %add3A_2785, %sign3A_2790 : vector<16xi32>
    %sign3A_2792 = arith.extui %sign3A_2791 : vector<16xi1> to vector<16xi32>
    %sign3A_2793 = arith.constant 0 : i32
    %sign3A_2794 = vector.broadcast %sign3A_2793 : i32 to vector<16xi32>
    %sign3A_2795 = arith.cmpi slt, %add3A_2785, %sign3A_2794 : vector<16xi32>
    %sign3A_2796 = arith.extui %sign3A_2795 : vector<16xi1> to vector<16xi32>
    %sign3A_2797 = arith.subi %sign3A_2792, %sign3A_2796 : vector<16xi32>
    %sign3A_2798 = arith.constant 0 : i32
    %sign3A_2799 = arith.cmpi sgt, %jit3A_2786, %sign3A_2798 : i32
    %sign3A_2800 = arith.extui %sign3A_2799 : i1 to i32
    %sign3A_2801 = arith.constant 0 : i32
    %sign3A_2802 = arith.cmpi slt, %jit3A_2786, %sign3A_2801 : i32
    %sign3A_2803 = arith.extui %sign3A_2802 : i1 to i32
    %sign3A_2804 = arith.subi %sign3A_2800, %sign3A_2803 : i32
    %ne3A_2805 = vector.broadcast %sign3A_2804 : i32 to vector<16xi32>
    %ne3A_2806 = arith.cmpi ne, %sign3A_2797, %ne3A_2805 : vector<16xi32>
    %rem3A_2807 = vector.broadcast %jit3A_2786 : i32 to vector<16xi32>
    %rem3A_2808 = arith.remsi %add3A_2785, %rem3A_2807 : vector<16xi32>
    %ne3A_2809 = arith.constant 0 : i32
    %ne3A_2810 = vector.broadcast %ne3A_2809 : i32 to vector<16xi32>
    %ne3A_2811 = arith.cmpi ne, %rem3A_2808, %ne3A_2810 : vector<16xi32>
    %and3A_2812 = arith.andi %ne3A_2806, %ne3A_2811 : vector<16xi1>
    %sub3A_2813 = arith.constant 1 : i32
    %sub3A_2814 = vector.broadcast %sub3A_2813 : i32 to vector<16xi32>
    %sub3A_2815 = arith.subi %div3A_2788, %sub3A_2814 : vector<16xi32>
    %select_n3A_2816 = arith.select %and3A_2812, %sub3A_2815, %div3A_2788 : vector<16xi1>, vector<16xi32>
    %jit3A_2817 = arith.constant 196 : i32
    %eq3A_2818 = arith.constant 0 : i32
    %eq3A_2819 = arith.cmpi eq, %jit3A_2817, %eq3A_2818 : i32
    %jit3A_2820 = arith.constant 1 : i32
    %select_n3A_2821 = arith.select %eq3A_2819, %jit3A_2820, %jit3A_2817 : i32
    %rem3A_2822 = vector.broadcast %select_n3A_2821 : i32 to vector<16xi32>
    %rem3A_2823 = arith.remsi %add3A_2785, %rem3A_2822 : vector<16xi32>
    %ne3A_2824 = arith.constant 0 : i32
    %ne3A_2825 = vector.broadcast %ne3A_2824 : i32 to vector<16xi32>
    %ne3A_2826 = arith.cmpi ne, %rem3A_2823, %ne3A_2825 : vector<16xi32>
    %lt3A_2827 = arith.constant 0 : i32
    %lt3A_2828 = vector.broadcast %lt3A_2827 : i32 to vector<16xi32>
    %lt3A_2829 = arith.cmpi slt, %rem3A_2823, %lt3A_2828 : vector<16xi32>
    %lt3A_2830 = arith.constant 0 : i32
    %lt3A_2831 = arith.cmpi slt, %select_n3A_2821, %lt3A_2830 : i32
    %ne3A_2832 = vector.broadcast %lt3A_2831 : i1 to vector<16xi1>
    %ne3A_2833 = vector.broadcast %ne3A_2832 : vector<16xi1> to vector<16xi1>
    %ne3A_2834 = arith.xori %lt3A_2829, %ne3A_2833 : vector<16xi1>
    %and3A_2835 = arith.andi %ne3A_2834, %ne3A_2826 : vector<16xi1>
    %add3A_2836 = vector.broadcast %select_n3A_2821 : i32 to vector<16xi32>
    %add3A_2837 = arith.addi %rem3A_2823, %add3A_2836 : vector<16xi32>
    %select_n3A_2838 = arith.select %and3A_2835, %add3A_2837, %rem3A_2823 : vector<16xi1>, vector<16xi32>
    %gather3A_2839 = tpu.vector_load_idx %arg6[%select_n3A_2816] : memref<16xi32, #tpu.memory_space<vmem>>[vector<16xi32>], vector<16xi32>,
    %mul3A_2840 = arith.constant 16 : i32
    %mul3A_2841 = arith.muli %select_n3A, %mul3A_2840 : i32
    %add3A_2842 = vector.broadcast %mul3A_2841 : i32 to vector<16xi32>
    %add3A_2843 = arith.addi %add3A_2842, %gather3A_2839 : vector<16xi32>
    %mul3A_2844 = arith.constant 196 : i32
    %mul3A_2845 = vector.broadcast %mul3A_2844 : i32 to vector<16xi32>
    %mul3A_2846 = arith.muli %add3A_2843, %mul3A_2845 : vector<16xi32>
    %add3A_2847 = arith.addi %mul3A_2846, %select_n3A_2838 : vector<16xi32>
    %swap3A_2848 = arith.constant 64 : index
    %swap3A_2849 = tpu.vector_load %arg12[%swap3A_2848] {strides = array<i32>} : memref<112xi32, #tpu.memory_space<vmem>>, vector<16xi32>,
    tpu.vector_store %arg12[%swap3A_2848], %add3A_2847 {strides = array<i32>} : memref<112xi32, #tpu.memory_space<vmem>>, vector<16xi32>,
    %mul3A_2850 = arith.constant 784 : i32
    %mul3A_2851 = arith.muli %select_n3A_30, %mul3A_2850 : i32
    %add3A_2852 = arith.constant 640 : i32
    %add3A_2853 = arith.addi %mul3A_2851, %add3A_2852 : i32
    %add3A_2854 = vector.broadcast %add3A_2853 : i32 to vector<16xi32>
    %add3A_2855 = arith.addi %add3A_2854, %iota3A : vector<16xi32>
    %jit3A_2856 = arith.constant 196 : i32
    %div3A_2857 = vector.broadcast %jit3A_2856 : i32 to vector<16xi32>
    %div3A_2858 = arith.divsi %add3A_2855, %div3A_2857 : vector<16xi32>
    %sign3A_2859 = arith.constant 0 : i32
    %sign3A_2860 = vector.broadcast %sign3A_2859 : i32 to vector<16xi32>
    %sign3A_2861 = arith.cmpi sgt, %add3A_2855, %sign3A_2860 : vector<16xi32>
    %sign3A_2862 = arith.extui %sign3A_2861 : vector<16xi1> to vector<16xi32>
    %sign3A_2863 = arith.constant 0 : i32
    %sign3A_2864 = vector.broadcast %sign3A_2863 : i32 to vector<16xi32>
    %sign3A_2865 = arith.cmpi slt, %add3A_2855, %sign3A_2864 : vector<16xi32>
    %sign3A_2866 = arith.extui %sign3A_2865 : vector<16xi1> to vector<16xi32>
    %sign3A_2867 = arith.subi %sign3A_2862, %sign3A_2866 : vector<16xi32>
    %sign3A_2868 = arith.constant 0 : i32
    %sign3A_2869 = arith.cmpi sgt, %jit3A_2856, %sign3A_2868 : i32
    %sign3A_2870 = arith.extui %sign3A_2869 : i1 to i32
    %sign3A_2871 = arith.constant 0 : i32
    %sign3A_2872 = arith.cmpi slt, %jit3A_2856, %sign3A_2871 : i32
    %sign3A_2873 = arith.extui %sign3A_2872 : i1 to i32
    %sign3A_2874 = arith.subi %sign3A_2870, %sign3A_2873 : i32
    %ne3A_2875 = vector.broadcast %sign3A_2874 : i32 to vector<16xi32>
    %ne3A_2876 = arith.cmpi ne, %sign3A_2867, %ne3A_2875 : vector<16xi32>
    %rem3A_2877 = vector.broadcast %jit3A_2856 : i32 to vector<16xi32>
    %rem3A_2878 = arith.remsi %add3A_2855, %rem3A_2877 : vector<16xi32>
    %ne3A_2879 = arith.constant 0 : i32
    %ne3A_2880 = vector.broadcast %ne3A_2879 : i32 to vector<16xi32>
    %ne3A_2881 = arith.cmpi ne, %rem3A_2878, %ne3A_2880 : vector<16xi32>
    %and3A_2882 = arith.andi %ne3A_2876, %ne3A_2881 : vector<16xi1>
    %sub3A_2883 = arith.constant 1 : i32
    %sub3A_2884 = vector.broadcast %sub3A_2883 : i32 to vector<16xi32>
    %sub3A_2885 = arith.subi %div3A_2858, %sub3A_2884 : vector<16xi32>
    %select_n3A_2886 = arith.select %and3A_2882, %sub3A_2885, %div3A_2858 : vector<16xi1>, vector<16xi32>
    %jit3A_2887 = arith.constant 196 : i32
    %eq3A_2888 = arith.constant 0 : i32
    %eq3A_2889 = arith.cmpi eq, %jit3A_2887, %eq3A_2888 : i32
    %jit3A_2890 = arith.constant 1 : i32
    %select_n3A_2891 = arith.select %eq3A_2889, %jit3A_2890, %jit3A_2887 : i32
    %rem3A_2892 = vector.broadcast %select_n3A_2891 : i32 to vector<16xi32>
    %rem3A_2893 = arith.remsi %add3A_2855, %rem3A_2892 : vector<16xi32>
    %ne3A_2894 = arith.constant 0 : i32
    %ne3A_2895 = vector.broadcast %ne3A_2894 : i32 to vector<16xi32>
    %ne3A_2896 = arith.cmpi ne, %rem3A_2893, %ne3A_2895 : vector<16xi32>
    %lt3A_2897 = arith.constant 0 : i32
    %lt3A_2898 = vector.broadcast %lt3A_2897 : i32 to vector<16xi32>
    %lt3A_2899 = arith.cmpi slt, %rem3A_2893, %lt3A_2898 : vector<16xi32>
    %lt3A_2900 = arith.constant 0 : i32
    %lt3A_2901 = arith.cmpi slt, %select_n3A_2891, %lt3A_2900 : i32
    %ne3A_2902 = vector.broadcast %lt3A_2901 : i1 to vector<16xi1>
    %ne3A_2903 = vector.broadcast %ne3A_2902 : vector<16xi1> to vector<16xi1>
    %ne3A_2904 = arith.xori %lt3A_2899, %ne3A_2903 : vector<16xi1>
    %and3A_2905 = arith.andi %ne3A_2904, %ne3A_2896 : vector<16xi1>
    %add3A_2906 = vector.broadcast %select_n3A_2891 : i32 to vector<16xi32>
    %add3A_2907 = arith.addi %rem3A_2893, %add3A_2906 : vector<16xi32>
    %select_n3A_2908 = arith.select %and3A_2905, %add3A_2907, %rem3A_2893 : vector<16xi1>, vector<16xi32>
    %gather3A_2909 = tpu.vector_load_idx %arg6[%select_n3A_2886] : memref<16xi32, #tpu.memory_space<vmem>>[vector<16xi32>], vector<16xi32>,
    %mul3A_2910 = arith.constant 16 : i32
    %mul3A_2911 = arith.muli %select_n3A, %mul3A_2910 : i32
    %add3A_2912 = vector.broadcast %mul3A_2911 : i32 to vector<16xi32>
    %add3A_2913 = arith.addi %add3A_2912, %gather3A_2909 : vector<16xi32>
    %mul3A_2914 = arith.constant 196 : i32
    %mul3A_2915 = vector.broadcast %mul3A_2914 : i32 to vector<16xi32>
    %mul3A_2916 = arith.muli %add3A_2913, %mul3A_2915 : vector<16xi32>
    %add3A_2917 = arith.addi %mul3A_2916, %select_n3A_2908 : vector<16xi32>
    %swap3A_2918 = arith.constant 80 : index
    %swap3A_2919 = tpu.vector_load %arg12[%swap3A_2918] {strides = array<i32>} : memref<112xi32, #tpu.memory_space<vmem>>, vector<16xi32>,
    tpu.vector_store %arg12[%swap3A_2918], %add3A_2917 {strides = array<i32>} : memref<112xi32, #tpu.memory_space<vmem>>, vector<16xi32>,
    %mul3A_2920 = arith.constant 784 : i32
    %mul3A_2921 = arith.muli %select_n3A_30, %mul3A_2920 : i32
    %add3A_2922 = arith.constant 656 : i32
    %add3A_2923 = arith.addi %mul3A_2921, %add3A_2922 : i32
    %add3A_2924 = vector.broadcast %add3A_2923 : i32 to vector<16xi32>
    %add3A_2925 = arith.addi %add3A_2924, %iota3A : vector<16xi32>
    %jit3A_2926 = arith.constant 196 : i32
    %div3A_2927 = vector.broadcast %jit3A_2926 : i32 to vector<16xi32>
    %div3A_2928 = arith.divsi %add3A_2925, %div3A_2927 : vector<16xi32>
    %sign3A_2929 = arith.constant 0 : i32
    %sign3A_2930 = vector.broadcast %sign3A_2929 : i32 to vector<16xi32>
    %sign3A_2931 = arith.cmpi sgt, %add3A_2925, %sign3A_2930 : vector<16xi32>
    %sign3A_2932 = arith.extui %sign3A_2931 : vector<16xi1> to vector<16xi32>
    %sign3A_2933 = arith.constant 0 : i32
    %sign3A_2934 = vector.broadcast %sign3A_2933 : i32 to vector<16xi32>
    %sign3A_2935 = arith.cmpi slt, %add3A_2925, %sign3A_2934 : vector<16xi32>
    %sign3A_2936 = arith.extui %sign3A_2935 : vector<16xi1> to vector<16xi32>
    %sign3A_2937 = arith.subi %sign3A_2932, %sign3A_2936 : vector<16xi32>
    %sign3A_2938 = arith.constant 0 : i32
    %sign3A_2939 = arith.cmpi sgt, %jit3A_2926, %sign3A_2938 : i32
    %sign3A_2940 = arith.extui %sign3A_2939 : i1 to i32
    %sign3A_2941 = arith.constant 0 : i32
    %sign3A_2942 = arith.cmpi slt, %jit3A_2926, %sign3A_2941 : i32
    %sign3A_2943 = arith.extui %sign3A_2942 : i1 to i32
    %sign3A_2944 = arith.subi %sign3A_2940, %sign3A_2943 : i32
    %ne3A_2945 = vector.broadcast %sign3A_2944 : i32 to vector<16xi32>
    %ne3A_2946 = arith.cmpi ne, %sign3A_2937, %ne3A_2945 : vector<16xi32>
    %rem3A_2947 = vector.broadcast %jit3A_2926 : i32 to vector<16xi32>
    %rem3A_2948 = arith.remsi %add3A_2925, %rem3A_2947 : vector<16xi32>
    %ne3A_2949 = arith.constant 0 : i32
    %ne3A_2950 = vector.broadcast %ne3A_2949 : i32 to vector<16xi32>
    %ne3A_2951 = arith.cmpi ne, %rem3A_2948, %ne3A_2950 : vector<16xi32>
    %and3A_2952 = arith.andi %ne3A_2946, %ne3A_2951 : vector<16xi1>
    %sub3A_2953 = arith.constant 1 : i32
    %sub3A_2954 = vector.broadcast %sub3A_2953 : i32 to vector<16xi32>
    %sub3A_2955 = arith.subi %div3A_2928, %sub3A_2954 : vector<16xi32>
    %select_n3A_2956 = arith.select %and3A_2952, %sub3A_2955, %div3A_2928 : vector<16xi1>, vector<16xi32>
    %jit3A_2957 = arith.constant 196 : i32
    %eq3A_2958 = arith.constant 0 : i32
    %eq3A_2959 = arith.cmpi eq, %jit3A_2957, %eq3A_2958 : i32
    %jit3A_2960 = arith.constant 1 : i32
    %select_n3A_2961 = arith.select %eq3A_2959, %jit3A_2960, %jit3A_2957 : i32
    %rem3A_2962 = vector.broadcast %select_n3A_2961 : i32 to vector<16xi32>
    %rem3A_2963 = arith.remsi %add3A_2925, %rem3A_2962 : vector<16xi32>
    %ne3A_2964 = arith.constant 0 : i32
    %ne3A_2965 = vector.broadcast %ne3A_2964 : i32 to vector<16xi32>
    %ne3A_2966 = arith.cmpi ne, %rem3A_2963, %ne3A_2965 : vector<16xi32>
    %lt3A_2967 = arith.constant 0 : i32
    %lt3A_2968 = vector.broadcast %lt3A_2967 : i32 to vector<16xi32>
    %lt3A_2969 = arith.cmpi slt, %rem3A_2963, %lt3A_2968 : vector<16xi32>
    %lt3A_2970 = arith.constant 0 : i32
    %lt3A_2971 = arith.cmpi slt, %select_n3A_2961, %lt3A_2970 : i32
    %ne3A_2972 = vector.broadcast %lt3A_2971 : i1 to vector<16xi1>
    %ne3A_2973 = vector.broadcast %ne3A_2972 : vector<16xi1> to vector<16xi1>
    %ne3A_2974 = arith.xori %lt3A_2969, %ne3A_2973 : vector<16xi1>
    %and3A_2975 = arith.andi %ne3A_2974, %ne3A_2966 : vector<16xi1>
    %add3A_2976 = vector.broadcast %select_n3A_2961 : i32 to vector<16xi32>
    %add3A_2977 = arith.addi %rem3A_2963, %add3A_2976 : vector<16xi32>
    %select_n3A_2978 = arith.select %and3A_2975, %add3A_2977, %rem3A_2963 : vector<16xi1>, vector<16xi32>
    %gather3A_2979 = tpu.vector_load_idx %arg6[%select_n3A_2956] : memref<16xi32, #tpu.memory_space<vmem>>[vector<16xi32>], vector<16xi32>,
    %mul3A_2980 = arith.constant 16 : i32
    %mul3A_2981 = arith.muli %select_n3A, %mul3A_2980 : i32
    %add3A_2982 = vector.broadcast %mul3A_2981 : i32 to vector<16xi32>
    %add3A_2983 = arith.addi %add3A_2982, %gather3A_2979 : vector<16xi32>
    %mul3A_2984 = arith.constant 196 : i32
    %mul3A_2985 = vector.broadcast %mul3A_2984 : i32 to vector<16xi32>
    %mul3A_2986 = arith.muli %add3A_2983, %mul3A_2985 : vector<16xi32>
    %add3A_2987 = arith.addi %mul3A_2986, %select_n3A_2978 : vector<16xi32>
    %swap3A_2988 = arith.constant 96 : index
    %swap3A_2989 = tpu.vector_load %arg12[%swap3A_2988] {strides = array<i32>} : memref<112xi32, #tpu.memory_space<vmem>>, vector<16xi32>,
    tpu.vector_store %arg12[%swap3A_2988], %add3A_2987 {strides = array<i32>} : memref<112xi32, #tpu.memory_space<vmem>>, vector<16xi32>,
    %mul3A_2990 = arith.constant 784 : i32
    %mul3A_2991 = arith.muli %select_n3A_30, %mul3A_2990 : i32
    %add3A_2992 = arith.constant 672 : i32
    %add3A_2993 = arith.addi %mul3A_2991, %add3A_2992 : i32
    %add3A_2994 = vector.broadcast %add3A_2993 : i32 to vector<16xi32>
    %add3A_2995 = arith.addi %add3A_2994, %iota3A : vector<16xi32>
    %jit3A_2996 = arith.constant 196 : i32
    %div3A_2997 = vector.broadcast %jit3A_2996 : i32 to vector<16xi32>
    %div3A_2998 = arith.divsi %add3A_2995, %div3A_2997 : vector<16xi32>
    %sign3A_2999 = arith.constant 0 : i32
    %sign3A_3000 = vector.broadcast %sign3A_2999 : i32 to vector<16xi32>
    %sign3A_3001 = arith.cmpi sgt, %add3A_2995, %sign3A_3000 : vector<16xi32>
    %sign3A_3002 = arith.extui %sign3A_3001 : vector<16xi1> to vector<16xi32>
    %sign3A_3003 = arith.constant 0 : i32
    %sign3A_3004 = vector.broadcast %sign3A_3003 : i32 to vector<16xi32>
    %sign3A_3005 = arith.cmpi slt, %add3A_2995, %sign3A_3004 : vector<16xi32>
    %sign3A_3006 = arith.extui %sign3A_3005 : vector<16xi1> to vector<16xi32>
    %sign3A_3007 = arith.subi %sign3A_3002, %sign3A_3006 : vector<16xi32>
    %sign3A_3008 = arith.constant 0 : i32
    %sign3A_3009 = arith.cmpi sgt, %jit3A_2996, %sign3A_3008 : i32
    %sign3A_3010 = arith.extui %sign3A_3009 : i1 to i32
    %sign3A_3011 = arith.constant 0 : i32
    %sign3A_3012 = arith.cmpi slt, %jit3A_2996, %sign3A_3011 : i32
    %sign3A_3013 = arith.extui %sign3A_3012 : i1 to i32
    %sign3A_3014 = arith.subi %sign3A_3010, %sign3A_3013 : i32
    %ne3A_3015 = vector.broadcast %sign3A_3014 : i32 to vector<16xi32>
    %ne3A_3016 = arith.cmpi ne, %sign3A_3007, %ne3A_3015 : vector<16xi32>
    %rem3A_3017 = vector.broadcast %jit3A_2996 : i32 to vector<16xi32>
    %rem3A_3018 = arith.remsi %add3A_2995, %rem3A_3017 : vector<16xi32>
    %ne3A_3019 = arith.constant 0 : i32
    %ne3A_3020 = vector.broadcast %ne3A_3019 : i32 to vector<16xi32>
    %ne3A_3021 = arith.cmpi ne, %rem3A_3018, %ne3A_3020 : vector<16xi32>
    %and3A_3022 = arith.andi %ne3A_3016, %ne3A_3021 : vector<16xi1>
    %sub3A_3023 = arith.constant 1 : i32
    %sub3A_3024 = vector.broadcast %sub3A_3023 : i32 to vector<16xi32>
    %sub3A_3025 = arith.subi %div3A_2998, %sub3A_3024 : vector<16xi32>
    %select_n3A_3026 = arith.select %and3A_3022, %sub3A_3025, %div3A_2998 : vector<16xi1>, vector<16xi32>
    %jit3A_3027 = arith.constant 196 : i32
    %eq3A_3028 = arith.constant 0 : i32
    %eq3A_3029 = arith.cmpi eq, %jit3A_3027, %eq3A_3028 : i32
    %jit3A_3030 = arith.constant 1 : i32
    %select_n3A_3031 = arith.select %eq3A_3029, %jit3A_3030, %jit3A_3027 : i32
    %rem3A_3032 = vector.broadcast %select_n3A_3031 : i32 to vector<16xi32>
    %rem3A_3033 = arith.remsi %add3A_2995, %rem3A_3032 : vector<16xi32>
    %ne3A_3034 = arith.constant 0 : i32
    %ne3A_3035 = vector.broadcast %ne3A_3034 : i32 to vector<16xi32>
    %ne3A_3036 = arith.cmpi ne, %rem3A_3033, %ne3A_3035 : vector<16xi32>
    %lt3A_3037 = arith.constant 0 : i32
    %lt3A_3038 = vector.broadcast %lt3A_3037 : i32 to vector<16xi32>
    %lt3A_3039 = arith.cmpi slt, %rem3A_3033, %lt3A_3038 : vector<16xi32>
    %lt3A_3040 = arith.constant 0 : i32
    %lt3A_3041 = arith.cmpi slt, %select_n3A_3031, %lt3A_3040 : i32
    %ne3A_3042 = vector.broadcast %lt3A_3041 : i1 to vector<16xi1>
    %ne3A_3043 = vector.broadcast %ne3A_3042 : vector<16xi1> to vector<16xi1>
    %ne3A_3044 = arith.xori %lt3A_3039, %ne3A_3043 : vector<16xi1>
    %and3A_3045 = arith.andi %ne3A_3044, %ne3A_3036 : vector<16xi1>
    %add3A_3046 = vector.broadcast %select_n3A_3031 : i32 to vector<16xi32>
    %add3A_3047 = arith.addi %rem3A_3033, %add3A_3046 : vector<16xi32>
    %select_n3A_3048 = arith.select %and3A_3045, %add3A_3047, %rem3A_3033 : vector<16xi1>, vector<16xi32>
    %gather3A_3049 = tpu.vector_load_idx %arg6[%select_n3A_3026] : memref<16xi32, #tpu.memory_space<vmem>>[vector<16xi32>], vector<16xi32>,
    %mul3A_3050 = arith.constant 16 : i32
    %mul3A_3051 = arith.muli %select_n3A, %mul3A_3050 : i32
    %add3A_3052 = vector.broadcast %mul3A_3051 : i32 to vector<16xi32>
    %add3A_3053 = arith.addi %add3A_3052, %gather3A_3049 : vector<16xi32>
    %mul3A_3054 = arith.constant 196 : i32
    %mul3A_3055 = vector.broadcast %mul3A_3054 : i32 to vector<16xi32>
    %mul3A_3056 = arith.muli %add3A_3053, %mul3A_3055 : vector<16xi32>
    %add3A_3057 = arith.addi %mul3A_3056, %select_n3A_3048 : vector<16xi32>
    %swap3A_3058 = arith.constant 0 : index
    %swap3A_3059 = tpu.vector_load %arg13[%swap3A_3058] {strides = array<i32>} : memref<112xi32, #tpu.memory_space<vmem>>, vector<16xi32>,
    tpu.vector_store %arg13[%swap3A_3058], %add3A_3057 {strides = array<i32>} : memref<112xi32, #tpu.memory_space<vmem>>, vector<16xi32>,
    %mul3A_3060 = arith.constant 784 : i32
    %mul3A_3061 = arith.muli %select_n3A_30, %mul3A_3060 : i32
    %add3A_3062 = arith.constant 688 : i32
    %add3A_3063 = arith.addi %mul3A_3061, %add3A_3062 : i32
    %add3A_3064 = vector.broadcast %add3A_3063 : i32 to vector<16xi32>
    %add3A_3065 = arith.addi %add3A_3064, %iota3A : vector<16xi32>
    %jit3A_3066 = arith.constant 196 : i32
    %div3A_3067 = vector.broadcast %jit3A_3066 : i32 to vector<16xi32>
    %div3A_3068 = arith.divsi %add3A_3065, %div3A_3067 : vector<16xi32>
    %sign3A_3069 = arith.constant 0 : i32
    %sign3A_3070 = vector.broadcast %sign3A_3069 : i32 to vector<16xi32>
    %sign3A_3071 = arith.cmpi sgt, %add3A_3065, %sign3A_3070 : vector<16xi32>
    %sign3A_3072 = arith.extui %sign3A_3071 : vector<16xi1> to vector<16xi32>
    %sign3A_3073 = arith.constant 0 : i32
    %sign3A_3074 = vector.broadcast %sign3A_3073 : i32 to vector<16xi32>
    %sign3A_3075 = arith.cmpi slt, %add3A_3065, %sign3A_3074 : vector<16xi32>
    %sign3A_3076 = arith.extui %sign3A_3075 : vector<16xi1> to vector<16xi32>
    %sign3A_3077 = arith.subi %sign3A_3072, %sign3A_3076 : vector<16xi32>
    %sign3A_3078 = arith.constant 0 : i32
    %sign3A_3079 = arith.cmpi sgt, %jit3A_3066, %sign3A_3078 : i32
    %sign3A_3080 = arith.extui %sign3A_3079 : i1 to i32
    %sign3A_3081 = arith.constant 0 : i32
    %sign3A_3082 = arith.cmpi slt, %jit3A_3066, %sign3A_3081 : i32
    %sign3A_3083 = arith.extui %sign3A_3082 : i1 to i32
    %sign3A_3084 = arith.subi %sign3A_3080, %sign3A_3083 : i32
    %ne3A_3085 = vector.broadcast %sign3A_3084 : i32 to vector<16xi32>
    %ne3A_3086 = arith.cmpi ne, %sign3A_3077, %ne3A_3085 : vector<16xi32>
    %rem3A_3087 = vector.broadcast %jit3A_3066 : i32 to vector<16xi32>
    %rem3A_3088 = arith.remsi %add3A_3065, %rem3A_3087 : vector<16xi32>
    %ne3A_3089 = arith.constant 0 : i32
    %ne3A_3090 = vector.broadcast %ne3A_3089 : i32 to vector<16xi32>
    %ne3A_3091 = arith.cmpi ne, %rem3A_3088, %ne3A_3090 : vector<16xi32>
    %and3A_3092 = arith.andi %ne3A_3086, %ne3A_3091 : vector<16xi1>
    %sub3A_3093 = arith.constant 1 : i32
    %sub3A_3094 = vector.broadcast %sub3A_3093 : i32 to vector<16xi32>
    %sub3A_3095 = arith.subi %div3A_3068, %sub3A_3094 : vector<16xi32>
    %select_n3A_3096 = arith.select %and3A_3092, %sub3A_3095, %div3A_3068 : vector<16xi1>, vector<16xi32>
    %jit3A_3097 = arith.constant 196 : i32
    %eq3A_3098 = arith.constant 0 : i32
    %eq3A_3099 = arith.cmpi eq, %jit3A_3097, %eq3A_3098 : i32
    %jit3A_3100 = arith.constant 1 : i32
    %select_n3A_3101 = arith.select %eq3A_3099, %jit3A_3100, %jit3A_3097 : i32
    %rem3A_3102 = vector.broadcast %select_n3A_3101 : i32 to vector<16xi32>
    %rem3A_3103 = arith.remsi %add3A_3065, %rem3A_3102 : vector<16xi32>
    %ne3A_3104 = arith.constant 0 : i32
    %ne3A_3105 = vector.broadcast %ne3A_3104 : i32 to vector<16xi32>
    %ne3A_3106 = arith.cmpi ne, %rem3A_3103, %ne3A_3105 : vector<16xi32>
    %lt3A_3107 = arith.constant 0 : i32
    %lt3A_3108 = vector.broadcast %lt3A_3107 : i32 to vector<16xi32>
    %lt3A_3109 = arith.cmpi slt, %rem3A_3103, %lt3A_3108 : vector<16xi32>
    %lt3A_3110 = arith.constant 0 : i32
    %lt3A_3111 = arith.cmpi slt, %select_n3A_3101, %lt3A_3110 : i32
    %ne3A_3112 = vector.broadcast %lt3A_3111 : i1 to vector<16xi1>
    %ne3A_3113 = vector.broadcast %ne3A_3112 : vector<16xi1> to vector<16xi1>
    %ne3A_3114 = arith.xori %lt3A_3109, %ne3A_3113 : vector<16xi1>
    %and3A_3115 = arith.andi %ne3A_3114, %ne3A_3106 : vector<16xi1>
    %add3A_3116 = vector.broadcast %select_n3A_3101 : i32 to vector<16xi32>
    %add3A_3117 = arith.addi %rem3A_3103, %add3A_3116 : vector<16xi32>
    %select_n3A_3118 = arith.select %and3A_3115, %add3A_3117, %rem3A_3103 : vector<16xi1>, vector<16xi32>
    %gather3A_3119 = tpu.vector_load_idx %arg6[%select_n3A_3096] : memref<16xi32, #tpu.memory_space<vmem>>[vector<16xi32>], vector<16xi32>,
    %mul3A_3120 = arith.constant 16 : i32
    %mul3A_3121 = arith.muli %select_n3A, %mul3A_3120 : i32
    %add3A_3122 = vector.broadcast %mul3A_3121 : i32 to vector<16xi32>
    %add3A_3123 = arith.addi %add3A_3122, %gather3A_3119 : vector<16xi32>
    %mul3A_3124 = arith.constant 196 : i32
    %mul3A_3125 = vector.broadcast %mul3A_3124 : i32 to vector<16xi32>
    %mul3A_3126 = arith.muli %add3A_3123, %mul3A_3125 : vector<16xi32>
    %add3A_3127 = arith.addi %mul3A_3126, %select_n3A_3118 : vector<16xi32>
    %swap3A_3128 = arith.constant 16 : index
    %swap3A_3129 = tpu.vector_load %arg13[%swap3A_3128] {strides = array<i32>} : memref<112xi32, #tpu.memory_space<vmem>>, vector<16xi32>,
    tpu.vector_store %arg13[%swap3A_3128], %add3A_3127 {strides = array<i32>} : memref<112xi32, #tpu.memory_space<vmem>>, vector<16xi32>,
    %mul3A_3130 = arith.constant 784 : i32
    %mul3A_3131 = arith.muli %select_n3A_30, %mul3A_3130 : i32
    %add3A_3132 = arith.constant 704 : i32
    %add3A_3133 = arith.addi %mul3A_3131, %add3A_3132 : i32
    %add3A_3134 = vector.broadcast %add3A_3133 : i32 to vector<16xi32>
    %add3A_3135 = arith.addi %add3A_3134, %iota3A : vector<16xi32>
    %jit3A_3136 = arith.constant 196 : i32
    %div3A_3137 = vector.broadcast %jit3A_3136 : i32 to vector<16xi32>
    %div3A_3138 = arith.divsi %add3A_3135, %div3A_3137 : vector<16xi32>
    %sign3A_3139 = arith.constant 0 : i32
    %sign3A_3140 = vector.broadcast %sign3A_3139 : i32 to vector<16xi32>
    %sign3A_3141 = arith.cmpi sgt, %add3A_3135, %sign3A_3140 : vector<16xi32>
    %sign3A_3142 = arith.extui %sign3A_3141 : vector<16xi1> to vector<16xi32>
    %sign3A_3143 = arith.constant 0 : i32
    %sign3A_3144 = vector.broadcast %sign3A_3143 : i32 to vector<16xi32>
    %sign3A_3145 = arith.cmpi slt, %add3A_3135, %sign3A_3144 : vector<16xi32>
    %sign3A_3146 = arith.extui %sign3A_3145 : vector<16xi1> to vector<16xi32>
    %sign3A_3147 = arith.subi %sign3A_3142, %sign3A_3146 : vector<16xi32>
    %sign3A_3148 = arith.constant 0 : i32
    %sign3A_3149 = arith.cmpi sgt, %jit3A_3136, %sign3A_3148 : i32
    %sign3A_3150 = arith.extui %sign3A_3149 : i1 to i32
    %sign3A_3151 = arith.constant 0 : i32
    %sign3A_3152 = arith.cmpi slt, %jit3A_3136, %sign3A_3151 : i32
    %sign3A_3153 = arith.extui %sign3A_3152 : i1 to i32
    %sign3A_3154 = arith.subi %sign3A_3150, %sign3A_3153 : i32
    %ne3A_3155 = vector.broadcast %sign3A_3154 : i32 to vector<16xi32>
    %ne3A_3156 = arith.cmpi ne, %sign3A_3147, %ne3A_3155 : vector<16xi32>
    %rem3A_3157 = vector.broadcast %jit3A_3136 : i32 to vector<16xi32>
    %rem3A_3158 = arith.remsi %add3A_3135, %rem3A_3157 : vector<16xi32>
    %ne3A_3159 = arith.constant 0 : i32
    %ne3A_3160 = vector.broadcast %ne3A_3159 : i32 to vector<16xi32>
    %ne3A_3161 = arith.cmpi ne, %rem3A_3158, %ne3A_3160 : vector<16xi32>
    %and3A_3162 = arith.andi %ne3A_3156, %ne3A_3161 : vector<16xi1>
    %sub3A_3163 = arith.constant 1 : i32
    %sub3A_3164 = vector.broadcast %sub3A_3163 : i32 to vector<16xi32>
    %sub3A_3165 = arith.subi %div3A_3138, %sub3A_3164 : vector<16xi32>
    %select_n3A_3166 = arith.select %and3A_3162, %sub3A_3165, %div3A_3138 : vector<16xi1>, vector<16xi32>
    %jit3A_3167 = arith.constant 196 : i32
    %eq3A_3168 = arith.constant 0 : i32
    %eq3A_3169 = arith.cmpi eq, %jit3A_3167, %eq3A_3168 : i32
    %jit3A_3170 = arith.constant 1 : i32
    %select_n3A_3171 = arith.select %eq3A_3169, %jit3A_3170, %jit3A_3167 : i32
    %rem3A_3172 = vector.broadcast %select_n3A_3171 : i32 to vector<16xi32>
    %rem3A_3173 = arith.remsi %add3A_3135, %rem3A_3172 : vector<16xi32>
    %ne3A_3174 = arith.constant 0 : i32
    %ne3A_3175 = vector.broadcast %ne3A_3174 : i32 to vector<16xi32>
    %ne3A_3176 = arith.cmpi ne, %rem3A_3173, %ne3A_3175 : vector<16xi32>
    %lt3A_3177 = arith.constant 0 : i32
    %lt3A_3178 = vector.broadcast %lt3A_3177 : i32 to vector<16xi32>
    %lt3A_3179 = arith.cmpi slt, %rem3A_3173, %lt3A_3178 : vector<16xi32>
    %lt3A_3180 = arith.constant 0 : i32
    %lt3A_3181 = arith.cmpi slt, %select_n3A_3171, %lt3A_3180 : i32
    %ne3A_3182 = vector.broadcast %lt3A_3181 : i1 to vector<16xi1>
    %ne3A_3183 = vector.broadcast %ne3A_3182 : vector<16xi1> to vector<16xi1>
    %ne3A_3184 = arith.xori %lt3A_3179, %ne3A_3183 : vector<16xi1>
    %and3A_3185 = arith.andi %ne3A_3184, %ne3A_3176 : vector<16xi1>
    %add3A_3186 = vector.broadcast %select_n3A_3171 : i32 to vector<16xi32>
    %add3A_3187 = arith.addi %rem3A_3173, %add3A_3186 : vector<16xi32>
    %select_n3A_3188 = arith.select %and3A_3185, %add3A_3187, %rem3A_3173 : vector<16xi1>, vector<16xi32>
    %gather3A_3189 = tpu.vector_load_idx %arg6[%select_n3A_3166] : memref<16xi32, #tpu.memory_space<vmem>>[vector<16xi32>], vector<16xi32>,
    %mul3A_3190 = arith.constant 16 : i32
    %mul3A_3191 = arith.muli %select_n3A, %mul3A_3190 : i32
    %add3A_3192 = vector.broadcast %mul3A_3191 : i32 to vector<16xi32>
    %add3A_3193 = arith.addi %add3A_3192, %gather3A_3189 : vector<16xi32>
    %mul3A_3194 = arith.constant 196 : i32
    %mul3A_3195 = vector.broadcast %mul3A_3194 : i32 to vector<16xi32>
    %mul3A_3196 = arith.muli %add3A_3193, %mul3A_3195 : vector<16xi32>
    %add3A_3197 = arith.addi %mul3A_3196, %select_n3A_3188 : vector<16xi32>
    %swap3A_3198 = arith.constant 32 : index
    %swap3A_3199 = tpu.vector_load %arg13[%swap3A_3198] {strides = array<i32>} : memref<112xi32, #tpu.memory_space<vmem>>, vector<16xi32>,
    tpu.vector_store %arg13[%swap3A_3198], %add3A_3197 {strides = array<i32>} : memref<112xi32, #tpu.memory_space<vmem>>, vector<16xi32>,
    %mul3A_3200 = arith.constant 784 : i32
    %mul3A_3201 = arith.muli %select_n3A_30, %mul3A_3200 : i32
    %add3A_3202 = arith.constant 720 : i32
    %add3A_3203 = arith.addi %mul3A_3201, %add3A_3202 : i32
    %add3A_3204 = vector.broadcast %add3A_3203 : i32 to vector<16xi32>
    %add3A_3205 = arith.addi %add3A_3204, %iota3A : vector<16xi32>
    %jit3A_3206 = arith.constant 196 : i32
    %div3A_3207 = vector.broadcast %jit3A_3206 : i32 to vector<16xi32>
    %div3A_3208 = arith.divsi %add3A_3205, %div3A_3207 : vector<16xi32>
    %sign3A_3209 = arith.constant 0 : i32
    %sign3A_3210 = vector.broadcast %sign3A_3209 : i32 to vector<16xi32>
    %sign3A_3211 = arith.cmpi sgt, %add3A_3205, %sign3A_3210 : vector<16xi32>
    %sign3A_3212 = arith.extui %sign3A_3211 : vector<16xi1> to vector<16xi32>
    %sign3A_3213 = arith.constant 0 : i32
    %sign3A_3214 = vector.broadcast %sign3A_3213 : i32 to vector<16xi32>
    %sign3A_3215 = arith.cmpi slt, %add3A_3205, %sign3A_3214 : vector<16xi32>
    %sign3A_3216 = arith.extui %sign3A_3215 : vector<16xi1> to vector<16xi32>
    %sign3A_3217 = arith.subi %sign3A_3212, %sign3A_3216 : vector<16xi32>
    %sign3A_3218 = arith.constant 0 : i32
    %sign3A_3219 = arith.cmpi sgt, %jit3A_3206, %sign3A_3218 : i32
    %sign3A_3220 = arith.extui %sign3A_3219 : i1 to i32
    %sign3A_3221 = arith.constant 0 : i32
    %sign3A_3222 = arith.cmpi slt, %jit3A_3206, %sign3A_3221 : i32
    %sign3A_3223 = arith.extui %sign3A_3222 : i1 to i32
    %sign3A_3224 = arith.subi %sign3A_3220, %sign3A_3223 : i32
    %ne3A_3225 = vector.broadcast %sign3A_3224 : i32 to vector<16xi32>
    %ne3A_3226 = arith.cmpi ne, %sign3A_3217, %ne3A_3225 : vector<16xi32>
    %rem3A_3227 = vector.broadcast %jit3A_3206 : i32 to vector<16xi32>
    %rem3A_3228 = arith.remsi %add3A_3205, %rem3A_3227 : vector<16xi32>
    %ne3A_3229 = arith.constant 0 : i32
    %ne3A_3230 = vector.broadcast %ne3A_3229 : i32 to vector<16xi32>
    %ne3A_3231 = arith.cmpi ne, %rem3A_3228, %ne3A_3230 : vector<16xi32>
    %and3A_3232 = arith.andi %ne3A_3226, %ne3A_3231 : vector<16xi1>
    %sub3A_3233 = arith.constant 1 : i32
    %sub3A_3234 = vector.broadcast %sub3A_3233 : i32 to vector<16xi32>
    %sub3A_3235 = arith.subi %div3A_3208, %sub3A_3234 : vector<16xi32>
    %select_n3A_3236 = arith.select %and3A_3232, %sub3A_3235, %div3A_3208 : vector<16xi1>, vector<16xi32>
    %jit3A_3237 = arith.constant 196 : i32
    %eq3A_3238 = arith.constant 0 : i32
    %eq3A_3239 = arith.cmpi eq, %jit3A_3237, %eq3A_3238 : i32
    %jit3A_3240 = arith.constant 1 : i32
    %select_n3A_3241 = arith.select %eq3A_3239, %jit3A_3240, %jit3A_3237 : i32
    %rem3A_3242 = vector.broadcast %select_n3A_3241 : i32 to vector<16xi32>
    %rem3A_3243 = arith.remsi %add3A_3205, %rem3A_3242 : vector<16xi32>
    %ne3A_3244 = arith.constant 0 : i32
    %ne3A_3245 = vector.broadcast %ne3A_3244 : i32 to vector<16xi32>
    %ne3A_3246 = arith.cmpi ne, %rem3A_3243, %ne3A_3245 : vector<16xi32>
    %lt3A_3247 = arith.constant 0 : i32
    %lt3A_3248 = vector.broadcast %lt3A_3247 : i32 to vector<16xi32>
    %lt3A_3249 = arith.cmpi slt, %rem3A_3243, %lt3A_3248 : vector<16xi32>
    %lt3A_3250 = arith.constant 0 : i32
    %lt3A_3251 = arith.cmpi slt, %select_n3A_3241, %lt3A_3250 : i32
    %ne3A_3252 = vector.broadcast %lt3A_3251 : i1 to vector<16xi1>
    %ne3A_3253 = vector.broadcast %ne3A_3252 : vector<16xi1> to vector<16xi1>
    %ne3A_3254 = arith.xori %lt3A_3249, %ne3A_3253 : vector<16xi1>
    %and3A_3255 = arith.andi %ne3A_3254, %ne3A_3246 : vector<16xi1>
    %add3A_3256 = vector.broadcast %select_n3A_3241 : i32 to vector<16xi32>
    %add3A_3257 = arith.addi %rem3A_3243, %add3A_3256 : vector<16xi32>
    %select_n3A_3258 = arith.select %and3A_3255, %add3A_3257, %rem3A_3243 : vector<16xi1>, vector<16xi32>
    %gather3A_3259 = tpu.vector_load_idx %arg6[%select_n3A_3236] : memref<16xi32, #tpu.memory_space<vmem>>[vector<16xi32>], vector<16xi32>,
    %mul3A_3260 = arith.constant 16 : i32
    %mul3A_3261 = arith.muli %select_n3A, %mul3A_3260 : i32
    %add3A_3262 = vector.broadcast %mul3A_3261 : i32 to vector<16xi32>
    %add3A_3263 = arith.addi %add3A_3262, %gather3A_3259 : vector<16xi32>
    %mul3A_3264 = arith.constant 196 : i32
    %mul3A_3265 = vector.broadcast %mul3A_3264 : i32 to vector<16xi32>
    %mul3A_3266 = arith.muli %add3A_3263, %mul3A_3265 : vector<16xi32>
    %add3A_3267 = arith.addi %mul3A_3266, %select_n3A_3258 : vector<16xi32>
    %swap3A_3268 = arith.constant 48 : index
    %swap3A_3269 = tpu.vector_load %arg13[%swap3A_3268] {strides = array<i32>} : memref<112xi32, #tpu.memory_space<vmem>>, vector<16xi32>,
    tpu.vector_store %arg13[%swap3A_3268], %add3A_3267 {strides = array<i32>} : memref<112xi32, #tpu.memory_space<vmem>>, vector<16xi32>,
    %mul3A_3270 = arith.constant 784 : i32
    %mul3A_3271 = arith.muli %select_n3A_30, %mul3A_3270 : i32
    %add3A_3272 = arith.constant 736 : i32
    %add3A_3273 = arith.addi %mul3A_3271, %add3A_3272 : i32
    %add3A_3274 = vector.broadcast %add3A_3273 : i32 to vector<16xi32>
    %add3A_3275 = arith.addi %add3A_3274, %iota3A : vector<16xi32>
    %jit3A_3276 = arith.constant 196 : i32
    %div3A_3277 = vector.broadcast %jit3A_3276 : i32 to vector<16xi32>
    %div3A_3278 = arith.divsi %add3A_3275, %div3A_3277 : vector<16xi32>
    %sign3A_3279 = arith.constant 0 : i32
    %sign3A_3280 = vector.broadcast %sign3A_3279 : i32 to vector<16xi32>
    %sign3A_3281 = arith.cmpi sgt, %add3A_3275, %sign3A_3280 : vector<16xi32>
    %sign3A_3282 = arith.extui %sign3A_3281 : vector<16xi1> to vector<16xi32>
    %sign3A_3283 = arith.constant 0 : i32
    %sign3A_3284 = vector.broadcast %sign3A_3283 : i32 to vector<16xi32>
    %sign3A_3285 = arith.cmpi slt, %add3A_3275, %sign3A_3284 : vector<16xi32>
    %sign3A_3286 = arith.extui %sign3A_3285 : vector<16xi1> to vector<16xi32>
    %sign3A_3287 = arith.subi %sign3A_3282, %sign3A_3286 : vector<16xi32>
    %sign3A_3288 = arith.constant 0 : i32
    %sign3A_3289 = arith.cmpi sgt, %jit3A_3276, %sign3A_3288 : i32
    %sign3A_3290 = arith.extui %sign3A_3289 : i1 to i32
    %sign3A_3291 = arith.constant 0 : i32
    %sign3A_3292 = arith.cmpi slt, %jit3A_3276, %sign3A_3291 : i32
    %sign3A_3293 = arith.extui %sign3A_3292 : i1 to i32
    %sign3A_3294 = arith.subi %sign3A_3290, %sign3A_3293 : i32
    %ne3A_3295 = vector.broadcast %sign3A_3294 : i32 to vector<16xi32>
    %ne3A_3296 = arith.cmpi ne, %sign3A_3287, %ne3A_3295 : vector<16xi32>
    %rem3A_3297 = vector.broadcast %jit3A_3276 : i32 to vector<16xi32>
    %rem3A_3298 = arith.remsi %add3A_3275, %rem3A_3297 : vector<16xi32>
    %ne3A_3299 = arith.constant 0 : i32
    %ne3A_3300 = vector.broadcast %ne3A_3299 : i32 to vector<16xi32>
    %ne3A_3301 = arith.cmpi ne, %rem3A_3298, %ne3A_3300 : vector<16xi32>
    %and3A_3302 = arith.andi %ne3A_3296, %ne3A_3301 : vector<16xi1>
    %sub3A_3303 = arith.constant 1 : i32
    %sub3A_3304 = vector.broadcast %sub3A_3303 : i32 to vector<16xi32>
    %sub3A_3305 = arith.subi %div3A_3278, %sub3A_3304 : vector<16xi32>
    %select_n3A_3306 = arith.select %and3A_3302, %sub3A_3305, %div3A_3278 : vector<16xi1>, vector<16xi32>
    %jit3A_3307 = arith.constant 196 : i32
    %eq3A_3308 = arith.constant 0 : i32
    %eq3A_3309 = arith.cmpi eq, %jit3A_3307, %eq3A_3308 : i32
    %jit3A_3310 = arith.constant 1 : i32
    %select_n3A_3311 = arith.select %eq3A_3309, %jit3A_3310, %jit3A_3307 : i32
    %rem3A_3312 = vector.broadcast %select_n3A_3311 : i32 to vector<16xi32>
    %rem3A_3313 = arith.remsi %add3A_3275, %rem3A_3312 : vector<16xi32>
    %ne3A_3314 = arith.constant 0 : i32
    %ne3A_3315 = vector.broadcast %ne3A_3314 : i32 to vector<16xi32>
    %ne3A_3316 = arith.cmpi ne, %rem3A_3313, %ne3A_3315 : vector<16xi32>
    %lt3A_3317 = arith.constant 0 : i32
    %lt3A_3318 = vector.broadcast %lt3A_3317 : i32 to vector<16xi32>
    %lt3A_3319 = arith.cmpi slt, %rem3A_3313, %lt3A_3318 : vector<16xi32>
    %lt3A_3320 = arith.constant 0 : i32
    %lt3A_3321 = arith.cmpi slt, %select_n3A_3311, %lt3A_3320 : i32
    %ne3A_3322 = vector.broadcast %lt3A_3321 : i1 to vector<16xi1>
    %ne3A_3323 = vector.broadcast %ne3A_3322 : vector<16xi1> to vector<16xi1>
    %ne3A_3324 = arith.xori %lt3A_3319, %ne3A_3323 : vector<16xi1>
    %and3A_3325 = arith.andi %ne3A_3324, %ne3A_3316 : vector<16xi1>
    %add3A_3326 = vector.broadcast %select_n3A_3311 : i32 to vector<16xi32>
    %add3A_3327 = arith.addi %rem3A_3313, %add3A_3326 : vector<16xi32>
    %select_n3A_3328 = arith.select %and3A_3325, %add3A_3327, %rem3A_3313 : vector<16xi1>, vector<16xi32>
    %gather3A_3329 = tpu.vector_load_idx %arg6[%select_n3A_3306] : memref<16xi32, #tpu.memory_space<vmem>>[vector<16xi32>], vector<16xi32>,
    %mul3A_3330 = arith.constant 16 : i32
    %mul3A_3331 = arith.muli %select_n3A, %mul3A_3330 : i32
    %add3A_3332 = vector.broadcast %mul3A_3331 : i32 to vector<16xi32>
    %add3A_3333 = arith.addi %add3A_3332, %gather3A_3329 : vector<16xi32>
    %mul3A_3334 = arith.constant 196 : i32
    %mul3A_3335 = vector.broadcast %mul3A_3334 : i32 to vector<16xi32>
    %mul3A_3336 = arith.muli %add3A_3333, %mul3A_3335 : vector<16xi32>
    %add3A_3337 = arith.addi %mul3A_3336, %select_n3A_3328 : vector<16xi32>
    %swap3A_3338 = arith.constant 64 : index
    %swap3A_3339 = tpu.vector_load %arg13[%swap3A_3338] {strides = array<i32>} : memref<112xi32, #tpu.memory_space<vmem>>, vector<16xi32>,
    tpu.vector_store %arg13[%swap3A_3338], %add3A_3337 {strides = array<i32>} : memref<112xi32, #tpu.memory_space<vmem>>, vector<16xi32>,
    %mul3A_3340 = arith.constant 784 : i32
    %mul3A_3341 = arith.muli %select_n3A_30, %mul3A_3340 : i32
    %add3A_3342 = arith.constant 752 : i32
    %add3A_3343 = arith.addi %mul3A_3341, %add3A_3342 : i32
    %add3A_3344 = vector.broadcast %add3A_3343 : i32 to vector<16xi32>
    %add3A_3345 = arith.addi %add3A_3344, %iota3A : vector<16xi32>
    %jit3A_3346 = arith.constant 196 : i32
    %div3A_3347 = vector.broadcast %jit3A_3346 : i32 to vector<16xi32>
    %div3A_3348 = arith.divsi %add3A_3345, %div3A_3347 : vector<16xi32>
    %sign3A_3349 = arith.constant 0 : i32
    %sign3A_3350 = vector.broadcast %sign3A_3349 : i32 to vector<16xi32>
    %sign3A_3351 = arith.cmpi sgt, %add3A_3345, %sign3A_3350 : vector<16xi32>
    %sign3A_3352 = arith.extui %sign3A_3351 : vector<16xi1> to vector<16xi32>
    %sign3A_3353 = arith.constant 0 : i32
    %sign3A_3354 = vector.broadcast %sign3A_3353 : i32 to vector<16xi32>
    %sign3A_3355 = arith.cmpi slt, %add3A_3345, %sign3A_3354 : vector<16xi32>
    %sign3A_3356 = arith.extui %sign3A_3355 : vector<16xi1> to vector<16xi32>
    %sign3A_3357 = arith.subi %sign3A_3352, %sign3A_3356 : vector<16xi32>
    %sign3A_3358 = arith.constant 0 : i32
    %sign3A_3359 = arith.cmpi sgt, %jit3A_3346, %sign3A_3358 : i32
    %sign3A_3360 = arith.extui %sign3A_3359 : i1 to i32
    %sign3A_3361 = arith.constant 0 : i32
    %sign3A_3362 = arith.cmpi slt, %jit3A_3346, %sign3A_3361 : i32
    %sign3A_3363 = arith.extui %sign3A_3362 : i1 to i32
    %sign3A_3364 = arith.subi %sign3A_3360, %sign3A_3363 : i32
    %ne3A_3365 = vector.broadcast %sign3A_3364 : i32 to vector<16xi32>
    %ne3A_3366 = arith.cmpi ne, %sign3A_3357, %ne3A_3365 : vector<16xi32>
    %rem3A_3367 = vector.broadcast %jit3A_3346 : i32 to vector<16xi32>
    %rem3A_3368 = arith.remsi %add3A_3345, %rem3A_3367 : vector<16xi32>
    %ne3A_3369 = arith.constant 0 : i32
    %ne3A_3370 = vector.broadcast %ne3A_3369 : i32 to vector<16xi32>
    %ne3A_3371 = arith.cmpi ne, %rem3A_3368, %ne3A_3370 : vector<16xi32>
    %and3A_3372 = arith.andi %ne3A_3366, %ne3A_3371 : vector<16xi1>
    %sub3A_3373 = arith.constant 1 : i32
    %sub3A_3374 = vector.broadcast %sub3A_3373 : i32 to vector<16xi32>
    %sub3A_3375 = arith.subi %div3A_3348, %sub3A_3374 : vector<16xi32>
    %select_n3A_3376 = arith.select %and3A_3372, %sub3A_3375, %div3A_3348 : vector<16xi1>, vector<16xi32>
    %jit3A_3377 = arith.constant 196 : i32
    %eq3A_3378 = arith.constant 0 : i32
    %eq3A_3379 = arith.cmpi eq, %jit3A_3377, %eq3A_3378 : i32
    %jit3A_3380 = arith.constant 1 : i32
    %select_n3A_3381 = arith.select %eq3A_3379, %jit3A_3380, %jit3A_3377 : i32
    %rem3A_3382 = vector.broadcast %select_n3A_3381 : i32 to vector<16xi32>
    %rem3A_3383 = arith.remsi %add3A_3345, %rem3A_3382 : vector<16xi32>
    %ne3A_3384 = arith.constant 0 : i32
    %ne3A_3385 = vector.broadcast %ne3A_3384 : i32 to vector<16xi32>
    %ne3A_3386 = arith.cmpi ne, %rem3A_3383, %ne3A_3385 : vector<16xi32>
    %lt3A_3387 = arith.constant 0 : i32
    %lt3A_3388 = vector.broadcast %lt3A_3387 : i32 to vector<16xi32>
    %lt3A_3389 = arith.cmpi slt, %rem3A_3383, %lt3A_3388 : vector<16xi32>
    %lt3A_3390 = arith.constant 0 : i32
    %lt3A_3391 = arith.cmpi slt, %select_n3A_3381, %lt3A_3390 : i32
    %ne3A_3392 = vector.broadcast %lt3A_3391 : i1 to vector<16xi1>
    %ne3A_3393 = vector.broadcast %ne3A_3392 : vector<16xi1> to vector<16xi1>
    %ne3A_3394 = arith.xori %lt3A_3389, %ne3A_3393 : vector<16xi1>
    %and3A_3395 = arith.andi %ne3A_3394, %ne3A_3386 : vector<16xi1>
    %add3A_3396 = vector.broadcast %select_n3A_3381 : i32 to vector<16xi32>
    %add3A_3397 = arith.addi %rem3A_3383, %add3A_3396 : vector<16xi32>
    %select_n3A_3398 = arith.select %and3A_3395, %add3A_3397, %rem3A_3383 : vector<16xi1>, vector<16xi32>
    %gather3A_3399 = tpu.vector_load_idx %arg6[%select_n3A_3376] : memref<16xi32, #tpu.memory_space<vmem>>[vector<16xi32>], vector<16xi32>,
    %mul3A_3400 = arith.constant 16 : i32
    %mul3A_3401 = arith.muli %select_n3A, %mul3A_3400 : i32
    %add3A_3402 = vector.broadcast %mul3A_3401 : i32 to vector<16xi32>
    %add3A_3403 = arith.addi %add3A_3402, %gather3A_3399 : vector<16xi32>
    %mul3A_3404 = arith.constant 196 : i32
    %mul3A_3405 = vector.broadcast %mul3A_3404 : i32 to vector<16xi32>
    %mul3A_3406 = arith.muli %add3A_3403, %mul3A_3405 : vector<16xi32>
    %add3A_3407 = arith.addi %mul3A_3406, %select_n3A_3398 : vector<16xi32>
    %swap3A_3408 = arith.constant 80 : index
    %swap3A_3409 = tpu.vector_load %arg13[%swap3A_3408] {strides = array<i32>} : memref<112xi32, #tpu.memory_space<vmem>>, vector<16xi32>,
    tpu.vector_store %arg13[%swap3A_3408], %add3A_3407 {strides = array<i32>} : memref<112xi32, #tpu.memory_space<vmem>>, vector<16xi32>,
    %mul3A_3410 = arith.constant 784 : i32
    %mul3A_3411 = arith.muli %select_n3A_30, %mul3A_3410 : i32
    %add3A_3412 = arith.constant 768 : i32
    %add3A_3413 = arith.addi %mul3A_3411, %add3A_3412 : i32
    %add3A_3414 = vector.broadcast %add3A_3413 : i32 to vector<16xi32>
    %add3A_3415 = arith.addi %add3A_3414, %iota3A : vector<16xi32>
    %jit3A_3416 = arith.constant 196 : i32
    %div3A_3417 = vector.broadcast %jit3A_3416 : i32 to vector<16xi32>
    %div3A_3418 = arith.divsi %add3A_3415, %div3A_3417 : vector<16xi32>
    %sign3A_3419 = arith.constant 0 : i32
    %sign3A_3420 = vector.broadcast %sign3A_3419 : i32 to vector<16xi32>
    %sign3A_3421 = arith.cmpi sgt, %add3A_3415, %sign3A_3420 : vector<16xi32>
    %sign3A_3422 = arith.extui %sign3A_3421 : vector<16xi1> to vector<16xi32>
    %sign3A_3423 = arith.constant 0 : i32
    %sign3A_3424 = vector.broadcast %sign3A_3423 : i32 to vector<16xi32>
    %sign3A_3425 = arith.cmpi slt, %add3A_3415, %sign3A_3424 : vector<16xi32>
    %sign3A_3426 = arith.extui %sign3A_3425 : vector<16xi1> to vector<16xi32>
    %sign3A_3427 = arith.subi %sign3A_3422, %sign3A_3426 : vector<16xi32>
    %sign3A_3428 = arith.constant 0 : i32
    %sign3A_3429 = arith.cmpi sgt, %jit3A_3416, %sign3A_3428 : i32
    %sign3A_3430 = arith.extui %sign3A_3429 : i1 to i32
    %sign3A_3431 = arith.constant 0 : i32
    %sign3A_3432 = arith.cmpi slt, %jit3A_3416, %sign3A_3431 : i32
    %sign3A_3433 = arith.extui %sign3A_3432 : i1 to i32
    %sign3A_3434 = arith.subi %sign3A_3430, %sign3A_3433 : i32
    %ne3A_3435 = vector.broadcast %sign3A_3434 : i32 to vector<16xi32>
    %ne3A_3436 = arith.cmpi ne, %sign3A_3427, %ne3A_3435 : vector<16xi32>
    %rem3A_3437 = vector.broadcast %jit3A_3416 : i32 to vector<16xi32>
    %rem3A_3438 = arith.remsi %add3A_3415, %rem3A_3437 : vector<16xi32>
    %ne3A_3439 = arith.constant 0 : i32
    %ne3A_3440 = vector.broadcast %ne3A_3439 : i32 to vector<16xi32>
    %ne3A_3441 = arith.cmpi ne, %rem3A_3438, %ne3A_3440 : vector<16xi32>
    %and3A_3442 = arith.andi %ne3A_3436, %ne3A_3441 : vector<16xi1>
    %sub3A_3443 = arith.constant 1 : i32
    %sub3A_3444 = vector.broadcast %sub3A_3443 : i32 to vector<16xi32>
    %sub3A_3445 = arith.subi %div3A_3418, %sub3A_3444 : vector<16xi32>
    %select_n3A_3446 = arith.select %and3A_3442, %sub3A_3445, %div3A_3418 : vector<16xi1>, vector<16xi32>
    %jit3A_3447 = arith.constant 196 : i32
    %eq3A_3448 = arith.constant 0 : i32
    %eq3A_3449 = arith.cmpi eq, %jit3A_3447, %eq3A_3448 : i32
    %jit3A_3450 = arith.constant 1 : i32
    %select_n3A_3451 = arith.select %eq3A_3449, %jit3A_3450, %jit3A_3447 : i32
    %rem3A_3452 = vector.broadcast %select_n3A_3451 : i32 to vector<16xi32>
    %rem3A_3453 = arith.remsi %add3A_3415, %rem3A_3452 : vector<16xi32>
    %ne3A_3454 = arith.constant 0 : i32
    %ne3A_3455 = vector.broadcast %ne3A_3454 : i32 to vector<16xi32>
    %ne3A_3456 = arith.cmpi ne, %rem3A_3453, %ne3A_3455 : vector<16xi32>
    %lt3A_3457 = arith.constant 0 : i32
    %lt3A_3458 = vector.broadcast %lt3A_3457 : i32 to vector<16xi32>
    %lt3A_3459 = arith.cmpi slt, %rem3A_3453, %lt3A_3458 : vector<16xi32>
    %lt3A_3460 = arith.constant 0 : i32
    %lt3A_3461 = arith.cmpi slt, %select_n3A_3451, %lt3A_3460 : i32
    %ne3A_3462 = vector.broadcast %lt3A_3461 : i1 to vector<16xi1>
    %ne3A_3463 = vector.broadcast %ne3A_3462 : vector<16xi1> to vector<16xi1>
    %ne3A_3464 = arith.xori %lt3A_3459, %ne3A_3463 : vector<16xi1>
    %and3A_3465 = arith.andi %ne3A_3464, %ne3A_3456 : vector<16xi1>
    %add3A_3466 = vector.broadcast %select_n3A_3451 : i32 to vector<16xi32>
    %add3A_3467 = arith.addi %rem3A_3453, %add3A_3466 : vector<16xi32>
    %select_n3A_3468 = arith.select %and3A_3465, %add3A_3467, %rem3A_3453 : vector<16xi1>, vector<16xi32>
    %gather3A_3469 = tpu.vector_load_idx %arg6[%select_n3A_3446] : memref<16xi32, #tpu.memory_space<vmem>>[vector<16xi32>], vector<16xi32>,
    %mul3A_3470 = arith.constant 16 : i32
    %mul3A_3471 = arith.muli %select_n3A, %mul3A_3470 : i32
    %add3A_3472 = vector.broadcast %mul3A_3471 : i32 to vector<16xi32>
    %add3A_3473 = arith.addi %add3A_3472, %gather3A_3469 : vector<16xi32>
    %mul3A_3474 = arith.constant 196 : i32
    %mul3A_3475 = vector.broadcast %mul3A_3474 : i32 to vector<16xi32>
    %mul3A_3476 = arith.muli %add3A_3473, %mul3A_3475 : vector<16xi32>
    %add3A_3477 = arith.addi %mul3A_3476, %select_n3A_3468 : vector<16xi32>
    %swap3A_3478 = arith.constant 96 : index
    %swap3A_3479 = tpu.vector_load %arg13[%swap3A_3478] {strides = array<i32>} : memref<112xi32, #tpu.memory_space<vmem>>, vector<16xi32>,
    tpu.vector_store %arg13[%swap3A_3478], %add3A_3477 {strides = array<i32>} : memref<112xi32, #tpu.memory_space<vmem>>, vector<16xi32>,
    %mul3A_3480 = arith.constant 1568 : i32
    %mul3A_3481 = arith.muli %select_n3A, %mul3A_3480 : i32
    %mul3A_3482 = arith.constant 784 : i32
    %mul3A_3483 = arith.muli %select_n3A_30, %mul3A_3482 : i32
    %add3A_3484 = arith.addi %mul3A_3481, %mul3A_3483 : i32
    %dma_start3A = arith.constant 0 : i32
    %dma_start3A_3485 = tpu.memref_slice %arg7[%dma_start3A] : memref<112xi32, #tpu.memory_space<vmem>> -> memref<56xi32, #tpu.memory_space<vmem>>
    %dma_start3A_3486 = arith.constant 0 : i32
    %dma_start3A_3487 = arith.constant 0 : i32
    %dma_start3A_3488 = tpu.memref_slice %arg3[%dma_start3A_3486, %dma_start3A_3487] : memref<50176x768xf32, #tpu.memory_space<hbm>> -> memref<50176x768xf32, #tpu.memory_space<hbm>>
    tpu.enqueue_indirect_dma source(%dma_start3A_3488 : memref<50176x768xf32, #tpu.memory_space<hbm>>) target(%arg14 : memref<56x768xf32, #tpu.memory_space<vmem>>) offsets(%dma_start3A_3485 : memref<56xi32, #tpu.memory_space<vmem>>) semaphore(%arg16 : memref<!tpu.dma_semaphore, #tpu.memory_space<semaphore_mem>>)
    %dma_start3A_3489 = arith.constant 56 : i32
    %dma_start3A_3490 = tpu.memref_slice %arg7[%dma_start3A_3489] : memref<112xi32, #tpu.memory_space<vmem>> -> memref<56xi32, #tpu.memory_space<vmem>>
    %dma_start3A_3491 = arith.constant 0 : i32
    %dma_start3A_3492 = arith.constant 0 : i32
    %dma_start3A_3493 = tpu.memref_slice %arg3[%dma_start3A_3491, %dma_start3A_3492] : memref<50176x768xf32, #tpu.memory_space<hbm>> -> memref<50176x768xf32, #tpu.memory_space<hbm>>
    tpu.enqueue_indirect_dma source(%dma_start3A_3493 : memref<50176x768xf32, #tpu.memory_space<hbm>>) target(%arg15 : memref<56x768xf32, #tpu.memory_space<vmem>>) offsets(%dma_start3A_3490 : memref<56xi32, #tpu.memory_space<vmem>>) semaphore(%arg17 : memref<!tpu.dma_semaphore, #tpu.memory_space<semaphore_mem>>)
    %dma_wait3A = arith.constant 0 : i32
    %dma_wait3A_3494 = tpu.memref_slice %arg7[%dma_wait3A] : memref<112xi32, #tpu.memory_space<vmem>> -> memref<56xi32, #tpu.memory_space<vmem>>
    %dma_wait3A_3495 = arith.constant 0 : i32
    %dma_wait3A_3496 = arith.constant 0 : i32
    %dma_wait3A_3497 = tpu.memref_slice %arg3[%dma_wait3A_3495, %dma_wait3A_3496] : memref<50176x768xf32, #tpu.memory_space<hbm>> -> memref<50176x768xf32, #tpu.memory_space<hbm>>
    tpu.wait_indirect_dma semaphore(%arg16 : memref<!tpu.dma_semaphore, #tpu.memory_space<semaphore_mem>>) src(%dma_wait3A_3497 : memref<50176x768xf32, #tpu.memory_space<hbm>>) dst(%arg14 : memref<56x768xf32, #tpu.memory_space<vmem>>)
    %add3A_3498 = arith.constant 0 : i32
    %add3A_3499 = arith.addi %add3A_3484, %add3A_3498 : i32
    "tpu.region"() ({
      %run_scoped3A = tpu.sem_alloc : memref<!tpu.dma_semaphore, #tpu.memory_space<semaphore_mem>>
      %dma_start3A_3651 = arith.constant 0 : i32
      %dma_start3A_3652 = tpu.memref_slice %arg4[%add3A_3499, %dma_start3A_3651] : memref<25088x768xf32, #tpu.memory_space<hbm>> -> memref<56x768xf32, #tpu.memory_space<hbm>>
      %dma_start3A_3653 = arith.constant 0 : i32
      %dma_start3A_3654 = tpu.memref_slice %arg4[%add3A_3499, %dma_start3A_3653] : memref<25088x768xf32, #tpu.memory_space<hbm>> -> memref<56x768xf32, #tpu.memory_space<hbm>>
      tpu.enqueue_dma source(%arg14 : memref<56x768xf32, #tpu.memory_space<vmem>>) target(%dma_start3A_3654 : memref<56x768xf32, #tpu.memory_space<hbm>>) target_semaphore(%run_scoped3A : memref<!tpu.dma_semaphore, #tpu.memory_space<semaphore_mem>>)
      %dma_wait3A_3655 = arith.constant 0 : i32
      %dma_wait3A_3656 = tpu.memref_slice %arg4[%add3A_3499, %dma_wait3A_3655] : memref<25088x768xf32, #tpu.memory_space<hbm>> -> memref<56x768xf32, #tpu.memory_space<hbm>>
      %dma_wait3A_3657 = arith.constant 0 : i32
      %dma_wait3A_3658 = tpu.memref_slice %arg4[%add3A_3499, %dma_wait3A_3657] : memref<25088x768xf32, #tpu.memory_space<hbm>> -> memref<56x768xf32, #tpu.memory_space<hbm>>
      tpu.wait_dma2 semaphore(%run_scoped3A : memref<!tpu.dma_semaphore, #tpu.memory_space<semaphore_mem>>) src(%arg14 : memref<56x768xf32, #tpu.memory_space<vmem>>) dst(%dma_wait3A_3658 : memref<56x768xf32, #tpu.memory_space<hbm>>)
      tpu.yield
    }) : () -> ()
    %dma_start3A_3500 = arith.constant 0 : i32
    %dma_start3A_3501 = tpu.memref_slice %arg8[%dma_start3A_3500] : memref<112xi32, #tpu.memory_space<vmem>> -> memref<56xi32, #tpu.memory_space<vmem>>
    %dma_start3A_3502 = arith.constant 0 : i32
    %dma_start3A_3503 = arith.constant 0 : i32
    %dma_start3A_3504 = tpu.memref_slice %arg3[%dma_start3A_3502, %dma_start3A_3503] : memref<50176x768xf32, #tpu.memory_space<hbm>> -> memref<50176x768xf32, #tpu.memory_space<hbm>>
    tpu.enqueue_indirect_dma source(%dma_start3A_3504 : memref<50176x768xf32, #tpu.memory_space<hbm>>) target(%arg14 : memref<56x768xf32, #tpu.memory_space<vmem>>) offsets(%dma_start3A_3501 : memref<56xi32, #tpu.memory_space<vmem>>) semaphore(%arg16 : memref<!tpu.dma_semaphore, #tpu.memory_space<semaphore_mem>>)
    %dma_wait3A_3505 = arith.constant 56 : i32
    %dma_wait3A_3506 = tpu.memref_slice %arg7[%dma_wait3A_3505] : memref<112xi32, #tpu.memory_space<vmem>> -> memref<56xi32, #tpu.memory_space<vmem>>
    %dma_wait3A_3507 = arith.constant 0 : i32
    %dma_wait3A_3508 = arith.constant 0 : i32
    %dma_wait3A_3509 = tpu.memref_slice %arg3[%dma_wait3A_3507, %dma_wait3A_3508] : memref<50176x768xf32, #tpu.memory_space<hbm>> -> memref<50176x768xf32, #tpu.memory_space<hbm>>
    tpu.wait_indirect_dma semaphore(%arg17 : memref<!tpu.dma_semaphore, #tpu.memory_space<semaphore_mem>>) src(%dma_wait3A_3509 : memref<50176x768xf32, #tpu.memory_space<hbm>>) dst(%arg15 : memref<56x768xf32, #tpu.memory_space<vmem>>)
    %add3A_3510 = arith.constant 56 : i32
    %add3A_3511 = arith.addi %add3A_3484, %add3A_3510 : i32
    "tpu.region"() ({
      %run_scoped3A = tpu.sem_alloc : memref<!tpu.dma_semaphore, #tpu.memory_space<semaphore_mem>>
      %dma_start3A_3651 = arith.constant 0 : i32
      %dma_start3A_3652 = tpu.memref_slice %arg4[%add3A_3511, %dma_start3A_3651] : memref<25088x768xf32, #tpu.memory_space<hbm>> -> memref<56x768xf32, #tpu.memory_space<hbm>>
      %dma_start3A_3653 = arith.constant 0 : i32
      %dma_start3A_3654 = tpu.memref_slice %arg4[%add3A_3511, %dma_start3A_3653] : memref<25088x768xf32, #tpu.memory_space<hbm>> -> memref<56x768xf32, #tpu.memory_space<hbm>>
      tpu.enqueue_dma source(%arg15 : memref<56x768xf32, #tpu.memory_space<vmem>>) target(%dma_start3A_3654 : memref<56x768xf32, #tpu.memory_space<hbm>>) target_semaphore(%run_scoped3A : memref<!tpu.dma_semaphore, #tpu.memory_space<semaphore_mem>>)
      %dma_wait3A_3655 = arith.constant 0 : i32
      %dma_wait3A_3656 = tpu.memref_slice %arg4[%add3A_3511, %dma_wait3A_3655] : memref<25088x768xf32, #tpu.memory_space<hbm>> -> memref<56x768xf32, #tpu.memory_space<hbm>>
      %dma_wait3A_3657 = arith.constant 0 : i32
      %dma_wait3A_3658 = tpu.memref_slice %arg4[%add3A_3511, %dma_wait3A_3657] : memref<25088x768xf32, #tpu.memory_space<hbm>> -> memref<56x768xf32, #tpu.memory_space<hbm>>
      tpu.wait_dma2 semaphore(%run_scoped3A : memref<!tpu.dma_semaphore, #tpu.memory_space<semaphore_mem>>) src(%arg15 : memref<56x768xf32, #tpu.memory_space<vmem>>) dst(%dma_wait3A_3658 : memref<56x768xf32, #tpu.memory_space<hbm>>)
      tpu.yield
    }) : () -> ()
    %dma_start3A_3512 = arith.constant 56 : i32
    %dma_start3A_3513 = tpu.memref_slice %arg8[%dma_start3A_3512] : memref<112xi32, #tpu.memory_space<vmem>> -> memref<56xi32, #tpu.memory_space<vmem>>
    %dma_start3A_3514 = arith.constant 0 : i32
    %dma_start3A_3515 = arith.constant 0 : i32
    %dma_start3A_3516 = tpu.memref_slice %arg3[%dma_start3A_3514, %dma_start3A_3515] : memref<50176x768xf32, #tpu.memory_space<hbm>> -> memref<50176x768xf32, #tpu.memory_space<hbm>>
    tpu.enqueue_indirect_dma source(%dma_start3A_3516 : memref<50176x768xf32, #tpu.memory_space<hbm>>) target(%arg15 : memref<56x768xf32, #tpu.memory_space<vmem>>) offsets(%dma_start3A_3513 : memref<56xi32, #tpu.memory_space<vmem>>) semaphore(%arg17 : memref<!tpu.dma_semaphore, #tpu.memory_space<semaphore_mem>>)
    %dma_wait3A_3517 = arith.constant 0 : i32
    %dma_wait3A_3518 = tpu.memref_slice %arg8[%dma_wait3A_3517] : memref<112xi32, #tpu.memory_space<vmem>> -> memref<56xi32, #tpu.memory_space<vmem>>
    %dma_wait3A_3519 = arith.constant 0 : i32
    %dma_wait3A_3520 = arith.constant 0 : i32
    %dma_wait3A_3521 = tpu.memref_slice %arg3[%dma_wait3A_3519, %dma_wait3A_3520] : memref<50176x768xf32, #tpu.memory_space<hbm>> -> memref<50176x768xf32, #tpu.memory_space<hbm>>
    tpu.wait_indirect_dma semaphore(%arg16 : memref<!tpu.dma_semaphore, #tpu.memory_space<semaphore_mem>>) src(%dma_wait3A_3521 : memref<50176x768xf32, #tpu.memory_space<hbm>>) dst(%arg14 : memref<56x768xf32, #tpu.memory_space<vmem>>)
    %add3A_3522 = arith.constant 112 : i32
    %add3A_3523 = arith.addi %add3A_3484, %add3A_3522 : i32
    "tpu.region"() ({
      %run_scoped3A = tpu.sem_alloc : memref<!tpu.dma_semaphore, #tpu.memory_space<semaphore_mem>>
      %dma_start3A_3651 = arith.constant 0 : i32
      %dma_start3A_3652 = tpu.memref_slice %arg4[%add3A_3523, %dma_start3A_3651] : memref<25088x768xf32, #tpu.memory_space<hbm>> -> memref<56x768xf32, #tpu.memory_space<hbm>>
      %dma_start3A_3653 = arith.constant 0 : i32
      %dma_start3A_3654 = tpu.memref_slice %arg4[%add3A_3523, %dma_start3A_3653] : memref<25088x768xf32, #tpu.memory_space<hbm>> -> memref<56x768xf32, #tpu.memory_space<hbm>>
      tpu.enqueue_dma source(%arg14 : memref<56x768xf32, #tpu.memory_space<vmem>>) target(%dma_start3A_3654 : memref<56x768xf32, #tpu.memory_space<hbm>>) target_semaphore(%run_scoped3A : memref<!tpu.dma_semaphore, #tpu.memory_space<semaphore_mem>>)
      %dma_wait3A_3655 = arith.constant 0 : i32
      %dma_wait3A_3656 = tpu.memref_slice %arg4[%add3A_3523, %dma_wait3A_3655] : memref<25088x768xf32, #tpu.memory_space<hbm>> -> memref<56x768xf32, #tpu.memory_space<hbm>>
      %dma_wait3A_3657 = arith.constant 0 : i32
      %dma_wait3A_3658 = tpu.memref_slice %arg4[%add3A_3523, %dma_wait3A_3657] : memref<25088x768xf32, #tpu.memory_space<hbm>> -> memref<56x768xf32, #tpu.memory_space<hbm>>
      tpu.wait_dma2 semaphore(%run_scoped3A : memref<!tpu.dma_semaphore, #tpu.memory_space<semaphore_mem>>) src(%arg14 : memref<56x768xf32, #tpu.memory_space<vmem>>) dst(%dma_wait3A_3658 : memref<56x768xf32, #tpu.memory_space<hbm>>)
      tpu.yield
    }) : () -> ()
    %dma_start3A_3524 = arith.constant 0 : i32
    %dma_start3A_3525 = tpu.memref_slice %arg9[%dma_start3A_3524] : memref<112xi32, #tpu.memory_space<vmem>> -> memref<56xi32, #tpu.memory_space<vmem>>
    %dma_start3A_3526 = arith.constant 0 : i32
    %dma_start3A_3527 = arith.constant 0 : i32
    %dma_start3A_3528 = tpu.memref_slice %arg3[%dma_start3A_3526, %dma_start3A_3527] : memref<50176x768xf32, #tpu.memory_space<hbm>> -> memref<50176x768xf32, #tpu.memory_space<hbm>>
    tpu.enqueue_indirect_dma source(%dma_start3A_3528 : memref<50176x768xf32, #tpu.memory_space<hbm>>) target(%arg14 : memref<56x768xf32, #tpu.memory_space<vmem>>) offsets(%dma_start3A_3525 : memref<56xi32, #tpu.memory_space<vmem>>) semaphore(%arg16 : memref<!tpu.dma_semaphore, #tpu.memory_space<semaphore_mem>>)
    %dma_wait3A_3529 = arith.constant 56 : i32
    %dma_wait3A_3530 = tpu.memref_slice %arg8[%dma_wait3A_3529] : memref<112xi32, #tpu.memory_space<vmem>> -> memref<56xi32, #tpu.memory_space<vmem>>
    %dma_wait3A_3531 = arith.constant 0 : i32
    %dma_wait3A_3532 = arith.constant 0 : i32
    %dma_wait3A_3533 = tpu.memref_slice %arg3[%dma_wait3A_3531, %dma_wait3A_3532] : memref<50176x768xf32, #tpu.memory_space<hbm>> -> memref<50176x768xf32, #tpu.memory_space<hbm>>
    tpu.wait_indirect_dma semaphore(%arg17 : memref<!tpu.dma_semaphore, #tpu.memory_space<semaphore_mem>>) src(%dma_wait3A_3533 : memref<50176x768xf32, #tpu.memory_space<hbm>>) dst(%arg15 : memref<56x768xf32, #tpu.memory_space<vmem>>)
    %add3A_3534 = arith.constant 168 : i32
    %add3A_3535 = arith.addi %add3A_3484, %add3A_3534 : i32
    "tpu.region"() ({
      %run_scoped3A = tpu.sem_alloc : memref<!tpu.dma_semaphore, #tpu.memory_space<semaphore_mem>>
      %dma_start3A_3651 = arith.constant 0 : i32
      %dma_start3A_3652 = tpu.memref_slice %arg4[%add3A_3535, %dma_start3A_3651] : memref<25088x768xf32, #tpu.memory_space<hbm>> -> memref<56x768xf32, #tpu.memory_space<hbm>>
      %dma_start3A_3653 = arith.constant 0 : i32
      %dma_start3A_3654 = tpu.memref_slice %arg4[%add3A_3535, %dma_start3A_3653] : memref<25088x768xf32, #tpu.memory_space<hbm>> -> memref<56x768xf32, #tpu.memory_space<hbm>>
      tpu.enqueue_dma source(%arg15 : memref<56x768xf32, #tpu.memory_space<vmem>>) target(%dma_start3A_3654 : memref<56x768xf32, #tpu.memory_space<hbm>>) target_semaphore(%run_scoped3A : memref<!tpu.dma_semaphore, #tpu.memory_space<semaphore_mem>>)
      %dma_wait3A_3655 = arith.constant 0 : i32
      %dma_wait3A_3656 = tpu.memref_slice %arg4[%add3A_3535, %dma_wait3A_3655] : memref<25088x768xf32, #tpu.memory_space<hbm>> -> memref<56x768xf32, #tpu.memory_space<hbm>>
      %dma_wait3A_3657 = arith.constant 0 : i32
      %dma_wait3A_3658 = tpu.memref_slice %arg4[%add3A_3535, %dma_wait3A_3657] : memref<25088x768xf32, #tpu.memory_space<hbm>> -> memref<56x768xf32, #tpu.memory_space<hbm>>
      tpu.wait_dma2 semaphore(%run_scoped3A : memref<!tpu.dma_semaphore, #tpu.memory_space<semaphore_mem>>) src(%arg15 : memref<56x768xf32, #tpu.memory_space<vmem>>) dst(%dma_wait3A_3658 : memref<56x768xf32, #tpu.memory_space<hbm>>)
      tpu.yield
    }) : () -> ()
    %dma_start3A_3536 = arith.constant 56 : i32
    %dma_start3A_3537 = tpu.memref_slice %arg9[%dma_start3A_3536] : memref<112xi32, #tpu.memory_space<vmem>> -> memref<56xi32, #tpu.memory_space<vmem>>
    %dma_start3A_3538 = arith.constant 0 : i32
    %dma_start3A_3539 = arith.constant 0 : i32
    %dma_start3A_3540 = tpu.memref_slice %arg3[%dma_start3A_3538, %dma_start3A_3539] : memref<50176x768xf32, #tpu.memory_space<hbm>> -> memref<50176x768xf32, #tpu.memory_space<hbm>>
    tpu.enqueue_indirect_dma source(%dma_start3A_3540 : memref<50176x768xf32, #tpu.memory_space<hbm>>) target(%arg15 : memref<56x768xf32, #tpu.memory_space<vmem>>) offsets(%dma_start3A_3537 : memref<56xi32, #tpu.memory_space<vmem>>) semaphore(%arg17 : memref<!tpu.dma_semaphore, #tpu.memory_space<semaphore_mem>>)
    %dma_wait3A_3541 = arith.constant 0 : i32
    %dma_wait3A_3542 = tpu.memref_slice %arg9[%dma_wait3A_3541] : memref<112xi32, #tpu.memory_space<vmem>> -> memref<56xi32, #tpu.memory_space<vmem>>
    %dma_wait3A_3543 = arith.constant 0 : i32
    %dma_wait3A_3544 = arith.constant 0 : i32
    %dma_wait3A_3545 = tpu.memref_slice %arg3[%dma_wait3A_3543, %dma_wait3A_3544] : memref<50176x768xf32, #tpu.memory_space<hbm>> -> memref<50176x768xf32, #tpu.memory_space<hbm>>
    tpu.wait_indirect_dma semaphore(%arg16 : memref<!tpu.dma_semaphore, #tpu.memory_space<semaphore_mem>>) src(%dma_wait3A_3545 : memref<50176x768xf32, #tpu.memory_space<hbm>>) dst(%arg14 : memref<56x768xf32, #tpu.memory_space<vmem>>)
    %add3A_3546 = arith.constant 224 : i32
    %add3A_3547 = arith.addi %add3A_3484, %add3A_3546 : i32
    "tpu.region"() ({
      %run_scoped3A = tpu.sem_alloc : memref<!tpu.dma_semaphore, #tpu.memory_space<semaphore_mem>>
      %dma_start3A_3651 = arith.constant 0 : i32
      %dma_start3A_3652 = tpu.memref_slice %arg4[%add3A_3547, %dma_start3A_3651] : memref<25088x768xf32, #tpu.memory_space<hbm>> -> memref<56x768xf32, #tpu.memory_space<hbm>>
      %dma_start3A_3653 = arith.constant 0 : i32
      %dma_start3A_3654 = tpu.memref_slice %arg4[%add3A_3547, %dma_start3A_3653] : memref<25088x768xf32, #tpu.memory_space<hbm>> -> memref<56x768xf32, #tpu.memory_space<hbm>>
      tpu.enqueue_dma source(%arg14 : memref<56x768xf32, #tpu.memory_space<vmem>>) target(%dma_start3A_3654 : memref<56x768xf32, #tpu.memory_space<hbm>>) target_semaphore(%run_scoped3A : memref<!tpu.dma_semaphore, #tpu.memory_space<semaphore_mem>>)
      %dma_wait3A_3655 = arith.constant 0 : i32
      %dma_wait3A_3656 = tpu.memref_slice %arg4[%add3A_3547, %dma_wait3A_3655] : memref<25088x768xf32, #tpu.memory_space<hbm>> -> memref<56x768xf32, #tpu.memory_space<hbm>>
      %dma_wait3A_3657 = arith.constant 0 : i32
      %dma_wait3A_3658 = tpu.memref_slice %arg4[%add3A_3547, %dma_wait3A_3657] : memref<25088x768xf32, #tpu.memory_space<hbm>> -> memref<56x768xf32, #tpu.memory_space<hbm>>
      tpu.wait_dma2 semaphore(%run_scoped3A : memref<!tpu.dma_semaphore, #tpu.memory_space<semaphore_mem>>) src(%arg14 : memref<56x768xf32, #tpu.memory_space<vmem>>) dst(%dma_wait3A_3658 : memref<56x768xf32, #tpu.memory_space<hbm>>)
      tpu.yield
    }) : () -> ()
    %dma_start3A_3548 = arith.constant 0 : i32
    %dma_start3A_3549 = tpu.memref_slice %arg10[%dma_start3A_3548] : memref<112xi32, #tpu.memory_space<vmem>> -> memref<56xi32, #tpu.memory_space<vmem>>
    %dma_start3A_3550 = arith.constant 0 : i32
    %dma_start3A_3551 = arith.constant 0 : i32
    %dma_start3A_3552 = tpu.memref_slice %arg3[%dma_start3A_3550, %dma_start3A_3551] : memref<50176x768xf32, #tpu.memory_space<hbm>> -> memref<50176x768xf32, #tpu.memory_space<hbm>>
    tpu.enqueue_indirect_dma source(%dma_start3A_3552 : memref<50176x768xf32, #tpu.memory_space<hbm>>) target(%arg14 : memref<56x768xf32, #tpu.memory_space<vmem>>) offsets(%dma_start3A_3549 : memref<56xi32, #tpu.memory_space<vmem>>) semaphore(%arg16 : memref<!tpu.dma_semaphore, #tpu.memory_space<semaphore_mem>>)
    %dma_wait3A_3553 = arith.constant 56 : i32
    %dma_wait3A_3554 = tpu.memref_slice %arg9[%dma_wait3A_3553] : memref<112xi32, #tpu.memory_space<vmem>> -> memref<56xi32, #tpu.memory_space<vmem>>
    %dma_wait3A_3555 = arith.constant 0 : i32
    %dma_wait3A_3556 = arith.constant 0 : i32
    %dma_wait3A_3557 = tpu.memref_slice %arg3[%dma_wait3A_3555, %dma_wait3A_3556] : memref<50176x768xf32, #tpu.memory_space<hbm>> -> memref<50176x768xf32, #tpu.memory_space<hbm>>
    tpu.wait_indirect_dma semaphore(%arg17 : memref<!tpu.dma_semaphore, #tpu.memory_space<semaphore_mem>>) src(%dma_wait3A_3557 : memref<50176x768xf32, #tpu.memory_space<hbm>>) dst(%arg15 : memref<56x768xf32, #tpu.memory_space<vmem>>)
    %add3A_3558 = arith.constant 280 : i32
    %add3A_3559 = arith.addi %add3A_3484, %add3A_3558 : i32
    "tpu.region"() ({
      %run_scoped3A = tpu.sem_alloc : memref<!tpu.dma_semaphore, #tpu.memory_space<semaphore_mem>>
      %dma_start3A_3651 = arith.constant 0 : i32
      %dma_start3A_3652 = tpu.memref_slice %arg4[%add3A_3559, %dma_start3A_3651] : memref<25088x768xf32, #tpu.memory_space<hbm>> -> memref<56x768xf32, #tpu.memory_space<hbm>>
      %dma_start3A_3653 = arith.constant 0 : i32
      %dma_start3A_3654 = tpu.memref_slice %arg4[%add3A_3559, %dma_start3A_3653] : memref<25088x768xf32, #tpu.memory_space<hbm>> -> memref<56x768xf32, #tpu.memory_space<hbm>>
      tpu.enqueue_dma source(%arg15 : memref<56x768xf32, #tpu.memory_space<vmem>>) target(%dma_start3A_3654 : memref<56x768xf32, #tpu.memory_space<hbm>>) target_semaphore(%run_scoped3A : memref<!tpu.dma_semaphore, #tpu.memory_space<semaphore_mem>>)
      %dma_wait3A_3655 = arith.constant 0 : i32
      %dma_wait3A_3656 = tpu.memref_slice %arg4[%add3A_3559, %dma_wait3A_3655] : memref<25088x768xf32, #tpu.memory_space<hbm>> -> memref<56x768xf32, #tpu.memory_space<hbm>>
      %dma_wait3A_3657 = arith.constant 0 : i32
      %dma_wait3A_3658 = tpu.memref_slice %arg4[%add3A_3559, %dma_wait3A_3657] : memref<25088x768xf32, #tpu.memory_space<hbm>> -> memref<56x768xf32, #tpu.memory_space<hbm>>
      tpu.wait_dma2 semaphore(%run_scoped3A : memref<!tpu.dma_semaphore, #tpu.memory_space<semaphore_mem>>) src(%arg15 : memref<56x768xf32, #tpu.memory_space<vmem>>) dst(%dma_wait3A_3658 : memref<56x768xf32, #tpu.memory_space<hbm>>)
      tpu.yield
    }) : () -> ()
    %dma_start3A_3560 = arith.constant 56 : i32
    %dma_start3A_3561 = tpu.memref_slice %arg10[%dma_start3A_3560] : memref<112xi32, #tpu.memory_space<vmem>> -> memref<56xi32, #tpu.memory_space<vmem>>
    %dma_start3A_3562 = arith.constant 0 : i32
    %dma_start3A_3563 = arith.constant 0 : i32
    %dma_start3A_3564 = tpu.memref_slice %arg3[%dma_start3A_3562, %dma_start3A_3563] : memref<50176x768xf32, #tpu.memory_space<hbm>> -> memref<50176x768xf32, #tpu.memory_space<hbm>>
    tpu.enqueue_indirect_dma source(%dma_start3A_3564 : memref<50176x768xf32, #tpu.memory_space<hbm>>) target(%arg15 : memref<56x768xf32, #tpu.memory_space<vmem>>) offsets(%dma_start3A_3561 : memref<56xi32, #tpu.memory_space<vmem>>) semaphore(%arg17 : memref<!tpu.dma_semaphore, #tpu.memory_space<semaphore_mem>>)
    %dma_wait3A_3565 = arith.constant 0 : i32
    %dma_wait3A_3566 = tpu.memref_slice %arg10[%dma_wait3A_3565] : memref<112xi32, #tpu.memory_space<vmem>> -> memref<56xi32, #tpu.memory_space<vmem>>
    %dma_wait3A_3567 = arith.constant 0 : i32
    %dma_wait3A_3568 = arith.constant 0 : i32
    %dma_wait3A_3569 = tpu.memref_slice %arg3[%dma_wait3A_3567, %dma_wait3A_3568] : memref<50176x768xf32, #tpu.memory_space<hbm>> -> memref<50176x768xf32, #tpu.memory_space<hbm>>
    tpu.wait_indirect_dma semaphore(%arg16 : memref<!tpu.dma_semaphore, #tpu.memory_space<semaphore_mem>>) src(%dma_wait3A_3569 : memref<50176x768xf32, #tpu.memory_space<hbm>>) dst(%arg14 : memref<56x768xf32, #tpu.memory_space<vmem>>)
    %add3A_3570 = arith.constant 336 : i32
    %add3A_3571 = arith.addi %add3A_3484, %add3A_3570 : i32
    "tpu.region"() ({
      %run_scoped3A = tpu.sem_alloc : memref<!tpu.dma_semaphore, #tpu.memory_space<semaphore_mem>>
      %dma_start3A_3651 = arith.constant 0 : i32
      %dma_start3A_3652 = tpu.memref_slice %arg4[%add3A_3571, %dma_start3A_3651] : memref<25088x768xf32, #tpu.memory_space<hbm>> -> memref<56x768xf32, #tpu.memory_space<hbm>>
      %dma_start3A_3653 = arith.constant 0 : i32
      %dma_start3A_3654 = tpu.memref_slice %arg4[%add3A_3571, %dma_start3A_3653] : memref<25088x768xf32, #tpu.memory_space<hbm>> -> memref<56x768xf32, #tpu.memory_space<hbm>>
      tpu.enqueue_dma source(%arg14 : memref<56x768xf32, #tpu.memory_space<vmem>>) target(%dma_start3A_3654 : memref<56x768xf32, #tpu.memory_space<hbm>>) target_semaphore(%run_scoped3A : memref<!tpu.dma_semaphore, #tpu.memory_space<semaphore_mem>>)
      %dma_wait3A_3655 = arith.constant 0 : i32
      %dma_wait3A_3656 = tpu.memref_slice %arg4[%add3A_3571, %dma_wait3A_3655] : memref<25088x768xf32, #tpu.memory_space<hbm>> -> memref<56x768xf32, #tpu.memory_space<hbm>>
      %dma_wait3A_3657 = arith.constant 0 : i32
      %dma_wait3A_3658 = tpu.memref_slice %arg4[%add3A_3571, %dma_wait3A_3657] : memref<25088x768xf32, #tpu.memory_space<hbm>> -> memref<56x768xf32, #tpu.memory_space<hbm>>
      tpu.wait_dma2 semaphore(%run_scoped3A : memref<!tpu.dma_semaphore, #tpu.memory_space<semaphore_mem>>) src(%arg14 : memref<56x768xf32, #tpu.memory_space<vmem>>) dst(%dma_wait3A_3658 : memref<56x768xf32, #tpu.memory_space<hbm>>)
      tpu.yield
    }) : () -> ()
    %dma_start3A_3572 = arith.constant 0 : i32
    %dma_start3A_3573 = tpu.memref_slice %arg11[%dma_start3A_3572] : memref<112xi32, #tpu.memory_space<vmem>> -> memref<56xi32, #tpu.memory_space<vmem>>
    %dma_start3A_3574 = arith.constant 0 : i32
    %dma_start3A_3575 = arith.constant 0 : i32
    %dma_start3A_3576 = tpu.memref_slice %arg3[%dma_start3A_3574, %dma_start3A_3575] : memref<50176x768xf32, #tpu.memory_space<hbm>> -> memref<50176x768xf32, #tpu.memory_space<hbm>>
    tpu.enqueue_indirect_dma source(%dma_start3A_3576 : memref<50176x768xf32, #tpu.memory_space<hbm>>) target(%arg14 : memref<56x768xf32, #tpu.memory_space<vmem>>) offsets(%dma_start3A_3573 : memref<56xi32, #tpu.memory_space<vmem>>) semaphore(%arg16 : memref<!tpu.dma_semaphore, #tpu.memory_space<semaphore_mem>>)
    %dma_wait3A_3577 = arith.constant 56 : i32
    %dma_wait3A_3578 = tpu.memref_slice %arg10[%dma_wait3A_3577] : memref<112xi32, #tpu.memory_space<vmem>> -> memref<56xi32, #tpu.memory_space<vmem>>
    %dma_wait3A_3579 = arith.constant 0 : i32
    %dma_wait3A_3580 = arith.constant 0 : i32
    %dma_wait3A_3581 = tpu.memref_slice %arg3[%dma_wait3A_3579, %dma_wait3A_3580] : memref<50176x768xf32, #tpu.memory_space<hbm>> -> memref<50176x768xf32, #tpu.memory_space<hbm>>
    tpu.wait_indirect_dma semaphore(%arg17 : memref<!tpu.dma_semaphore, #tpu.memory_space<semaphore_mem>>) src(%dma_wait3A_3581 : memref<50176x768xf32, #tpu.memory_space<hbm>>) dst(%arg15 : memref<56x768xf32, #tpu.memory_space<vmem>>)
    %add3A_3582 = arith.constant 392 : i32
    %add3A_3583 = arith.addi %add3A_3484, %add3A_3582 : i32
    "tpu.region"() ({
      %run_scoped3A = tpu.sem_alloc : memref<!tpu.dma_semaphore, #tpu.memory_space<semaphore_mem>>
      %dma_start3A_3651 = arith.constant 0 : i32
      %dma_start3A_3652 = tpu.memref_slice %arg4[%add3A_3583, %dma_start3A_3651] : memref<25088x768xf32, #tpu.memory_space<hbm>> -> memref<56x768xf32, #tpu.memory_space<hbm>>
      %dma_start3A_3653 = arith.constant 0 : i32
      %dma_start3A_3654 = tpu.memref_slice %arg4[%add3A_3583, %dma_start3A_3653] : memref<25088x768xf32, #tpu.memory_space<hbm>> -> memref<56x768xf32, #tpu.memory_space<hbm>>
      tpu.enqueue_dma source(%arg15 : memref<56x768xf32, #tpu.memory_space<vmem>>) target(%dma_start3A_3654 : memref<56x768xf32, #tpu.memory_space<hbm>>) target_semaphore(%run_scoped3A : memref<!tpu.dma_semaphore, #tpu.memory_space<semaphore_mem>>)
      %dma_wait3A_3655 = arith.constant 0 : i32
      %dma_wait3A_3656 = tpu.memref_slice %arg4[%add3A_3583, %dma_wait3A_3655] : memref<25088x768xf32, #tpu.memory_space<hbm>> -> memref<56x768xf32, #tpu.memory_space<hbm>>
      %dma_wait3A_3657 = arith.constant 0 : i32
      %dma_wait3A_3658 = tpu.memref_slice %arg4[%add3A_3583, %dma_wait3A_3657] : memref<25088x768xf32, #tpu.memory_space<hbm>> -> memref<56x768xf32, #tpu.memory_space<hbm>>
      tpu.wait_dma2 semaphore(%run_scoped3A : memref<!tpu.dma_semaphore, #tpu.memory_space<semaphore_mem>>) src(%arg15 : memref<56x768xf32, #tpu.memory_space<vmem>>) dst(%dma_wait3A_3658 : memref<56x768xf32, #tpu.memory_space<hbm>>)
      tpu.yield
    }) : () -> ()
    %dma_start3A_3584 = arith.constant 56 : i32
    %dma_start3A_3585 = tpu.memref_slice %arg11[%dma_start3A_3584] : memref<112xi32, #tpu.memory_space<vmem>> -> memref<56xi32, #tpu.memory_space<vmem>>
    %dma_start3A_3586 = arith.constant 0 : i32
    %dma_start3A_3587 = arith.constant 0 : i32
    %dma_start3A_3588 = tpu.memref_slice %arg3[%dma_start3A_3586, %dma_start3A_3587] : memref<50176x768xf32, #tpu.memory_space<hbm>> -> memref<50176x768xf32, #tpu.memory_space<hbm>>
    tpu.enqueue_indirect_dma source(%dma_start3A_3588 : memref<50176x768xf32, #tpu.memory_space<hbm>>) target(%arg15 : memref<56x768xf32, #tpu.memory_space<vmem>>) offsets(%dma_start3A_3585 : memref<56xi32, #tpu.memory_space<vmem>>) semaphore(%arg17 : memref<!tpu.dma_semaphore, #tpu.memory_space<semaphore_mem>>)
    %dma_wait3A_3589 = arith.constant 0 : i32
    %dma_wait3A_3590 = tpu.memref_slice %arg11[%dma_wait3A_3589] : memref<112xi32, #tpu.memory_space<vmem>> -> memref<56xi32, #tpu.memory_space<vmem>>
    %dma_wait3A_3591 = arith.constant 0 : i32
    %dma_wait3A_3592 = arith.constant 0 : i32
    %dma_wait3A_3593 = tpu.memref_slice %arg3[%dma_wait3A_3591, %dma_wait3A_3592] : memref<50176x768xf32, #tpu.memory_space<hbm>> -> memref<50176x768xf32, #tpu.memory_space<hbm>>
    tpu.wait_indirect_dma semaphore(%arg16 : memref<!tpu.dma_semaphore, #tpu.memory_space<semaphore_mem>>) src(%dma_wait3A_3593 : memref<50176x768xf32, #tpu.memory_space<hbm>>) dst(%arg14 : memref<56x768xf32, #tpu.memory_space<vmem>>)
    %add3A_3594 = arith.constant 448 : i32
    %add3A_3595 = arith.addi %add3A_3484, %add3A_3594 : i32
    "tpu.region"() ({
      %run_scoped3A = tpu.sem_alloc : memref<!tpu.dma_semaphore, #tpu.memory_space<semaphore_mem>>
      %dma_start3A_3651 = arith.constant 0 : i32
      %dma_start3A_3652 = tpu.memref_slice %arg4[%add3A_3595, %dma_start3A_3651] : memref<25088x768xf32, #tpu.memory_space<hbm>> -> memref<56x768xf32, #tpu.memory_space<hbm>>
      %dma_start3A_3653 = arith.constant 0 : i32
      %dma_start3A_3654 = tpu.memref_slice %arg4[%add3A_3595, %dma_start3A_3653] : memref<25088x768xf32, #tpu.memory_space<hbm>> -> memref<56x768xf32, #tpu.memory_space<hbm>>
      tpu.enqueue_dma source(%arg14 : memref<56x768xf32, #tpu.memory_space<vmem>>) target(%dma_start3A_3654 : memref<56x768xf32, #tpu.memory_space<hbm>>) target_semaphore(%run_scoped3A : memref<!tpu.dma_semaphore, #tpu.memory_space<semaphore_mem>>)
      %dma_wait3A_3655 = arith.constant 0 : i32
      %dma_wait3A_3656 = tpu.memref_slice %arg4[%add3A_3595, %dma_wait3A_3655] : memref<25088x768xf32, #tpu.memory_space<hbm>> -> memref<56x768xf32, #tpu.memory_space<hbm>>
      %dma_wait3A_3657 = arith.constant 0 : i32
      %dma_wait3A_3658 = tpu.memref_slice %arg4[%add3A_3595, %dma_wait3A_3657] : memref<25088x768xf32, #tpu.memory_space<hbm>> -> memref<56x768xf32, #tpu.memory_space<hbm>>
      tpu.wait_dma2 semaphore(%run_scoped3A : memref<!tpu.dma_semaphore, #tpu.memory_space<semaphore_mem>>) src(%arg14 : memref<56x768xf32, #tpu.memory_space<vmem>>) dst(%dma_wait3A_3658 : memref<56x768xf32, #tpu.memory_space<hbm>>)
      tpu.yield
    }) : () -> ()
    %dma_start3A_3596 = arith.constant 0 : i32
    %dma_start3A_3597 = tpu.memref_slice %arg12[%dma_start3A_3596] : memref<112xi32, #tpu.memory_space<vmem>> -> memref<56xi32, #tpu.memory_space<vmem>>
    %dma_start3A_3598 = arith.constant 0 : i32
    %dma_start3A_3599 = arith.constant 0 : i32
    %dma_start3A_3600 = tpu.memref_slice %arg3[%dma_start3A_3598, %dma_start3A_3599] : memref<50176x768xf32, #tpu.memory_space<hbm>> -> memref<50176x768xf32, #tpu.memory_space<hbm>>
    tpu.enqueue_indirect_dma source(%dma_start3A_3600 : memref<50176x768xf32, #tpu.memory_space<hbm>>) target(%arg14 : memref<56x768xf32, #tpu.memory_space<vmem>>) offsets(%dma_start3A_3597 : memref<56xi32, #tpu.memory_space<vmem>>) semaphore(%arg16 : memref<!tpu.dma_semaphore, #tpu.memory_space<semaphore_mem>>)
    %dma_wait3A_3601 = arith.constant 56 : i32
    %dma_wait3A_3602 = tpu.memref_slice %arg11[%dma_wait3A_3601] : memref<112xi32, #tpu.memory_space<vmem>> -> memref<56xi32, #tpu.memory_space<vmem>>
    %dma_wait3A_3603 = arith.constant 0 : i32
    %dma_wait3A_3604 = arith.constant 0 : i32
    %dma_wait3A_3605 = tpu.memref_slice %arg3[%dma_wait3A_3603, %dma_wait3A_3604] : memref<50176x768xf32, #tpu.memory_space<hbm>> -> memref<50176x768xf32, #tpu.memory_space<hbm>>
    tpu.wait_indirect_dma semaphore(%arg17 : memref<!tpu.dma_semaphore, #tpu.memory_space<semaphore_mem>>) src(%dma_wait3A_3605 : memref<50176x768xf32, #tpu.memory_space<hbm>>) dst(%arg15 : memref<56x768xf32, #tpu.memory_space<vmem>>)
    %add3A_3606 = arith.constant 504 : i32
    %add3A_3607 = arith.addi %add3A_3484, %add3A_3606 : i32
    "tpu.region"() ({
      %run_scoped3A = tpu.sem_alloc : memref<!tpu.dma_semaphore, #tpu.memory_space<semaphore_mem>>
      %dma_start3A_3651 = arith.constant 0 : i32
      %dma_start3A_3652 = tpu.memref_slice %arg4[%add3A_3607, %dma_start3A_3651] : memref<25088x768xf32, #tpu.memory_space<hbm>> -> memref<56x768xf32, #tpu.memory_space<hbm>>
      %dma_start3A_3653 = arith.constant 0 : i32
      %dma_start3A_3654 = tpu.memref_slice %arg4[%add3A_3607, %dma_start3A_3653] : memref<25088x768xf32, #tpu.memory_space<hbm>> -> memref<56x768xf32, #tpu.memory_space<hbm>>
      tpu.enqueue_dma source(%arg15 : memref<56x768xf32, #tpu.memory_space<vmem>>) target(%dma_start3A_3654 : memref<56x768xf32, #tpu.memory_space<hbm>>) target_semaphore(%run_scoped3A : memref<!tpu.dma_semaphore, #tpu.memory_space<semaphore_mem>>)
      %dma_wait3A_3655 = arith.constant 0 : i32
      %dma_wait3A_3656 = tpu.memref_slice %arg4[%add3A_3607, %dma_wait3A_3655] : memref<25088x768xf32, #tpu.memory_space<hbm>> -> memref<56x768xf32, #tpu.memory_space<hbm>>
      %dma_wait3A_3657 = arith.constant 0 : i32
      %dma_wait3A_3658 = tpu.memref_slice %arg4[%add3A_3607, %dma_wait3A_3657] : memref<25088x768xf32, #tpu.memory_space<hbm>> -> memref<56x768xf32, #tpu.memory_space<hbm>>
      tpu.wait_dma2 semaphore(%run_scoped3A : memref<!tpu.dma_semaphore, #tpu.memory_space<semaphore_mem>>) src(%arg15 : memref<56x768xf32, #tpu.memory_space<vmem>>) dst(%dma_wait3A_3658 : memref<56x768xf32, #tpu.memory_space<hbm>>)
      tpu.yield
    }) : () -> ()
    %dma_start3A_3608 = arith.constant 56 : i32
    %dma_start3A_3609 = tpu.memref_slice %arg12[%dma_start3A_3608] : memref<112xi32, #tpu.memory_space<vmem>> -> memref<56xi32, #tpu.memory_space<vmem>>
    %dma_start3A_3610 = arith.constant 0 : i32
    %dma_start3A_3611 = arith.constant 0 : i32
    %dma_start3A_3612 = tpu.memref_slice %arg3[%dma_start3A_3610, %dma_start3A_3611] : memref<50176x768xf32, #tpu.memory_space<hbm>> -> memref<50176x768xf32, #tpu.memory_space<hbm>>
    tpu.enqueue_indirect_dma source(%dma_start3A_3612 : memref<50176x768xf32, #tpu.memory_space<hbm>>) target(%arg15 : memref<56x768xf32, #tpu.memory_space<vmem>>) offsets(%dma_start3A_3609 : memref<56xi32, #tpu.memory_space<vmem>>) semaphore(%arg17 : memref<!tpu.dma_semaphore, #tpu.memory_space<semaphore_mem>>)
    %dma_wait3A_3613 = arith.constant 0 : i32
    %dma_wait3A_3614 = tpu.memref_slice %arg12[%dma_wait3A_3613] : memref<112xi32, #tpu.memory_space<vmem>> -> memref<56xi32, #tpu.memory_space<vmem>>
    %dma_wait3A_3615 = arith.constant 0 : i32
    %dma_wait3A_3616 = arith.constant 0 : i32
    %dma_wait3A_3617 = tpu.memref_slice %arg3[%dma_wait3A_3615, %dma_wait3A_3616] : memref<50176x768xf32, #tpu.memory_space<hbm>> -> memref<50176x768xf32, #tpu.memory_space<hbm>>
    tpu.wait_indirect_dma semaphore(%arg16 : memref<!tpu.dma_semaphore, #tpu.memory_space<semaphore_mem>>) src(%dma_wait3A_3617 : memref<50176x768xf32, #tpu.memory_space<hbm>>) dst(%arg14 : memref<56x768xf32, #tpu.memory_space<vmem>>)
    %add3A_3618 = arith.constant 560 : i32
    %add3A_3619 = arith.addi %add3A_3484, %add3A_3618 : i32
    "tpu.region"() ({
      %run_scoped3A = tpu.sem_alloc : memref<!tpu.dma_semaphore, #tpu.memory_space<semaphore_mem>>
      %dma_start3A_3651 = arith.constant 0 : i32
      %dma_start3A_3652 = tpu.memref_slice %arg4[%add3A_3619, %dma_start3A_3651] : memref<25088x768xf32, #tpu.memory_space<hbm>> -> memref<56x768xf32, #tpu.memory_space<hbm>>
      %dma_start3A_3653 = arith.constant 0 : i32
      %dma_start3A_3654 = tpu.memref_slice %arg4[%add3A_3619, %dma_start3A_3653] : memref<25088x768xf32, #tpu.memory_space<hbm>> -> memref<56x768xf32, #tpu.memory_space<hbm>>
      tpu.enqueue_dma source(%arg14 : memref<56x768xf32, #tpu.memory_space<vmem>>) target(%dma_start3A_3654 : memref<56x768xf32, #tpu.memory_space<hbm>>) target_semaphore(%run_scoped3A : memref<!tpu.dma_semaphore, #tpu.memory_space<semaphore_mem>>)
      %dma_wait3A_3655 = arith.constant 0 : i32
      %dma_wait3A_3656 = tpu.memref_slice %arg4[%add3A_3619, %dma_wait3A_3655] : memref<25088x768xf32, #tpu.memory_space<hbm>> -> memref<56x768xf32, #tpu.memory_space<hbm>>
      %dma_wait3A_3657 = arith.constant 0 : i32
      %dma_wait3A_3658 = tpu.memref_slice %arg4[%add3A_3619, %dma_wait3A_3657] : memref<25088x768xf32, #tpu.memory_space<hbm>> -> memref<56x768xf32, #tpu.memory_space<hbm>>
      tpu.wait_dma2 semaphore(%run_scoped3A : memref<!tpu.dma_semaphore, #tpu.memory_space<semaphore_mem>>) src(%arg14 : memref<56x768xf32, #tpu.memory_space<vmem>>) dst(%dma_wait3A_3658 : memref<56x768xf32, #tpu.memory_space<hbm>>)
      tpu.yield
    }) : () -> ()
    %dma_start3A_3620 = arith.constant 0 : i32
    %dma_start3A_3621 = tpu.memref_slice %arg13[%dma_start3A_3620] : memref<112xi32, #tpu.memory_space<vmem>> -> memref<56xi32, #tpu.memory_space<vmem>>
    %dma_start3A_3622 = arith.constant 0 : i32
    %dma_start3A_3623 = arith.constant 0 : i32
    %dma_start3A_3624 = tpu.memref_slice %arg3[%dma_start3A_3622, %dma_start3A_3623] : memref<50176x768xf32, #tpu.memory_space<hbm>> -> memref<50176x768xf32, #tpu.memory_space<hbm>>
    tpu.enqueue_indirect_dma source(%dma_start3A_3624 : memref<50176x768xf32, #tpu.memory_space<hbm>>) target(%arg14 : memref<56x768xf32, #tpu.memory_space<vmem>>) offsets(%dma_start3A_3621 : memref<56xi32, #tpu.memory_space<vmem>>) semaphore(%arg16 : memref<!tpu.dma_semaphore, #tpu.memory_space<semaphore_mem>>)
    %dma_wait3A_3625 = arith.constant 56 : i32
    %dma_wait3A_3626 = tpu.memref_slice %arg12[%dma_wait3A_3625] : memref<112xi32, #tpu.memory_space<vmem>> -> memref<56xi32, #tpu.memory_space<vmem>>
    %dma_wait3A_3627 = arith.constant 0 : i32
    %dma_wait3A_3628 = arith.constant 0 : i32
    %dma_wait3A_3629 = tpu.memref_slice %arg3[%dma_wait3A_3627, %dma_wait3A_3628] : memref<50176x768xf32, #tpu.memory_space<hbm>> -> memref<50176x768xf32, #tpu.memory_space<hbm>>
    tpu.wait_indirect_dma semaphore(%arg17 : memref<!tpu.dma_semaphore, #tpu.memory_space<semaphore_mem>>) src(%dma_wait3A_3629 : memref<50176x768xf32, #tpu.memory_space<hbm>>) dst(%arg15 : memref<56x768xf32, #tpu.memory_space<vmem>>)
    %add3A_3630 = arith.constant 616 : i32
    %add3A_3631 = arith.addi %add3A_3484, %add3A_3630 : i32
    "tpu.region"() ({
      %run_scoped3A = tpu.sem_alloc : memref<!tpu.dma_semaphore, #tpu.memory_space<semaphore_mem>>
      %dma_start3A_3651 = arith.constant 0 : i32
      %dma_start3A_3652 = tpu.memref_slice %arg4[%add3A_3631, %dma_start3A_3651] : memref<25088x768xf32, #tpu.memory_space<hbm>> -> memref<56x768xf32, #tpu.memory_space<hbm>>
      %dma_start3A_3653 = arith.constant 0 : i32
      %dma_start3A_3654 = tpu.memref_slice %arg4[%add3A_3631, %dma_start3A_3653] : memref<25088x768xf32, #tpu.memory_space<hbm>> -> memref<56x768xf32, #tpu.memory_space<hbm>>
      tpu.enqueue_dma source(%arg15 : memref<56x768xf32, #tpu.memory_space<vmem>>) target(%dma_start3A_3654 : memref<56x768xf32, #tpu.memory_space<hbm>>) target_semaphore(%run_scoped3A : memref<!tpu.dma_semaphore, #tpu.memory_space<semaphore_mem>>)
      %dma_wait3A_3655 = arith.constant 0 : i32
      %dma_wait3A_3656 = tpu.memref_slice %arg4[%add3A_3631, %dma_wait3A_3655] : memref<25088x768xf32, #tpu.memory_space<hbm>> -> memref<56x768xf32, #tpu.memory_space<hbm>>
      %dma_wait3A_3657 = arith.constant 0 : i32
      %dma_wait3A_3658 = tpu.memref_slice %arg4[%add3A_3631, %dma_wait3A_3657] : memref<25088x768xf32, #tpu.memory_space<hbm>> -> memref<56x768xf32, #tpu.memory_space<hbm>>
      tpu.wait_dma2 semaphore(%run_scoped3A : memref<!tpu.dma_semaphore, #tpu.memory_space<semaphore_mem>>) src(%arg15 : memref<56x768xf32, #tpu.memory_space<vmem>>) dst(%dma_wait3A_3658 : memref<56x768xf32, #tpu.memory_space<hbm>>)
      tpu.yield
    }) : () -> ()
    %dma_start3A_3632 = arith.constant 56 : i32
    %dma_start3A_3633 = tpu.memref_slice %arg13[%dma_start3A_3632] : memref<112xi32, #tpu.memory_space<vmem>> -> memref<56xi32, #tpu.memory_space<vmem>>
    %dma_start3A_3634 = arith.constant 0 : i32
    %dma_start3A_3635 = arith.constant 0 : i32
    %dma_start3A_3636 = tpu.memref_slice %arg3[%dma_start3A_3634, %dma_start3A_3635] : memref<50176x768xf32, #tpu.memory_space<hbm>> -> memref<50176x768xf32, #tpu.memory_space<hbm>>
    tpu.enqueue_indirect_dma source(%dma_start3A_3636 : memref<50176x768xf32, #tpu.memory_space<hbm>>) target(%arg15 : memref<56x768xf32, #tpu.memory_space<vmem>>) offsets(%dma_start3A_3633 : memref<56xi32, #tpu.memory_space<vmem>>) semaphore(%arg17 : memref<!tpu.dma_semaphore, #tpu.memory_space<semaphore_mem>>)
    %dma_wait3A_3637 = arith.constant 0 : i32
    %dma_wait3A_3638 = tpu.memref_slice %arg13[%dma_wait3A_3637] : memref<112xi32, #tpu.memory_space<vmem>> -> memref<56xi32, #tpu.memory_space<vmem>>
    %dma_wait3A_3639 = arith.constant 0 : i32
    %dma_wait3A_3640 = arith.constant 0 : i32
    %dma_wait3A_3641 = tpu.memref_slice %arg3[%dma_wait3A_3639, %dma_wait3A_3640] : memref<50176x768xf32, #tpu.memory_space<hbm>> -> memref<50176x768xf32, #tpu.memory_space<hbm>>
    tpu.wait_indirect_dma semaphore(%arg16 : memref<!tpu.dma_semaphore, #tpu.memory_space<semaphore_mem>>) src(%dma_wait3A_3641 : memref<50176x768xf32, #tpu.memory_space<hbm>>) dst(%arg14 : memref<56x768xf32, #tpu.memory_space<vmem>>)
    %add3A_3642 = arith.constant 672 : i32
    %add3A_3643 = arith.addi %add3A_3484, %add3A_3642 : i32
    "tpu.region"() ({
      %run_scoped3A = tpu.sem_alloc : memref<!tpu.dma_semaphore, #tpu.memory_space<semaphore_mem>>
      %dma_start3A_3651 = arith.constant 0 : i32
      %dma_start3A_3652 = tpu.memref_slice %arg4[%add3A_3643, %dma_start3A_3651] : memref<25088x768xf32, #tpu.memory_space<hbm>> -> memref<56x768xf32, #tpu.memory_space<hbm>>
      %dma_start3A_3653 = arith.constant 0 : i32
      %dma_start3A_3654 = tpu.memref_slice %arg4[%add3A_3643, %dma_start3A_3653] : memref<25088x768xf32, #tpu.memory_space<hbm>> -> memref<56x768xf32, #tpu.memory_space<hbm>>
      tpu.enqueue_dma source(%arg14 : memref<56x768xf32, #tpu.memory_space<vmem>>) target(%dma_start3A_3654 : memref<56x768xf32, #tpu.memory_space<hbm>>) target_semaphore(%run_scoped3A : memref<!tpu.dma_semaphore, #tpu.memory_space<semaphore_mem>>)
      %dma_wait3A_3655 = arith.constant 0 : i32
      %dma_wait3A_3656 = tpu.memref_slice %arg4[%add3A_3643, %dma_wait3A_3655] : memref<25088x768xf32, #tpu.memory_space<hbm>> -> memref<56x768xf32, #tpu.memory_space<hbm>>
      %dma_wait3A_3657 = arith.constant 0 : i32
      %dma_wait3A_3658 = tpu.memref_slice %arg4[%add3A_3643, %dma_wait3A_3657] : memref<25088x768xf32, #tpu.memory_space<hbm>> -> memref<56x768xf32, #tpu.memory_space<hbm>>
      tpu.wait_dma2 semaphore(%run_scoped3A : memref<!tpu.dma_semaphore, #tpu.memory_space<semaphore_mem>>) src(%arg14 : memref<56x768xf32, #tpu.memory_space<vmem>>) dst(%dma_wait3A_3658 : memref<56x768xf32, #tpu.memory_space<hbm>>)
      tpu.yield
    }) : () -> ()
    %dma_wait3A_3644 = arith.constant 56 : i32
    %dma_wait3A_3645 = tpu.memref_slice %arg13[%dma_wait3A_3644] : memref<112xi32, #tpu.memory_space<vmem>> -> memref<56xi32, #tpu.memory_space<vmem>>
    %dma_wait3A_3646 = arith.constant 0 : i32
    %dma_wait3A_3647 = arith.constant 0 : i32
    %dma_wait3A_3648 = tpu.memref_slice %arg3[%dma_wait3A_3646, %dma_wait3A_3647] : memref<50176x768xf32, #tpu.memory_space<hbm>> -> memref<50176x768xf32, #tpu.memory_space<hbm>>
    tpu.wait_indirect_dma semaphore(%arg17 : memref<!tpu.dma_semaphore, #tpu.memory_space<semaphore_mem>>) src(%dma_wait3A_3648 : memref<50176x768xf32, #tpu.memory_space<hbm>>) dst(%arg15 : memref<56x768xf32, #tpu.memory_space<vmem>>)
    %add3A_3649 = arith.constant 728 : i32
    %add3A_3650 = arith.addi %add3A_3484, %add3A_3649 : i32
    "tpu.region"() ({
      %run_scoped3A = tpu.sem_alloc : memref<!tpu.dma_semaphore, #tpu.memory_space<semaphore_mem>>
      %dma_start3A_3651 = arith.constant 0 : i32
      %dma_start3A_3652 = tpu.memref_slice %arg4[%add3A_3650, %dma_start3A_3651] : memref<25088x768xf32, #tpu.memory_space<hbm>> -> memref<56x768xf32, #tpu.memory_space<hbm>>
      %dma_start3A_3653 = arith.constant 0 : i32
      %dma_start3A_3654 = tpu.memref_slice %arg4[%add3A_3650, %dma_start3A_3653] : memref<25088x768xf32, #tpu.memory_space<hbm>> -> memref<56x768xf32, #tpu.memory_space<hbm>>
      tpu.enqueue_dma source(%arg15 : memref<56x768xf32, #tpu.memory_space<vmem>>) target(%dma_start3A_3654 : memref<56x768xf32, #tpu.memory_space<hbm>>) target_semaphore(%run_scoped3A : memref<!tpu.dma_semaphore, #tpu.memory_space<semaphore_mem>>)
      %dma_wait3A_3655 = arith.constant 0 : i32
      %dma_wait3A_3656 = tpu.memref_slice %arg4[%add3A_3650, %dma_wait3A_3655] : memref<25088x768xf32, #tpu.memory_space<hbm>> -> memref<56x768xf32, #tpu.memory_space<hbm>>
      %dma_wait3A_3657 = arith.constant 0 : i32
      %dma_wait3A_3658 = tpu.memref_slice %arg4[%add3A_3650, %dma_wait3A_3657] : memref<25088x768xf32, #tpu.memory_space<hbm>> -> memref<56x768xf32, #tpu.memory_space<hbm>>
      tpu.wait_dma2 semaphore(%run_scoped3A : memref<!tpu.dma_semaphore, #tpu.memory_space<semaphore_mem>>) src(%arg15 : memref<56x768xf32, #tpu.memory_space<vmem>>) dst(%dma_wait3A_3658 : memref<56x768xf32, #tpu.memory_space<hbm>>)
      tpu.yield
    }) : () -> ()
    return
  }
}

module attributes {stable_mosaic.version = 14 : i64} {
  func.func @_tc_body(%arg0: i32, %arg1: i32, %arg2: memref<1x392x768xf32, #tpu.memory_space<vmem>>, %arg3: memref<1x1536xf32, #tpu.memory_space<vmem>>, %arg4: memref<1x1536xf32, #tpu.memory_space<vmem>>, %arg5: memref<1536x1536xf32, #tpu.memory_space<vmem>>, %arg6: memref<1x1536xf32, #tpu.memory_space<vmem>>, %arg7: memref<1536x768xf32, #tpu.memory_space<vmem>>, %arg8: memref<1x768xf32, #tpu.memory_space<vmem>>, %arg9: memref<768x384xf32, #tpu.memory_space<vmem>>, %arg10: memref<1x384xf32, #tpu.memory_space<vmem>>, %arg11: memref<1x384xf32, #tpu.memory_space<vmem>>, %arg12: memref<1x1xf32, #tpu.memory_space<vmem>>, %arg13: memref<256x128xf32, #tpu.memory_space<vmem>>, %arg14: memref<256x1536xf32, #tpu.memory_space<vmem>>) attributes {dimension_semantics = [#tpu.dimension_semantics<arbitrary>, #tpu.dimension_semantics<arbitrary>], iteration_bounds = array<i64: 16, 8>, scalar_prefetch = 0 : i64, scratch_operands = 1 : i64, tpu.core_type = #tpu.core_type<tc>, window_params = [{transform_indices = @transform_0, window_bounds = array<i64: 1, 392, 768>}, {pipeline_mode = #tpu.pipeline_mode<synchronous>, transform_indices = @transform_1, window_bounds = array<i64: 1, 1536>}, {pipeline_mode = #tpu.pipeline_mode<synchronous>, transform_indices = @transform_2, window_bounds = array<i64: 1, 1536>}, {pipeline_mode = #tpu.pipeline_mode<synchronous>, transform_indices = @transform_3, window_bounds = array<i64: 1536, 1536>}, {pipeline_mode = #tpu.pipeline_mode<synchronous>, transform_indices = @transform_4, window_bounds = array<i64: 1, 1536>}, {pipeline_mode = #tpu.pipeline_mode<synchronous>, transform_indices = @transform_5, window_bounds = array<i64: 1536, 768>}, {pipeline_mode = #tpu.pipeline_mode<synchronous>, transform_indices = @transform_6, window_bounds = array<i64: 1, 768>}, {pipeline_mode = #tpu.pipeline_mode<synchronous>, transform_indices = @transform_7, window_bounds = array<i64: 768, 384>}, {pipeline_mode = #tpu.pipeline_mode<synchronous>, transform_indices = @transform_8, window_bounds = array<i64: 1, 384>}, {pipeline_mode = #tpu.pipeline_mode<synchronous>, transform_indices = @transform_9, window_bounds = array<i64: 1, 384>}, {pipeline_mode = #tpu.pipeline_mode<synchronous>, transform_indices = @transform_10, window_bounds = array<i64: 1, 1>}, {pipeline_mode = #tpu.pipeline_mode<synchronous>, transform_indices = @transform_11, window_bounds = array<i64: 256, 128>}]} {
    %get3A = arith.constant 0 : index
    %get3A_0 = arith.constant 0 : index
    %get3A_1 = arith.constant 0 : index
    %get3A_2 = vector.load %arg2[%get3A, %get3A_0, %get3A_1] : memref<1x392x768xf32, #tpu.memory_space<vmem>>, vector<1x392x768xf32>
    %get3A_3 = vector.shape_cast %get3A_2 : vector<1x392x768xf32> to vector<392x768xf32>
    %slice3A = vector.extract_strided_slice %get3A_3 {offsets = [0, 0], sizes = [196, 768], strides = [1, 1]} : vector<392x768xf32> to vector<196x768xf32>
    %reduce_sum3A = arith.constant dense<0.000000e+00> : vector<768xf32>
    %reduce_sum3A_4 = vector.multi_reduction <add>, %slice3A, %reduce_sum3A [0] : vector<196x768xf32> to vector<768xf32>
    %broadcast_in_dim3A = vector.shape_cast %reduce_sum3A_4 : vector<768xf32> to vector<1x768xf32>
    %mul3A = arith.constant 0.00510204071 : f32
    %mul3A_5 = vector.broadcast %mul3A : f32 to vector<1x768xf32>
    %mul3A_6 = arith.mulf %broadcast_in_dim3A, %mul3A_5 : vector<1x768xf32>
    %reduce_max3A = arith.constant dense<0xFF800000> : vector<768xf32>
    %reduce_max3A_7 = vector.multi_reduction <maximumf>, %slice3A, %reduce_max3A [0] : vector<196x768xf32> to vector<768xf32>
    %broadcast_in_dim3A_8 = vector.shape_cast %reduce_max3A_7 : vector<768xf32> to vector<1x768xf32>
    %mul3A_9 = arith.constant 16 : i32
    %mul3A_10 = arith.muli %arg0, %mul3A_9 : i32
    %mul3A_11 = arith.constant 2 : i32
    %mul3A_12 = arith.muli %arg1, %mul3A_11 : i32
    %add3A = arith.addi %mul3A_10, %mul3A_12 : i32
    %add3A_13 = arith.constant 0 : i32
    %add3A_14 = arith.addi %add3A, %add3A_13 : i32
    %swap3A = arith.index_cast %add3A_14 : i32 to index
    %swap3A_15 = arith.constant 0 : index
    %swap3A_16 = vector.load %arg14[%swap3A, %swap3A_15] : memref<256x1536xf32, #tpu.memory_space<vmem>>, vector<1x768xf32>
    tpu.vector_store %arg14[%swap3A, %swap3A_15], %mul3A_6 {strides = array<i32>} : memref<256x1536xf32, #tpu.memory_space<vmem>>, vector<1x768xf32>,
    %swap3A_17 = arith.index_cast %add3A_14 : i32 to index
    %swap3A_18 = arith.constant 768 : index
    %swap3A_19 = vector.load %arg14[%swap3A_17, %swap3A_18] : memref<256x1536xf32, #tpu.memory_space<vmem>>, vector<1x768xf32>
    tpu.vector_store %arg14[%swap3A_17, %swap3A_18], %broadcast_in_dim3A_8 {strides = array<i32>} : memref<256x1536xf32, #tpu.memory_space<vmem>>, vector<1x768xf32>,
    %slice3A_20 = vector.extract_strided_slice %get3A_3 {offsets = [196, 0], sizes = [196, 768], strides = [1, 1]} : vector<392x768xf32> to vector<196x768xf32>
    %reduce_sum3A_21 = arith.constant dense<0.000000e+00> : vector<768xf32>
    %reduce_sum3A_22 = vector.multi_reduction <add>, %slice3A_20, %reduce_sum3A_21 [0] : vector<196x768xf32> to vector<768xf32>
    %broadcast_in_dim3A_23 = vector.shape_cast %reduce_sum3A_22 : vector<768xf32> to vector<1x768xf32>
    %mul3A_24 = arith.constant 0.00510204071 : f32
    %mul3A_25 = vector.broadcast %mul3A_24 : f32 to vector<1x768xf32>
    %mul3A_26 = arith.mulf %broadcast_in_dim3A_23, %mul3A_25 : vector<1x768xf32>
    %reduce_max3A_27 = arith.constant dense<0xFF800000> : vector<768xf32>
    %reduce_max3A_28 = vector.multi_reduction <maximumf>, %slice3A_20, %reduce_max3A_27 [0] : vector<196x768xf32> to vector<768xf32>
    %broadcast_in_dim3A_29 = vector.shape_cast %reduce_max3A_28 : vector<768xf32> to vector<1x768xf32>
    %mul3A_30 = arith.constant 16 : i32
    %mul3A_31 = arith.muli %arg0, %mul3A_30 : i32
    %mul3A_32 = arith.constant 2 : i32
    %mul3A_33 = arith.muli %arg1, %mul3A_32 : i32
    %add3A_34 = arith.addi %mul3A_31, %mul3A_33 : i32
    %add3A_35 = arith.constant 1 : i32
    %add3A_36 = arith.addi %add3A_34, %add3A_35 : i32
    %swap3A_37 = arith.index_cast %add3A_36 : i32 to index
    %swap3A_38 = arith.constant 0 : index
    %swap3A_39 = vector.load %arg14[%swap3A_37, %swap3A_38] : memref<256x1536xf32, #tpu.memory_space<vmem>>, vector<1x768xf32>
    tpu.vector_store %arg14[%swap3A_37, %swap3A_38], %mul3A_26 {strides = array<i32>} : memref<256x1536xf32, #tpu.memory_space<vmem>>, vector<1x768xf32>,
    %swap3A_40 = arith.index_cast %add3A_36 : i32 to index
    %swap3A_41 = arith.constant 768 : index
    %swap3A_42 = vector.load %arg14[%swap3A_40, %swap3A_41] : memref<256x1536xf32, #tpu.memory_space<vmem>>, vector<1x768xf32>
    tpu.vector_store %arg14[%swap3A_40, %swap3A_41], %broadcast_in_dim3A_29 {strides = array<i32>} : memref<256x1536xf32, #tpu.memory_space<vmem>>, vector<1x768xf32>,
    %eq3A = arith.constant 15 : i32
    %eq3A_43 = arith.cmpi eq, %arg0, %eq3A : i32
    %eq3A_44 = arith.constant 7 : i32
    %eq3A_45 = arith.cmpi eq, %arg1, %eq3A_44 : i32
    %and3A = arith.andi %eq3A_43, %eq3A_45 : i1
    %convert_element_type3A = arith.extui %and3A : i1 to i32
    %cond3A = arith.constant 0 : i32
    %cond3A_46 = arith.cmpi ne, %convert_element_type3A, %cond3A : i32
    scf.if %cond3A_46 {
      %get3A_47 = arith.constant 0 : index
      %get3A_48 = arith.constant 0 : index
      %get3A_49 = vector.load %arg14[%get3A_47, %get3A_48] : memref<256x1536xf32, #tpu.memory_space<vmem>>, vector<256x1536xf32>
      %reduce_sum3A_50 = arith.constant dense<0.000000e+00> : vector<256xf32>
      %reduce_sum3A_51 = vector.multi_reduction <add>, %get3A_49, %reduce_sum3A_50 [1] : vector<256x1536xf32> to vector<256xf32>
      %broadcast_in_dim3A_52 = vector.shape_cast %reduce_sum3A_51 : vector<256xf32> to vector<256x1xf32>
      %div3A = arith.constant 1.536000e+03 : f32
      %div3A_53 = vector.broadcast %div3A : f32 to vector<256x1xf32>
      %div3A_54 = arith.divf %broadcast_in_dim3A_52, %div3A_53 : vector<256x1xf32>
      %sub3A = vector.broadcast %div3A_54 : vector<256x1xf32> to vector<256x1536xf32>
      %sub3A_55 = arith.subf %get3A_49, %sub3A : vector<256x1536xf32>
      %integer_pow3A = arith.mulf %sub3A_55, %sub3A_55 : vector<256x1536xf32>
      %reduce_sum3A_56 = arith.constant dense<0.000000e+00> : vector<256xf32>
      %reduce_sum3A_57 = vector.multi_reduction <add>, %integer_pow3A, %reduce_sum3A_56 [1] : vector<256x1536xf32> to vector<256xf32>
      %broadcast_in_dim3A_58 = vector.shape_cast %reduce_sum3A_57 : vector<256xf32> to vector<256x1xf32>
      %div3A_59 = arith.constant 1.536000e+03 : f32
      %div3A_60 = vector.broadcast %div3A_59 : f32 to vector<256x1xf32>
      %div3A_61 = arith.divf %broadcast_in_dim3A_58, %div3A_60 : vector<256x1xf32>
      %sub3A_62 = vector.broadcast %div3A_54 : vector<256x1xf32> to vector<256x1536xf32>
      %sub3A_63 = arith.subf %get3A_49, %sub3A_62 : vector<256x1536xf32>
      %add3A_64 = arith.constant 9.99999974E-6 : f32
      %add3A_65 = vector.broadcast %add3A_64 : f32 to vector<256x1xf32>
      %add3A_66 = arith.addf %div3A_61, %add3A_65 : vector<256x1xf32>
      %sqrt3A = math.sqrt %add3A_66 : vector<256x1xf32>
      %div3A_67 = vector.broadcast %sqrt3A : vector<256x1xf32> to vector<256x1536xf32>
      %div3A_68 = arith.divf %sub3A_63, %div3A_67 : vector<256x1536xf32>
      %get3A_69 = arith.constant 0 : index
      %get3A_70 = arith.constant 0 : index
      %get3A_71 = vector.load %arg3[%get3A_69, %get3A_70] : memref<1x1536xf32, #tpu.memory_space<vmem>>, vector<1x1536xf32>
      %mul3A_72 = vector.broadcast %get3A_71 : vector<1x1536xf32> to vector<256x1536xf32>
      %mul3A_73 = arith.mulf %div3A_68, %mul3A_72 : vector<256x1536xf32>
      %get3A_74 = arith.constant 0 : index
      %get3A_75 = arith.constant 0 : index
      %get3A_76 = vector.load %arg4[%get3A_74, %get3A_75] : memref<1x1536xf32, #tpu.memory_space<vmem>>, vector<1x1536xf32>
      %add3A_77 = vector.broadcast %get3A_76 : vector<1x1536xf32> to vector<256x1536xf32>
      %add3A_78 = arith.addf %mul3A_73, %add3A_77 : vector<256x1536xf32>
      %get3A_79 = arith.constant 0 : index
      %get3A_80 = arith.constant 0 : index
      %get3A_81 = vector.load %arg5[%get3A_79, %get3A_80] : memref<1536x1536xf32, #tpu.memory_space<vmem>>, vector<1536x1536xf32>
      %dot_general3A = arith.constant dense<0.000000e+00> : vector<256x1536xf32>
      %dot_general3A_82 = tpu.matmul %add3A_78, %get3A_81, %dot_general3A {dimension_numbers = #tpu.dot_dimension_numbers<[1], [0], [0], [1], [0, 0, 1, 1], [], []>, transpose_lhs_hint = false} : vector<256x1536xf32>, vector<1536x1536xf32>, vector<256x1536xf32> -> vector<256x1536xf32>
      %get3A_83 = arith.constant 0 : index
      %get3A_84 = arith.constant 0 : index
      %get3A_85 = vector.load %arg6[%get3A_83, %get3A_84] : memref<1x1536xf32, #tpu.memory_space<vmem>>, vector<1x1536xf32>
      %add3A_86 = vector.broadcast %get3A_85 : vector<1x1536xf32> to vector<256x1536xf32>
      %add3A_87 = arith.addf %dot_general3A_82, %add3A_86 : vector<256x1536xf32>
      %mul3A_88 = arith.constant 5.000000e-01 : f32
      %mul3A_89 = vector.broadcast %mul3A_88 : f32 to vector<256x1536xf32>
      %mul3A_90 = arith.mulf %mul3A_89, %add3A_87 : vector<256x1536xf32>
      %neg3A = arith.constant 0.000000e+00 : f32
      %neg3A_91 = vector.broadcast %neg3A : f32 to vector<256x1536xf32>
      %neg3A_92 = arith.subf %neg3A_91, %add3A_87 : vector<256x1536xf32>
      %mul3A_93 = arith.constant 0.707106769 : f32
      %mul3A_94 = vector.broadcast %mul3A_93 : f32 to vector<256x1536xf32>
      %mul3A_95 = arith.mulf %neg3A_92, %mul3A_94 : vector<256x1536xf32>
      %abs3A = math.absf %mul3A_95 : vector<256x1536xf32>
      %neg3A_96 = arith.constant 0.000000e+00 : f32
      %neg3A_97 = vector.broadcast %neg3A_96 : f32 to vector<256x1536xf32>
      %neg3A_98 = arith.subf %neg3A_97, %mul3A_95 : vector<256x1536xf32>
      %mul3A_99 = arith.mulf %neg3A_98, %mul3A_95 : vector<256x1536xf32>
      %exp3A = math.exp %mul3A_99 : vector<256x1536xf32>
      %div3A_100 = arith.constant 1.000000e+00 : f32
      %div3A_101 = vector.broadcast %div3A_100 : f32 to vector<256x1536xf32>
      %div3A_102 = arith.divf %div3A_101, %abs3A : vector<256x1536xf32>
      %mul3A_103 = arith.mulf %div3A_102, %div3A_102 : vector<256x1536xf32>
      %lt3A = arith.constant 2.000000e+00 : f32
      %lt3A_104 = vector.broadcast %lt3A : f32 to vector<256x1536xf32>
      %lt3A_105 = arith.cmpf olt, %abs3A, %lt3A_104 : vector<256x1536xf32>
      %broadcast_in_dim3A_106 = arith.constant 2.326820e-02 : f32
      %broadcast_in_dim3A_107 = vector.broadcast %broadcast_in_dim3A_106 : f32 to vector<256x1536xf32>
      %mul3A_108 = arith.mulf %broadcast_in_dim3A_107, %mul3A_103 : vector<256x1536xf32>
      %add3A_109 = arith.constant -0.138703942 : f32
      %add3A_110 = vector.broadcast %add3A_109 : f32 to vector<256x1536xf32>
      %add3A_111 = arith.addf %mul3A_108, %add3A_110 : vector<256x1536xf32>
      %mul3A_112 = arith.mulf %add3A_111, %mul3A_103 : vector<256x1536xf32>
      %add3A_113 = arith.constant 0.368742466 : f32
      %add3A_114 = vector.broadcast %add3A_113 : f32 to vector<256x1536xf32>
      %add3A_115 = arith.addf %mul3A_112, %add3A_114 : vector<256x1536xf32>
      %mul3A_116 = arith.mulf %add3A_115, %mul3A_103 : vector<256x1536xf32>
      %add3A_117 = arith.constant -0.582473278 : f32
      %add3A_118 = vector.broadcast %add3A_117 : f32 to vector<256x1536xf32>
      %add3A_119 = arith.addf %mul3A_116, %add3A_118 : vector<256x1536xf32>
      %mul3A_120 = arith.mulf %add3A_119, %mul3A_103 : vector<256x1536xf32>
      %add3A_121 = arith.constant 0.621000468 : f32
      %add3A_122 = vector.broadcast %add3A_121 : f32 to vector<256x1536xf32>
      %add3A_123 = arith.addf %mul3A_120, %add3A_122 : vector<256x1536xf32>
      %mul3A_124 = arith.mulf %add3A_123, %mul3A_103 : vector<256x1536xf32>
      %add3A_125 = arith.constant -0.494451523 : f32
      %add3A_126 = vector.broadcast %add3A_125 : f32 to vector<256x1536xf32>
      %add3A_127 = arith.addf %mul3A_124, %add3A_126 : vector<256x1536xf32>
      %mul3A_128 = arith.mulf %add3A_127, %mul3A_103 : vector<256x1536xf32>
      %add3A_129 = arith.constant 3.404880e-01 : f32
      %add3A_130 = vector.broadcast %add3A_129 : f32 to vector<256x1536xf32>
      %add3A_131 = arith.addf %mul3A_128, %add3A_130 : vector<256x1536xf32>
      %mul3A_132 = arith.mulf %add3A_131, %mul3A_103 : vector<256x1536xf32>
      %add3A_133 = arith.constant -0.274112701 : f32
      %add3A_134 = vector.broadcast %add3A_133 : f32 to vector<256x1536xf32>
      %add3A_135 = arith.addf %mul3A_132, %add3A_134 : vector<256x1536xf32>
      %mul3A_136 = arith.mulf %add3A_135, %mul3A_103 : vector<256x1536xf32>
      %add3A_137 = arith.constant 0.563825965 : f32
      %add3A_138 = vector.broadcast %add3A_137 : f32 to vector<256x1536xf32>
      %add3A_139 = arith.addf %mul3A_136, %add3A_138 : vector<256x1536xf32>
      %broadcast_in_dim3A_140 = arith.constant -10.477664 : f32
      %broadcast_in_dim3A_141 = vector.broadcast %broadcast_in_dim3A_140 : f32 to vector<256x1536xf32>
      %mul3A_142 = arith.mulf %broadcast_in_dim3A_141, %mul3A_103 : vector<256x1536xf32>
      %add3A_143 = arith.constant 1.297720e+01 : f32
      %add3A_144 = vector.broadcast %add3A_143 : f32 to vector<256x1536xf32>
      %add3A_145 = arith.addf %mul3A_142, %add3A_144 : vector<256x1536xf32>
      %mul3A_146 = arith.mulf %add3A_145, %mul3A_103 : vector<256x1536xf32>
      %add3A_147 = arith.constant -7.49551868 : f32
      %add3A_148 = vector.broadcast %add3A_147 : f32 to vector<256x1536xf32>
      %add3A_149 = arith.addf %mul3A_146, %add3A_148 : vector<256x1536xf32>
      %mul3A_150 = arith.mulf %add3A_149, %mul3A_103 : vector<256x1536xf32>
      %add3A_151 = arith.constant 2.92101908 : f32
      %add3A_152 = vector.broadcast %add3A_151 : f32 to vector<256x1536xf32>
      %add3A_153 = arith.addf %mul3A_150, %add3A_152 : vector<256x1536xf32>
      %mul3A_154 = arith.mulf %add3A_153, %mul3A_103 : vector<256x1536xf32>
      %add3A_155 = arith.constant -1.01526523 : f32
      %add3A_156 = vector.broadcast %add3A_155 : f32 to vector<256x1536xf32>
      %add3A_157 = arith.addf %mul3A_154, %add3A_156 : vector<256x1536xf32>
      %mul3A_158 = arith.mulf %add3A_157, %mul3A_103 : vector<256x1536xf32>
      %add3A_159 = arith.constant 0.42184633 : f32
      %add3A_160 = vector.broadcast %add3A_159 : f32 to vector<256x1536xf32>
      %add3A_161 = arith.addf %mul3A_158, %add3A_160 : vector<256x1536xf32>
      %mul3A_162 = arith.mulf %add3A_161, %mul3A_103 : vector<256x1536xf32>
      %add3A_163 = arith.constant -0.282076746 : f32
      %add3A_164 = vector.broadcast %add3A_163 : f32 to vector<256x1536xf32>
      %add3A_165 = arith.addf %mul3A_162, %add3A_164 : vector<256x1536xf32>
      %mul3A_166 = arith.mulf %add3A_165, %mul3A_103 : vector<256x1536xf32>
      %add3A_167 = arith.constant 0.564189494 : f32
      %add3A_168 = vector.broadcast %add3A_167 : f32 to vector<256x1536xf32>
      %add3A_169 = arith.addf %mul3A_166, %add3A_168 : vector<256x1536xf32>
      %select_n3A = arith.select %lt3A_105, %add3A_139, %add3A_169 : vector<256x1536xi1>, vector<256x1536xf32>
      %mul3A_170 = arith.mulf %exp3A, %div3A_102 : vector<256x1536xf32>
      %mul3A_171 = arith.mulf %mul3A_170, %select_n3A : vector<256x1536xf32>
      %lt3A_172 = arith.constant -88.7228394 : f32
      %lt3A_173 = vector.broadcast %lt3A_172 : f32 to vector<256x1536xf32>
      %lt3A_174 = arith.cmpf olt, %mul3A_99, %lt3A_173 : vector<256x1536xf32>
      %broadcast_in_dim3A_175 = arith.constant 0.000000e+00 : f32
      %broadcast_in_dim3A_176 = vector.broadcast %broadcast_in_dim3A_175 : f32 to vector<256x1536xf32>
      %select_n3A_177 = arith.select %lt3A_174, %broadcast_in_dim3A_176, %mul3A_171 : vector<256x1536xi1>, vector<256x1536xf32>
      %lt3A_178 = arith.constant 0.000000e+00 : f32
      %lt3A_179 = vector.broadcast %lt3A_178 : f32 to vector<256x1536xf32>
      %lt3A_180 = arith.cmpf olt, %mul3A_95, %lt3A_179 : vector<256x1536xf32>
      %sub3A_181 = arith.constant 2.000000e+00 : f32
      %sub3A_182 = vector.broadcast %sub3A_181 : f32 to vector<256x1536xf32>
      %sub3A_183 = arith.subf %sub3A_182, %select_n3A_177 : vector<256x1536xf32>
      %select_n3A_184 = arith.select %lt3A_180, %sub3A_183, %select_n3A_177 : vector<256x1536xi1>, vector<256x1536xf32>
      %mul3A_185 = arith.mulf %mul3A_95, %mul3A_95 : vector<256x1536xf32>
      %broadcast_in_dim3A_186 = arith.constant 7.85386146E-5 : f32
      %broadcast_in_dim3A_187 = vector.broadcast %broadcast_in_dim3A_186 : f32 to vector<256x1536xf32>
      %mul3A_188 = arith.mulf %broadcast_in_dim3A_187, %mul3A_185 : vector<256x1536xf32>
      %add3A_189 = arith.constant -8.0101937E-4 : f32
      %add3A_190 = vector.broadcast %add3A_189 : f32 to vector<256x1536xf32>
      %add3A_191 = arith.addf %mul3A_188, %add3A_190 : vector<256x1536xf32>
      %mul3A_192 = arith.mulf %add3A_191, %mul3A_185 : vector<256x1536xf32>
      %add3A_193 = arith.constant 0.00518832775 : f32
      %add3A_194 = vector.broadcast %add3A_193 : f32 to vector<256x1536xf32>
      %add3A_195 = arith.addf %mul3A_192, %add3A_194 : vector<256x1536xf32>
      %mul3A_196 = arith.mulf %add3A_195, %mul3A_185 : vector<256x1536xf32>
      %add3A_197 = arith.constant -0.0268538129 : f32
      %add3A_198 = vector.broadcast %add3A_197 : f32 to vector<256x1536xf32>
      %add3A_199 = arith.addf %mul3A_196, %add3A_198 : vector<256x1536xf32>
      %mul3A_200 = arith.mulf %add3A_199, %mul3A_185 : vector<256x1536xf32>
      %add3A_201 = arith.constant 0.112835854 : f32
      %add3A_202 = vector.broadcast %add3A_201 : f32 to vector<256x1536xf32>
      %add3A_203 = arith.addf %mul3A_200, %add3A_202 : vector<256x1536xf32>
      %mul3A_204 = arith.mulf %add3A_203, %mul3A_185 : vector<256x1536xf32>
      %add3A_205 = arith.constant -0.37612626 : f32
      %add3A_206 = vector.broadcast %add3A_205 : f32 to vector<256x1536xf32>
      %add3A_207 = arith.addf %mul3A_204, %add3A_206 : vector<256x1536xf32>
      %mul3A_208 = arith.mulf %add3A_207, %mul3A_185 : vector<256x1536xf32>
      %add3A_209 = arith.constant 1.12837911 : f32
      %add3A_210 = vector.broadcast %add3A_209 : f32 to vector<256x1536xf32>
      %add3A_211 = arith.addf %mul3A_208, %add3A_210 : vector<256x1536xf32>
      %mul3A_212 = arith.mulf %mul3A_95, %add3A_211 : vector<256x1536xf32>
      %gt3A = arith.constant 1.000000e+00 : f32
      %gt3A_213 = vector.broadcast %gt3A : f32 to vector<256x1536xf32>
      %gt3A_214 = arith.cmpf ogt, %abs3A, %gt3A_213 : vector<256x1536xf32>
      %sub3A_215 = arith.constant 1.000000e+00 : f32
      %sub3A_216 = vector.broadcast %sub3A_215 : f32 to vector<256x1536xf32>
      %sub3A_217 = arith.subf %sub3A_216, %mul3A_212 : vector<256x1536xf32>
      %select_n3A_218 = arith.select %gt3A_214, %select_n3A_184, %sub3A_217 : vector<256x1536xi1>, vector<256x1536xf32>
      %mul3A_219 = arith.mulf %mul3A_90, %select_n3A_218 : vector<256x1536xf32>
      %slice3A_220 = vector.extract_strided_slice %mul3A_219 {offsets = [0, 0], sizes = [256, 768], strides = [1, 1]} : vector<256x1536xf32> to vector<256x768xf32>
      %slice3A_221 = vector.extract_strided_slice %mul3A_219 {offsets = [0, 768], sizes = [256, 768], strides = [1, 1]} : vector<256x1536xf32> to vector<256x768xf32>
      %reshape3A = vector.shape_cast %slice3A_221 : vector<256x768xf32> to vector<16x16x768xf32>
      %reduce_sum3A_222 = arith.constant dense<0.000000e+00> : vector<16x768xf32>
      %reduce_sum3A_223 = vector.multi_reduction <add>, %reshape3A, %reduce_sum3A_222 [1] : vector<16x16x768xf32> to vector<16x768xf32>
      %broadcast_in_dim3A_224 = vector.shape_cast %reduce_sum3A_223 : vector<16x768xf32> to vector<16x1x768xf32>
      %div3A_225 = arith.constant 1.600000e+01 : f32
      %div3A_226 = vector.broadcast %div3A_225 : f32 to vector<16x1x768xf32>
      %div3A_227 = arith.divf %broadcast_in_dim3A_224, %div3A_226 : vector<16x1x768xf32>
      %broadcast_in_dim3A_228 = vector.shape_cast %div3A_227 : vector<16x1x768xf32> to vector<16x1x768xf32>
      %broadcast_in_dim3A_229 = vector.broadcast %broadcast_in_dim3A_228 : vector<16x1x768xf32> to vector<16x16x768xf32>
      %reshape3A_230 = vector.shape_cast %broadcast_in_dim3A_229 : vector<16x16x768xf32> to vector<256x768xf32>
      %concatenate3A = tpu.concatenate %slice3A_220, %reshape3A_230 in 1 : vector<256x768xf32>, vector<256x768xf32> -> vector<256x1536xf32>
      %get3A_231 = arith.constant 0 : index
      %get3A_232 = arith.constant 0 : index
      %get3A_233 = vector.load %arg7[%get3A_231, %get3A_232] : memref<1536x768xf32, #tpu.memory_space<vmem>>, vector<1536x768xf32>
      %dot_general3A_234 = arith.constant dense<0.000000e+00> : vector<256x768xf32>
      %dot_general3A_235 = tpu.matmul %concatenate3A, %get3A_233, %dot_general3A_234 {dimension_numbers = #tpu.dot_dimension_numbers<[1], [0], [0], [1], [0, 0, 1, 1], [], []>, transpose_lhs_hint = false} : vector<256x1536xf32>, vector<1536x768xf32>, vector<256x768xf32> -> vector<256x768xf32>
      %get3A_236 = arith.constant 0 : index
      %get3A_237 = arith.constant 0 : index
      %get3A_238 = vector.load %arg8[%get3A_236, %get3A_237] : memref<1x768xf32, #tpu.memory_space<vmem>>, vector<1x768xf32>
      %add3A_239 = vector.broadcast %get3A_238 : vector<1x768xf32> to vector<256x768xf32>
      %add3A_240 = arith.addf %dot_general3A_235, %add3A_239 : vector<256x768xf32>
      %mul3A_241 = arith.constant 5.000000e-01 : f32
      %mul3A_242 = vector.broadcast %mul3A_241 : f32 to vector<256x768xf32>
      %mul3A_243 = arith.mulf %mul3A_242, %add3A_240 : vector<256x768xf32>
      %neg3A_244 = arith.constant 0.000000e+00 : f32
      %neg3A_245 = vector.broadcast %neg3A_244 : f32 to vector<256x768xf32>
      %neg3A_246 = arith.subf %neg3A_245, %add3A_240 : vector<256x768xf32>
      %mul3A_247 = arith.constant 0.707106769 : f32
      %mul3A_248 = vector.broadcast %mul3A_247 : f32 to vector<256x768xf32>
      %mul3A_249 = arith.mulf %neg3A_246, %mul3A_248 : vector<256x768xf32>
      %abs3A_250 = math.absf %mul3A_249 : vector<256x768xf32>
      %neg3A_251 = arith.constant 0.000000e+00 : f32
      %neg3A_252 = vector.broadcast %neg3A_251 : f32 to vector<256x768xf32>
      %neg3A_253 = arith.subf %neg3A_252, %mul3A_249 : vector<256x768xf32>
      %mul3A_254 = arith.mulf %neg3A_253, %mul3A_249 : vector<256x768xf32>
      %exp3A_255 = math.exp %mul3A_254 : vector<256x768xf32>
      %div3A_256 = arith.constant 1.000000e+00 : f32
      %div3A_257 = vector.broadcast %div3A_256 : f32 to vector<256x768xf32>
      %div3A_258 = arith.divf %div3A_257, %abs3A_250 : vector<256x768xf32>
      %mul3A_259 = arith.mulf %div3A_258, %div3A_258 : vector<256x768xf32>
      %lt3A_260 = arith.constant 2.000000e+00 : f32
      %lt3A_261 = vector.broadcast %lt3A_260 : f32 to vector<256x768xf32>
      %lt3A_262 = arith.cmpf olt, %abs3A_250, %lt3A_261 : vector<256x768xf32>
      %broadcast_in_dim3A_263 = arith.constant 2.326820e-02 : f32
      %broadcast_in_dim3A_264 = vector.broadcast %broadcast_in_dim3A_263 : f32 to vector<256x768xf32>
      %mul3A_265 = arith.mulf %broadcast_in_dim3A_264, %mul3A_259 : vector<256x768xf32>
      %add3A_266 = arith.constant -0.138703942 : f32
      %add3A_267 = vector.broadcast %add3A_266 : f32 to vector<256x768xf32>
      %add3A_268 = arith.addf %mul3A_265, %add3A_267 : vector<256x768xf32>
      %mul3A_269 = arith.mulf %add3A_268, %mul3A_259 : vector<256x768xf32>
      %add3A_270 = arith.constant 0.368742466 : f32
      %add3A_271 = vector.broadcast %add3A_270 : f32 to vector<256x768xf32>
      %add3A_272 = arith.addf %mul3A_269, %add3A_271 : vector<256x768xf32>
      %mul3A_273 = arith.mulf %add3A_272, %mul3A_259 : vector<256x768xf32>
      %add3A_274 = arith.constant -0.582473278 : f32
      %add3A_275 = vector.broadcast %add3A_274 : f32 to vector<256x768xf32>
      %add3A_276 = arith.addf %mul3A_273, %add3A_275 : vector<256x768xf32>
      %mul3A_277 = arith.mulf %add3A_276, %mul3A_259 : vector<256x768xf32>
      %add3A_278 = arith.constant 0.621000468 : f32
      %add3A_279 = vector.broadcast %add3A_278 : f32 to vector<256x768xf32>
      %add3A_280 = arith.addf %mul3A_277, %add3A_279 : vector<256x768xf32>
      %mul3A_281 = arith.mulf %add3A_280, %mul3A_259 : vector<256x768xf32>
      %add3A_282 = arith.constant -0.494451523 : f32
      %add3A_283 = vector.broadcast %add3A_282 : f32 to vector<256x768xf32>
      %add3A_284 = arith.addf %mul3A_281, %add3A_283 : vector<256x768xf32>
      %mul3A_285 = arith.mulf %add3A_284, %mul3A_259 : vector<256x768xf32>
      %add3A_286 = arith.constant 3.404880e-01 : f32
      %add3A_287 = vector.broadcast %add3A_286 : f32 to vector<256x768xf32>
      %add3A_288 = arith.addf %mul3A_285, %add3A_287 : vector<256x768xf32>
      %mul3A_289 = arith.mulf %add3A_288, %mul3A_259 : vector<256x768xf32>
      %add3A_290 = arith.constant -0.274112701 : f32
      %add3A_291 = vector.broadcast %add3A_290 : f32 to vector<256x768xf32>
      %add3A_292 = arith.addf %mul3A_289, %add3A_291 : vector<256x768xf32>
      %mul3A_293 = arith.mulf %add3A_292, %mul3A_259 : vector<256x768xf32>
      %add3A_294 = arith.constant 0.563825965 : f32
      %add3A_295 = vector.broadcast %add3A_294 : f32 to vector<256x768xf32>
      %add3A_296 = arith.addf %mul3A_293, %add3A_295 : vector<256x768xf32>
      %broadcast_in_dim3A_297 = arith.constant -10.477664 : f32
      %broadcast_in_dim3A_298 = vector.broadcast %broadcast_in_dim3A_297 : f32 to vector<256x768xf32>
      %mul3A_299 = arith.mulf %broadcast_in_dim3A_298, %mul3A_259 : vector<256x768xf32>
      %add3A_300 = arith.constant 1.297720e+01 : f32
      %add3A_301 = vector.broadcast %add3A_300 : f32 to vector<256x768xf32>
      %add3A_302 = arith.addf %mul3A_299, %add3A_301 : vector<256x768xf32>
      %mul3A_303 = arith.mulf %add3A_302, %mul3A_259 : vector<256x768xf32>
      %add3A_304 = arith.constant -7.49551868 : f32
      %add3A_305 = vector.broadcast %add3A_304 : f32 to vector<256x768xf32>
      %add3A_306 = arith.addf %mul3A_303, %add3A_305 : vector<256x768xf32>
      %mul3A_307 = arith.mulf %add3A_306, %mul3A_259 : vector<256x768xf32>
      %add3A_308 = arith.constant 2.92101908 : f32
      %add3A_309 = vector.broadcast %add3A_308 : f32 to vector<256x768xf32>
      %add3A_310 = arith.addf %mul3A_307, %add3A_309 : vector<256x768xf32>
      %mul3A_311 = arith.mulf %add3A_310, %mul3A_259 : vector<256x768xf32>
      %add3A_312 = arith.constant -1.01526523 : f32
      %add3A_313 = vector.broadcast %add3A_312 : f32 to vector<256x768xf32>
      %add3A_314 = arith.addf %mul3A_311, %add3A_313 : vector<256x768xf32>
      %mul3A_315 = arith.mulf %add3A_314, %mul3A_259 : vector<256x768xf32>
      %add3A_316 = arith.constant 0.42184633 : f32
      %add3A_317 = vector.broadcast %add3A_316 : f32 to vector<256x768xf32>
      %add3A_318 = arith.addf %mul3A_315, %add3A_317 : vector<256x768xf32>
      %mul3A_319 = arith.mulf %add3A_318, %mul3A_259 : vector<256x768xf32>
      %add3A_320 = arith.constant -0.282076746 : f32
      %add3A_321 = vector.broadcast %add3A_320 : f32 to vector<256x768xf32>
      %add3A_322 = arith.addf %mul3A_319, %add3A_321 : vector<256x768xf32>
      %mul3A_323 = arith.mulf %add3A_322, %mul3A_259 : vector<256x768xf32>
      %add3A_324 = arith.constant 0.564189494 : f32
      %add3A_325 = vector.broadcast %add3A_324 : f32 to vector<256x768xf32>
      %add3A_326 = arith.addf %mul3A_323, %add3A_325 : vector<256x768xf32>
      %select_n3A_327 = arith.select %lt3A_262, %add3A_296, %add3A_326 : vector<256x768xi1>, vector<256x768xf32>
      %mul3A_328 = arith.mulf %exp3A_255, %div3A_258 : vector<256x768xf32>
      %mul3A_329 = arith.mulf %mul3A_328, %select_n3A_327 : vector<256x768xf32>
      %lt3A_330 = arith.constant -88.7228394 : f32
      %lt3A_331 = vector.broadcast %lt3A_330 : f32 to vector<256x768xf32>
      %lt3A_332 = arith.cmpf olt, %mul3A_254, %lt3A_331 : vector<256x768xf32>
      %broadcast_in_dim3A_333 = arith.constant 0.000000e+00 : f32
      %broadcast_in_dim3A_334 = vector.broadcast %broadcast_in_dim3A_333 : f32 to vector<256x768xf32>
      %select_n3A_335 = arith.select %lt3A_332, %broadcast_in_dim3A_334, %mul3A_329 : vector<256x768xi1>, vector<256x768xf32>
      %lt3A_336 = arith.constant 0.000000e+00 : f32
      %lt3A_337 = vector.broadcast %lt3A_336 : f32 to vector<256x768xf32>
      %lt3A_338 = arith.cmpf olt, %mul3A_249, %lt3A_337 : vector<256x768xf32>
      %sub3A_339 = arith.constant 2.000000e+00 : f32
      %sub3A_340 = vector.broadcast %sub3A_339 : f32 to vector<256x768xf32>
      %sub3A_341 = arith.subf %sub3A_340, %select_n3A_335 : vector<256x768xf32>
      %select_n3A_342 = arith.select %lt3A_338, %sub3A_341, %select_n3A_335 : vector<256x768xi1>, vector<256x768xf32>
      %mul3A_343 = arith.mulf %mul3A_249, %mul3A_249 : vector<256x768xf32>
      %broadcast_in_dim3A_344 = arith.constant 7.85386146E-5 : f32
      %broadcast_in_dim3A_345 = vector.broadcast %broadcast_in_dim3A_344 : f32 to vector<256x768xf32>
      %mul3A_346 = arith.mulf %broadcast_in_dim3A_345, %mul3A_343 : vector<256x768xf32>
      %add3A_347 = arith.constant -8.0101937E-4 : f32
      %add3A_348 = vector.broadcast %add3A_347 : f32 to vector<256x768xf32>
      %add3A_349 = arith.addf %mul3A_346, %add3A_348 : vector<256x768xf32>
      %mul3A_350 = arith.mulf %add3A_349, %mul3A_343 : vector<256x768xf32>
      %add3A_351 = arith.constant 0.00518832775 : f32
      %add3A_352 = vector.broadcast %add3A_351 : f32 to vector<256x768xf32>
      %add3A_353 = arith.addf %mul3A_350, %add3A_352 : vector<256x768xf32>
      %mul3A_354 = arith.mulf %add3A_353, %mul3A_343 : vector<256x768xf32>
      %add3A_355 = arith.constant -0.0268538129 : f32
      %add3A_356 = vector.broadcast %add3A_355 : f32 to vector<256x768xf32>
      %add3A_357 = arith.addf %mul3A_354, %add3A_356 : vector<256x768xf32>
      %mul3A_358 = arith.mulf %add3A_357, %mul3A_343 : vector<256x768xf32>
      %add3A_359 = arith.constant 0.112835854 : f32
      %add3A_360 = vector.broadcast %add3A_359 : f32 to vector<256x768xf32>
      %add3A_361 = arith.addf %mul3A_358, %add3A_360 : vector<256x768xf32>
      %mul3A_362 = arith.mulf %add3A_361, %mul3A_343 : vector<256x768xf32>
      %add3A_363 = arith.constant -0.37612626 : f32
      %add3A_364 = vector.broadcast %add3A_363 : f32 to vector<256x768xf32>
      %add3A_365 = arith.addf %mul3A_362, %add3A_364 : vector<256x768xf32>
      %mul3A_366 = arith.mulf %add3A_365, %mul3A_343 : vector<256x768xf32>
      %add3A_367 = arith.constant 1.12837911 : f32
      %add3A_368 = vector.broadcast %add3A_367 : f32 to vector<256x768xf32>
      %add3A_369 = arith.addf %mul3A_366, %add3A_368 : vector<256x768xf32>
      %mul3A_370 = arith.mulf %mul3A_249, %add3A_369 : vector<256x768xf32>
      %gt3A_371 = arith.constant 1.000000e+00 : f32
      %gt3A_372 = vector.broadcast %gt3A_371 : f32 to vector<256x768xf32>
      %gt3A_373 = arith.cmpf ogt, %abs3A_250, %gt3A_372 : vector<256x768xf32>
      %sub3A_374 = arith.constant 1.000000e+00 : f32
      %sub3A_375 = vector.broadcast %sub3A_374 : f32 to vector<256x768xf32>
      %sub3A_376 = arith.subf %sub3A_375, %mul3A_370 : vector<256x768xf32>
      %select_n3A_377 = arith.select %gt3A_373, %select_n3A_342, %sub3A_376 : vector<256x768xi1>, vector<256x768xf32>
      %mul3A_378 = arith.mulf %mul3A_243, %select_n3A_377 : vector<256x768xf32>
      %get3A_379 = arith.constant 0 : index
      %get3A_380 = arith.constant 0 : index
      %get3A_381 = vector.load %arg9[%get3A_379, %get3A_380] : memref<768x384xf32, #tpu.memory_space<vmem>>, vector<768x384xf32>
      %dot_general3A_382 = arith.constant dense<0.000000e+00> : vector<256x384xf32>
      %dot_general3A_383 = tpu.matmul %mul3A_378, %get3A_381, %dot_general3A_382 {dimension_numbers = #tpu.dot_dimension_numbers<[1], [0], [0], [1], [0, 0, 1, 1], [], []>, transpose_lhs_hint = false} : vector<256x768xf32>, vector<768x384xf32>, vector<256x384xf32> -> vector<256x384xf32>
      %get3A_384 = arith.constant 0 : index
      %get3A_385 = arith.constant 0 : index
      %get3A_386 = vector.load %arg10[%get3A_384, %get3A_385] : memref<1x384xf32, #tpu.memory_space<vmem>>, vector<1x384xf32>
      %add3A_387 = vector.broadcast %get3A_386 : vector<1x384xf32> to vector<256x384xf32>
      %add3A_388 = arith.addf %dot_general3A_383, %add3A_387 : vector<256x384xf32>
      %mul3A_389 = arith.constant 5.000000e-01 : f32
      %mul3A_390 = vector.broadcast %mul3A_389 : f32 to vector<256x384xf32>
      %mul3A_391 = arith.mulf %mul3A_390, %add3A_388 : vector<256x384xf32>
      %neg3A_392 = arith.constant 0.000000e+00 : f32
      %neg3A_393 = vector.broadcast %neg3A_392 : f32 to vector<256x384xf32>
      %neg3A_394 = arith.subf %neg3A_393, %add3A_388 : vector<256x384xf32>
      %mul3A_395 = arith.constant 0.707106769 : f32
      %mul3A_396 = vector.broadcast %mul3A_395 : f32 to vector<256x384xf32>
      %mul3A_397 = arith.mulf %neg3A_394, %mul3A_396 : vector<256x384xf32>
      %abs3A_398 = math.absf %mul3A_397 : vector<256x384xf32>
      %neg3A_399 = arith.constant 0.000000e+00 : f32
      %neg3A_400 = vector.broadcast %neg3A_399 : f32 to vector<256x384xf32>
      %neg3A_401 = arith.subf %neg3A_400, %mul3A_397 : vector<256x384xf32>
      %mul3A_402 = arith.mulf %neg3A_401, %mul3A_397 : vector<256x384xf32>
      %exp3A_403 = math.exp %mul3A_402 : vector<256x384xf32>
      %div3A_404 = arith.constant 1.000000e+00 : f32
      %div3A_405 = vector.broadcast %div3A_404 : f32 to vector<256x384xf32>
      %div3A_406 = arith.divf %div3A_405, %abs3A_398 : vector<256x384xf32>
      %mul3A_407 = arith.mulf %div3A_406, %div3A_406 : vector<256x384xf32>
      %lt3A_408 = arith.constant 2.000000e+00 : f32
      %lt3A_409 = vector.broadcast %lt3A_408 : f32 to vector<256x384xf32>
      %lt3A_410 = arith.cmpf olt, %abs3A_398, %lt3A_409 : vector<256x384xf32>
      %broadcast_in_dim3A_411 = arith.constant 2.326820e-02 : f32
      %broadcast_in_dim3A_412 = vector.broadcast %broadcast_in_dim3A_411 : f32 to vector<256x384xf32>
      %mul3A_413 = arith.mulf %broadcast_in_dim3A_412, %mul3A_407 : vector<256x384xf32>
      %add3A_414 = arith.constant -0.138703942 : f32
      %add3A_415 = vector.broadcast %add3A_414 : f32 to vector<256x384xf32>
      %add3A_416 = arith.addf %mul3A_413, %add3A_415 : vector<256x384xf32>
      %mul3A_417 = arith.mulf %add3A_416, %mul3A_407 : vector<256x384xf32>
      %add3A_418 = arith.constant 0.368742466 : f32
      %add3A_419 = vector.broadcast %add3A_418 : f32 to vector<256x384xf32>
      %add3A_420 = arith.addf %mul3A_417, %add3A_419 : vector<256x384xf32>
      %mul3A_421 = arith.mulf %add3A_420, %mul3A_407 : vector<256x384xf32>
      %add3A_422 = arith.constant -0.582473278 : f32
      %add3A_423 = vector.broadcast %add3A_422 : f32 to vector<256x384xf32>
      %add3A_424 = arith.addf %mul3A_421, %add3A_423 : vector<256x384xf32>
      %mul3A_425 = arith.mulf %add3A_424, %mul3A_407 : vector<256x384xf32>
      %add3A_426 = arith.constant 0.621000468 : f32
      %add3A_427 = vector.broadcast %add3A_426 : f32 to vector<256x384xf32>
      %add3A_428 = arith.addf %mul3A_425, %add3A_427 : vector<256x384xf32>
      %mul3A_429 = arith.mulf %add3A_428, %mul3A_407 : vector<256x384xf32>
      %add3A_430 = arith.constant -0.494451523 : f32
      %add3A_431 = vector.broadcast %add3A_430 : f32 to vector<256x384xf32>
      %add3A_432 = arith.addf %mul3A_429, %add3A_431 : vector<256x384xf32>
      %mul3A_433 = arith.mulf %add3A_432, %mul3A_407 : vector<256x384xf32>
      %add3A_434 = arith.constant 3.404880e-01 : f32
      %add3A_435 = vector.broadcast %add3A_434 : f32 to vector<256x384xf32>
      %add3A_436 = arith.addf %mul3A_433, %add3A_435 : vector<256x384xf32>
      %mul3A_437 = arith.mulf %add3A_436, %mul3A_407 : vector<256x384xf32>
      %add3A_438 = arith.constant -0.274112701 : f32
      %add3A_439 = vector.broadcast %add3A_438 : f32 to vector<256x384xf32>
      %add3A_440 = arith.addf %mul3A_437, %add3A_439 : vector<256x384xf32>
      %mul3A_441 = arith.mulf %add3A_440, %mul3A_407 : vector<256x384xf32>
      %add3A_442 = arith.constant 0.563825965 : f32
      %add3A_443 = vector.broadcast %add3A_442 : f32 to vector<256x384xf32>
      %add3A_444 = arith.addf %mul3A_441, %add3A_443 : vector<256x384xf32>
      %broadcast_in_dim3A_445 = arith.constant -10.477664 : f32
      %broadcast_in_dim3A_446 = vector.broadcast %broadcast_in_dim3A_445 : f32 to vector<256x384xf32>
      %mul3A_447 = arith.mulf %broadcast_in_dim3A_446, %mul3A_407 : vector<256x384xf32>
      %add3A_448 = arith.constant 1.297720e+01 : f32
      %add3A_449 = vector.broadcast %add3A_448 : f32 to vector<256x384xf32>
      %add3A_450 = arith.addf %mul3A_447, %add3A_449 : vector<256x384xf32>
      %mul3A_451 = arith.mulf %add3A_450, %mul3A_407 : vector<256x384xf32>
      %add3A_452 = arith.constant -7.49551868 : f32
      %add3A_453 = vector.broadcast %add3A_452 : f32 to vector<256x384xf32>
      %add3A_454 = arith.addf %mul3A_451, %add3A_453 : vector<256x384xf32>
      %mul3A_455 = arith.mulf %add3A_454, %mul3A_407 : vector<256x384xf32>
      %add3A_456 = arith.constant 2.92101908 : f32
      %add3A_457 = vector.broadcast %add3A_456 : f32 to vector<256x384xf32>
      %add3A_458 = arith.addf %mul3A_455, %add3A_457 : vector<256x384xf32>
      %mul3A_459 = arith.mulf %add3A_458, %mul3A_407 : vector<256x384xf32>
      %add3A_460 = arith.constant -1.01526523 : f32
      %add3A_461 = vector.broadcast %add3A_460 : f32 to vector<256x384xf32>
      %add3A_462 = arith.addf %mul3A_459, %add3A_461 : vector<256x384xf32>
      %mul3A_463 = arith.mulf %add3A_462, %mul3A_407 : vector<256x384xf32>
      %add3A_464 = arith.constant 0.42184633 : f32
      %add3A_465 = vector.broadcast %add3A_464 : f32 to vector<256x384xf32>
      %add3A_466 = arith.addf %mul3A_463, %add3A_465 : vector<256x384xf32>
      %mul3A_467 = arith.mulf %add3A_466, %mul3A_407 : vector<256x384xf32>
      %add3A_468 = arith.constant -0.282076746 : f32
      %add3A_469 = vector.broadcast %add3A_468 : f32 to vector<256x384xf32>
      %add3A_470 = arith.addf %mul3A_467, %add3A_469 : vector<256x384xf32>
      %mul3A_471 = arith.mulf %add3A_470, %mul3A_407 : vector<256x384xf32>
      %add3A_472 = arith.constant 0.564189494 : f32
      %add3A_473 = vector.broadcast %add3A_472 : f32 to vector<256x384xf32>
      %add3A_474 = arith.addf %mul3A_471, %add3A_473 : vector<256x384xf32>
      %select_n3A_475 = arith.select %lt3A_410, %add3A_444, %add3A_474 : vector<256x384xi1>, vector<256x384xf32>
      %mul3A_476 = arith.mulf %exp3A_403, %div3A_406 : vector<256x384xf32>
      %mul3A_477 = arith.mulf %mul3A_476, %select_n3A_475 : vector<256x384xf32>
      %lt3A_478 = arith.constant -88.7228394 : f32
      %lt3A_479 = vector.broadcast %lt3A_478 : f32 to vector<256x384xf32>
      %lt3A_480 = arith.cmpf olt, %mul3A_402, %lt3A_479 : vector<256x384xf32>
      %broadcast_in_dim3A_481 = arith.constant 0.000000e+00 : f32
      %broadcast_in_dim3A_482 = vector.broadcast %broadcast_in_dim3A_481 : f32 to vector<256x384xf32>
      %select_n3A_483 = arith.select %lt3A_480, %broadcast_in_dim3A_482, %mul3A_477 : vector<256x384xi1>, vector<256x384xf32>
      %lt3A_484 = arith.constant 0.000000e+00 : f32
      %lt3A_485 = vector.broadcast %lt3A_484 : f32 to vector<256x384xf32>
      %lt3A_486 = arith.cmpf olt, %mul3A_397, %lt3A_485 : vector<256x384xf32>
      %sub3A_487 = arith.constant 2.000000e+00 : f32
      %sub3A_488 = vector.broadcast %sub3A_487 : f32 to vector<256x384xf32>
      %sub3A_489 = arith.subf %sub3A_488, %select_n3A_483 : vector<256x384xf32>
      %select_n3A_490 = arith.select %lt3A_486, %sub3A_489, %select_n3A_483 : vector<256x384xi1>, vector<256x384xf32>
      %mul3A_491 = arith.mulf %mul3A_397, %mul3A_397 : vector<256x384xf32>
      %broadcast_in_dim3A_492 = arith.constant 7.85386146E-5 : f32
      %broadcast_in_dim3A_493 = vector.broadcast %broadcast_in_dim3A_492 : f32 to vector<256x384xf32>
      %mul3A_494 = arith.mulf %broadcast_in_dim3A_493, %mul3A_491 : vector<256x384xf32>
      %add3A_495 = arith.constant -8.0101937E-4 : f32
      %add3A_496 = vector.broadcast %add3A_495 : f32 to vector<256x384xf32>
      %add3A_497 = arith.addf %mul3A_494, %add3A_496 : vector<256x384xf32>
      %mul3A_498 = arith.mulf %add3A_497, %mul3A_491 : vector<256x384xf32>
      %add3A_499 = arith.constant 0.00518832775 : f32
      %add3A_500 = vector.broadcast %add3A_499 : f32 to vector<256x384xf32>
      %add3A_501 = arith.addf %mul3A_498, %add3A_500 : vector<256x384xf32>
      %mul3A_502 = arith.mulf %add3A_501, %mul3A_491 : vector<256x384xf32>
      %add3A_503 = arith.constant -0.0268538129 : f32
      %add3A_504 = vector.broadcast %add3A_503 : f32 to vector<256x384xf32>
      %add3A_505 = arith.addf %mul3A_502, %add3A_504 : vector<256x384xf32>
      %mul3A_506 = arith.mulf %add3A_505, %mul3A_491 : vector<256x384xf32>
      %add3A_507 = arith.constant 0.112835854 : f32
      %add3A_508 = vector.broadcast %add3A_507 : f32 to vector<256x384xf32>
      %add3A_509 = arith.addf %mul3A_506, %add3A_508 : vector<256x384xf32>
      %mul3A_510 = arith.mulf %add3A_509, %mul3A_491 : vector<256x384xf32>
      %add3A_511 = arith.constant -0.37612626 : f32
      %add3A_512 = vector.broadcast %add3A_511 : f32 to vector<256x384xf32>
      %add3A_513 = arith.addf %mul3A_510, %add3A_512 : vector<256x384xf32>
      %mul3A_514 = arith.mulf %add3A_513, %mul3A_491 : vector<256x384xf32>
      %add3A_515 = arith.constant 1.12837911 : f32
      %add3A_516 = vector.broadcast %add3A_515 : f32 to vector<256x384xf32>
      %add3A_517 = arith.addf %mul3A_514, %add3A_516 : vector<256x384xf32>
      %mul3A_518 = arith.mulf %mul3A_397, %add3A_517 : vector<256x384xf32>
      %gt3A_519 = arith.constant 1.000000e+00 : f32
      %gt3A_520 = vector.broadcast %gt3A_519 : f32 to vector<256x384xf32>
      %gt3A_521 = arith.cmpf ogt, %abs3A_398, %gt3A_520 : vector<256x384xf32>
      %sub3A_522 = arith.constant 1.000000e+00 : f32
      %sub3A_523 = vector.broadcast %sub3A_522 : f32 to vector<256x384xf32>
      %sub3A_524 = arith.subf %sub3A_523, %mul3A_518 : vector<256x384xf32>
      %select_n3A_525 = arith.select %gt3A_521, %select_n3A_490, %sub3A_524 : vector<256x384xi1>, vector<256x384xf32>
      %mul3A_526 = arith.mulf %mul3A_391, %select_n3A_525 : vector<256x384xf32>
      %get3A_527 = arith.constant 0 : index
      %get3A_528 = arith.constant 0 : index
      %get3A_529 = vector.load %arg11[%get3A_527, %get3A_528] : memref<1x384xf32, #tpu.memory_space<vmem>>, vector<1x384xf32>
      %reshape3A_530 = vector.shape_cast %get3A_529 : vector<1x384xf32> to vector<384x1xf32>
      %broadcast_in_dim3A_531 = vector.shape_cast %reshape3A_530 : vector<384x1xf32> to vector<384x1xf32>
      %broadcast_in_dim3A_532 = vector.broadcast %broadcast_in_dim3A_531 : vector<384x1xf32> to vector<384x128xf32>
      %dot_general3A_533 = arith.constant dense<0.000000e+00> : vector<256x128xf32>
      %dot_general3A_534 = tpu.matmul %mul3A_526, %broadcast_in_dim3A_532, %dot_general3A_533 {dimension_numbers = #tpu.dot_dimension_numbers<[1], [0], [0], [1], [0, 0, 1, 1], [], []>, transpose_lhs_hint = false} : vector<256x384xf32>, vector<384x128xf32>, vector<256x128xf32> -> vector<256x128xf32>
      %get3A_535 = arith.constant 0 : index
      %get3A_536 = arith.constant 0 : index
      %get3A_537 = vector.load %arg12[%get3A_535, %get3A_536] : memref<1x1xf32, #tpu.memory_space<vmem>>, vector<1x1xf32>
      %add3A_538 = vector.broadcast %get3A_537 : vector<1x1xf32> to vector<256x128xf32>
      %add3A_539 = arith.addf %dot_general3A_534, %add3A_538 : vector<256x128xf32>
      %reshape3A_540 = vector.shape_cast %add3A_539 : vector<256x128xf32> to vector<16x16x128xf32>
      %reduce_min3A = arith.constant dense<0x7F800000> : vector<16x128xf32>
      %reduce_min3A_541 = vector.multi_reduction <minimumf>, %reshape3A_540, %reduce_min3A [1] : vector<16x16x128xf32> to vector<16x128xf32>
      %broadcast_in_dim3A_542 = vector.shape_cast %reduce_min3A_541 : vector<16x128xf32> to vector<16x1x128xf32>
      %reduce_max3A_543 = arith.constant dense<0xFF800000> : vector<16x128xf32>
      %reduce_max3A_544 = vector.multi_reduction <maximumf>, %reshape3A_540, %reduce_max3A_543 [1] : vector<16x16x128xf32> to vector<16x128xf32>
      %broadcast_in_dim3A_545 = vector.shape_cast %reduce_max3A_544 : vector<16x128xf32> to vector<16x1x128xf32>
      %sub3A_546 = vector.broadcast %broadcast_in_dim3A_542 : vector<16x1x128xf32> to vector<16x16x128xf32>
      %sub3A_547 = arith.subf %reshape3A_540, %sub3A_546 : vector<16x16x128xf32>
      %sub3A_548 = arith.subf %broadcast_in_dim3A_545, %broadcast_in_dim3A_542 : vector<16x1x128xf32>
      %add3A_549 = arith.constant 9.99999974E-6 : f32
      %add3A_550 = vector.broadcast %add3A_549 : f32 to vector<16x1x128xf32>
      %add3A_551 = arith.addf %sub3A_548, %add3A_550 : vector<16x1x128xf32>
      %div3A_552 = vector.broadcast %add3A_551 : vector<16x1x128xf32> to vector<16x16x128xf32>
      %div3A_553 = arith.divf %sub3A_547, %div3A_552 : vector<16x16x128xf32>
      %reshape3A_554 = vector.shape_cast %div3A_553 : vector<16x16x128xf32> to vector<256x128xf32>
      %swap3A_555 = arith.constant 0 : index
      %swap3A_556 = arith.constant 0 : index
      %swap3A_557 = vector.load %arg13[%swap3A_555, %swap3A_556] : memref<256x128xf32, #tpu.memory_space<vmem>>, vector<256x128xf32>
      tpu.vector_store %arg13[%swap3A_555, %swap3A_556], %reshape3A_554 {strides = array<i32>} : memref<256x128xf32, #tpu.memory_space<vmem>>, vector<256x128xf32>,
    } else {
    }
    return
  }
  func.func @transform_0(%arg0: i32, %arg1: i32) -> (i32, i32, i32) {
    %c0_i32 = arith.constant 0 : i32
    %c0_i32_0 = arith.constant 0 : i32
    return %arg0, %arg1, %c0_i32 : i32, i32, i32
  }
  func.func @transform_1(%arg0: i32, %arg1: i32) -> (i32, i32) {
    %c0_i32 = arith.constant 0 : i32
    %c0_i32_0 = arith.constant 0 : i32
    %c0_i32_1 = arith.constant 0 : i32
    return %c0_i32, %c0_i32_0 : i32, i32
  }
  func.func @transform_2(%arg0: i32, %arg1: i32) -> (i32, i32) {
    %c0_i32 = arith.constant 0 : i32
    %c0_i32_0 = arith.constant 0 : i32
    %c0_i32_1 = arith.constant 0 : i32
    return %c0_i32, %c0_i32_0 : i32, i32
  }
  func.func @transform_3(%arg0: i32, %arg1: i32) -> (i32, i32) {
    %c0_i32 = arith.constant 0 : i32
    %c0_i32_0 = arith.constant 0 : i32
    %c0_i32_1 = arith.constant 0 : i32
    return %c0_i32, %c0_i32_0 : i32, i32
  }
  func.func @transform_4(%arg0: i32, %arg1: i32) -> (i32, i32) {
    %c0_i32 = arith.constant 0 : i32
    %c0_i32_0 = arith.constant 0 : i32
    %c0_i32_1 = arith.constant 0 : i32
    return %c0_i32, %c0_i32_0 : i32, i32
  }
  func.func @transform_5(%arg0: i32, %arg1: i32) -> (i32, i32) {
    %c0_i32 = arith.constant 0 : i32
    %c0_i32_0 = arith.constant 0 : i32
    %c0_i32_1 = arith.constant 0 : i32
    return %c0_i32, %c0_i32_0 : i32, i32
  }
  func.func @transform_6(%arg0: i32, %arg1: i32) -> (i32, i32) {
    %c0_i32 = arith.constant 0 : i32
    %c0_i32_0 = arith.constant 0 : i32
    %c0_i32_1 = arith.constant 0 : i32
    return %c0_i32, %c0_i32_0 : i32, i32
  }
  func.func @transform_7(%arg0: i32, %arg1: i32) -> (i32, i32) {
    %c0_i32 = arith.constant 0 : i32
    %c0_i32_0 = arith.constant 0 : i32
    %c0_i32_1 = arith.constant 0 : i32
    return %c0_i32, %c0_i32_0 : i32, i32
  }
  func.func @transform_8(%arg0: i32, %arg1: i32) -> (i32, i32) {
    %c0_i32 = arith.constant 0 : i32
    %c0_i32_0 = arith.constant 0 : i32
    %c0_i32_1 = arith.constant 0 : i32
    return %c0_i32, %c0_i32_0 : i32, i32
  }
  func.func @transform_9(%arg0: i32, %arg1: i32) -> (i32, i32) {
    %c0_i32 = arith.constant 0 : i32
    %c0_i32_0 = arith.constant 0 : i32
    %c0_i32_1 = arith.constant 0 : i32
    return %c0_i32, %c0_i32_0 : i32, i32
  }
  func.func @transform_10(%arg0: i32, %arg1: i32) -> (i32, i32) {
    %c0_i32 = arith.constant 0 : i32
    %c0_i32_0 = arith.constant 0 : i32
    %c0_i32_1 = arith.constant 0 : i32
    return %c0_i32, %c0_i32_0 : i32, i32
  }
  func.func @transform_11(%arg0: i32, %arg1: i32) -> (i32, i32) {
    %c0_i32 = arith.constant 0 : i32
    %c0_i32_0 = arith.constant 0 : i32
    %c0_i32_1 = arith.constant 0 : i32
    return %c0_i32, %c0_i32_0 : i32, i32
  }
}

</mosaic_0001>

<sc_bundles>
// kernel: kernel.4.cloned.1.call-start
scs
__scs_entry_jumppad:
0x0: {  	(pc) =	sbr.rel $0x88, $3  }
0x1: {  	(tag) =	ssettag $0x0;
	lr =	simm.s32 $0x1  }
0x2: {  	[smem:$0x3F96] =	sst lr;
	_ =	strace $0xD0000000  }
0x3: {  	_ = 	snop  }
0x4: {  	_ = 	snop  }
0x5: {  	_ = 	snop  }
0x6: {  	_ = 	snop  }
0x7: {  	_ = 	snop  }
__scs_overlays_trampoline_lowered:
0x8: {  	[smem:$0x3FA5] =	sst s0  }
0x9: {  	[smem:$0x3FA6] =	sst s1  }
0xa: {  	[smem:$0x3FA7] =	sst s2  }
0xb: {  	[smem:$0x3FA8] =	sst s3  }
0xc: {  	[smem:$0x3FA9] =	sst s4  }
0xd: {  	[smem:$0x3FAA] =	sst s5  }
0xe: {  	[smem:$0x3FAB] =	sst s6  }
0xf: {  	[smem:$0x3FAC] =	sst s7  }
0x10: {  	[smem:$0x3FAD] =	sst s8  }
0x11: {  	[smem:$0x3FAE] =	sst s9;
	s0 =	simm.s32 @!p0 $0x0  }
0x12: {  	s1 =	sld [smem:$0x3F94];
	s0 =	simm.s32 @p0 $0x1  }
0x13: {  	[smem:$0x3FAF] =	sst s0;
	s0 =	simm.s32 @!p1 $0x0  }
0x14: {  	s2 =	sld [smem:$0x3F93];
	s0 =	simm.s32 @p1 $0x1  }
0x15: {  	[smem:$0x3FB0] =	sst s0;
	s0 =	simm.s32 @!p2 $0x0  }
0x16: {  	s3 =	sld [smem:$0x3FDB];
	s0 =	simm.s32 @p2 $0x1  }
0x17: {  	s4 =	simm.s32 $0x1BF5;
	[smem:$0x3FB2] =	sst s0  }
0x18: {  	s0 =	sld [smem:$0x3F95];
	_ =	swait.ge [sflag:s4], $0x0  }
0x19: {  	s7 =	sld [smem:$0x3F96]  }
0x1a: {  	s8 =	sadd.s32 $0xFFFFE003, lr  }
0x1b: {  	s9 =	sadd.s32 $0xFFFFFEF7, lr;
	s5 =	simm.s32 $0xFFFFFFFF;
	p2 =	slt.u32 s8, $0xFFFFF086  }
0x1c: {  	p1 =	slt.u32 s9, $0xF7A;
	s5 =	simm.s32 @!p2 $0x0  }
0x1d: {  	s5 =	simm.s32 @p1 $0x1;
	p0 =	seq.s32 s7, s2  }
0x1e: {  	s7 =	smul.u32 @!p0 $0xF7A, s2;
	p2 =	seq.s32 @!p0 s5, $0x0  }
0x1f: {  	s9 =	smul.u32 $0xF7A, s1;
	s8 =	simm.s32 @!p0 $0x1BF5;
	p2 =	por !p2, p0  }
0x20: {  	[sflag:s8] =	ssyncset.s32 @!p0 $0xFFFFF086;
	s6 =	sadd.s32 @!p0 s3, s7;
	s7 =	simm.s32 @!p0 $0x108  }
0x21: {  	s3 =	sadd.s32 s3, s9;
	s6 =	sadd.s32 @!p0 $0x88, s6;
	s7 =	simm.s32 @p2 $0x1082  }
0x22: {  	[simem:s7], [sflag:s8] =	dma.local @!p0 [hbm:s6], $0xF7A  }
0x23: {  	s9 =	sor.u32 $0xD0000000, s2;
	s6 =	simm.s32 $0x108;
	_ =	swait.ge @!p0 [sflag:s8], $0x0  }
0x24: {  	s3 =	sadd.s32 $0x88, s3;
	s6 =	simm.s32 @!p1 $0x1082;
	[sflag:s4] =	ssyncset.s32 $0xFFFFF086  }
0x25: {  	[simem:s6], [sflag:s4] =	dma.local [hbm:s3], $0xF7A  }
0x26: {  	[smem:$0x3F96] =	sst s1;
	(tag) =	ssettag s2;
	_ =	strace s9  }
0x27: {  	s1 =	sld [smem:$0x3FA6]  }
0x28: {  	s2 =	sld [smem:$0x3FA7]  }
0x29: {  	s4 =	sld [smem:$0x3FA9]  }
0x2a: {  	p0 =	seq.s32 s5, $0x0;
	s5 =	sld [smem:$0x3FAA]  }
0x2b: {  	s6 =	sld [smem:$0x3FAB]  }
0x2c: {  	s7 =	sld [smem:$0x3FAC]  }
0x2d: {  	s3 =	simm.s32 $0x108;
	s8 =	sld [smem:$0x3FAD]  }
0x2e: {  	s3 =	simm.s32 @!p0 $0x1082;
	s9 =	sld [smem:$0x3FAE]  }
0x2f: {  	lr =	sadd.s32 s0, s3;
	s0 =	sld [smem:$0x3FA5]  }
0x30: {  	s3 =	sld [smem:$0x3FA8]  }
0x31: {  	[smem:$0x3FB1] =	sst s10  }
0x32: {  	s10 =	sld [smem:$0x3FAF];
	_ =	sdelay $0x3  }
0x33: {  	p0 =	seq.s32 s10, $0x1;
	s10 =	sld [smem:$0x3FB1];
	_ =	sdelay $0x3  }
0x34: {  	[smem:$0x3FB1] =	sst s10  }
0x35: {  	s10 =	sld [smem:$0x3FB0];
	_ =	sdelay $0x3  }
0x36: {  	p1 =	seq.s32 s10, $0x1;
	s10 =	sld [smem:$0x3FB1];
	_ =	sdelay $0x3  }
0x37: {  	[smem:$0x3FB1] =	sst s10  }
0x38: {  	s10 =	sld [smem:$0x3FB2]  }
0x39: {  	_ = 	snop;
	(pc) =	sbr.ind lr, $3  }
0x3a: {  	_ = 	snop  }
0x3b: {  	_ = 	snop  }
0x3c: {  	p2 =	seq.s32 s10, $0x1;
	s10 =	sld [smem:$0x3FB1]  }
0x3d: {  	_ =	shalt  }
0x3e: {  	_ =	shalt  }
0x3f: {  	_ =	shalt  }
0x40: {  	_ =	shalt  }
0x41: {  	_ =	shalt  }
0x42: {  	_ =	shalt  }
0x43: {  	_ =	shalt  }
0x44: {  	_ =	shalt  }
0x45: {  	_ =	shalt  }
0x46: {  	_ =	shalt  }
0x47: {  	_ =	shalt  }
0x48: {  	_ =	shalt  }
0x49: {  	_ =	shalt  }
0x4a: {  	_ =	shalt  }
0x4b: {  	_ =	shalt  }
0x4c: {  	_ =	shalt  }
0x4d: {  	_ =	shalt  }
0x4e: {  	_ =	shalt  }
0x4f: {  	_ =	shalt  }
0x50: {  	_ =	shalt  }
0x51: {  	_ =	shalt  }
0x52: {  	_ =	shalt  }
0x53: {  	_ =	shalt  }
0x54: {  	_ =	shalt  }
0x55: {  	_ =	shalt  }
0x56: {  	_ =	shalt  }
0x57: {  	_ =	shalt  }
0x58: {  	_ =	shalt  }
0x59: {  	_ =	shalt  }
0x5a: {  	_ =	shalt  }
0x5b: {  	_ =	shalt  }
0x5c: {  	_ =	shalt  }
0x5d: {  	_ =	shalt  }
0x5e: {  	_ =	shalt  }
0x5f: {  	_ =	shalt  }
0x60: {  	_ =	shalt  }
0x61: {  	_ =	shalt  }
0x62: {  	_ =	shalt  }
0x63: {  	_ =	shalt  }
0x64: {  	_ =	shalt  }
0x65: {  	_ =	shalt  }
0x66: {  	_ =	shalt  }
0x67: {  	_ =	shalt  }
0x68: {  	_ =	shalt  }
0x69: {  	_ =	shalt  }
0x6a: {  	_ =	shalt  }
0x6b: {  	_ =	shalt  }
0x6c: {  	_ =	shalt  }
0x6d: {  	_ =	shalt  }
0x6e: {  	_ =	shalt  }
0x6f: {  	_ =	shalt  }
0x70: {  	_ =	shalt  }
0x71: {  	_ =	shalt  }
0x72: {  	_ =	shalt  }
0x73: {  	_ =	shalt  }
0x74: {  	_ =	shalt  }
0x75: {  	_ =	shalt  }
0x76: {  	_ =	shalt  }
0x77: {  	_ =	shalt  }
0x78: {  	_ =	shalt  }
0x79: {  	_ =	shalt  }
0x7a: {  	_ =	shalt  }
0x7b: {  	_ =	shalt  }
0x7c: {  	_ =	shalt  }
0x7d: {  	_ =	shalt  }
0x7e: {  	_ =	shalt  }
0x7f: {  	_ =	shalt  }
0x80: {  	_ =	shalt  }
0x81: {  	_ =	shalt  }
0x82: {  	_ =	shalt  }
0x83: {  	_ =	shalt  }
0x84: {  	_ =	shalt  }
0x85: {  	_ =	shalt  }
0x86: {  	_ =	shalt  }
0x87: {  	_ =	shalt  }
.Lfunc_end0:
.L_simem_size_0:
called_computation_lowered:
.L_overlay_start_0:
0x88: {  	s2 =	sld [smem:$0x3FD9]  }
0x89: {  	s3 =	sld [smem:$0x3FFE];
	_ =	sdelay $0x1  }
0x8a: {  	s1 =	srdreg.scid  }
0x8b: {  	s0 =	sand.u32 $0x1, s1  }
0x8c: {  	s17 =	sshll.u32 s0, $0xA;
	s2 =	sadd.s32 s3, s2  }
0x8d: {  	s2 =	sadd.s32 s2, s17  }
0x8e: {  	[smem:$0x3FBD] =	sst s2  }
0x8f: {  	_ = 	snop  }
0x90: {  	s2 =	sld [smem:$0x3FC9]  }
0x91: {  	s18 =	sld [smem:$0x3FD0];
	(tm) =	ssettm $0x1  }
0x92: {  	s4 =	sld [smem:$0x3FFB];
	_ =	sdelay $0x3  }
0x93: {  	_ =	strace s4  }
0x94: {  	s4 =	sld [smem:$0x3FFC];
	_ =	sdelay $0x3  }
0x95: {  	_ =	strace s4  }
0x96: {  	s4 =	sld [smem:$0x3FFD];
	_ =	sdelay $0x3  }
0x97: {  	_ =	strace s4  }
0x98: {  	_ =	strace $0x8FFFFFFF  }
0x99: {  	s19 =	sld [smem:$0x3FDB];
	_ =	sdelay $0x1  }
0x9a: {  	s5 =	simm.s32 $_scs_section_size  }
0x9b: {  	s6 =	simm.s32 $_size__tile_overlayer_lowered;
	s7 =	simm.s32 $_tile_overlayer_lowered  }
0x9c: {  	s22 =	simm.s32 $0x1BFF;
	s21 =	sshll.u32 s7, $0x1;
	s4 =	sadd.s32 s5, s19  }
0x9d: {  	s8 =	simm.s32 $0x0;
	s20 =	sshll.u32 s6, $0x1;
	s6 =	sadd.s32 s21, s4  }
0x9e: {  	[timem:s8], [sflag:s22] =	dma.local [hbm:s6], s20  }
0x9f: {  	_ =	swait.ge [sflag:s22], s20  }
0xa0: {  	s5 =	ssub.s32 $0x0, s20;
	[sflag:s22] =	ssyncset.done $0x0  }
0xa1: {  	[sflag:s22] =	ssyncadd.s32 s5;
	_ =	sdelay $0x1  }
0xa2: {  	s23 =	simm.s32 $0x1B8B  }
0xa3: {  	_ =	swait.ge [sflag:s23], $0x1  }
0xa4: {  	[sflag:s23] =	ssyncset.done $0x0  }
0xa5: {  	s25 =	simm.s32 $0x1B8E;
	s24 =	sld [smem:$0x3FFE];
	[sflag:s23] =	ssyncadd.s32 $0xFFFFFFFF  }
0xa6: {  	s26 =	simm.s32 $execute0_lowered;
	[smem:$0x3FD2] =	sst s25  }
0xa7: {  	s6 =	sshll.u32 s26, $0x1;
	_ =	strace $0x80000046;
	[dreg:$0x1] =	wrdreg $0xFFFFFFFF  }
0xa8: {  	s28 =	simm.s32 $_size_execute0_lowered;
	s4 =	sadd.s32 s4, s6;
	[dreg:$0x0] =	wrdreg $0x0  }
0xa9: {  	s6 =	sshll.u32 s28, $0x1;
	[dreg:$0x2] =	wrdreg s4  }
0xaa: {  	[dreg:$0x3] =	wrdreg s6  }
0xab: {  	[dreg:$0x4] =	wrdreg $0xC0  }
0xac: {  	_ =	task [dreg:s8], $0x5FFFF  }
0xad: {  	[dreg:$0x1] =	wrdreg $0xFFFFFFFF  }
0xae: {  	[dreg:$0x0] =	wrdreg $0x60  }
0xaf: {  	[dreg:$0x2] =	wrdreg s24  }
0xb0: {  	[dreg:$0x3] =	wrdreg s2  }
0xb1: {  	[dreg:$0x4] =	wrdreg s18  }
0xb2: {  	[dreg:$0x5] =	wrdreg $0x9  }
0xb3: {  	_ =	task.clear_ibuf [dreg:s8], $0x6FFFF;
	_ =	strace $0x90000046  }
0xb4: {  	s29 =	simm.s32 $0x9;
	_ =	strace $0x80000048  }
0xb5: {  	_ =	swait.ge [sflag:s29], $0x1  }
0xb6: {  	[sflag:s29] =	ssyncadd.s32 $0xFFFFFFFF  }
0xb7: {  	_ =	strace $0x90000048  }
0xb8: {  	_ =	sfence  }
0xb9: {  	s30 =	sld [smem:$0x0];
	_ =	sdelay $0x2  }
0xba: {  	s31 =	sshll.u32 s1, $0xD;
	s1 =	sshrl.u32 s1, $0x2  }
0xbb: {  	s3 =	sand.u32 $0x4000, s31;
	s1 =	sadd.s32 s1, s30  }
0xbc: {  	s0 =	sor.u32 s3, s0;
	s1 =	sshll.u32 s1, $0x11  }
0xbd: {  	s0 =	sor.u32 s1, s0  }
0xbe: {  	s0 =	sadd.s32 $0x8F2B, s0  }
0xbf: {  	[sflag:s0] =	ssyncadd.remote.s32 $0x1  }
0xc0: {  	_ =	sfence.sel $0xFFFF  }
0xc1: {  	[dreg:$0x0] =	wrdreg $0xFFFFFFFF;
	(pc) =	sbr.abs _section_cstart, $3  }
0xc2: {  	[dreg:$0x1] =	wrdreg $0xFFFFFFFF  }
0xc3: {  	_ =	task.clear_ibuf [dreg:s8], $0x2FFFF;
	_ =	strace $0x9FFFFFFF  }
0xc4: {  	(tm) =	ssettm $0x7FFFFFFF  }
0xc5: {  	_ =	shalt  }
tec
execute0_lowered:
.L_overlay_start_1:
0x0: {  	(tag) =	ssettag $0x1  }
0x1: {  	s0 =	srdreg.scid  }
0x2: {  	s5 =	sand.u32 $0x1, s0  }
0x3: {  	s0 =	simm.s32 $0x310;
	p0 =	seq.s32 s5, $0x1  }
0x4: {  	v0 =	vlaneseq.u32;
	s0 =	simm.s32 @!p0 $0x0  }
0x5: {  	v1 =	vor.u32 s0, v0  }
0x6: {  	v2 =	vmulhi.u32 $0x14E5E0B, v1  }
0x7: {  	v4 =	vmov s0;
	s15 =	sor.u32 $0x20, s0  }
0x8: {  	vm0 =	veq.s32 v4, v0;
	v4 =	vor.u32 s15, v0;
	v3 =	vmul.u32 $0xFFFFFF3C, v2  }
0x9: {  	s1 =	sadd.s32 $0x10, s0;
	v8 =	vmulhi.u32 $0x14E5E0B, v4  }
0xa: {  	s16 =	sadd.s32 $0x30, s0;
	v3 =	vadd.s32 v1, v3;
	v1 =	vor.u32 s1, v0  }
0xb: {  	v6 =	vor.u32 s16, v0;
	[tilespmem:$0x1FD80] =	vst v8;
	vm1 =	vne.s32 v3, $0x0;
	v5 =	vmulhi.u32 $0x14E5E0B, v1  }
0xc: {  	v9 =	vmulhi.u32 $0x14E5E0B, v6;
	[tilespmem:$0x1FFF0] =	vst v3;
	v3 =	vimm.s32 $0x0;
	vm0 =	vmand vm0, vm1  }
0xd: {  	s17 =	sor.u32 $0x40, s0;
	[tilespmem:$0x1FD50] =	vst v5;
	v5 =	vmul.u32 $0xFFFFFF3C, v5;
	v3 =	vsel vm0, $0xFFFFFFFF, v3  }
0xe: {  	s4 =	sadd.s32 $0x50, s0;
	v7 =	vor.u32 s17, v0;
	[tilespmem:$0x1FD90] =	vst v9;
	v2 =	vadd.s32 v3, v2  }
0xf: {  	v3 =	vor.u32 s4, v0;
	[tilespmem:$0x1FD60] =	vst v2;
	v1 =	vadd.s32 v1, v5;
	v5 =	vmulhi.u32 $0x14E5E0B, v7  }
0x10: {  	s9 =	stileid.u32;
	v2 =	vmul.u32 $0xFFFFFF3C, v9;
	v9 =	vmulhi.u32 $0x14E5E0B, v3;
	[tilespmem:$0x1FD70] =	vst v1;
	v1 =	vmul.u32 $0xFFFFFF3C, v8  }
0x11: {  	s3 =	sor.u32 s5, s9;
	s18 =	sor.u32 $0x60, s0;
	[tilespmem:$0x1FDA0] =	vst v5  }
0x12: {  	p1 =	seq.s32 s3, $0x0;
	v8 =	vor.u32 s18, v0;
	[tilespmem:$0x1FDE0] =	vst v9;
	v1 =	vadd.s32 v4, v1  }
0x13: {  	s7 =	rddreg [dreg:$0x0];
	p0 =	por !p1, !p0;
	s6 =	sadd.s32 $0x70, s0;
	v5 =	vmul.u32 $0xFFFFFF3C, v5;
	v4 =	vmulhi.u32 $0x14E5E0B, v8;
	[tilespmem:$0x1FDB0] =	vst v1;
	v1 =	vadd.s32 v6, v2  }
0x14: {  	s13 =	sadd.s32 $0xD0, s0;
	p0 =	por !p0, !p0;
	s4 =	simm.s32 $0x1;
	v2 =	vor.u32 s6, v0;
	[tilespmem:$0x1FDC0] =	vst v1  }
0x15: {  	s2 =	rddreg [dreg:$0x2];
	s3 =	simm.s32 $0x0;
	v10 =	vor.u32 s13, v0;
	s4 =	simm.s32 @!p0 $0x0;
	v1 =	vadd.s32 v7, v5;
	[tilespmem:$0x1FDF0] =	vst v4;
	v6 =	vmulhi.u32 $0x14E5E0B, v2  }
0x16: {  	s8 =	sor.u32 $0x80, s0;
	[smem:$0x7FF] =	sst s3;
	v14 =	vmulhi.u32 $0x14E5E0B, v10;
	s19 =	ssub.s32 s9, s4;
	[tilespmem:$0x1FDD0] =	vst v1;
	v1 =	vmul.u32 $0xFFFFFF3C, v9  }
0x17: {  	s1 =	rddreg [dreg:$0x1];
	s6 =	smul.u32 $0x620, s19;
	v4 =	vmul.u32 $0xFFFFFF3C, v4;
	v5 =	vor.u32 s8, v0;
	_ =	strace $0x80000047;
	[tilespmem:$0x1FE20] =	vst v6  }
0x18: {  	s29 =	sadd.s32 $0x90, s0;
	v7 =	vmulhi.u32 $0x14E5E0B, v5;
	[tilespmem:$0x1FEB0] =	vst v14;
	v1 =	vadd.s32 v3, v1  }
0x19: {  	s10 =	sadd.s32 $0xB0, s0;
	s9 =	sadd.s32 s0, s6;
	v3 =	vadd.s32 v8, v4;
	v4 =	vmul.u32 $0xFFFFFF3C, v6;
	[tilespmem:$0x1FE00] =	vst v1;
	v1 =	vor.u32 s29, v0  }
0x1a: {  	s30 =	sor.u32 $0xA0, s0;
	s11 =	sor.u32 $0xC0, s0;
	s6 =	sshrl.u32 s9, $0x3;
	v6 =	vor.u32 s10, v0;
	[tilespmem:$0x1FE30] =	vst v7;
	v7 =	vmul.u32 $0xFFFFFF3C, v7;
	v9 =	vmulhi.u32 $0x14E5E0B, v1  }
0x1b: {  	v8 =	vor.u32 s11, v0;
	[tilespmem:$0x1FE10] =	vst v3;
	v3 =	vor.u32 s30, v0;
	v12 =	vmulhi.u32 $0x14E5E0B, v6;
	s30 =	smul.u32 $0x300, s6  }
0x1c: {  	v13 =	vmulhi.u32 $0x14E5E0B, v8;
	v2 =	vadd.s32 v2, v4;
	[tilespmem:$0x1FE40] =	vst v9;
	v9 =	vmul.u32 $0xFFFFFF3C, v9  }
0x1d: {  	s14 =	sor.u32 $0xE0, s0;
	v11 =	vmulhi.u32 $0x14E5E0B, v3;
	v4 =	vadd.s32 v5, v7;
	[tilespmem:$0x1FE50] =	vst v2;
	s8 =	sadd.s32 s2, s30  }
0x1e: {  	v2 =	vor.u32 s14, v0;
	[tilespmem:$0x1FE60] =	vst v4;
	v5 =	vmul.u32 $0xFFFFFF3C, v13;
	[dreg:$0x5] =	wrdreg s8;
	s8 =	sadd.s32 $0x270, s0;
	v1 =	vadd.s32 v1, v9  }
0x1f: {  	v19 =	vor.u32 s8, v0;
	v9 =	vmulhi.u32 $0x14E5E0B, v2;
	[tilespmem:$0x1FE70] =	vst v1;
	v1 =	vmul.u32 $0xFFFFFF3C, v11  }
0x20: {  	s28 =	sadd.s32 $0x130, s0;
	[tilespmem:$0x1FE90] =	vst v12;
	v4 =	vmul.u32 $0xFFFFFF3C, v12;
	v21 =	vmulhi.u32 $0x14E5E0B, v19  }
0x21: {  	s22 =	sadd.s32 $0x160, s0;
	[tilespmem:$0x1FEA0] =	vst v13;
	v1 =	vadd.s32 v3, v1;
	v3 =	vadd.s32 v8, v5;
	v5 =	vor.u32 s28, v0  }
0x22: {  	s15 =	sadd.s32 $0xF0, s0;
	s25 =	sshll.u32 s19, $0x4;
	[tilespmem:$0x1FE80] =	vst v11;
	v8 =	vor.u32 s22, v0;
	v15 =	vmulhi.u32 $0x14E5E0B, v5  }
0x23: {  	s5 =	ssub.s32 $0x2, s5;
	s26 =	sadd.s32 $0x120, s0;
	s4 =	sshrl.u32 s25, $0x3;
	v11 =	vor.u32 s15, v0;
	[tilespmem:$0x1FED0] =	vst v1;
	v1 =	vadd.s32 v6, v4;
	v42 =	vmulhi.u32 $0x14E5E0B, v8  }
0x24: {  	s12 =	sshrl.u32 s5, $0x1;
	s7 =	sadd.s32 s4, s7;
	s11 =	sadd.s32 $0x140, s0;
	v7 =	vmul.u32 $0xFFFFFF3C, v14;
	v4 =	vor.u32 s26, v0;
	[tilespmem:$0x1FEE0] =	vst v1;
	v1 =	vmulhi.u32 $0x14E5E0B, v11  }
0x25: {  	s10 =	sadd.s32 $0x800, s7;
	s7 =	ssub.s32 s5, s12;
	s12 =	sadd.s32 $0x150, s0;
	[tilespmem:$0x1FEC0] =	vst v9;
	v9 =	vmul.u32 $0xFFFFFF3C, v9;
	v6 =	vor.u32 s11, v0;
	v14 =	vmulhi.u32 $0x14E5E0B, v4  }
0x26: {  	s23 =	sadd.s32 $0x170, s0;
	[tilespmem:$0x1FEF0] =	vst v3;
	v3 =	vadd.s32 v10, v7;
	v7 =	vor.u32 s12, v0;
	v16 =	vmulhi.u32 $0x14E5E0B, v6  }
0x27: {  	s16 =	sadd.s32 $0x100, s0;
	s17 =	sadd.s32 $0x110, s0;
	v2 =	vadd.s32 v2, v9;
	s12 =	sadd.s32 $0x38, s9;
	v9 =	vor.u32 s23, v0;
	[tilespmem:$0x1FF00] =	vst v3;
	v40 =	vmulhi.u32 $0x14E5E0B, v7  }
0x28: {  	s5 =	sadd.s32 $0x250, s0;
	s22 =	sadd.s32 $0x70, s9;
	[tilespmem:$0x1FF10] =	vst v2;
	v2 =	vor.u32 s16, v0;
	s4 =	sshrl.u32 s12, $0x3;
	v44 =	vmulhi.u32 $0x14E5E0B, v9  }
0x29: {  	s29 =	sadd.s32 $0x180, s0;
	v3 =	vor.u32 s17, v0;
	s12 =	sshrl.u32 s22, $0x3;
	v12 =	vmulhi.u32 $0x14E5E0B, v2;
	s4 =	smul.u32 $0x300, s4;
	[tilespmem:$0x1FF20] =	vst v1;
	v1 =	vmul.u32 $0xFFFFFF3C, v1  }
0x2a: {  	v17 =	vor.u32 s5, v0;
	v10 =	vor.u32 s29, v0;
	v13 =	vmulhi.u32 $0x14E5E0B, v3;
	s12 =	smul.u32 $0x300, s12;
	[tilespmem:$0x1FF60] =	vst v14  }
0x2b: {  	s20 =	sadd.s32 $0x190, s0;
	s21 =	sadd.s32 $0x1A0, s0;
	v47 =	vmulhi.u32 $0x14E5E0B, v10;
	[tilespmem:$0x1FF40] =	vst v12;
	s4 =	sadd.s32 s2, s4;
	v1 =	vadd.s32 v11, v1;
	v11 =	vmul.u32 $0xFFFFFF3C, v12  }
0x2c: {  	s6 =	sadd.s32 $0x260, s0;
	[tilespmem:$0x1FF50] =	vst v13;
	s12 =	sadd.s32 s2, s12;
	v12 =	vmul.u32 $0xFFFFFF3C, v13;
	v13 =	vmul.u32 $0xFFFFFF3C, v14;
	v14 =	vor.u32 s21, v0;
	[dreg:$0x6] =	wrdreg s4  }
0x2d: {  	v18 =	vor.u32 s6, v0;
	s4 =	sadd.s32 $0x280, s0;
	[dreg:$0x7] =	wrdreg s12;
	s12 =	sadd.s32 $0x290, s0;
	[tilespmem:$0x1FF30] =	vst v1;
	v1 =	vor.u32 s20, v0;
	v49 =	vmulhi.u32 $0x14E5E0B, v14  }
0x2e: {  	v20 =	vor.u32 s4, v0;
	v22 =	vor.u32 s12, v0;
	v48 =	vmulhi.u32 $0x14E5E0B, v1  }
0x2f: {  	s24 =	sadd.s32 $0x1B0, s0;
	v2 =	vadd.s32 v2, v11;
	v11 =	vmul.u32 $0xFFFFFF3C, v40;
	v23 =	vmulhi.u32 $0x14E5E0B, v20  }
0x30: {  	v24 =	vmulhi.u32 $0x14E5E0B, v22;
	[tilespmem:$0x1FF70] =	vst v2;
	v2 =	vadd.s32 v3, v12;
	v3 =	vor.u32 s24, v0  }
0x31: {  	[dreg:$0x4] =	wrdreg s10;
	s10 =	sadd.s32 $0x240, s0;
	[tilespmem:$0x1FF80] =	vst v2;
	v2 =	vadd.s32 v4, v13;
	v4 =	vmul.u32 $0xFFFFFF3C, v16;
	v51 =	vmulhi.u32 $0x14E5E0B, v3  }
0x32: {  	[tilespmem:$0x1FFB0] =	vst v16;
	v13 =	vor.u32 s10, v0;
	v16 =	vmulhi.u32 $0x14E5E0B, v17;
	v31 =	vmul.u32 $0xFFFFFF3C, v23  }
0x33: {  	s13 =	sadd.s32 $0x1C0, s0;
	s23 =	sadd.s32 $0xA8, s9;
	v34 =	vmul.u32 $0xFFFFFF3C, v24;
	[tilespmem:$0x1FF90] =	vst v2;
	v2 =	vmul.u32 $0xFFFFFF3C, v15;
	v4 =	vadd.s32 v6, v4  }
0x34: {  	s15 =	sadd.s32 $0x1D0, s0;
	s22 =	sshrl.u32 s23, $0x3;
	s24 =	sadd.s32 $0xE0, s9;
	v6 =	vmul.u32 $0xFFFFFF3C, v44;
	v25 =	vmul.u32 $0xFFFFFF3C, v16;
	v31 =	vadd.s32 v20, v31  }
0x35: {  	s29 =	sadd.s32 $0x118, s9;
	s22 =	smul.u32 $0x300, s22;
	s23 =	sshrl.u32 s24, $0x3;
	v20 =	vadd.s32 v22, v34;
	v2 =	vadd.s32 v5, v2;
	[tilespmem:$0x1FFD0] =	vst v4;
	v4 =	vadd.s32 v7, v11  }
0x36: {  	s28 =	smul.u32 $0x300, s23;
	s23 =	sshrl.u32 s29, $0x3;
	v5 =	vor.u32 s15, v0;
	v7 =	vmul.u32 $0xFFFFFF3C, v47;
	[tilespmem:$0x1FFC0] =	vst v2;
	v2 =	vor.u32 s13, v0  }
0x37: {  	s20 =	smul.u32 $0x300, s23;
	s15 =	sadd.s32 $0x2B0, s0;
	[tilespmem:$0x1FFE0] =	vst v4;
	v4 =	vmul.u32 $0xFFFFFF3C, v42;
	v52 =	vadd.s32 v9, v6;
	v6 =	vmul.u32 $0xFFFFFF3C, v48  }
0x38: {  	v9 =	vmul.u32 $0xFFFFFF3C, v51;
	v55 =	vmulhi.u32 $0x14E5E0B, v5;
	v32 =	vor.u32 s15, v0  }
0x39: {  	s26 =	sadd.s32 s2, s22;
	s22 =	sadd.s32 s2, s20;
	s20 =	sadd.s32 $0x2C0, s0;
	v17 =	vadd.s32 v17, v25;
	v25 =	vmul.u32 $0xFFFFFF3C, v21;
	v54 =	vmulhi.u32 $0x14E5E0B, v2  }
0x3a: {  	s18 =	sadd.s32 $0x1E0, s0;
	[tilespmem:$0x1FFA0] =	vst v15;
	v53 =	vadd.s32 v10, v7;
	v33 =	vor.u32 s20, v0;
	v15 =	vmulhi.u32 $0x14E5E0B, v32  }
0x3b: {  	s19 =	sadd.s32 $0x1F0, s0;
	v50 =	vadd.s32 v8, v4;
	v4 =	vor.u32 s18, v0;
	v27 =	vmulhi.u32 $0x14E5E0B, v33  }
0x3c: {  	s31 =	simm.s32 $0x2;
	s17 =	sadd.s32 $0x200, s0;
	v7 =	vmul.u32 $0xFFFFFF3C, v49;
	v8 =	vor.u32 s19, v0;
	v58 =	vmulhi.u32 $0x14E5E0B, v4  }
0x3d: {  	s5 =	sadd.s32 $0x100, s1;
	s7 =	smax.u32 s7, $0x1;
	s6 =	sadd.s32 $0x200, s1;
	v56 =	vadd.s32 v1, v6;
	v1 =	vor.u32 s17, v0;
	v61 =	vmulhi.u32 $0x14E5E0B, v8  }
0x3e: {  	s14 =	sadd.s32 $0x220, s0;
	s8 =	simm.s32 $0x3;
	s11 =	sadd.s32 $0x230, s0;
	v59 =	vadd.s32 v3, v9;
	v3 =	vmul.u32 $0xFFFFFF3C, v55;
	v62 =	vmulhi.u32 $0x14E5E0B, v1  }
0x3f: {  	s16 =	sadd.s32 $0x210, s0;
	s21 =	sadd.s32 $0x150, s9;
	s17 =	sadd.s32 $0x2E0, s0;
	v10 =	vmul.u32 $0xFFFFFF3C, v54;
	v57 =	vadd.s32 v14, v7;
	v14 =	vmulhi.u32 $0x14E5E0B, v13  }
0x40: {  	[dreg:$0x8] =	wrdreg s26;
	s26 =	sadd.s32 $0x188, s9;
	s23 =	sshrl.u32 s21, $0x3;
	v39 =	vor.u32 s17, v0;
	v63 =	vadd.s32 v5, v3;
	v3 =	vor.u32 s14, v0  }
0x41: {  	s21 =	sadd.s32 $0x1F8, s9;
	s30 =	sadd.s32 s2, s28;
	s24 =	smul.u32 $0x300, s23;
	v29 =	vmulhi.u32 $0x14E5E0B, v39;
	v60 =	vadd.s32 v2, v10;
	v6 =	vmul.u32 $0xFFFFFF3C, v58  }
0x42: {  	s23 =	sshrl.u32 s26, $0x3;
	s13 =	sadd.s32 $0x2A0, s0;
	[dreg:$0x9] =	wrdreg s30;
	v2 =	vor.u32 s16, v0;
	v7 =	vmul.u32 $0xFFFFFF3C, v61;
	v10 =	vmulhi.u32 $0x14E5E0B, v3  }
0x43: {  	s29 =	smul.u32 $0x300, s23;
	s30 =	sadd.s32 $0x1C0, s9;
	s23 =	sshrl.u32 s21, $0x3;
	v28 =	vor.u32 s13, v0;
	v5 =	vmulhi.u32 $0x14E5E0B, v2;
	v6 =	vadd.s32 v4, v6  }
0x44: {  	[dreg:$0xa] =	wrdreg s22;
	s28 =	sadd.s32 s2, s24;
	s26 =	smul.u32 $0x300, s23;
	v9 =	vadd.s32 v8, v7;
	v4 =	vmul.u32 $0xFFFFFF3C, v62;
	v8 =	vor.u32 s11, v0  }
0x45: {  	[dreg:$0xb] =	wrdreg s28;
	s19 =	sshrl.u32 s30, $0x3;
	v30 =	vadd.s32 v19, v25;
	s16 =	sadd.s32 $0x2F0, s0;
	v11 =	vmul.u32 $0xFFFFFF3C, v10;
	v12 =	vmulhi.u32 $0x14E5E0B, v8  }
0x46: {  	s22 =	sadd.s32 s2, s29;
	s18 =	sadd.s32 $0x2D0, s0;
	s29 =	sadd.s32 $0x230, s9;
	v41 =	vor.u32 s16, v0;
	v7 =	vmul.u32 $0xFFFFFF3C, v5;
	v1 =	vadd.s32 v1, v4  }
0x47: {  	s24 =	smul.u32 $0x300, s19;
	[dreg:$0xc] =	wrdreg s22;
	s0 =	sadd.s32 $0x300, s0;
	v3 =	vadd.s32 v3, v11;
	v11 =	vmul.u32 $0xFFFFFF3C, v14;
	v4 =	vmul.u32 $0xFFFFFF3C, v12  }
0x48: {  	s22 =	sadd.s32 s2, s26;
	s30 =	sshrl.u32 s29, $0x3;
	s19 =	sadd.s32 $0x268, s9;
	v43 =	vor.u32 s0, v0;
	v2 =	vadd.s32 v2, v7;
	v7 =	vmulhi.u32 $0x14E5E0B, v18  }
0x49: {  	[dreg:$0xe] =	wrdreg s22;
	s21 =	smul.u32 $0x300, s30;
	s23 =	sshrl.u32 s19, $0x3;
	v4 =	vadd.s32 v8, v4;
	v8 =	vadd.s32 v13, v11;
	v13 =	vmulhi.u32 $0x14E5E0B, v28  }
0x4a: {  	s28 =	sadd.s32 s2, s24;
	s24 =	sadd.s32 $0x2A0, s9;
	s22 =	smul.u32 $0x300, s23;
	v46 =	vmul.u32 $0xFFFFFF3C, v29;
	v19 =	vmulhi.u32 $0x14E5E0B, v41;
	v26 =	vmul.u32 $0xFFFFFF3C, v7  }
0x4b: {  	v38 =	vor.u32 s18, v0;
	s9 =	sadd.s32 $0x2D8, s9;
	[dreg:$0xd] =	wrdreg s28;
	s23 =	sshrl.u32 s24, $0x3;
	v25 =	vmulhi.u32 $0x14E5E0B, v43;
	v45 =	vmul.u32 $0xFFFFFF3C, v13  }
0x4c: {  	s26 =	sadd.s32 s2, s21;
	s9 =	sshrl.u32 s9, $0x3;
	s28 =	smul.u32 $0x300, s23;
	v39 =	vadd.s32 v39, v46;
	v26 =	vadd.s32 v18, v26;
	v18 =	vmulhi.u32 $0x14E5E0B, v38  }
0x4d: {  	[dreg:$0xf] =	wrdreg s26;
	s29 =	sadd.s32 s2, s22;
	s9 =	smul.u32 $0x300, s9;
	v36 =	vmul.u32 $0xFFFFFF3C, v19;
	v22 =	vadd.s32 v28, v45;
	v28 =	vmul.u32 $0xFFFFFF3C, v15  }
0x4e: {  	s4 =	simm.s32 $0xAC80;
	[dreg:$0x10] =	wrdreg s29;
	s30 =	sadd.s32 s2, s28;
	v37 =	vmul.u32 $0xFFFFFF3C, v25;
	v45 =	vmul.u32 $0xFFFFFF3C, v27;
	v35 =	vmul.u32 $0xFFFFFF3C, v18  }
0x4f: {  	s10 =	simm.s32 $0x480;
	s2 =	sadd.s32 s2, s9;
	[dreg:$0x11] =	wrdreg s30;
	v41 =	vadd.s32 v41, v36;
	v11 =	vmov s25;
	v34 =	vadd.s32 v32, v28  }
0x50: {  	v46 =	vld [tilespmem:$0x1FFF0];
	s9 =	simm.s32 $0x80;
	[dreg:$0x12] =	wrdreg s2;
	s2 =	simm.s32 $0x1;
	v28 =	vadd.s32 v33, v45;
	v38 =	vadd.s32 v38, v35;
	v32 =	vadd.s32 v43, v37  }
.LBB2_1:
0x51: {  	[dreg:$0x13] =	wrdreg s7  }
0x52: {  	s0 =	rddreg [dreg:$0x4]  }
0x53: {  	[tilespmem:s3], [sflag:$0x3] =	stream.linear.gather [hbm4b:s0+s3], $0x10, $0x38;
	[tilespmem:$0x15480] =	vst v63  }
0x54: {  	_ =	swait.ge [sflag:s8], $0x10  }
0x55: {  	[sflag:s8] =	ssyncset.done $0x0  }
0x56: {  	[sflag:s8] =	ssyncadd.s32 $0xFFFFFFF0  }
0x57: {  	v33 =	vld [tilespmem:$0x0];
	_ =	sdelay $0x4  }
0x58: {  	(xrf1) =	vsort.dscd.msk.f32 $0xffff, v33, v0;
	_ =	sdelay $0xd  }
0x59: {  	vm0 =	vmmov $0xff;
	_, v33, _ =	vpop (xrf1)  }
0x5a: {  	v33 =	vnsel vm0, $0x7FFFFFFF, v33  }
0x5b: {  	v35 =	vxor.u32 $0x80000000, v33  }
0x5c: {  	(xrf1) =	vsort.ascd.msk.u32 $0xffff, v35, v33;
	_ =	sdelay $0x8  }
0x5d: {  	v43 =	vld [tilespmem:$0x1FD60];
	_ =	sdelay $0x4  }
0x5e: {  	v33, _, _ =	vpop (xrf1)  }
0x5f: {  	v33 =	vxor.u32 $0x80000000, v33  }
0x60: {  	[tilespmem:$0x80] =	vst v33  }
0x61: {  	v33 =	vld.idx.msk [tilespmem:v43+s9+$0x0], $0xffff;
	_ =	sdelay $0x1  }
0x62: {  	v45 =	vld [tilespmem:$0x1FD50];
	_ =	sdelay $0x2  }
0x63: {  	v33 =	vadd.s32 v11, v33  }
0x64: {  	v33 =	vmul.u32 $0xC4, v33;
	_ =	sdelay $0x1  }
0x65: {  	v33 =	vadd.s32 v46, v33  }
0x66: {  	[tilespmem:$0x100] =	vst v33  }
0x67: {  	v33 =	vld.idx.msk [tilespmem:v45+s9+$0x0], $0xffff;
	_ =	sdelay $0x1  }
0x68: {  	v37 =	vld [tilespmem:$0x1FD80]  }
0x69: {  	v36 =	vld [tilespmem:$0x1FD70];
	_ =	sdelay $0x1  }
0x6a: {  	v33 =	vadd.s32 v11, v33  }
0x6b: {  	v33 =	vmul.u32 $0xC4, v33;
	_ =	sdelay $0x1  }
0x6c: {  	v33 =	vadd.s32 v36, v33  }
0x6d: {  	[tilespmem:$0x110] =	vst v33  }
0x6e: {  	v33 =	vld.idx.msk [tilespmem:v37+s9+$0x0], $0xffff;
	_ =	sdelay $0x1  }
0x6f: {  	v45 =	vld [tilespmem:$0x1FD90]  }
0x70: {  	v43 =	vld [tilespmem:$0x1FDB0];
	_ =	sdelay $0x1  }
0x71: {  	v33 =	vadd.s32 v11, v33  }
0x72: {  	v33 =	vmul.u32 $0xC4, v33;
	_ =	sdelay $0x1  }
0x73: {  	v33 =	vadd.s32 v43, v33  }
0x74: {  	[tilespmem:$0x120] =	vst v33  }
0x75: {  	v33 =	vld.idx.msk [tilespmem:v45+s9+$0x0], $0xffff;
	_ =	sdelay $0x1  }
0x76: {  	v37 =	vld [tilespmem:$0x1FDA0]  }
0x77: {  	v36 =	vld [tilespmem:$0x1FDC0];
	_ =	sdelay $0x1  }
0x78: {  	v33 =	vadd.s32 v11, v33  }
0x79: {  	v33 =	vmul.u32 $0xC4, v33;
	_ =	sdelay $0x1  }
0x7a: {  	v33 =	vadd.s32 v36, v33  }
0x7b: {  	[tilespmem:$0x130] =	vst v33  }
0x7c: {  	v33 =	vld.idx.msk [tilespmem:v37+s9+$0x0], $0xffff;
	_ =	sdelay $0x1  }
0x7d: {  	v45 =	vld [tilespmem:$0x1FDE0]  }
0x7e: {  	v43 =	vld [tilespmem:$0x1FDD0];
	_ =	sdelay $0x1  }
0x7f: {  	v33 =	vadd.s32 v11, v33  }
0x80: {  	v33 =	vmul.u32 $0xC4, v33;
	_ =	sdelay $0x1  }
0x81: {  	v33 =	vadd.s32 v43, v33  }
0x82: {  	[tilespmem:$0x140] =	vst v33  }
0x83: {  	v33 =	vld.idx.msk [tilespmem:v45+s9+$0x0], $0xffff;
	_ =	sdelay $0x1  }
0x84: {  	v37 =	vld [tilespmem:$0x1FDF0]  }
0x85: {  	v36 =	vld [tilespmem:$0x1FE00];
	_ =	sdelay $0x1  }
0x86: {  	v33 =	vadd.s32 v11, v33  }
0x87: {  	v33 =	vmul.u32 $0xC4, v33;
	_ =	sdelay $0x1  }
0x88: {  	v33 =	vadd.s32 v36, v33  }
0x89: {  	[tilespmem:$0x150] =	vst v33  }
0x8a: {  	v33 =	vld.idx.msk [tilespmem:v37+s9+$0x0], $0xffff;
	_ =	sdelay $0x1  }
0x8b: {  	v45 =	vld [tilespmem:$0x1FE20]  }
0x8c: {  	v43 =	vld [tilespmem:$0x1FE10];
	_ =	sdelay $0x1  }
0x8d: {  	v33 =	vadd.s32 v11, v33  }
0x8e: {  	v33 =	vmul.u32 $0xC4, v33;
	_ =	sdelay $0x1  }
0x8f: {  	v33 =	vadd.s32 v43, v33  }
0x90: {  	[tilespmem:$0x160] =	vst v33  }
0x91: {  	v33 =	vld.idx.msk [tilespmem:v45+s9+$0x0], $0xffff;
	_ =	sdelay $0x1  }
0x92: {  	v37 =	vld [tilespmem:$0x1FE30]  }
0x93: {  	v36 =	vld [tilespmem:$0x1FE50];
	_ =	sdelay $0x1  }
0x94: {  	v33 =	vadd.s32 v11, v33  }
0x95: {  	v33 =	vmul.u32 $0xC4, v33;
	_ =	sdelay $0x1  }
0x96: {  	v33 =	vadd.s32 v36, v33  }
0x97: {  	[tilespmem:$0x180] =	vst v33  }
0x98: {  	v33 =	vld.idx.msk [tilespmem:v37+s9+$0x0], $0xffff;
	_ =	sdelay $0x1  }
0x99: {  	v45 =	vld [tilespmem:$0x1FE40]  }
0x9a: {  	v43 =	vld [tilespmem:$0x1FE60];
	_ =	sdelay $0x1  }
0x9b: {  	v33 =	vadd.s32 v11, v33  }
0x9c: {  	v33 =	vmul.u32 $0xC4, v33;
	_ =	sdelay $0x1  }
0x9d: {  	v33 =	vadd.s32 v43, v33  }
0x9e: {  	[tilespmem:$0x190] =	vst v33  }
0x9f: {  	v33 =	vld.idx.msk [tilespmem:v45+s9+$0x0], $0xffff;
	_ =	sdelay $0x1  }
0xa0: {  	v37 =	vld [tilespmem:$0x1FE80]  }
0xa1: {  	v36 =	vld [tilespmem:$0x1FE70];
	_ =	sdelay $0x1  }
0xa2: {  	v33 =	vadd.s32 v11, v33  }
0xa3: {  	v33 =	vmul.u32 $0xC4, v33;
	_ =	sdelay $0x1  }
0xa4: {  	v33 =	vadd.s32 v36, v33  }
0xa5: {  	[tilespmem:$0x1A0] =	vst v33  }
0xa6: {  	v33 =	vld.idx.msk [tilespmem:v37+s9+$0x0], $0xffff;
	_ =	sdelay $0x1  }
0xa7: {  	v45 =	vld [tilespmem:$0x1FE90]  }
0xa8: {  	v43 =	vld [tilespmem:$0x1FED0];
	_ =	sdelay $0x1  }
0xa9: {  	v33 =	vadd.s32 v11, v33  }
0xaa: {  	v33 =	vmul.u32 $0xC4, v33;
	_ =	sdelay $0x1  }
0xab: {  	v33 =	vadd.s32 v43, v33  }
0xac: {  	[tilespmem:$0x1B0] =	vst v33  }
0xad: {  	v33 =	vld.idx.msk [tilespmem:v45+s9+$0x0], $0xffff;
	_ =	sdelay $0x1  }
0xae: {  	v37 =	vld [tilespmem:$0x1FEA0]  }
0xaf: {  	v36 =	vld [tilespmem:$0x1FEE0];
	_ =	sdelay $0x1  }
0xb0: {  	v33 =	vadd.s32 v11, v33  }
0xb1: {  	v33 =	vmul.u32 $0xC4, v33;
	_ =	sdelay $0x1  }
0xb2: {  	v33 =	vadd.s32 v36, v33  }
0xb3: {  	[tilespmem:$0x1C0] =	vst v33  }
0xb4: {  	v33 =	vld.idx.msk [tilespmem:v37+s9+$0x0], $0xffff;
	_ =	sdelay $0x1  }
0xb5: {  	v45 =	vld [tilespmem:$0x1FEB0]  }
0xb6: {  	v43 =	vld [tilespmem:$0x1FEF0];
	_ =	sdelay $0x1  }
0xb7: {  	v33 =	vadd.s32 v11, v33  }
0xb8: {  	v33 =	vmul.u32 $0xC4, v33;
	_ =	sdelay $0x1  }
0xb9: {  	v33 =	vadd.s32 v43, v33  }
0xba: {  	[tilespmem:$0x1D0] =	vst v33  }
0xbb: {  	v33 =	vld.idx.msk [tilespmem:v45+s9+$0x0], $0xffff;
	_ =	sdelay $0x1  }
0xbc: {  	v37 =	vld [tilespmem:$0x1FEC0]  }
0xbd: {  	v36 =	vld [tilespmem:$0x1FF00];
	_ =	sdelay $0x1  }
0xbe: {  	v33 =	vadd.s32 v11, v33  }
0xbf: {  	v33 =	vmul.u32 $0xC4, v33;
	_ =	sdelay $0x1  }
0xc0: {  	v33 =	vadd.s32 v36, v33  }
0xc1: {  	[tilespmem:$0x1E0] =	vst v33  }
0xc2: {  	v33 =	vld.idx.msk [tilespmem:v37+s9+$0x0], $0xffff;
	_ =	sdelay $0x1  }
0xc3: {  	v45 =	vld [tilespmem:$0x1FF20]  }
0xc4: {  	v43 =	vld [tilespmem:$0x1FF10];
	_ =	sdelay $0x1  }
0xc5: {  	v33 =	vadd.s32 v11, v33  }
0xc6: {  	v33 =	vmul.u32 $0xC4, v33;
	_ =	sdelay $0x1  }
0xc7: {  	v33 =	vadd.s32 v43, v33  }
0xc8: {  	[tilespmem:$0x200] =	vst v33  }
0xc9: {  	v33 =	vld.idx.msk [tilespmem:v45+s9+$0x0], $0xffff;
	_ =	sdelay $0x1  }
0xca: {  	v37 =	vld [tilespmem:$0x1FF40]  }
0xcb: {  	v36 =	vld [tilespmem:$0x1FF30];
	_ =	sdelay $0x1  }
0xcc: {  	v33 =	vadd.s32 v11, v33  }
0xcd: {  	v33 =	vmul.u32 $0xC4, v33;
	_ =	sdelay $0x1  }
0xce: {  	v33 =	vadd.s32 v36, v33  }
0xcf: {  	[tilespmem:$0x210] =	vst v33  }
0xd0: {  	v33 =	vld.idx.msk [tilespmem:v37+s9+$0x0], $0xffff;
	_ =	sdelay $0x1  }
0xd1: {  	v45 =	vld [tilespmem:$0x1FF50]  }
0xd2: {  	v43 =	vld [tilespmem:$0x1FF70];
	_ =	sdelay $0x1  }
0xd3: {  	v33 =	vadd.s32 v11, v33  }
0xd4: {  	v33 =	vmul.u32 $0xC4, v33;
	_ =	sdelay $0x1  }
0xd5: {  	v33 =	vadd.s32 v43, v33  }
0xd6: {  	[tilespmem:$0x220] =	vst v33  }
0xd7: {  	v33 =	vld.idx.msk [tilespmem:v45+s9+$0x0], $0xffff;
	_ =	sdelay $0x1  }
0xd8: {  	v37 =	vld [tilespmem:$0x1FF60]  }
0xd9: {  	v36 =	vld [tilespmem:$0x1FF80];
	_ =	sdelay $0x1  }
0xda: {  	v33 =	vadd.s32 v11, v33  }
0xdb: {  	v33 =	vmul.u32 $0xC4, v33;
	_ =	sdelay $0x1  }
0xdc: {  	v33 =	vadd.s32 v36, v33  }
0xdd: {  	[tilespmem:$0x230] =	vst v33  }
0xde: {  	v33 =	vld.idx.msk [tilespmem:v37+s9+$0x0], $0xffff;
	_ =	sdelay $0x2  }
0xdf: {  	v43 =	vld [tilespmem:$0x1FF90];
	_ =	sdelay $0x1  }
0xe0: {  	v33 =	vadd.s32 v11, v33  }
0xe1: {  	v33 =	vmul.u32 $0xC4, v33;
	_ =	sdelay $0x1  }
0xe2: {  	v33 =	vadd.s32 v43, v33  }
0xe3: {  	[tilespmem:$0x240] =	vst v33  }
0xe4: {  	v33 =	vld [tilespmem:$0x1FFA0];
	_ =	sdelay $0x7  }
0xe5: {  	v33 =	vld.idx.msk [tilespmem:v33+s9+$0x0], $0xffff;
	_ =	sdelay $0x1  }
0xe6: {  	v36 =	vld [tilespmem:$0x1FFB0]  }
0xe7: {  	v45 =	vld [tilespmem:$0x1FFC0];
	_ =	sdelay $0x1  }
0xe8: {  	v33 =	vadd.s32 v11, v33  }
0xe9: {  	v33 =	vmul.u32 $0xC4, v33;
	_ =	sdelay $0x1  }
0xea: {  	v33 =	vadd.s32 v45, v33  }
0xeb: {  	[tilespmem:$0x250] =	vst v33  }
0xec: {  	v33 =	vld.idx.msk [tilespmem:v36+s9+$0x0], $0xffff;
	_ =	sdelay $0x2  }
0xed: {  	v37 =	vld [tilespmem:$0x1FFD0];
	_ =	sdelay $0x1  }
0xee: {  	v33 =	vadd.s32 v11, v33  }
0xef: {  	v33 =	vmul.u32 $0xC4, v33;
	_ =	sdelay $0x1  }
0xf0: {  	v33 =	vadd.s32 v37, v33  }
0xf1: {  	[tilespmem:$0x260] =	vst v33  }
0xf2: {  	v33 =	vld.idx.msk [tilespmem:v40+s9+$0x0], $0xffff;
	_ =	sdelay $0x2  }
0xf3: {  	v43 =	vld [tilespmem:$0x1FFE0];
	_ =	sdelay $0x1  }
0xf4: {  	v33 =	vadd.s32 v11, v33  }
0xf5: {  	v33 =	vmul.u32 $0xC4, v33;
	_ =	sdelay $0x1  }
0xf6: {  	v33 =	vadd.s32 v43, v33  }
0xf7: {  	[tilespmem:$0x280] =	vst v33  }
0xf8: {  	v33 =	vld.idx.msk [tilespmem:v42+s9+$0x0], $0xffff;
	_ =	sdelay $0x4  }
0xf9: {  	v33 =	vadd.s32 v11, v33  }
0xfa: {  	v33 =	vmul.u32 $0xC4, v33;
	_ =	sdelay $0x1  }
0xfb: {  	v33 =	vadd.s32 v50, v33  }
0xfc: {  	[tilespmem:$0x290] =	vst v33  }
0xfd: {  	v33 =	vld.idx.msk [tilespmem:v44+s9+$0x0], $0xffff;
	_ =	sdelay $0x4  }
0xfe: {  	v33 =	vadd.s32 v11, v33  }
0xff: {  	v33 =	vmul.u32 $0xC4, v33;
	_ =	sdelay $0x1  }
0x100: {  	v33 =	vadd.s32 v52, v33  }
0x101: {  	[tilespmem:$0x2A0] =	vst v33  }
0x102: {  	v33 =	vld.idx.msk [tilespmem:v47+s9+$0x0], $0xffff;
	_ =	sdelay $0x4  }
0x103: {  	v33 =	vadd.s32 v11, v33  }
0x104: {  	v33 =	vmul.u32 $0xC4, v33;
	_ =	sdelay $0x1  }
0x105: {  	v33 =	vadd.s32 v53, v33  }
0x106: {  	[tilespmem:$0x2B0] =	vst v33  }
0x107: {  	v33 =	vld.idx.msk [tilespmem:v48+s9+$0x0], $0xffff;
	_ =	sdelay $0x4  }
0x108: {  	v33 =	vadd.s32 v11, v33  }
0x109: {  	v33 =	vmul.u32 $0xC4, v33;
	_ =	sdelay $0x1  }
0x10a: {  	v33 =	vadd.s32 v56, v33  }
0x10b: {  	[tilespmem:$0x2C0] =	vst v33  }
0x10c: {  	v33 =	vld.idx.msk [tilespmem:v49+s9+$0x0], $0xffff;
	_ =	sdelay $0x4  }
0x10d: {  	v33 =	vadd.s32 v11, v33  }
0x10e: {  	v33 =	vmul.u32 $0xC4, v33;
	_ =	sdelay $0x1  }
0x10f: {  	v33 =	vadd.s32 v57, v33  }
0x110: {  	[tilespmem:$0x2D0] =	vst v33  }
0x111: {  	v33 =	vld.idx.msk [tilespmem:v51+s9+$0x0], $0xffff;
	_ =	sdelay $0x4  }
0x112: {  	v33 =	vadd.s32 v11, v33  }
0x113: {  	v33 =	vmul.u32 $0xC4, v33;
	_ =	sdelay $0x1  }
0x114: {  	v33 =	vadd.s32 v59, v33  }
0x115: {  	[tilespmem:$0x2E0] =	vst v33  }
0x116: {  	v33 =	vld.idx.msk [tilespmem:v54+s9+$0x0], $0xffff;
	_ =	sdelay $0x4  }
0x117: {  	v33 =	vadd.s32 v11, v33  }
0x118: {  	v33 =	vmul.u32 $0xC4, v33;
	_ =	sdelay $0x1  }
0x119: {  	v33 =	vadd.s32 v60, v33  }
0x11a: {  	[tilespmem:$0x300] =	vst v33  }
0x11b: {  	v33 =	vld.idx.msk [tilespmem:v55+s9+$0x0], $0xffff;
	_ =	sdelay $0x4  }
0x11c: {  	v33 =	vadd.s32 v11, v33  }
0x11d: {  	v33 =	vmul.u32 $0xC4, v33;
	_ =	sdelay $0x1  }
0x11e: {  	v33 =	vadd.s32 v63, v33  }
0x11f: {  	[tilespmem:$0x310] =	vst v33  }
0x120: {  	v33 =	vld.idx.msk [tilespmem:v58+s9+$0x0], $0xffff;
	_ =	sdelay $0x4  }
0x121: {  	v33 =	vadd.s32 v11, v33  }
0x122: {  	v33 =	vmul.u32 $0xC4, v33;
	_ =	sdelay $0x1  }
0x123: {  	v33 =	vadd.s32 v6, v33  }
0x124: {  	[tilespmem:$0x320] =	vst v33  }
0x125: {  	v33 =	vld.idx.msk [tilespmem:v61+s9+$0x0], $0xffff;
	_ =	sdelay $0x4  }
0x126: {  	v33 =	vadd.s32 v11, v33  }
0x127: {  	v33 =	vmul.u32 $0xC4, v33;
	_ =	sdelay $0x1  }
0x128: {  	v33 =	vadd.s32 v9, v33  }
0x129: {  	[tilespmem:$0x330] =	vst v33  }
0x12a: {  	v33 =	vld.idx.msk [tilespmem:v62+s9+$0x0], $0xffff;
	_ =	sdelay $0x4  }
0x12b: {  	v33 =	vadd.s32 v11, v33  }
0x12c: {  	v33 =	vmul.u32 $0xC4, v33;
	_ =	sdelay $0x1  }
0x12d: {  	v33 =	vadd.s32 v1, v33  }
0x12e: {  	[tilespmem:$0x340] =	vst v33  }
0x12f: {  	v33 =	vld.idx.msk [tilespmem:v5+s9+$0x0], $0xffff;
	_ =	sdelay $0x4  }
0x130: {  	v33 =	vadd.s32 v11, v33  }
0x131: {  	v33 =	vmul.u32 $0xC4, v33;
	_ =	sdelay $0x1  }
0x132: {  	v33 =	vadd.s32 v2, v33  }
0x133: {  	[tilespmem:$0x350] =	vst v33  }
0x134: {  	v33 =	vld.idx.msk [tilespmem:v10+s9+$0x0], $0xffff;
	_ =	sdelay $0x4  }
0x135: {  	v33 =	vadd.s32 v11, v33  }
0x136: {  	v33 =	vmul.u32 $0xC4, v33;
	_ =	sdelay $0x1  }
0x137: {  	v33 =	vadd.s32 v3, v33  }
0x138: {  	[tilespmem:$0x360] =	vst v33  }
0x139: {  	v33 =	vld.idx.msk [tilespmem:v12+s9+$0x0], $0xffff;
	_ =	sdelay $0x4  }
0x13a: {  	v33 =	vadd.s32 v11, v33  }
0x13b: {  	v33 =	vmul.u32 $0xC4, v33;
	_ =	sdelay $0x1  }
0x13c: {  	v33 =	vadd.s32 v4, v33  }
0x13d: {  	[tilespmem:$0x380] =	vst v33  }
0x13e: {  	v33 =	vld.idx.msk [tilespmem:v14+s9+$0x0], $0xffff;
	_ =	sdelay $0x4  }
0x13f: {  	v33 =	vadd.s32 v11, v33  }
0x140: {  	v33 =	vmul.u32 $0xC4, v33;
	_ =	sdelay $0x1  }
0x141: {  	v33 =	vadd.s32 v8, v33  }
0x142: {  	[tilespmem:$0x390] =	vst v33  }
0x143: {  	v33 =	vld.idx.msk [tilespmem:v16+s9+$0x0], $0xffff;
	_ =	sdelay $0x4  }
0x144: {  	v33 =	vadd.s32 v11, v33  }
0x145: {  	v33 =	vmul.u32 $0xC4, v33;
	_ =	sdelay $0x1  }
0x146: {  	v33 =	vadd.s32 v17, v33  }
0x147: {  	[tilespmem:$0x3A0] =	vst v33  }
0x148: {  	v33 =	vld.idx.msk [tilespmem:v7+s9+$0x0], $0xffff;
	_ =	sdelay $0x4  }
0x149: {  	v33 =	vadd.s32 v11, v33  }
0x14a: {  	v33 =	vmul.u32 $0xC4, v33;
	_ =	sdelay $0x1  }
0x14b: {  	v33 =	vadd.s32 v26, v33  }
0x14c: {  	[tilespmem:$0x3B0] =	vst v33  }
0x14d: {  	v33 =	vld.idx.msk [tilespmem:v21+s9+$0x0], $0xffff;
	_ =	sdelay $0x4  }
0x14e: {  	v33 =	vadd.s32 v11, v33  }
0x14f: {  	v33 =	vmul.u32 $0xC4, v33;
	_ =	sdelay $0x1  }
0x150: {  	v33 =	vadd.s32 v30, v33  }
0x151: {  	[tilespmem:$0x3C0] =	vst v33  }
0x152: {  	v33 =	vld.idx.msk [tilespmem:v23+s9+$0x0], $0xffff;
	_ =	sdelay $0x4  }
0x153: {  	v33 =	vadd.s32 v11, v33  }
0x154: {  	v33 =	vmul.u32 $0xC4, v33;
	_ =	sdelay $0x1  }
0x155: {  	v33 =	vadd.s32 v31, v33  }
0x156: {  	[tilespmem:$0x3D0] =	vst v33  }
0x157: {  	v33 =	vld.idx.msk [tilespmem:v24+s9+$0x0], $0xffff;
	_ =	sdelay $0x4  }
0x158: {  	v33 =	vadd.s32 v11, v33  }
0x159: {  	v33 =	vmul.u32 $0xC4, v33;
	_ =	sdelay $0x1  }
0x15a: {  	v33 =	vadd.s32 v20, v33  }
0x15b: {  	[tilespmem:$0x3E0] =	vst v33  }
0x15c: {  	v33 =	vld.idx.msk [tilespmem:v13+s9+$0x0], $0xffff;
	_ =	sdelay $0x4  }
0x15d: {  	v33 =	vadd.s32 v11, v33  }
0x15e: {  	v33 =	vmul.u32 $0xC4, v33;
	_ =	sdelay $0x1  }
0x15f: {  	v33 =	vadd.s32 v22, v33  }
0x160: {  	[tilespmem:$0x400] =	vst v33  }
0x161: {  	v33 =	vld.idx.msk [tilespmem:v15+s9+$0x0], $0xffff;
	_ =	sdelay $0x4  }
0x162: {  	v33 =	vadd.s32 v11, v33  }
0x163: {  	v33 =	vmul.u32 $0xC4, v33;
	_ =	sdelay $0x1  }
0x164: {  	v33 =	vadd.s32 v34, v33  }
0x165: {  	[tilespmem:$0x410] =	vst v33  }
0x166: {  	v33 =	vld.idx.msk [tilespmem:v27+s9+$0x0], $0xffff;
	_ =	sdelay $0x4  }
0x167: {  	v33 =	vadd.s32 v11, v33  }
0x168: {  	v33 =	vmul.u32 $0xC4, v33;
	_ =	sdelay $0x1  }
0x169: {  	v33 =	vadd.s32 v28, v33  }
0x16a: {  	[tilespmem:$0x420] =	vst v33  }
0x16b: {  	v33 =	vld.idx.msk [tilespmem:v18+s9+$0x0], $0xffff;
	_ =	sdelay $0x4  }
0x16c: {  	v33 =	vadd.s32 v11, v33  }
0x16d: {  	v33 =	vmul.u32 $0xC4, v33;
	_ =	sdelay $0x1  }
0x16e: {  	v33 =	vadd.s32 v38, v33  }
0x16f: {  	[tilespmem:$0x430] =	vst v33  }
0x170: {  	v33 =	vld.idx.msk [tilespmem:v29+s9+$0x0], $0xffff;
	_ =	sdelay $0x4  }
0x171: {  	v33 =	vadd.s32 v11, v33  }
0x172: {  	v33 =	vmul.u32 $0xC4, v33;
	_ =	sdelay $0x1  }
0x173: {  	v33 =	vadd.s32 v39, v33  }
0x174: {  	[tilespmem:$0x440] =	vst v33  }
0x175: {  	v33 =	vld.idx.msk [tilespmem:v19+s9+$0x0], $0xffff;
	_ =	sdelay $0x3  }
0x176: {  	v45 =	vld [tilespmem:$0x100]  }
0x177: {  	v33 =	vadd.s32 v11, v33  }
0x178: {  	v33 =	vmul.u32 $0xC4, v33;
	_ =	sdelay $0x1  }
0x179: {  	v33 =	vadd.s32 v41, v33  }
0x17a: {  	v43 =	vshrl.u32 v45, $0x3;
	[tilespmem:$0x450] =	vst v33  }
0x17b: {  	v33 =	vmul.u32 $0x30, v43;
	v36 =	vld.idx.msk [tilespmem:v25+s9+$0x0], $0xffff  }
0x17c: {  	v35 =	vand.u32 $0x7, v45  }
0x17d: {  	v45 =	vshrl.u32 v0, $0x3;
	v43 =	vand.u32 $0x7, v0;
	v35 =	vor.u32 v35, v33  }
0x17e: {  	v33 =	vmul.u32 $0x8, v45;
	v37 =	vperm.xlane v35, v43;
	_ =	sdelay $0x1  }
0x17f: {  	v37 =	vadd.s32 v33, v37;
	v36 =	vadd.s32 v11, v36  }
0x180: {  	v36 =	vmul.u32 $0xC4, v36;
	_ =	sdelay $0x1  }
0x181: {  	v45 =	vor.u32 $0x8, v0;
	v36 =	vadd.s32 v32, v36  }
0x182: {  	vm15 =	vmmov $0xffff;
	v35 =	vperm.xlane v35, v45;
	[tilespmem:$0x460] =	vst v36  }
0x183: {  	[tilespmem:s10], [sflag:$0x1] =	stream.indirect_vreg.gather [hbm4b:s1+s3], $0x80, v37, vm15, $0xb8;
	[tilespmem:$0x15480] =	vst v63  }
0x184: {  	s25 =	simm.s32 $0xC80;
	v35 =	vadd.s32 v33, v35  }
0x185: {  	[tilespmem:s25], [sflag:$0x1] =	stream.indirect_vreg.gather [hbm4b:s5+s3], $0x80, v37, vm15, $0xb8;
	[tilespmem:$0x15480] =	vst v63  }
0x186: {  	s26 =	simm.s32 $0x1480  }
0x187: {  	[tilespmem:s26], [sflag:$0x1] =	stream.indirect_vreg.gather [hbm4b:s6+s3], $0x80, v37, vm15, $0xb8;
	[tilespmem:$0x15480] =	vst v63  }
0x188: {  	s28 =	simm.s32 $0x1C80  }
0x189: {  	[tilespmem:s28], [sflag:$0x1] =	stream.indirect_vreg.gather [hbm4b:s1+s3], $0x80, v35, vm15, $0xb8;
	[tilespmem:$0x15480] =	vst v63  }
0x18a: {  	s29 =	simm.s32 $0x2480  }
0x18b: {  	[tilespmem:s29], [sflag:$0x1] =	stream.indirect_vreg.gather [hbm4b:s5+s3], $0x80, v35, vm15, $0xb8;
	[tilespmem:$0x15480] =	vst v63  }
0x18c: {  	s30 =	simm.s32 $0x2C80  }
0x18d: {  	[tilespmem:s30], [sflag:$0x1] =	stream.indirect_vreg.gather [hbm4b:s6+s3], $0x80, v35, vm15, $0xb8;
	[tilespmem:$0x15480] =	vst v63  }
0x18e: {  	v35 =	vld [tilespmem:$0x110];
	_ =	sdelay $0x4  }
0x18f: {  	v36 =	vshrl.u32 v35, $0x3  }
0x190: {  	v36 =	vmul.u32 $0x30, v36  }
0x191: {  	v35 =	vand.u32 $0x7, v35  }
0x192: {  	v35 =	vor.u32 v35, v36  }
0x193: {  	v36 =	vperm.xlane v35, v43;
	_ =	sdelay $0x1  }
0x194: {  	v36 =	vadd.s32 v33, v36;
	_ =	sdelay $0x3  }
0x195: {  	s13 =	simm.s32 $0x3480;
	v35 =	vperm.xlane v35, v45  }
0x196: {  	[tilespmem:s13], [sflag:$0x1] =	stream.indirect_vreg.gather [hbm4b:s1+s3], $0x80, v36, vm15, $0xb8;
	[tilespmem:$0x15480] =	vst v63  }
0x197: {  	s14 =	simm.s32 $0x3C80;
	v35 =	vadd.s32 v33, v35  }
0x198: {  	[tilespmem:s14], [sflag:$0x1] =	stream.indirect_vreg.gather [hbm4b:s5+s3], $0x80, v36, vm15, $0xb8;
	[tilespmem:$0x15480] =	vst v63  }
0x199: {  	s15 =	simm.s32 $0x4480  }
0x19a: {  	[tilespmem:s15], [sflag:$0x1] =	stream.indirect_vreg.gather [hbm4b:s6+s3], $0x80, v36, vm15, $0xb8;
	[tilespmem:$0x15480] =	vst v63  }
0x19b: {  	s16 =	simm.s32 $0x4C80  }
0x19c: {  	[tilespmem:s16], [sflag:$0x1] =	stream.indirect_vreg.gather [hbm4b:s1+s3], $0x80, v35, vm15, $0xb8;
	[tilespmem:$0x15480] =	vst v63  }
0x19d: {  	s17 =	simm.s32 $0x5480  }
0x19e: {  	[tilespmem:s17], [sflag:$0x1] =	stream.indirect_vreg.gather [hbm4b:s5+s3], $0x80, v35, vm15, $0xb8;
	[tilespmem:$0x15480] =	vst v63  }
0x19f: {  	s18 =	simm.s32 $0x5C80  }
0x1a0: {  	[tilespmem:s18], [sflag:$0x1] =	stream.indirect_vreg.gather [hbm4b:s6+s3], $0x80, v35, vm15, $0xb8;
	[tilespmem:$0x15480] =	vst v63  }
0x1a1: {  	v35 =	vld [tilespmem:$0x120];
	_ =	sdelay $0x4  }
0x1a2: {  	v36 =	vshrl.u32 v35, $0x3  }
0x1a3: {  	v36 =	vmul.u32 $0x30, v36  }
0x1a4: {  	v35 =	vand.u32 $0x7, v35  }
0x1a5: {  	v35 =	vor.u32 v35, v36  }
0x1a6: {  	v36 =	vperm.xlane v35, v43;
	_ =	sdelay $0x1  }
0x1a7: {  	v36 =	vadd.s32 v33, v36;
	_ =	sdelay $0x3  }
0x1a8: {  	s19 =	simm.s32 $0x6480;
	v35 =	vperm.xlane v35, v45  }
0x1a9: {  	[tilespmem:s19], [sflag:$0x1] =	stream.indirect_vreg.gather [hbm4b:s1+s3], $0x80, v36, vm15, $0xb8;
	[tilespmem:$0x15480] =	vst v63  }
0x1aa: {  	s20 =	simm.s32 $0x6C80;
	v35 =	vadd.s32 v33, v35  }
0x1ab: {  	[tilespmem:s20], [sflag:$0x1] =	stream.indirect_vreg.gather [hbm4b:s5+s3], $0x80, v36, vm15, $0xb8;
	[tilespmem:$0x15480] =	vst v63  }
0x1ac: {  	s21 =	simm.s32 $0x7480  }
0x1ad: {  	[tilespmem:s21], [sflag:$0x1] =	stream.indirect_vreg.gather [hbm4b:s6+s3], $0x80, v36, vm15, $0xb8;
	[tilespmem:$0x15480] =	vst v63  }
0x1ae: {  	s22 =	simm.s32 $0x7C80  }
0x1af: {  	[tilespmem:s22], [sflag:$0x1] =	stream.indirect_vreg.gather [hbm4b:s1+s3], $0x80, v35, vm15, $0xb8;
	[tilespmem:$0x15480] =	vst v63  }
0x1b0: {  	s29 =	simm.s32 $0x8480  }
0x1b1: {  	[tilespmem:s29], [sflag:$0x1] =	stream.indirect_vreg.gather [hbm4b:s5+s3], $0x80, v35, vm15, $0xb8;
	[tilespmem:$0x15480] =	vst v63  }
0x1b2: {  	s30 =	simm.s32 $0x8C80  }
0x1b3: {  	[tilespmem:s30], [sflag:$0x1] =	stream.indirect_vreg.gather [hbm4b:s6+s3], $0x80, v35, vm15, $0xb8;
	[tilespmem:$0x15480] =	vst v63  }
0x1b4: {  	v35 =	vld.msk [tilespmem:$0x130], $0xff;
	_ =	sdelay $0x4  }
0x1b5: {  	v36 =	vshrl.u32 v35, $0x3  }
0x1b6: {  	v36 =	vmul.u32 $0x30, v36  }
0x1b7: {  	v35 =	vand.u32 $0x7, v35  }
0x1b8: {  	v35 =	vor.u32 v35, v36  }
0x1b9: {  	v35 =	vperm.xlane v35, v43;
	_ =	sdelay $0x1  }
0x1ba: {  	v35 =	vadd.s32 v33, v35;
	_ =	sdelay $0x3  }
0x1bb: {  	s21 =	simm.s32 $0x9480  }
0x1bc: {  	[tilespmem:s21], [sflag:$0x1] =	stream.indirect_vreg.gather [hbm4b:s1+s3], $0x80, v35, vm15, $0xb8;
	[tilespmem:$0x15480] =	vst v63  }
0x1bd: {  	s22 =	simm.s32 $0x9C80  }
0x1be: {  	[tilespmem:s22], [sflag:$0x1] =	stream.indirect_vreg.gather [hbm4b:s5+s3], $0x80, v35, vm15, $0xb8;
	[tilespmem:$0x15480] =	vst v63  }
0x1bf: {  	s30 =	simm.s32 $0xA480  }
0x1c0: {  	[tilespmem:s30], [sflag:$0x1] =	stream.indirect_vreg.gather [hbm4b:s6+s3], $0x80, v35, vm15, $0xb8;
	[tilespmem:$0x15480] =	vst v63  }
0x1c1: {  	v35 =	vld [tilespmem:$0x138];
	_ =	sdelay $0x4  }
0x1c2: {  	v36 =	vshrl.u32 v35, $0x3  }
0x1c3: {  	v36 =	vmul.u32 $0x30, v36  }
0x1c4: {  	v35 =	vand.u32 $0x7, v35  }
0x1c5: {  	v35 =	vor.u32 v35, v36  }
0x1c6: {  	v36 =	vperm.xlane v35, v43;
	_ =	sdelay $0x1  }
0x1c7: {  	v36 =	vadd.s32 v33, v36;
	_ =	sdelay $0x3  }
0x1c8: {  	v35 =	vperm.xlane v35, v45  }
0x1c9: {  	[tilespmem:s4], [sflag:$0x2] =	stream.indirect_vreg.gather [hbm4b:s1+s3], $0x80, v36, vm15, $0xb8;
	[tilespmem:$0x15480] =	vst v63  }
0x1ca: {  	s0 =	simm.s32 $0xB480;
	v35 =	vadd.s32 v33, v35  }
0x1cb: {  	[tilespmem:s0], [sflag:$0x2] =	stream.indirect_vreg.gather [hbm4b:s5+s3], $0x80, v36, vm15, $0xb8;
	[tilespmem:$0x15480] =	vst v63  }
0x1cc: {  	s0 =	simm.s32 $0xBC80  }
0x1cd: {  	[tilespmem:s0], [sflag:$0x2] =	stream.indirect_vreg.gather [hbm4b:s6+s3], $0x80, v36, vm15, $0xb8;
	[tilespmem:$0x15480] =	vst v63  }
0x1ce: {  	s0 =	simm.s32 $0xC480  }
0x1cf: {  	[tilespmem:s0], [sflag:$0x2] =	stream.indirect_vreg.gather [hbm4b:s1+s3], $0x80, v35, vm15, $0xb8;
	[tilespmem:$0x15480] =	vst v63  }
0x1d0: {  	s0 =	simm.s32 $0xCC80  }
0x1d1: {  	[tilespmem:s0], [sflag:$0x2] =	stream.indirect_vreg.gather [hbm4b:s5+s3], $0x80, v35, vm15, $0xb8;
	[tilespmem:$0x15480] =	vst v63  }
0x1d2: {  	s0 =	simm.s32 $0xD480  }
0x1d3: {  	[tilespmem:s0], [sflag:$0x2] =	stream.indirect_vreg.gather [hbm4b:s6+s3], $0x80, v35, vm15, $0xb8;
	[tilespmem:$0x15480] =	vst v63  }
0x1d4: {  	v35 =	vld [tilespmem:$0x148];
	_ =	sdelay $0x4  }
0x1d5: {  	v36 =	vshrl.u32 v35, $0x3  }
0x1d6: {  	v36 =	vmul.u32 $0x30, v36  }
0x1d7: {  	v35 =	vand.u32 $0x7, v35  }
0x1d8: {  	v35 =	vor.u32 v35, v36  }
0x1d9: {  	v36 =	vperm.xlane v35, v43;
	_ =	sdelay $0x1  }
0x1da: {  	v36 =	vadd.s32 v33, v36;
	_ =	sdelay $0x3  }
0x1db: {  	s0 =	simm.s32 $0xDC80;
	v35 =	vperm.xlane v35, v45  }
0x1dc: {  	[tilespmem:s0], [sflag:$0x2] =	stream.indirect_vreg.gather [hbm4b:s1+s3], $0x80, v36, vm15, $0xb8;
	[tilespmem:$0x15480] =	vst v63  }
0x1dd: {  	v35 =	vadd.s32 v33, v35;
	s0 =	simm.s32 $0xE480  }
0x1de: {  	[tilespmem:s0], [sflag:$0x2] =	stream.indirect_vreg.gather [hbm4b:s5+s3], $0x80, v36, vm15, $0xb8;
	[tilespmem:$0x15480] =	vst v63  }
0x1df: {  	s0 =	simm.s32 $0xEC80  }
0x1e0: {  	[tilespmem:s0], [sflag:$0x2] =	stream.indirect_vreg.gather [hbm4b:s6+s3], $0x80, v36, vm15, $0xb8;
	[tilespmem:$0x15480] =	vst v63  }
0x1e1: {  	s0 =	simm.s32 $0xF480  }
0x1e2: {  	[tilespmem:s0], [sflag:$0x2] =	stream.indirect_vreg.gather [hbm4b:s1+s3], $0x80, v35, vm15, $0xb8;
	[tilespmem:$0x15480] =	vst v63  }
0x1e3: {  	s0 =	simm.s32 $0xFC80  }
0x1e4: {  	[tilespmem:s0], [sflag:$0x2] =	stream.indirect_vreg.gather [hbm4b:s5+s3], $0x80, v35, vm15, $0xb8;
	[tilespmem:$0x15480] =	vst v63  }
0x1e5: {  	s0 =	simm.s32 $0x10480  }
0x1e6: {  	[tilespmem:s0], [sflag:$0x2] =	stream.indirect_vreg.gather [hbm4b:s6+s3], $0x80, v35, vm15, $0xb8;
	[tilespmem:$0x15480] =	vst v63  }
0x1e7: {  	v35 =	vld [tilespmem:$0x158];
	_ =	sdelay $0x4  }
0x1e8: {  	v36 =	vshrl.u32 v35, $0x3  }
0x1e9: {  	v36 =	vmul.u32 $0x30, v36  }
0x1ea: {  	v35 =	vand.u32 $0x7, v35  }
0x1eb: {  	v35 =	vor.u32 v35, v36  }
0x1ec: {  	v36 =	vperm.xlane v35, v43;
	_ =	sdelay $0x1  }
0x1ed: {  	v36 =	vadd.s32 v33, v36;
	_ =	sdelay $0x3  }
0x1ee: {  	s0 =	simm.s32 $0x10C80;
	v35 =	vperm.xlane v35, v45  }
0x1ef: {  	[tilespmem:s0], [sflag:$0x2] =	stream.indirect_vreg.gather [hbm4b:s1+s3], $0x80, v36, vm15, $0xb8;
	[tilespmem:$0x15480] =	vst v63  }
0x1f0: {  	v35 =	vadd.s32 v33, v35;
	s0 =	simm.s32 $0x11480  }
0x1f1: {  	[tilespmem:s0], [sflag:$0x2] =	stream.indirect_vreg.gather [hbm4b:s5+s3], $0x80, v36, vm15, $0xb8;
	[tilespmem:$0x15480] =	vst v63  }
0x1f2: {  	s0 =	simm.s32 $0x11C80  }
0x1f3: {  	[tilespmem:s0], [sflag:$0x2] =	stream.indirect_vreg.gather [hbm4b:s6+s3], $0x80, v36, vm15, $0xb8;
	[tilespmem:$0x15480] =	vst v63  }
0x1f4: {  	s0 =	simm.s32 $0x12480  }
0x1f5: {  	[tilespmem:s0], [sflag:$0x2] =	stream.indirect_vreg.gather [hbm4b:s1+s3], $0x80, v35, vm15, $0xb8;
	[tilespmem:$0x15480] =	vst v63  }
0x1f6: {  	s0 =	simm.s32 $0x12C80  }
0x1f7: {  	[tilespmem:s0], [sflag:$0x2] =	stream.indirect_vreg.gather [hbm4b:s5+s3], $0x80, v35, vm15, $0xb8;
	[tilespmem:$0x15480] =	vst v63  }
0x1f8: {  	s0 =	simm.s32 $0x13480  }
0x1f9: {  	[tilespmem:s0], [sflag:$0x2] =	stream.indirect_vreg.gather [hbm4b:s6+s3], $0x80, v35, vm15, $0xb8;
	[tilespmem:$0x15480] =	vst v63  }
0x1fa: {  	v35 =	vld.msk [tilespmem:$0x168], $0xff;
	_ =	sdelay $0x4  }
0x1fb: {  	v36 =	vshrl.u32 v35, $0x3  }
0x1fc: {  	v36 =	vmul.u32 $0x30, v36  }
0x1fd: {  	v35 =	vand.u32 $0x7, v35  }
0x1fe: {  	v35 =	vor.u32 v35, v36  }
0x1ff: {  	v35 =	vperm.xlane v35, v43;
	_ =	sdelay $0x1  }
0x200: {  	v35 =	vadd.s32 v33, v35;
	_ =	sdelay $0x3  }
0x201: {  	s0 =	simm.s32 $0x13C80  }
0x202: {  	[tilespmem:s0], [sflag:$0x2] =	stream.indirect_vreg.gather [hbm4b:s1+s3], $0x80, v35, vm15, $0xb8;
	[tilespmem:$0x15480] =	vst v63  }
0x203: {  	s0 =	simm.s32 $0x14480  }
0x204: {  	[tilespmem:s0], [sflag:$0x2] =	stream.indirect_vreg.gather [hbm4b:s5+s3], $0x80, v35, vm15, $0xb8;
	[tilespmem:$0x15480] =	vst v63  }
0x205: {  	s0 =	simm.s32 $0x14C80  }
0x206: {  	[tilespmem:s0], [sflag:$0x2] =	stream.indirect_vreg.gather [hbm4b:s6+s3], $0x80, v35, vm15, $0xb8;
	[tilespmem:$0x15480] =	vst v63  }
0x207: {  	_ =	swait.ge [sflag:s2], $0xA800  }
0x208: {  	[sflag:s2] =	ssyncset.done $0x0  }
0x209: {  	s0 =	rddreg [dreg:$0x5];
	[sflag:s2] =	ssyncadd.s32 $0xFFFF5800  }
0x20a: {  	[hbm4b:s0+s3] =	stream.linear.scatter [tilespmem:s10], [sflag:$0x3], $0xA800, $0x38;
	[tilespmem:$0x15480] =	vst v63  }
0x20b: {  	_ =	swait.ge [sflag:s8], $0xA800  }
0x20c: {  	[sflag:s8] =	ssyncset.done $0x0  }
0x20d: {  	[sflag:s8] =	ssyncadd.s32 $0xFFFF5800  }
0x20e: {  	v35 =	vld [tilespmem:$0x180];
	_ =	sdelay $0x4  }
0x20f: {  	v36 =	vshrl.u32 v35, $0x3  }
0x210: {  	v36 =	vmul.u32 $0x30, v36  }
0x211: {  	v35 =	vand.u32 $0x7, v35  }
0x212: {  	v35 =	vor.u32 v35, v36  }
0x213: {  	v36 =	vperm.xlane v35, v43;
	_ =	sdelay $0x1  }
0x214: {  	v36 =	vadd.s32 v33, v36;
	_ =	sdelay $0x3  }
0x215: {  	v35 =	vperm.xlane v35, v45  }
0x216: {  	[tilespmem:s10], [sflag:$0x1] =	stream.indirect_vreg.gather [hbm4b:s1+s3], $0x80, v36, vm15, $0xb8;
	[tilespmem:$0x15480] =	vst v63  }
0x217: {  	s23 =	simm.s32 $0xC80;
	v35 =	vadd.s32 v33, v35  }
0x218: {  	[tilespmem:s23], [sflag:$0x1] =	stream.indirect_vreg.gather [hbm4b:s5+s3], $0x80, v36, vm15, $0xb8;
	[tilespmem:$0x15480] =	vst v63  }
0x219: {  	s7 =	simm.s32 $0x1480  }
0x21a: {  	[tilespmem:s7], [sflag:$0x1] =	stream.indirect_vreg.gather [hbm4b:s6+s3], $0x80, v36, vm15, $0xb8;
	[tilespmem:$0x15480] =	vst v63  }
0x21b: {  	s11 =	simm.s32 $0x1C80  }
0x21c: {  	[tilespmem:s11], [sflag:$0x1] =	stream.indirect_vreg.gather [hbm4b:s1+s3], $0x80, v35, vm15, $0xb8;
	[tilespmem:$0x15480] =	vst v63  }
0x21d: {  	s12 =	simm.s32 $0x2480  }
0x21e: {  	[tilespmem:s12], [sflag:$0x1] =	stream.indirect_vreg.gather [hbm4b:s5+s3], $0x80, v35, vm15, $0xb8;
	[tilespmem:$0x15480] =	vst v63  }
0x21f: {  	s24 =	simm.s32 $0x2C80  }
0x220: {  	[tilespmem:s24], [sflag:$0x1] =	stream.indirect_vreg.gather [hbm4b:s6+s3], $0x80, v35, vm15, $0xb8;
	[tilespmem:$0x15480] =	vst v63  }
0x221: {  	v35 =	vld [tilespmem:$0x190];
	_ =	sdelay $0x4  }
0x222: {  	v36 =	vshrl.u32 v35, $0x3  }
0x223: {  	v36 =	vmul.u32 $0x30, v36  }
0x224: {  	v35 =	vand.u32 $0x7, v35  }
0x225: {  	v35 =	vor.u32 v35, v36  }
0x226: {  	v36 =	vperm.xlane v35, v43;
	_ =	sdelay $0x1  }
0x227: {  	v36 =	vadd.s32 v33, v36;
	_ =	sdelay $0x3  }
0x228: {  	s25 =	simm.s32 $0x3480;
	v35 =	vperm.xlane v35, v45  }
0x229: {  	[tilespmem:s25], [sflag:$0x1] =	stream.indirect_vreg.gather [hbm4b:s1+s3], $0x80, v36, vm15, $0xb8;
	[tilespmem:$0x15480] =	vst v63  }
0x22a: {  	s13 =	simm.s32 $0x3C80;
	v35 =	vadd.s32 v33, v35  }
0x22b: {  	[tilespmem:s13], [sflag:$0x1] =	stream.indirect_vreg.gather [hbm4b:s5+s3], $0x80, v36, vm15, $0xb8;
	[tilespmem:$0x15480] =	vst v63  }
0x22c: {  	s14 =	simm.s32 $0x4480  }
0x22d: {  	[tilespmem:s14], [sflag:$0x1] =	stream.indirect_vreg.gather [hbm4b:s6+s3], $0x80, v36, vm15, $0xb8;
	[tilespmem:$0x15480] =	vst v63  }
0x22e: {  	s15 =	simm.s32 $0x4C80  }
0x22f: {  	[tilespmem:s15], [sflag:$0x1] =	stream.indirect_vreg.gather [hbm4b:s1+s3], $0x80, v35, vm15, $0xb8;
	[tilespmem:$0x15480] =	vst v63  }
0x230: {  	s16 =	simm.s32 $0x5480  }
0x231: {  	[tilespmem:s16], [sflag:$0x1] =	stream.indirect_vreg.gather [hbm4b:s5+s3], $0x80, v35, vm15, $0xb8;
	[tilespmem:$0x15480] =	vst v63  }
0x232: {  	s26 =	simm.s32 $0x5C80  }
0x233: {  	[tilespmem:s26], [sflag:$0x1] =	stream.indirect_vreg.gather [hbm4b:s6+s3], $0x80, v35, vm15, $0xb8;
	[tilespmem:$0x15480] =	vst v63  }
0x234: {  	v35 =	vld [tilespmem:$0x1A0];
	_ =	sdelay $0x4  }
0x235: {  	v36 =	vshrl.u32 v35, $0x3  }
0x236: {  	v36 =	vmul.u32 $0x30, v36  }
0x237: {  	v35 =	vand.u32 $0x7, v35  }
0x238: {  	v35 =	vor.u32 v35, v36  }
0x239: {  	v36 =	vperm.xlane v35, v43;
	_ =	sdelay $0x1  }
0x23a: {  	v36 =	vadd.s32 v33, v36;
	_ =	sdelay $0x3  }
0x23b: {  	s28 =	simm.s32 $0x6480;
	v35 =	vperm.xlane v35, v45  }
0x23c: {  	[tilespmem:s28], [sflag:$0x1] =	stream.indirect_vreg.gather [hbm4b:s1+s3], $0x80, v36, vm15, $0xb8;
	[tilespmem:$0x15480] =	vst v63  }
0x23d: {  	s17 =	simm.s32 $0x6C80;
	v35 =	vadd.s32 v33, v35  }
0x23e: {  	[tilespmem:s17], [sflag:$0x1] =	stream.indirect_vreg.gather [hbm4b:s5+s3], $0x80, v36, vm15, $0xb8;
	[tilespmem:$0x15480] =	vst v63  }
0x23f: {  	s18 =	simm.s32 $0x7480  }
0x240: {  	[tilespmem:s18], [sflag:$0x1] =	stream.indirect_vreg.gather [hbm4b:s6+s3], $0x80, v36, vm15, $0xb8;
	[tilespmem:$0x15480] =	vst v63  }
0x241: {  	s19 =	simm.s32 $0x7C80  }
0x242: {  	[tilespmem:s19], [sflag:$0x1] =	stream.indirect_vreg.gather [hbm4b:s1+s3], $0x80, v35, vm15, $0xb8;
	[tilespmem:$0x15480] =	vst v63  }
0x243: {  	s20 =	simm.s32 $0x8480  }
0x244: {  	[tilespmem:s20], [sflag:$0x1] =	stream.indirect_vreg.gather [hbm4b:s5+s3], $0x80, v35, vm15, $0xb8;
	[tilespmem:$0x15480] =	vst v63  }
0x245: {  	s29 =	simm.s32 $0x8C80  }
0x246: {  	[tilespmem:s29], [sflag:$0x1] =	stream.indirect_vreg.gather [hbm4b:s6+s3], $0x80, v35, vm15, $0xb8;
	[tilespmem:$0x15480] =	vst v63  }
0x247: {  	v35 =	vld.msk [tilespmem:$0x1B0], $0xff;
	_ =	sdelay $0x4  }
0x248: {  	v36 =	vshrl.u32 v35, $0x3  }
0x249: {  	v36 =	vmul.u32 $0x30, v36  }
0x24a: {  	v35 =	vand.u32 $0x7, v35  }
0x24b: {  	v35 =	vor.u32 v35, v36  }
0x24c: {  	v35 =	vperm.xlane v35, v43;
	_ =	sdelay $0x1  }
0x24d: {  	v35 =	vadd.s32 v33, v35;
	_ =	sdelay $0x3  }
0x24e: {  	s21 =	simm.s32 $0x9480  }
0x24f: {  	[tilespmem:s21], [sflag:$0x1] =	stream.indirect_vreg.gather [hbm4b:s1+s3], $0x80, v35, vm15, $0xb8;
	[tilespmem:$0x15480] =	vst v63  }
0x250: {  	s22 =	simm.s32 $0x9C80  }
0x251: {  	[tilespmem:s22], [sflag:$0x1] =	stream.indirect_vreg.gather [hbm4b:s5+s3], $0x80, v35, vm15, $0xb8;
	[tilespmem:$0x15480] =	vst v63  }
0x252: {  	s30 =	simm.s32 $0xA480  }
0x253: {  	[tilespmem:s30], [sflag:$0x1] =	stream.indirect_vreg.gather [hbm4b:s6+s3], $0x80, v35, vm15, $0xb8;
	[tilespmem:$0x15480] =	vst v63  }
0x254: {  	_ =	swait.ge [sflag:s31], $0xA800  }
0x255: {  	[sflag:s31] =	ssyncset.done $0x0  }
0x256: {  	s23 =	rddreg [dreg:$0x6];
	[sflag:s31] =	ssyncadd.s32 $0xFFFF5800  }
0x257: {  	[hbm4b:s23+s3] =	stream.linear.scatter [tilespmem:s4], [sflag:$0x3], $0xA800, $0x38;
	[tilespmem:$0x15480] =	vst v63  }
0x258: {  	_ =	swait.ge [sflag:s8], $0xA800  }
0x259: {  	[sflag:s8] =	ssyncset.done $0x0  }
0x25a: {  	[sflag:s8] =	ssyncadd.s32 $0xFFFF5800  }
0x25b: {  	v35 =	vld [tilespmem:$0x1B8];
	_ =	sdelay $0x4  }
0x25c: {  	v36 =	vshrl.u32 v35, $0x3  }
0x25d: {  	v36 =	vmul.u32 $0x30, v36  }
0x25e: {  	v35 =	vand.u32 $0x7, v35  }
0x25f: {  	v35 =	vor.u32 v35, v36  }
0x260: {  	v36 =	vperm.xlane v35, v43;
	_ =	sdelay $0x1  }
0x261: {  	v36 =	vadd.s32 v33, v36;
	_ =	sdelay $0x3  }
0x262: {  	v35 =	vperm.xlane v35, v45  }
0x263: {  	[tilespmem:s4], [sflag:$0x2] =	stream.indirect_vreg.gather [hbm4b:s1+s3], $0x80, v36, vm15, $0xb8;
	[tilespmem:$0x15480] =	vst v63  }
0x264: {  	s24 =	simm.s32 $0xB480;
	v35 =	vadd.s32 v33, v35  }
0x265: {  	[tilespmem:s24], [sflag:$0x2] =	stream.indirect_vreg.gather [hbm4b:s5+s3], $0x80, v36, vm15, $0xb8;
	[tilespmem:$0x15480] =	vst v63  }
0x266: {  	s25 =	simm.s32 $0xBC80  }
0x267: {  	[tilespmem:s25], [sflag:$0x2] =	stream.indirect_vreg.gather [hbm4b:s6+s3], $0x80, v36, vm15, $0xb8;
	[tilespmem:$0x15480] =	vst v63  }
0x268: {  	s26 =	simm.s32 $0xC480  }
0x269: {  	[tilespmem:s26], [sflag:$0x2] =	stream.indirect_vreg.gather [hbm4b:s1+s3], $0x80, v35, vm15, $0xb8;
	[tilespmem:$0x15480] =	vst v63  }
0x26a: {  	s28 =	simm.s32 $0xCC80  }
0x26b: {  	[tilespmem:s28], [sflag:$0x2] =	stream.indirect_vreg.gather [hbm4b:s5+s3], $0x80, v35, vm15, $0xb8;
	[tilespmem:$0x15480] =	vst v63  }
0x26c: {  	s29 =	simm.s32 $0xD480  }
0x26d: {  	[tilespmem:s29], [sflag:$0x2] =	stream.indirect_vreg.gather [hbm4b:s6+s3], $0x80, v35, vm15, $0xb8;
	[tilespmem:$0x15480] =	vst v63  }
0x26e: {  	v35 =	vld [tilespmem:$0x1C8];
	_ =	sdelay $0x4  }
0x26f: {  	v36 =	vshrl.u32 v35, $0x3  }
0x270: {  	v36 =	vmul.u32 $0x30, v36  }
0x271: {  	v35 =	vand.u32 $0x7, v35  }
0x272: {  	v35 =	vor.u32 v35, v36  }
0x273: {  	v36 =	vperm.xlane v35, v43;
	_ =	sdelay $0x1  }
0x274: {  	v36 =	vadd.s32 v33, v36;
	_ =	sdelay $0x3  }
0x275: {  	s13 =	simm.s32 $0xDC80;
	v35 =	vperm.xlane v35, v45  }
0x276: {  	[tilespmem:s13], [sflag:$0x2] =	stream.indirect_vreg.gather [hbm4b:s1+s3], $0x80, v36, vm15, $0xb8;
	[tilespmem:$0x15480] =	vst v63  }
0x277: {  	s14 =	simm.s32 $0xE480;
	v35 =	vadd.s32 v33, v35  }
0x278: {  	[tilespmem:s14], [sflag:$0x2] =	stream.indirect_vreg.gather [hbm4b:s5+s3], $0x80, v36, vm15, $0xb8;
	[tilespmem:$0x15480] =	vst v63  }
0x279: {  	s15 =	simm.s32 $0xEC80  }
0x27a: {  	[tilespmem:s15], [sflag:$0x2] =	stream.indirect_vreg.gather [hbm4b:s6+s3], $0x80, v36, vm15, $0xb8;
	[tilespmem:$0x15480] =	vst v63  }
0x27b: {  	s16 =	simm.s32 $0xF480  }
0x27c: {  	[tilespmem:s16], [sflag:$0x2] =	stream.indirect_vreg.gather [hbm4b:s1+s3], $0x80, v35, vm15, $0xb8;
	[tilespmem:$0x15480] =	vst v63  }
0x27d: {  	s17 =	simm.s32 $0xFC80  }
0x27e: {  	[tilespmem:s17], [sflag:$0x2] =	stream.indirect_vreg.gather [hbm4b:s5+s3], $0x80, v35, vm15, $0xb8;
	[tilespmem:$0x15480] =	vst v63  }
0x27f: {  	s18 =	simm.s32 $0x10480  }
0x280: {  	[tilespmem:s18], [sflag:$0x2] =	stream.indirect_vreg.gather [hbm4b:s6+s3], $0x80, v35, vm15, $0xb8;
	[tilespmem:$0x15480] =	vst v63  }
0x281: {  	v35 =	vld [tilespmem:$0x1D8];
	_ =	sdelay $0x4  }
0x282: {  	v36 =	vshrl.u32 v35, $0x3  }
0x283: {  	v36 =	vmul.u32 $0x30, v36  }
0x284: {  	v35 =	vand.u32 $0x7, v35  }
0x285: {  	v35 =	vor.u32 v35, v36  }
0x286: {  	v36 =	vperm.xlane v35, v43;
	_ =	sdelay $0x1  }
0x287: {  	v36 =	vadd.s32 v33, v36;
	_ =	sdelay $0x3  }
0x288: {  	s19 =	simm.s32 $0x10C80;
	v35 =	vperm.xlane v35, v45  }
0x289: {  	[tilespmem:s19], [sflag:$0x2] =	stream.indirect_vreg.gather [hbm4b:s1+s3], $0x80, v36, vm15, $0xb8;
	[tilespmem:$0x15480] =	vst v63  }
0x28a: {  	s20 =	simm.s32 $0x11480;
	v35 =	vadd.s32 v33, v35  }
0x28b: {  	[tilespmem:s20], [sflag:$0x2] =	stream.indirect_vreg.gather [hbm4b:s5+s3], $0x80, v36, vm15, $0xb8;
	[tilespmem:$0x15480] =	vst v63  }
0x28c: {  	s21 =	simm.s32 $0x11C80  }
0x28d: {  	[tilespmem:s21], [sflag:$0x2] =	stream.indirect_vreg.gather [hbm4b:s6+s3], $0x80, v36, vm15, $0xb8;
	[tilespmem:$0x15480] =	vst v63  }
0x28e: {  	s23 =	simm.s32 $0x12480  }
0x28f: {  	[tilespmem:s23], [sflag:$0x2] =	stream.indirect_vreg.gather [hbm4b:s1+s3], $0x80, v35, vm15, $0xb8;
	[tilespmem:$0x15480] =	vst v63  }
0x290: {  	s28 =	simm.s32 $0x12C80  }
0x291: {  	[tilespmem:s28], [sflag:$0x2] =	stream.indirect_vreg.gather [hbm4b:s5+s3], $0x80, v35, vm15, $0xb8;
	[tilespmem:$0x15480] =	vst v63  }
0x292: {  	s29 =	simm.s32 $0x13480  }
0x293: {  	[tilespmem:s29], [sflag:$0x2] =	stream.indirect_vreg.gather [hbm4b:s6+s3], $0x80, v35, vm15, $0xb8;
	[tilespmem:$0x15480] =	vst v63  }
0x294: {  	v35 =	vld.msk [tilespmem:$0x1E8], $0xff;
	_ =	sdelay $0x4  }
0x295: {  	v36 =	vshrl.u32 v35, $0x3  }
0x296: {  	v36 =	vmul.u32 $0x30, v36  }
0x297: {  	v35 =	vand.u32 $0x7, v35  }
0x298: {  	v35 =	vor.u32 v35, v36  }
0x299: {  	v35 =	vperm.xlane v35, v43;
	_ =	sdelay $0x1  }
0x29a: {  	v35 =	vadd.s32 v33, v35;
	_ =	sdelay $0x3  }
0x29b: {  	s21 =	simm.s32 $0x13C80  }
0x29c: {  	[tilespmem:s21], [sflag:$0x2] =	stream.indirect_vreg.gather [hbm4b:s1+s3], $0x80, v35, vm15, $0xb8;
	[tilespmem:$0x15480] =	vst v63  }
0x29d: {  	s23 =	simm.s32 $0x14480  }
0x29e: {  	[tilespmem:s23], [sflag:$0x2] =	stream.indirect_vreg.gather [hbm4b:s5+s3], $0x80, v35, vm15, $0xb8;
	[tilespmem:$0x15480] =	vst v63  }
0x29f: {  	s29 =	simm.s32 $0x14C80  }
0x2a0: {  	[tilespmem:s29], [sflag:$0x2] =	stream.indirect_vreg.gather [hbm4b:s6+s3], $0x80, v35, vm15, $0xb8;
	[tilespmem:$0x15480] =	vst v63  }
0x2a1: {  	_ =	swait.ge [sflag:s2], $0xA800  }
0x2a2: {  	[sflag:s2] =	ssyncset.done $0x0  }
0x2a3: {  	s0 =	rddreg [dreg:$0x7];
	[sflag:s2] =	ssyncadd.s32 $0xFFFF5800  }
0x2a4: {  	[hbm4b:s0+s3] =	stream.linear.scatter [tilespmem:s10], [sflag:$0x3], $0xA800, $0x38;
	[tilespmem:$0x15480] =	vst v63  }
0x2a5: {  	_ =	swait.ge [sflag:s8], $0xA800  }
0x2a6: {  	[sflag:s8] =	ssyncset.done $0x0  }
0x2a7: {  	[sflag:s8] =	ssyncadd.s32 $0xFFFF5800  }
0x2a8: {  	v35 =	vld [tilespmem:$0x200];
	_ =	sdelay $0x4  }
0x2a9: {  	v36 =	vshrl.u32 v35, $0x3  }
0x2aa: {  	v36 =	vmul.u32 $0x30, v36  }
0x2ab: {  	v35 =	vand.u32 $0x7, v35  }
0x2ac: {  	v35 =	vor.u32 v35, v36  }
0x2ad: {  	v36 =	vperm.xlane v35, v43;
	_ =	sdelay $0x1  }
0x2ae: {  	v36 =	vadd.s32 v33, v36;
	_ =	sdelay $0x3  }
0x2af: {  	v35 =	vperm.xlane v35, v45  }
0x2b0: {  	[tilespmem:s10], [sflag:$0x1] =	stream.indirect_vreg.gather [hbm4b:s1+s3], $0x80, v36, vm15, $0xb8;
	[tilespmem:$0x15480] =	vst v63  }
0x2b1: {  	s0 =	simm.s32 $0xC80;
	v35 =	vadd.s32 v33, v35  }
0x2b2: {  	[tilespmem:s0], [sflag:$0x1] =	stream.indirect_vreg.gather [hbm4b:s5+s3], $0x80, v36, vm15, $0xb8;
	[tilespmem:$0x15480] =	vst v63  }
0x2b3: {  	s0 =	simm.s32 $0x1480  }
0x2b4: {  	[tilespmem:s0], [sflag:$0x1] =	stream.indirect_vreg.gather [hbm4b:s6+s3], $0x80, v36, vm15, $0xb8;
	[tilespmem:$0x15480] =	vst v63  }
0x2b5: {  	s0 =	simm.s32 $0x1C80  }
0x2b6: {  	[tilespmem:s0], [sflag:$0x1] =	stream.indirect_vreg.gather [hbm4b:s1+s3], $0x80, v35, vm15, $0xb8;
	[tilespmem:$0x15480] =	vst v63  }
0x2b7: {  	s0 =	simm.s32 $0x2480  }
0x2b8: {  	[tilespmem:s0], [sflag:$0x1] =	stream.indirect_vreg.gather [hbm4b:s5+s3], $0x80, v35, vm15, $0xb8;
	[tilespmem:$0x15480] =	vst v63  }
0x2b9: {  	s0 =	simm.s32 $0x2C80  }
0x2ba: {  	[tilespmem:s0], [sflag:$0x1] =	stream.indirect_vreg.gather [hbm4b:s6+s3], $0x80, v35, vm15, $0xb8;
	[tilespmem:$0x15480] =	vst v63  }
0x2bb: {  	v35 =	vld [tilespmem:$0x210];
	_ =	sdelay $0x4  }
0x2bc: {  	v36 =	vshrl.u32 v35, $0x3  }
0x2bd: {  	v36 =	vmul.u32 $0x30, v36  }
0x2be: {  	v35 =	vand.u32 $0x7, v35  }
0x2bf: {  	v35 =	vor.u32 v35, v36  }
0x2c0: {  	v36 =	vperm.xlane v35, v43;
	_ =	sdelay $0x1  }
0x2c1: {  	v36 =	vadd.s32 v33, v36;
	_ =	sdelay $0x3  }
0x2c2: {  	s0 =	simm.s32 $0x3480;
	v35 =	vperm.xlane v35, v45  }
0x2c3: {  	[tilespmem:s0], [sflag:$0x1] =	stream.indirect_vreg.gather [hbm4b:s1+s3], $0x80, v36, vm15, $0xb8;
	[tilespmem:$0x15480] =	vst v63  }
0x2c4: {  	v35 =	vadd.s32 v33, v35;
	s0 =	simm.s32 $0x3C80  }
0x2c5: {  	[tilespmem:s0], [sflag:$0x1] =	stream.indirect_vreg.gather [hbm4b:s5+s3], $0x80, v36, vm15, $0xb8;
	[tilespmem:$0x15480] =	vst v63  }
0x2c6: {  	s0 =	simm.s32 $0x4480  }
0x2c7: {  	[tilespmem:s0], [sflag:$0x1] =	stream.indirect_vreg.gather [hbm4b:s6+s3], $0x80, v36, vm15, $0xb8;
	[tilespmem:$0x15480] =	vst v63  }
0x2c8: {  	s0 =	simm.s32 $0x4C80  }
0x2c9: {  	[tilespmem:s0], [sflag:$0x1] =	stream.indirect_vreg.gather [hbm4b:s1+s3], $0x80, v35, vm15, $0xb8;
	[tilespmem:$0x15480] =	vst v63  }
0x2ca: {  	s0 =	simm.s32 $0x5480  }
0x2cb: {  	[tilespmem:s0], [sflag:$0x1] =	stream.indirect_vreg.gather [hbm4b:s5+s3], $0x80, v35, vm15, $0xb8;
	[tilespmem:$0x15480] =	vst v63  }
0x2cc: {  	s0 =	simm.s32 $0x5C80  }
0x2cd: {  	[tilespmem:s0], [sflag:$0x1] =	stream.indirect_vreg.gather [hbm4b:s6+s3], $0x80, v35, vm15, $0xb8;
	[tilespmem:$0x15480] =	vst v63  }
0x2ce: {  	v35 =	vld [tilespmem:$0x220];
	_ =	sdelay $0x4  }
0x2cf: {  	v36 =	vshrl.u32 v35, $0x3  }
0x2d0: {  	v36 =	vmul.u32 $0x30, v36  }
0x2d1: {  	v35 =	vand.u32 $0x7, v35  }
0x2d2: {  	v35 =	vor.u32 v35, v36  }
0x2d3: {  	v36 =	vperm.xlane v35, v43;
	_ =	sdelay $0x1  }
0x2d4: {  	v36 =	vadd.s32 v33, v36;
	_ =	sdelay $0x3  }
0x2d5: {  	s0 =	simm.s32 $0x6480;
	v35 =	vperm.xlane v35, v45  }
0x2d6: {  	[tilespmem:s0], [sflag:$0x1] =	stream.indirect_vreg.gather [hbm4b:s1+s3], $0x80, v36, vm15, $0xb8;
	[tilespmem:$0x15480] =	vst v63  }
0x2d7: {  	v35 =	vadd.s32 v33, v35;
	s0 =	simm.s32 $0x6C80  }
0x2d8: {  	[tilespmem:s0], [sflag:$0x1] =	stream.indirect_vreg.gather [hbm4b:s5+s3], $0x80, v36, vm15, $0xb8;
	[tilespmem:$0x15480] =	vst v63  }
0x2d9: {  	s0 =	simm.s32 $0x7480  }
0x2da: {  	[tilespmem:s0], [sflag:$0x1] =	stream.indirect_vreg.gather [hbm4b:s6+s3], $0x80, v36, vm15, $0xb8;
	[tilespmem:$0x15480] =	vst v63  }
0x2db: {  	s0 =	simm.s32 $0x7C80  }
0x2dc: {  	[tilespmem:s0], [sflag:$0x1] =	stream.indirect_vreg.gather [hbm4b:s1+s3], $0x80, v35, vm15, $0xb8;
	[tilespmem:$0x15480] =	vst v63  }
0x2dd: {  	s0 =	simm.s32 $0x8480  }
0x2de: {  	[tilespmem:s0], [sflag:$0x1] =	stream.indirect_vreg.gather [hbm4b:s5+s3], $0x80, v35, vm15, $0xb8;
	[tilespmem:$0x15480] =	vst v63  }
0x2df: {  	s0 =	simm.s32 $0x8C80  }
0x2e0: {  	[tilespmem:s0], [sflag:$0x1] =	stream.indirect_vreg.gather [hbm4b:s6+s3], $0x80, v35, vm15, $0xb8;
	[tilespmem:$0x15480] =	vst v63  }
0x2e1: {  	v35 =	vld.msk [tilespmem:$0x230], $0xff;
	_ =	sdelay $0x4  }
0x2e2: {  	v36 =	vshrl.u32 v35, $0x3  }
0x2e3: {  	v36 =	vmul.u32 $0x30, v36  }
0x2e4: {  	v35 =	vand.u32 $0x7, v35  }
0x2e5: {  	v35 =	vor.u32 v35, v36  }
0x2e6: {  	v35 =	vperm.xlane v35, v43;
	_ =	sdelay $0x1  }
0x2e7: {  	v35 =	vadd.s32 v33, v35;
	_ =	sdelay $0x3  }
0x2e8: {  	s0 =	simm.s32 $0x9480  }
0x2e9: {  	[tilespmem:s0], [sflag:$0x1] =	stream.indirect_vreg.gather [hbm4b:s1+s3], $0x80, v35, vm15, $0xb8;
	[tilespmem:$0x15480] =	vst v63  }
0x2ea: {  	s0 =	simm.s32 $0x9C80  }
0x2eb: {  	[tilespmem:s0], [sflag:$0x1] =	stream.indirect_vreg.gather [hbm4b:s5+s3], $0x80, v35, vm15, $0xb8;
	[tilespmem:$0x15480] =	vst v63  }
0x2ec: {  	s0 =	simm.s32 $0xA480  }
0x2ed: {  	[tilespmem:s0], [sflag:$0x1] =	stream.indirect_vreg.gather [hbm4b:s6+s3], $0x80, v35, vm15, $0xb8;
	[tilespmem:$0x15480] =	vst v63  }
0x2ee: {  	_ =	swait.ge [sflag:s31], $0xA800  }
0x2ef: {  	[sflag:s31] =	ssyncset.done $0x0  }
0x2f0: {  	s0 =	rddreg [dreg:$0x8];
	[sflag:s31] =	ssyncadd.s32 $0xFFFF5800  }
0x2f1: {  	[hbm4b:s0+s3] =	stream.linear.scatter [tilespmem:s4], [sflag:$0x3], $0xA800, $0x38;
	[tilespmem:$0x15480] =	vst v63  }
0x2f2: {  	_ =	swait.ge [sflag:s8], $0xA800  }
0x2f3: {  	[sflag:s8] =	ssyncset.done $0x0  }
0x2f4: {  	[sflag:s8] =	ssyncadd.s32 $0xFFFF5800  }
0x2f5: {  	v35 =	vld [tilespmem:$0x238];
	_ =	sdelay $0x4  }
0x2f6: {  	v36 =	vshrl.u32 v35, $0x3  }
0x2f7: {  	v36 =	vmul.u32 $0x30, v36  }
0x2f8: {  	v35 =	vand.u32 $0x7, v35  }
0x2f9: {  	v35 =	vor.u32 v35, v36  }
0x2fa: {  	v36 =	vperm.xlane v35, v43;
	_ =	sdelay $0x1  }
0x2fb: {  	v36 =	vadd.s32 v33, v36;
	_ =	sdelay $0x3  }
0x2fc: {  	v35 =	vperm.xlane v35, v45  }
0x2fd: {  	[tilespmem:s4], [sflag:$0x2] =	stream.indirect_vreg.gather [hbm4b:s1+s3], $0x80, v36, vm15, $0xb8;
	[tilespmem:$0x15480] =	vst v63  }
0x2fe: {  	s7 =	simm.s32 $0xB480;
	v35 =	vadd.s32 v33, v35  }
0x2ff: {  	[tilespmem:s7], [sflag:$0x2] =	stream.indirect_vreg.gather [hbm4b:s5+s3], $0x80, v36, vm15, $0xb8;
	[tilespmem:$0x15480] =	vst v63  }
0x300: {  	s11 =	simm.s32 $0xBC80  }
0x301: {  	[tilespmem:s11], [sflag:$0x2] =	stream.indirect_vreg.gather [hbm4b:s6+s3], $0x80, v36, vm15, $0xb8;
	[tilespmem:$0x15480] =	vst v63  }
0x302: {  	s30 =	simm.s32 $0xC480  }
0x303: {  	[tilespmem:s30], [sflag:$0x2] =	stream.indirect_vreg.gather [hbm4b:s1+s3], $0x80, v35, vm15, $0xb8;
	[tilespmem:$0x15480] =	vst v63  }
0x304: {  	s12 =	simm.s32 $0xCC80  }
0x305: {  	[tilespmem:s12], [sflag:$0x2] =	stream.indirect_vreg.gather [hbm4b:s5+s3], $0x80, v35, vm15, $0xb8;
	[tilespmem:$0x15480] =	vst v63  }
0x306: {  	s22 =	simm.s32 $0xD480  }
0x307: {  	[tilespmem:s22], [sflag:$0x2] =	stream.indirect_vreg.gather [hbm4b:s6+s3], $0x80, v35, vm15, $0xb8;
	[tilespmem:$0x15480] =	vst v63  }
0x308: {  	v35 =	vld [tilespmem:$0x248];
	_ =	sdelay $0x4  }
0x309: {  	v36 =	vshrl.u32 v35, $0x3  }
0x30a: {  	v36 =	vmul.u32 $0x30, v36  }
0x30b: {  	v35 =	vand.u32 $0x7, v35  }
0x30c: {  	v35 =	vor.u32 v35, v36  }
0x30d: {  	v36 =	vperm.xlane v35, v43;
	_ =	sdelay $0x1  }
0x30e: {  	v36 =	vadd.s32 v33, v36;
	_ =	sdelay $0x3  }
0x30f: {  	s24 =	simm.s32 $0xDC80;
	v35 =	vperm.xlane v35, v45  }
0x310: {  	[tilespmem:s24], [sflag:$0x2] =	stream.indirect_vreg.gather [hbm4b:s1+s3], $0x80, v36, vm15, $0xb8;
	[tilespmem:$0x15480] =	vst v63  }
0x311: {  	s13 =	simm.s32 $0xE480;
	v35 =	vadd.s32 v33, v35  }
0x312: {  	[tilespmem:s13], [sflag:$0x2] =	stream.indirect_vreg.gather [hbm4b:s5+s3], $0x80, v36, vm15, $0xb8;
	[tilespmem:$0x15480] =	vst v63  }
0x313: {  	s14 =	simm.s32 $0xEC80  }
0x314: {  	[tilespmem:s14], [sflag:$0x2] =	stream.indirect_vreg.gather [hbm4b:s6+s3], $0x80, v36, vm15, $0xb8;
	[tilespmem:$0x15480] =	vst v63  }
0x315: {  	s15 =	simm.s32 $0xF480  }
0x316: {  	[tilespmem:s15], [sflag:$0x2] =	stream.indirect_vreg.gather [hbm4b:s1+s3], $0x80, v35, vm15, $0xb8;
	[tilespmem:$0x15480] =	vst v63  }
0x317: {  	s16 =	simm.s32 $0xFC80  }
0x318: {  	[tilespmem:s16], [sflag:$0x2] =	stream.indirect_vreg.gather [hbm4b:s5+s3], $0x80, v35, vm15, $0xb8;
	[tilespmem:$0x15480] =	vst v63  }
0x319: {  	s25 =	simm.s32 $0x10480  }
0x31a: {  	[tilespmem:s25], [sflag:$0x2] =	stream.indirect_vreg.gather [hbm4b:s6+s3], $0x80, v35, vm15, $0xb8;
	[tilespmem:$0x15480] =	vst v63  }
0x31b: {  	v35 =	vld [tilespmem:$0x258];
	_ =	sdelay $0x4  }
0x31c: {  	v36 =	vshrl.u32 v35, $0x3  }
0x31d: {  	v36 =	vmul.u32 $0x30, v36  }
0x31e: {  	v35 =	vand.u32 $0x7, v35  }
0x31f: {  	v35 =	vor.u32 v35, v36  }
0x320: {  	v36 =	vperm.xlane v35, v43;
	_ =	sdelay $0x1  }
0x321: {  	v36 =	vadd.s32 v33, v36;
	_ =	sdelay $0x3  }
0x322: {  	s26 =	simm.s32 $0x10C80;
	v35 =	vperm.xlane v35, v45  }
0x323: {  	[tilespmem:s26], [sflag:$0x2] =	stream.indirect_vreg.gather [hbm4b:s1+s3], $0x80, v36, vm15, $0xb8;
	[tilespmem:$0x15480] =	vst v63  }
0x324: {  	s17 =	simm.s32 $0x11480;
	v35 =	vadd.s32 v33, v35  }
0x325: {  	[tilespmem:s17], [sflag:$0x2] =	stream.indirect_vreg.gather [hbm4b:s5+s3], $0x80, v36, vm15, $0xb8;
	[tilespmem:$0x15480] =	vst v63  }
0x326: {  	s18 =	simm.s32 $0x11C80  }
0x327: {  	[tilespmem:s18], [sflag:$0x2] =	stream.indirect_vreg.gather [hbm4b:s6+s3], $0x80, v36, vm15, $0xb8;
	[tilespmem:$0x15480] =	vst v63  }
0x328: {  	s19 =	simm.s32 $0x12480  }
0x329: {  	[tilespmem:s19], [sflag:$0x2] =	stream.indirect_vreg.gather [hbm4b:s1+s3], $0x80, v35, vm15, $0xb8;
	[tilespmem:$0x15480] =	vst v63  }
0x32a: {  	s20 =	simm.s32 $0x12C80  }
0x32b: {  	[tilespmem:s20], [sflag:$0x2] =	stream.indirect_vreg.gather [hbm4b:s5+s3], $0x80, v35, vm15, $0xb8;
	[tilespmem:$0x15480] =	vst v63  }
0x32c: {  	s28 =	simm.s32 $0x13480  }
0x32d: {  	[tilespmem:s28], [sflag:$0x2] =	stream.indirect_vreg.gather [hbm4b:s6+s3], $0x80, v35, vm15, $0xb8;
	[tilespmem:$0x15480] =	vst v63  }
0x32e: {  	v35 =	vld.msk [tilespmem:$0x268], $0xff;
	_ =	sdelay $0x4  }
0x32f: {  	v36 =	vshrl.u32 v35, $0x3  }
0x330: {  	v36 =	vmul.u32 $0x30, v36  }
0x331: {  	v35 =	vand.u32 $0x7, v35  }
0x332: {  	v35 =	vor.u32 v35, v36  }
0x333: {  	v35 =	vperm.xlane v35, v43;
	_ =	sdelay $0x1  }
0x334: {  	v35 =	vadd.s32 v33, v35;
	_ =	sdelay $0x3  }
0x335: {  	s21 =	simm.s32 $0x13C80  }
0x336: {  	[tilespmem:s21], [sflag:$0x2] =	stream.indirect_vreg.gather [hbm4b:s1+s3], $0x80, v35, vm15, $0xb8;
	[tilespmem:$0x15480] =	vst v63  }
0x337: {  	s23 =	simm.s32 $0x14480  }
0x338: {  	[tilespmem:s23], [sflag:$0x2] =	stream.indirect_vreg.gather [hbm4b:s5+s3], $0x80, v35, vm15, $0xb8;
	[tilespmem:$0x15480] =	vst v63  }
0x339: {  	s29 =	simm.s32 $0x14C80  }
0x33a: {  	[tilespmem:s29], [sflag:$0x2] =	stream.indirect_vreg.gather [hbm4b:s6+s3], $0x80, v35, vm15, $0xb8;
	[tilespmem:$0x15480] =	vst v63  }
0x33b: {  	_ =	swait.ge [sflag:s2], $0xA800  }
0x33c: {  	[sflag:s2] =	ssyncset.done $0x0  }
0x33d: {  	s30 =	rddreg [dreg:$0x9];
	[sflag:s2] =	ssyncadd.s32 $0xFFFF5800  }
0x33e: {  	[hbm4b:s30+s3] =	stream.linear.scatter [tilespmem:s10], [sflag:$0x3], $0xA800, $0x38;
	[tilespmem:$0x15480] =	vst v63  }
0x33f: {  	_ =	swait.ge [sflag:s8], $0xA800  }
0x340: {  	[sflag:s8] =	ssyncset.done $0x0  }
0x341: {  	[sflag:s8] =	ssyncadd.s32 $0xFFFF5800  }
0x342: {  	v35 =	vld [tilespmem:$0x280];
	_ =	sdelay $0x4  }
0x343: {  	v36 =	vshrl.u32 v35, $0x3  }
0x344: {  	v36 =	vmul.u32 $0x30, v36  }
0x345: {  	v35 =	vand.u32 $0x7, v35  }
0x346: {  	v35 =	vor.u32 v35, v36  }
0x347: {  	v36 =	vperm.xlane v35, v43;
	_ =	sdelay $0x1  }
0x348: {  	v36 =	vadd.s32 v33, v36;
	_ =	sdelay $0x3  }
0x349: {  	v35 =	vperm.xlane v35, v45  }
0x34a: {  	[tilespmem:s10], [sflag:$0x1] =	stream.indirect_vreg.gather [hbm4b:s1+s3], $0x80, v36, vm15, $0xb8;
	[tilespmem:$0x15480] =	vst v63  }
0x34b: {  	s30 =	simm.s32 $0xC80;
	v35 =	vadd.s32 v33, v35  }
0x34c: {  	[tilespmem:s30], [sflag:$0x1] =	stream.indirect_vreg.gather [hbm4b:s5+s3], $0x80, v36, vm15, $0xb8;
	[tilespmem:$0x15480] =	vst v63  }
0x34d: {  	s30 =	simm.s32 $0x1480  }
0x34e: {  	[tilespmem:s30], [sflag:$0x1] =	stream.indirect_vreg.gather [hbm4b:s6+s3], $0x80, v36, vm15, $0xb8;
	[tilespmem:$0x15480] =	vst v63  }
0x34f: {  	s30 =	simm.s32 $0x1C80  }
0x350: {  	[tilespmem:s30], [sflag:$0x1] =	stream.indirect_vreg.gather [hbm4b:s1+s3], $0x80, v35, vm15, $0xb8;
	[tilespmem:$0x15480] =	vst v63  }
0x351: {  	s30 =	simm.s32 $0x2480  }
0x352: {  	[tilespmem:s30], [sflag:$0x1] =	stream.indirect_vreg.gather [hbm4b:s5+s3], $0x80, v35, vm15, $0xb8;
	[tilespmem:$0x15480] =	vst v63  }
0x353: {  	s30 =	simm.s32 $0x2C80  }
0x354: {  	[tilespmem:s30], [sflag:$0x1] =	stream.indirect_vreg.gather [hbm4b:s6+s3], $0x80, v35, vm15, $0xb8;
	[tilespmem:$0x15480] =	vst v63  }
0x355: {  	v35 =	vld [tilespmem:$0x290];
	_ =	sdelay $0x4  }
0x356: {  	v36 =	vshrl.u32 v35, $0x3  }
0x357: {  	v36 =	vmul.u32 $0x30, v36  }
0x358: {  	v35 =	vand.u32 $0x7, v35  }
0x359: {  	v35 =	vor.u32 v35, v36  }
0x35a: {  	v36 =	vperm.xlane v35, v43;
	_ =	sdelay $0x1  }
0x35b: {  	v36 =	vadd.s32 v33, v36;
	_ =	sdelay $0x3  }
0x35c: {  	s30 =	simm.s32 $0x3480;
	v35 =	vperm.xlane v35, v45  }
0x35d: {  	[tilespmem:s30], [sflag:$0x1] =	stream.indirect_vreg.gather [hbm4b:s1+s3], $0x80, v36, vm15, $0xb8;
	[tilespmem:$0x15480] =	vst v63  }
0x35e: {  	v35 =	vadd.s32 v33, v35;
	s30 =	simm.s32 $0x3C80  }
0x35f: {  	[tilespmem:s30], [sflag:$0x1] =	stream.indirect_vreg.gather [hbm4b:s5+s3], $0x80, v36, vm15, $0xb8;
	[tilespmem:$0x15480] =	vst v63  }
0x360: {  	s30 =	simm.s32 $0x4480  }
0x361: {  	[tilespmem:s30], [sflag:$0x1] =	stream.indirect_vreg.gather [hbm4b:s6+s3], $0x80, v36, vm15, $0xb8;
	[tilespmem:$0x15480] =	vst v63  }
0x362: {  	s30 =	simm.s32 $0x4C80  }
0x363: {  	[tilespmem:s30], [sflag:$0x1] =	stream.indirect_vreg.gather [hbm4b:s1+s3], $0x80, v35, vm15, $0xb8;
	[tilespmem:$0x15480] =	vst v63  }
0x364: {  	s30 =	simm.s32 $0x5480  }
0x365: {  	[tilespmem:s30], [sflag:$0x1] =	stream.indirect_vreg.gather [hbm4b:s5+s3], $0x80, v35, vm15, $0xb8;
	[tilespmem:$0x15480] =	vst v63  }
0x366: {  	s30 =	simm.s32 $0x5C80  }
0x367: {  	[tilespmem:s30], [sflag:$0x1] =	stream.indirect_vreg.gather [hbm4b:s6+s3], $0x80, v35, vm15, $0xb8;
	[tilespmem:$0x15480] =	vst v63  }
0x368: {  	v35 =	vld [tilespmem:$0x2A0];
	_ =	sdelay $0x4  }
0x369: {  	v36 =	vshrl.u32 v35, $0x3  }
0x36a: {  	v36 =	vmul.u32 $0x30, v36  }
0x36b: {  	v35 =	vand.u32 $0x7, v35  }
0x36c: {  	v35 =	vor.u32 v35, v36  }
0x36d: {  	v36 =	vperm.xlane v35, v43;
	_ =	sdelay $0x1  }
0x36e: {  	v36 =	vadd.s32 v33, v36;
	_ =	sdelay $0x3  }
0x36f: {  	s30 =	simm.s32 $0x6480;
	v35 =	vperm.xlane v35, v45  }
0x370: {  	[tilespmem:s30], [sflag:$0x1] =	stream.indirect_vreg.gather [hbm4b:s1+s3], $0x80, v36, vm15, $0xb8;
	[tilespmem:$0x15480] =	vst v63  }
0x371: {  	v35 =	vadd.s32 v33, v35;
	s30 =	simm.s32 $0x6C80  }
0x372: {  	[tilespmem:s30], [sflag:$0x1] =	stream.indirect_vreg.gather [hbm4b:s5+s3], $0x80, v36, vm15, $0xb8;
	[tilespmem:$0x15480] =	vst v63  }
0x373: {  	s30 =	simm.s32 $0x7480  }
0x374: {  	[tilespmem:s30], [sflag:$0x1] =	stream.indirect_vreg.gather [hbm4b:s6+s3], $0x80, v36, vm15, $0xb8;
	[tilespmem:$0x15480] =	vst v63  }
0x375: {  	s30 =	simm.s32 $0x7C80  }
0x376: {  	[tilespmem:s30], [sflag:$0x1] =	stream.indirect_vreg.gather [hbm4b:s1+s3], $0x80, v35, vm15, $0xb8;
	[tilespmem:$0x15480] =	vst v63  }
0x377: {  	s30 =	simm.s32 $0x8480  }
0x378: {  	[tilespmem:s30], [sflag:$0x1] =	stream.indirect_vreg.gather [hbm4b:s5+s3], $0x80, v35, vm15, $0xb8;
	[tilespmem:$0x15480] =	vst v63  }
0x379: {  	s30 =	simm.s32 $0x8C80  }
0x37a: {  	[tilespmem:s30], [sflag:$0x1] =	stream.indirect_vreg.gather [hbm4b:s6+s3], $0x80, v35, vm15, $0xb8;
	[tilespmem:$0x15480] =	vst v63  }
0x37b: {  	v35 =	vld.msk [tilespmem:$0x2B0], $0xff;
	_ =	sdelay $0x4  }
0x37c: {  	v36 =	vshrl.u32 v35, $0x3  }
0x37d: {  	v36 =	vmul.u32 $0x30, v36  }
0x37e: {  	v35 =	vand.u32 $0x7, v35  }
0x37f: {  	v35 =	vor.u32 v35, v36  }
0x380: {  	v35 =	vperm.xlane v35, v43;
	_ =	sdelay $0x1  }
0x381: {  	v35 =	vadd.s32 v33, v35;
	_ =	sdelay $0x3  }
0x382: {  	s30 =	simm.s32 $0x9480  }
0x383: {  	[tilespmem:s30], [sflag:$0x1] =	stream.indirect_vreg.gather [hbm4b:s1+s3], $0x80, v35, vm15, $0xb8;
	[tilespmem:$0x15480] =	vst v63  }
0x384: {  	s30 =	simm.s32 $0x9C80  }
0x385: {  	[tilespmem:s30], [sflag:$0x1] =	stream.indirect_vreg.gather [hbm4b:s5+s3], $0x80, v35, vm15, $0xb8;
	[tilespmem:$0x15480] =	vst v63  }
0x386: {  	s30 =	simm.s32 $0xA480  }
0x387: {  	[tilespmem:s30], [sflag:$0x1] =	stream.indirect_vreg.gather [hbm4b:s6+s3], $0x80, v35, vm15, $0xb8;
	[tilespmem:$0x15480] =	vst v63  }
0x388: {  	_ =	swait.ge [sflag:s31], $0xA800  }
0x389: {  	[sflag:s31] =	ssyncset.done $0x0  }
0x38a: {  	s30 =	rddreg [dreg:$0xa];
	[sflag:s31] =	ssyncadd.s32 $0xFFFF5800  }
0x38b: {  	[hbm4b:s30+s3] =	stream.linear.scatter [tilespmem:s4], [sflag:$0x3], $0xA800, $0x38;
	[tilespmem:$0x15480] =	vst v63  }
0x38c: {  	_ =	swait.ge [sflag:s8], $0xA800  }
0x38d: {  	[sflag:s8] =	ssyncset.done $0x0  }
0x38e: {  	[sflag:s8] =	ssyncadd.s32 $0xFFFF5800  }
0x38f: {  	v35 =	vld [tilespmem:$0x2B8];
	_ =	sdelay $0x4  }
0x390: {  	v36 =	vshrl.u32 v35, $0x3  }
0x391: {  	v36 =	vmul.u32 $0x30, v36  }
0x392: {  	v35 =	vand.u32 $0x7, v35  }
0x393: {  	v35 =	vor.u32 v35, v36  }
0x394: {  	v36 =	vperm.xlane v35, v43;
	_ =	sdelay $0x1  }
0x395: {  	v36 =	vadd.s32 v33, v36;
	_ =	sdelay $0x3  }
0x396: {  	v35 =	vperm.xlane v35, v45  }
0x397: {  	[tilespmem:s4], [sflag:$0x2] =	stream.indirect_vreg.gather [hbm4b:s1+s3], $0x80, v36, vm15, $0xb8;
	[tilespmem:$0x15480] =	vst v63  }
0x398: {  	s30 =	simm.s32 $0xB480;
	v35 =	vadd.s32 v33, v35  }
0x399: {  	[tilespmem:s30], [sflag:$0x2] =	stream.indirect_vreg.gather [hbm4b:s5+s3], $0x80, v36, vm15, $0xb8;
	[tilespmem:$0x15480] =	vst v63  }
0x39a: {  	s7 =	simm.s32 $0xBC80  }
0x39b: {  	[tilespmem:s7], [sflag:$0x2] =	stream.indirect_vreg.gather [hbm4b:s6+s3], $0x80, v36, vm15, $0xb8;
	[tilespmem:$0x15480] =	vst v63  }
0x39c: {  	s11 =	simm.s32 $0xC480  }
0x39d: {  	[tilespmem:s11], [sflag:$0x2] =	stream.indirect_vreg.gather [hbm4b:s1+s3], $0x80, v35, vm15, $0xb8;
	[tilespmem:$0x15480] =	vst v63  }
0x39e: {  	s12 =	simm.s32 $0xCC80  }
0x39f: {  	[tilespmem:s12], [sflag:$0x2] =	stream.indirect_vreg.gather [hbm4b:s5+s3], $0x80, v35, vm15, $0xb8;
	[tilespmem:$0x15480] =	vst v63  }
0x3a0: {  	s22 =	simm.s32 $0xD480  }
0x3a1: {  	[tilespmem:s22], [sflag:$0x2] =	stream.indirect_vreg.gather [hbm4b:s6+s3], $0x80, v35, vm15, $0xb8;
	[tilespmem:$0x15480] =	vst v63  }
0x3a2: {  	v35 =	vld [tilespmem:$0x2C8];
	_ =	sdelay $0x4  }
0x3a3: {  	v36 =	vshrl.u32 v35, $0x3  }
0x3a4: {  	v36 =	vmul.u32 $0x30, v36  }
0x3a5: {  	v35 =	vand.u32 $0x7, v35  }
0x3a6: {  	v35 =	vor.u32 v35, v36  }
0x3a7: {  	v36 =	vperm.xlane v35, v43;
	_ =	sdelay $0x1  }
0x3a8: {  	v36 =	vadd.s32 v33, v36;
	_ =	sdelay $0x3  }
0x3a9: {  	s24 =	simm.s32 $0xDC80;
	v35 =	vperm.xlane v35, v45  }
0x3aa: {  	[tilespmem:s24], [sflag:$0x2] =	stream.indirect_vreg.gather [hbm4b:s1+s3], $0x80, v36, vm15, $0xb8;
	[tilespmem:$0x15480] =	vst v63  }
0x3ab: {  	s13 =	simm.s32 $0xE480;
	v35 =	vadd.s32 v33, v35  }
0x3ac: {  	[tilespmem:s13], [sflag:$0x2] =	stream.indirect_vreg.gather [hbm4b:s5+s3], $0x80, v36, vm15, $0xb8;
	[tilespmem:$0x15480] =	vst v63  }
0x3ad: {  	s14 =	simm.s32 $0xEC80  }
0x3ae: {  	[tilespmem:s14], [sflag:$0x2] =	stream.indirect_vreg.gather [hbm4b:s6+s3], $0x80, v36, vm15, $0xb8;
	[tilespmem:$0x15480] =	vst v63  }
0x3af: {  	s15 =	simm.s32 $0xF480  }
0x3b0: {  	[tilespmem:s15], [sflag:$0x2] =	stream.indirect_vreg.gather [hbm4b:s1+s3], $0x80, v35, vm15, $0xb8;
	[tilespmem:$0x15480] =	vst v63  }
0x3b1: {  	s16 =	simm.s32 $0xFC80  }
0x3b2: {  	[tilespmem:s16], [sflag:$0x2] =	stream.indirect_vreg.gather [hbm4b:s5+s3], $0x80, v35, vm15, $0xb8;
	[tilespmem:$0x15480] =	vst v63  }
0x3b3: {  	s25 =	simm.s32 $0x10480  }
0x3b4: {  	[tilespmem:s25], [sflag:$0x2] =	stream.indirect_vreg.gather [hbm4b:s6+s3], $0x80, v35, vm15, $0xb8;
	[tilespmem:$0x15480] =	vst v63  }
0x3b5: {  	v35 =	vld [tilespmem:$0x2D8];
	_ =	sdelay $0x4  }
0x3b6: {  	v36 =	vshrl.u32 v35, $0x3  }
0x3b7: {  	v36 =	vmul.u32 $0x30, v36  }
0x3b8: {  	v35 =	vand.u32 $0x7, v35  }
0x3b9: {  	v35 =	vor.u32 v35, v36  }
0x3ba: {  	v36 =	vperm.xlane v35, v43;
	_ =	sdelay $0x1  }
0x3bb: {  	v36 =	vadd.s32 v33, v36;
	_ =	sdelay $0x3  }
0x3bc: {  	s26 =	simm.s32 $0x10C80;
	v35 =	vperm.xlane v35, v45  }
0x3bd: {  	[tilespmem:s26], [sflag:$0x2] =	stream.indirect_vreg.gather [hbm4b:s1+s3], $0x80, v36, vm15, $0xb8;
	[tilespmem:$0x15480] =	vst v63  }
0x3be: {  	s17 =	simm.s32 $0x11480;
	v35 =	vadd.s32 v33, v35  }
0x3bf: {  	[tilespmem:s17], [sflag:$0x2] =	stream.indirect_vreg.gather [hbm4b:s5+s3], $0x80, v36, vm15, $0xb8;
	[tilespmem:$0x15480] =	vst v63  }
0x3c0: {  	s18 =	simm.s32 $0x11C80  }
0x3c1: {  	[tilespmem:s18], [sflag:$0x2] =	stream.indirect_vreg.gather [hbm4b:s6+s3], $0x80, v36, vm15, $0xb8;
	[tilespmem:$0x15480] =	vst v63  }
0x3c2: {  	s19 =	simm.s32 $0x12480  }
0x3c3: {  	[tilespmem:s19], [sflag:$0x2] =	stream.indirect_vreg.gather [hbm4b:s1+s3], $0x80, v35, vm15, $0xb8;
	[tilespmem:$0x15480] =	vst v63  }
0x3c4: {  	s20 =	simm.s32 $0x12C80  }
0x3c5: {  	[tilespmem:s20], [sflag:$0x2] =	stream.indirect_vreg.gather [hbm4b:s5+s3], $0x80, v35, vm15, $0xb8;
	[tilespmem:$0x15480] =	vst v63  }
0x3c6: {  	s28 =	simm.s32 $0x13480  }
0x3c7: {  	[tilespmem:s28], [sflag:$0x2] =	stream.indirect_vreg.gather [hbm4b:s6+s3], $0x80, v35, vm15, $0xb8;
	[tilespmem:$0x15480] =	vst v63  }
0x3c8: {  	v35 =	vld.msk [tilespmem:$0x2E8], $0xff;
	_ =	sdelay $0x4  }
0x3c9: {  	v36 =	vshrl.u32 v35, $0x3  }
0x3ca: {  	v36 =	vmul.u32 $0x30, v36  }
0x3cb: {  	v35 =	vand.u32 $0x7, v35  }
0x3cc: {  	v35 =	vor.u32 v35, v36  }
0x3cd: {  	v35 =	vperm.xlane v35, v43;
	_ =	sdelay $0x1  }
0x3ce: {  	v35 =	vadd.s32 v33, v35;
	_ =	sdelay $0x3  }
0x3cf: {  	s21 =	simm.s32 $0x13C80  }
0x3d0: {  	[tilespmem:s21], [sflag:$0x2] =	stream.indirect_vreg.gather [hbm4b:s1+s3], $0x80, v35, vm15, $0xb8;
	[tilespmem:$0x15480] =	vst v63  }
0x3d1: {  	s23 =	simm.s32 $0x14480  }
0x3d2: {  	[tilespmem:s23], [sflag:$0x2] =	stream.indirect_vreg.gather [hbm4b:s5+s3], $0x80, v35, vm15, $0xb8;
	[tilespmem:$0x15480] =	vst v63  }
0x3d3: {  	s29 =	simm.s32 $0x14C80  }
0x3d4: {  	[tilespmem:s29], [sflag:$0x2] =	stream.indirect_vreg.gather [hbm4b:s6+s3], $0x80, v35, vm15, $0xb8;
	[tilespmem:$0x15480] =	vst v63  }
0x3d5: {  	_ =	swait.ge [sflag:s2], $0xA800  }
0x3d6: {  	[sflag:s2] =	ssyncset.done $0x0  }
0x3d7: {  	s29 =	rddreg [dreg:$0xb];
	[sflag:s2] =	ssyncadd.s32 $0xFFFF5800  }
0x3d8: {  	[hbm4b:s29+s3] =	stream.linear.scatter [tilespmem:s10], [sflag:$0x3], $0xA800, $0x38;
	[tilespmem:$0x15480] =	vst v63  }
0x3d9: {  	_ =	swait.ge [sflag:s8], $0xA800  }
0x3da: {  	[sflag:s8] =	ssyncset.done $0x0  }
0x3db: {  	[sflag:s8] =	ssyncadd.s32 $0xFFFF5800  }
0x3dc: {  	v35 =	vld [tilespmem:$0x300];
	_ =	sdelay $0x4  }
0x3dd: {  	v36 =	vshrl.u32 v35, $0x3  }
0x3de: {  	v36 =	vmul.u32 $0x30, v36  }
0x3df: {  	v35 =	vand.u32 $0x7, v35  }
0x3e0: {  	v35 =	vor.u32 v35, v36  }
0x3e1: {  	v36 =	vperm.xlane v35, v43;
	_ =	sdelay $0x1  }
0x3e2: {  	v36 =	vadd.s32 v33, v36;
	_ =	sdelay $0x3  }
0x3e3: {  	v35 =	vperm.xlane v35, v45  }
0x3e4: {  	[tilespmem:s10], [sflag:$0x1] =	stream.indirect_vreg.gather [hbm4b:s1+s3], $0x80, v36, vm15, $0xb8;
	[tilespmem:$0x15480] =	vst v63  }
0x3e5: {  	s29 =	simm.s32 $0xC80;
	v35 =	vadd.s32 v33, v35  }
0x3e6: {  	[tilespmem:s29], [sflag:$0x1] =	stream.indirect_vreg.gather [hbm4b:s5+s3], $0x80, v36, vm15, $0xb8;
	[tilespmem:$0x15480] =	vst v63  }
0x3e7: {  	s29 =	simm.s32 $0x1480  }
0x3e8: {  	[tilespmem:s29], [sflag:$0x1] =	stream.indirect_vreg.gather [hbm4b:s6+s3], $0x80, v36, vm15, $0xb8;
	[tilespmem:$0x15480] =	vst v63  }
0x3e9: {  	s29 =	simm.s32 $0x1C80  }
0x3ea: {  	[tilespmem:s29], [sflag:$0x1] =	stream.indirect_vreg.gather [hbm4b:s1+s3], $0x80, v35, vm15, $0xb8;
	[tilespmem:$0x15480] =	vst v63  }
0x3eb: {  	s29 =	simm.s32 $0x2480  }
0x3ec: {  	[tilespmem:s29], [sflag:$0x1] =	stream.indirect_vreg.gather [hbm4b:s5+s3], $0x80, v35, vm15, $0xb8;
	[tilespmem:$0x15480] =	vst v63  }
0x3ed: {  	s29 =	simm.s32 $0x2C80  }
0x3ee: {  	[tilespmem:s29], [sflag:$0x1] =	stream.indirect_vreg.gather [hbm4b:s6+s3], $0x80, v35, vm15, $0xb8;
	[tilespmem:$0x15480] =	vst v63  }
0x3ef: {  	v35 =	vld [tilespmem:$0x310];
	_ =	sdelay $0x4  }
0x3f0: {  	v36 =	vshrl.u32 v35, $0x3  }
0x3f1: {  	v36 =	vmul.u32 $0x30, v36  }
0x3f2: {  	v35 =	vand.u32 $0x7, v35  }
0x3f3: {  	v35 =	vor.u32 v35, v36  }
0x3f4: {  	v36 =	vperm.xlane v35, v43;
	_ =	sdelay $0x1  }
0x3f5: {  	v36 =	vadd.s32 v33, v36;
	_ =	sdelay $0x3  }
0x3f6: {  	s29 =	simm.s32 $0x3480;
	v35 =	vperm.xlane v35, v45  }
0x3f7: {  	[tilespmem:s29], [sflag:$0x1] =	stream.indirect_vreg.gather [hbm4b:s1+s3], $0x80, v36, vm15, $0xb8;
	[tilespmem:$0x15480] =	vst v63  }
0x3f8: {  	v35 =	vadd.s32 v33, v35;
	s29 =	simm.s32 $0x3C80  }
0x3f9: {  	[tilespmem:s29], [sflag:$0x1] =	stream.indirect_vreg.gather [hbm4b:s5+s3], $0x80, v36, vm15, $0xb8;
	[tilespmem:$0x15480] =	vst v63  }
0x3fa: {  	s29 =	simm.s32 $0x4480  }
0x3fb: {  	[tilespmem:s29], [sflag:$0x1] =	stream.indirect_vreg.gather [hbm4b:s6+s3], $0x80, v36, vm15, $0xb8;
	[tilespmem:$0x15480] =	vst v63  }
0x3fc: {  	s29 =	simm.s32 $0x4C80  }
0x3fd: {  	[tilespmem:s29], [sflag:$0x1] =	stream.indirect_vreg.gather [hbm4b:s1+s3], $0x80, v35, vm15, $0xb8;
	[tilespmem:$0x15480] =	vst v63  }
0x3fe: {  	s29 =	simm.s32 $0x5480  }
0x3ff: {  	[tilespmem:s29], [sflag:$0x1] =	stream.indirect_vreg.gather [hbm4b:s5+s3], $0x80, v35, vm15, $0xb8;
	[tilespmem:$0x15480] =	vst v63  }
0x400: {  	s29 =	simm.s32 $0x5C80  }
0x401: {  	[tilespmem:s29], [sflag:$0x1] =	stream.indirect_vreg.gather [hbm4b:s6+s3], $0x80, v35, vm15, $0xb8;
	[tilespmem:$0x15480] =	vst v63  }
0x402: {  	v35 =	vld [tilespmem:$0x320];
	_ =	sdelay $0x4  }
0x403: {  	v36 =	vshrl.u32 v35, $0x3  }
0x404: {  	v36 =	vmul.u32 $0x30, v36  }
0x405: {  	v35 =	vand.u32 $0x7, v35  }
0x406: {  	v35 =	vor.u32 v35, v36  }
0x407: {  	v36 =	vperm.xlane v35, v43;
	_ =	sdelay $0x1  }
0x408: {  	v36 =	vadd.s32 v33, v36;
	_ =	sdelay $0x3  }
0x409: {  	s29 =	simm.s32 $0x6480;
	v35 =	vperm.xlane v35, v45  }
0x40a: {  	[tilespmem:s29], [sflag:$0x1] =	stream.indirect_vreg.gather [hbm4b:s1+s3], $0x80, v36, vm15, $0xb8;
	[tilespmem:$0x15480] =	vst v63  }
0x40b: {  	v35 =	vadd.s32 v33, v35;
	s29 =	simm.s32 $0x6C80  }
0x40c: {  	[tilespmem:s29], [sflag:$0x1] =	stream.indirect_vreg.gather [hbm4b:s5+s3], $0x80, v36, vm15, $0xb8;
	[tilespmem:$0x15480] =	vst v63  }
0x40d: {  	s29 =	simm.s32 $0x7480  }
0x40e: {  	[tilespmem:s29], [sflag:$0x1] =	stream.indirect_vreg.gather [hbm4b:s6+s3], $0x80, v36, vm15, $0xb8;
	[tilespmem:$0x15480] =	vst v63  }
0x40f: {  	s29 =	simm.s32 $0x7C80  }
0x410: {  	[tilespmem:s29], [sflag:$0x1] =	stream.indirect_vreg.gather [hbm4b:s1+s3], $0x80, v35, vm15, $0xb8;
	[tilespmem:$0x15480] =	vst v63  }
0x411: {  	s29 =	simm.s32 $0x8480  }
0x412: {  	[tilespmem:s29], [sflag:$0x1] =	stream.indirect_vreg.gather [hbm4b:s5+s3], $0x80, v35, vm15, $0xb8;
	[tilespmem:$0x15480] =	vst v63  }
0x413: {  	s29 =	simm.s32 $0x8C80  }
0x414: {  	[tilespmem:s29], [sflag:$0x1] =	stream.indirect_vreg.gather [hbm4b:s6+s3], $0x80, v35, vm15, $0xb8;
	[tilespmem:$0x15480] =	vst v63  }
0x415: {  	v35 =	vld.msk [tilespmem:$0x330], $0xff;
	_ =	sdelay $0x4  }
0x416: {  	v36 =	vshrl.u32 v35, $0x3  }
0x417: {  	v36 =	vmul.u32 $0x30, v36  }
0x418: {  	v35 =	vand.u32 $0x7, v35  }
0x419: {  	v35 =	vor.u32 v35, v36  }
0x41a: {  	v35 =	vperm.xlane v35, v43;
	_ =	sdelay $0x1  }
0x41b: {  	v35 =	vadd.s32 v33, v35;
	_ =	sdelay $0x3  }
0x41c: {  	s29 =	simm.s32 $0x9480  }
0x41d: {  	[tilespmem:s29], [sflag:$0x1] =	stream.indirect_vreg.gather [hbm4b:s1+s3], $0x80, v35, vm15, $0xb8;
	[tilespmem:$0x15480] =	vst v63  }
0x41e: {  	s29 =	simm.s32 $0x9C80  }
0x41f: {  	[tilespmem:s29], [sflag:$0x1] =	stream.indirect_vreg.gather [hbm4b:s5+s3], $0x80, v35, vm15, $0xb8;
	[tilespmem:$0x15480] =	vst v63  }
0x420: {  	s29 =	simm.s32 $0xA480  }
0x421: {  	[tilespmem:s29], [sflag:$0x1] =	stream.indirect_vreg.gather [hbm4b:s6+s3], $0x80, v35, vm15, $0xb8;
	[tilespmem:$0x15480] =	vst v63  }
0x422: {  	_ =	swait.ge [sflag:s31], $0xA800  }
0x423: {  	[sflag:s31] =	ssyncset.done $0x0  }
0x424: {  	s29 =	rddreg [dreg:$0xc];
	[sflag:s31] =	ssyncadd.s32 $0xFFFF5800  }
0x425: {  	[hbm4b:s29+s3] =	stream.linear.scatter [tilespmem:s4], [sflag:$0x3], $0xA800, $0x38;
	[tilespmem:$0x15480] =	vst v63  }
0x426: {  	_ =	swait.ge [sflag:s8], $0xA800  }
0x427: {  	[sflag:s8] =	ssyncset.done $0x0  }
0x428: {  	[sflag:s8] =	ssyncadd.s32 $0xFFFF5800  }
0x429: {  	v35 =	vld [tilespmem:$0x338];
	_ =	sdelay $0x4  }
0x42a: {  	v36 =	vshrl.u32 v35, $0x3  }
0x42b: {  	v36 =	vmul.u32 $0x30, v36  }
0x42c: {  	v35 =	vand.u32 $0x7, v35  }
0x42d: {  	v35 =	vor.u32 v35, v36  }
0x42e: {  	v36 =	vperm.xlane v35, v43;
	_ =	sdelay $0x1  }
0x42f: {  	v36 =	vadd.s32 v33, v36;
	_ =	sdelay $0x3  }
0x430: {  	v35 =	vperm.xlane v35, v45  }
0x431: {  	[tilespmem:s4], [sflag:$0x2] =	stream.indirect_vreg.gather [hbm4b:s1+s3], $0x80, v36, vm15, $0xb8;
	[tilespmem:$0x15480] =	vst v63  }
0x432: {  	s30 =	simm.s32 $0xB480;
	v35 =	vadd.s32 v33, v35  }
0x433: {  	[tilespmem:s30], [sflag:$0x2] =	stream.indirect_vreg.gather [hbm4b:s5+s3], $0x80, v36, vm15, $0xb8;
	[tilespmem:$0x15480] =	vst v63  }
0x434: {  	s30 =	simm.s32 $0xBC80  }
0x435: {  	[tilespmem:s30], [sflag:$0x2] =	stream.indirect_vreg.gather [hbm4b:s6+s3], $0x80, v36, vm15, $0xb8;
	[tilespmem:$0x15480] =	vst v63  }
0x436: {  	s11 =	simm.s32 $0xC480  }
0x437: {  	[tilespmem:s11], [sflag:$0x2] =	stream.indirect_vreg.gather [hbm4b:s1+s3], $0x80, v35, vm15, $0xb8;
	[tilespmem:$0x15480] =	vst v63  }
0x438: {  	s7 =	simm.s32 $0xCC80  }
0x439: {  	[tilespmem:s7], [sflag:$0x2] =	stream.indirect_vreg.gather [hbm4b:s5+s3], $0x80, v35, vm15, $0xb8;
	[tilespmem:$0x15480] =	vst v63  }
0x43a: {  	s22 =	simm.s32 $0xD480  }
0x43b: {  	[tilespmem:s22], [sflag:$0x2] =	stream.indirect_vreg.gather [hbm4b:s6+s3], $0x80, v35, vm15, $0xb8;
	[tilespmem:$0x15480] =	vst v63  }
0x43c: {  	v35 =	vld [tilespmem:$0x348];
	_ =	sdelay $0x4  }
0x43d: {  	v36 =	vshrl.u32 v35, $0x3  }
0x43e: {  	v36 =	vmul.u32 $0x30, v36  }
0x43f: {  	v35 =	vand.u32 $0x7, v35  }
0x440: {  	v35 =	vor.u32 v35, v36  }
0x441: {  	v36 =	vperm.xlane v35, v43;
	_ =	sdelay $0x1  }
0x442: {  	v36 =	vadd.s32 v33, v36;
	_ =	sdelay $0x3  }
0x443: {  	s24 =	simm.s32 $0xDC80;
	v35 =	vperm.xlane v35, v45  }
0x444: {  	[tilespmem:s24], [sflag:$0x2] =	stream.indirect_vreg.gather [hbm4b:s1+s3], $0x80, v36, vm15, $0xb8;
	[tilespmem:$0x15480] =	vst v63  }
0x445: {  	s12 =	simm.s32 $0xE480;
	v35 =	vadd.s32 v33, v35  }
0x446: {  	[tilespmem:s12], [sflag:$0x2] =	stream.indirect_vreg.gather [hbm4b:s5+s3], $0x80, v36, vm15, $0xb8;
	[tilespmem:$0x15480] =	vst v63  }
0x447: {  	s13 =	simm.s32 $0xEC80  }
0x448: {  	[tilespmem:s13], [sflag:$0x2] =	stream.indirect_vreg.gather [hbm4b:s6+s3], $0x80, v36, vm15, $0xb8;
	[tilespmem:$0x15480] =	vst v63  }
0x449: {  	s14 =	simm.s32 $0xF480  }
0x44a: {  	[tilespmem:s14], [sflag:$0x2] =	stream.indirect_vreg.gather [hbm4b:s1+s3], $0x80, v35, vm15, $0xb8;
	[tilespmem:$0x15480] =	vst v63  }
0x44b: {  	s15 =	simm.s32 $0xFC80  }
0x44c: {  	[tilespmem:s15], [sflag:$0x2] =	stream.indirect_vreg.gather [hbm4b:s5+s3], $0x80, v35, vm15, $0xb8;
	[tilespmem:$0x15480] =	vst v63  }
0x44d: {  	s25 =	simm.s32 $0x10480  }
0x44e: {  	[tilespmem:s25], [sflag:$0x2] =	stream.indirect_vreg.gather [hbm4b:s6+s3], $0x80, v35, vm15, $0xb8;
	[tilespmem:$0x15480] =	vst v63  }
0x44f: {  	v35 =	vld [tilespmem:$0x358];
	_ =	sdelay $0x4  }
0x450: {  	v36 =	vshrl.u32 v35, $0x3  }
0x451: {  	v36 =	vmul.u32 $0x30, v36  }
0x452: {  	v35 =	vand.u32 $0x7, v35  }
0x453: {  	v35 =	vor.u32 v35, v36  }
0x454: {  	v36 =	vperm.xlane v35, v43;
	_ =	sdelay $0x1  }
0x455: {  	v36 =	vadd.s32 v33, v36;
	_ =	sdelay $0x3  }
0x456: {  	s26 =	simm.s32 $0x10C80;
	v35 =	vperm.xlane v35, v45  }
0x457: {  	[tilespmem:s26], [sflag:$0x2] =	stream.indirect_vreg.gather [hbm4b:s1+s3], $0x80, v36, vm15, $0xb8;
	[tilespmem:$0x15480] =	vst v63  }
0x458: {  	s16 =	simm.s32 $0x11480;
	v35 =	vadd.s32 v33, v35  }
0x459: {  	[tilespmem:s16], [sflag:$0x2] =	stream.indirect_vreg.gather [hbm4b:s5+s3], $0x80, v36, vm15, $0xb8;
	[tilespmem:$0x15480] =	vst v63  }
0x45a: {  	s17 =	simm.s32 $0x11C80  }
0x45b: {  	[tilespmem:s17], [sflag:$0x2] =	stream.indirect_vreg.gather [hbm4b:s6+s3], $0x80, v36, vm15, $0xb8;
	[tilespmem:$0x15480] =	vst v63  }
0x45c: {  	s18 =	simm.s32 $0x12480  }
0x45d: {  	[tilespmem:s18], [sflag:$0x2] =	stream.indirect_vreg.gather [hbm4b:s1+s3], $0x80, v35, vm15, $0xb8;
	[tilespmem:$0x15480] =	vst v63  }
0x45e: {  	s19 =	simm.s32 $0x12C80  }
0x45f: {  	[tilespmem:s19], [sflag:$0x2] =	stream.indirect_vreg.gather [hbm4b:s5+s3], $0x80, v35, vm15, $0xb8;
	[tilespmem:$0x15480] =	vst v63  }
0x460: {  	s28 =	simm.s32 $0x13480  }
0x461: {  	[tilespmem:s28], [sflag:$0x2] =	stream.indirect_vreg.gather [hbm4b:s6+s3], $0x80, v35, vm15, $0xb8;
	[tilespmem:$0x15480] =	vst v63  }
0x462: {  	v35 =	vld.msk [tilespmem:$0x368], $0xff;
	_ =	sdelay $0x4  }
0x463: {  	v36 =	vshrl.u32 v35, $0x3  }
0x464: {  	v36 =	vmul.u32 $0x30, v36  }
0x465: {  	v35 =	vand.u32 $0x7, v35  }
0x466: {  	v35 =	vor.u32 v35, v36  }
0x467: {  	v35 =	vperm.xlane v35, v43;
	_ =	sdelay $0x1  }
0x468: {  	v35 =	vadd.s32 v33, v35;
	_ =	sdelay $0x3  }
0x469: {  	s20 =	simm.s32 $0x13C80  }
0x46a: {  	[tilespmem:s20], [sflag:$0x2] =	stream.indirect_vreg.gather [hbm4b:s1+s3], $0x80, v35, vm15, $0xb8;
	[tilespmem:$0x15480] =	vst v63  }
0x46b: {  	s21 =	simm.s32 $0x14480  }
0x46c: {  	[tilespmem:s21], [sflag:$0x2] =	stream.indirect_vreg.gather [hbm4b:s5+s3], $0x80, v35, vm15, $0xb8;
	[tilespmem:$0x15480] =	vst v63  }
0x46d: {  	s23 =	simm.s32 $0x14C80  }
0x46e: {  	[tilespmem:s23], [sflag:$0x2] =	stream.indirect_vreg.gather [hbm4b:s6+s3], $0x80, v35, vm15, $0xb8;
	[tilespmem:$0x15480] =	vst v63  }
0x46f: {  	_ =	swait.ge [sflag:s2], $0xA800  }
0x470: {  	[sflag:s2] =	ssyncset.done $0x0  }
0x471: {  	s28 =	rddreg [dreg:$0xd];
	[sflag:s2] =	ssyncadd.s32 $0xFFFF5800  }
0x472: {  	[hbm4b:s28+s3] =	stream.linear.scatter [tilespmem:s10], [sflag:$0x3], $0xA800, $0x38;
	[tilespmem:$0x15480] =	vst v63  }
0x473: {  	_ =	swait.ge [sflag:s8], $0xA800  }
0x474: {  	[sflag:s8] =	ssyncset.done $0x0  }
0x475: {  	[sflag:s8] =	ssyncadd.s32 $0xFFFF5800  }
0x476: {  	v35 =	vld [tilespmem:$0x380];
	_ =	sdelay $0x4  }
0x477: {  	v36 =	vshrl.u32 v35, $0x3  }
0x478: {  	v36 =	vmul.u32 $0x30, v36  }
0x479: {  	v35 =	vand.u32 $0x7, v35  }
0x47a: {  	v35 =	vor.u32 v35, v36  }
0x47b: {  	v36 =	vperm.xlane v35, v43;
	_ =	sdelay $0x1  }
0x47c: {  	v36 =	vadd.s32 v33, v36;
	_ =	sdelay $0x3  }
0x47d: {  	v35 =	vperm.xlane v35, v45  }
0x47e: {  	[tilespmem:s10], [sflag:$0x1] =	stream.indirect_vreg.gather [hbm4b:s1+s3], $0x80, v36, vm15, $0xb8;
	[tilespmem:$0x15480] =	vst v63  }
0x47f: {  	s7 =	simm.s32 $0xC80;
	v35 =	vadd.s32 v33, v35  }
0x480: {  	[tilespmem:s7], [sflag:$0x1] =	stream.indirect_vreg.gather [hbm4b:s5+s3], $0x80, v36, vm15, $0xb8;
	[tilespmem:$0x15480] =	vst v63  }
0x481: {  	s21 =	simm.s32 $0x1480  }
0x482: {  	[tilespmem:s21], [sflag:$0x1] =	stream.indirect_vreg.gather [hbm4b:s6+s3], $0x80, v36, vm15, $0xb8;
	[tilespmem:$0x15480] =	vst v63  }
0x483: {  	s28 =	simm.s32 $0x1C80  }
0x484: {  	[tilespmem:s28], [sflag:$0x1] =	stream.indirect_vreg.gather [hbm4b:s1+s3], $0x80, v35, vm15, $0xb8;
	[tilespmem:$0x15480] =	vst v63  }
0x485: {  	s7 =	simm.s32 $0x2480  }
0x486: {  	[tilespmem:s7], [sflag:$0x1] =	stream.indirect_vreg.gather [hbm4b:s5+s3], $0x80, v35, vm15, $0xb8;
	[tilespmem:$0x15480] =	vst v63  }
0x487: {  	s21 =	simm.s32 $0x2C80  }
0x488: {  	[tilespmem:s21], [sflag:$0x1] =	stream.indirect_vreg.gather [hbm4b:s6+s3], $0x80, v35, vm15, $0xb8;
	[tilespmem:$0x15480] =	vst v63  }
0x489: {  	v35 =	vld [tilespmem:$0x390];
	_ =	sdelay $0x4  }
0x48a: {  	v36 =	vshrl.u32 v35, $0x3  }
0x48b: {  	v36 =	vmul.u32 $0x30, v36  }
0x48c: {  	v35 =	vand.u32 $0x7, v35  }
0x48d: {  	v35 =	vor.u32 v35, v36  }
0x48e: {  	v36 =	vperm.xlane v35, v43;
	_ =	sdelay $0x1  }
0x48f: {  	v36 =	vadd.s32 v33, v36;
	_ =	sdelay $0x3  }
0x490: {  	s28 =	simm.s32 $0x3480;
	v35 =	vperm.xlane v35, v45  }
0x491: {  	[tilespmem:s28], [sflag:$0x1] =	stream.indirect_vreg.gather [hbm4b:s1+s3], $0x80, v36, vm15, $0xb8;
	[tilespmem:$0x15480] =	vst v63  }
0x492: {  	s7 =	simm.s32 $0x3C80;
	v35 =	vadd.s32 v33, v35  }
0x493: {  	[tilespmem:s7], [sflag:$0x1] =	stream.indirect_vreg.gather [hbm4b:s5+s3], $0x80, v36, vm15, $0xb8;
	[tilespmem:$0x15480] =	vst v63  }
0x494: {  	s21 =	simm.s32 $0x4480  }
0x495: {  	[tilespmem:s21], [sflag:$0x1] =	stream.indirect_vreg.gather [hbm4b:s6+s3], $0x80, v36, vm15, $0xb8;
	[tilespmem:$0x15480] =	vst v63  }
0x496: {  	s28 =	simm.s32 $0x4C80  }
0x497: {  	[tilespmem:s28], [sflag:$0x1] =	stream.indirect_vreg.gather [hbm4b:s1+s3], $0x80, v35, vm15, $0xb8;
	[tilespmem:$0x15480] =	vst v63  }
0x498: {  	s7 =	simm.s32 $0x5480  }
0x499: {  	[tilespmem:s7], [sflag:$0x1] =	stream.indirect_vreg.gather [hbm4b:s5+s3], $0x80, v35, vm15, $0xb8;
	[tilespmem:$0x15480] =	vst v63  }
0x49a: {  	s21 =	simm.s32 $0x5C80  }
0x49b: {  	[tilespmem:s21], [sflag:$0x1] =	stream.indirect_vreg.gather [hbm4b:s6+s3], $0x80, v35, vm15, $0xb8;
	[tilespmem:$0x15480] =	vst v63  }
0x49c: {  	v35 =	vld [tilespmem:$0x3A0];
	_ =	sdelay $0x4  }
0x49d: {  	v36 =	vshrl.u32 v35, $0x3  }
0x49e: {  	v36 =	vmul.u32 $0x30, v36  }
0x49f: {  	v35 =	vand.u32 $0x7, v35  }
0x4a0: {  	v35 =	vor.u32 v35, v36  }
0x4a1: {  	v36 =	vperm.xlane v35, v43;
	_ =	sdelay $0x1  }
0x4a2: {  	v36 =	vadd.s32 v33, v36;
	_ =	sdelay $0x3  }
0x4a3: {  	s28 =	simm.s32 $0x6480;
	v35 =	vperm.xlane v35, v45  }
0x4a4: {  	[tilespmem:s28], [sflag:$0x1] =	stream.indirect_vreg.gather [hbm4b:s1+s3], $0x80, v36, vm15, $0xb8;
	[tilespmem:$0x15480] =	vst v63  }
0x4a5: {  	s7 =	simm.s32 $0x6C80;
	v35 =	vadd.s32 v33, v35  }
0x4a6: {  	[tilespmem:s7], [sflag:$0x1] =	stream.indirect_vreg.gather [hbm4b:s5+s3], $0x80, v36, vm15, $0xb8;
	[tilespmem:$0x15480] =	vst v63  }
0x4a7: {  	s21 =	simm.s32 $0x7480  }
0x4a8: {  	[tilespmem:s21], [sflag:$0x1] =	stream.indirect_vreg.gather [hbm4b:s6+s3], $0x80, v36, vm15, $0xb8;
	[tilespmem:$0x15480] =	vst v63  }
0x4a9: {  	s28 =	simm.s32 $0x7C80  }
0x4aa: {  	[tilespmem:s28], [sflag:$0x1] =	stream.indirect_vreg.gather [hbm4b:s1+s3], $0x80, v35, vm15, $0xb8;
	[tilespmem:$0x15480] =	vst v63  }
0x4ab: {  	s7 =	simm.s32 $0x8480  }
0x4ac: {  	[tilespmem:s7], [sflag:$0x1] =	stream.indirect_vreg.gather [hbm4b:s5+s3], $0x80, v35, vm15, $0xb8;
	[tilespmem:$0x15480] =	vst v63  }
0x4ad: {  	s21 =	simm.s32 $0x8C80  }
0x4ae: {  	[tilespmem:s21], [sflag:$0x1] =	stream.indirect_vreg.gather [hbm4b:s6+s3], $0x80, v35, vm15, $0xb8;
	[tilespmem:$0x15480] =	vst v63  }
0x4af: {  	v35 =	vld.msk [tilespmem:$0x3B0], $0xff;
	_ =	sdelay $0x4  }
0x4b0: {  	v36 =	vshrl.u32 v35, $0x3  }
0x4b1: {  	v36 =	vmul.u32 $0x30, v36  }
0x4b2: {  	v35 =	vand.u32 $0x7, v35  }
0x4b3: {  	v35 =	vor.u32 v35, v36  }
0x4b4: {  	v35 =	vperm.xlane v35, v43;
	_ =	sdelay $0x1  }
0x4b5: {  	v35 =	vadd.s32 v33, v35;
	_ =	sdelay $0x3  }
0x4b6: {  	s28 =	simm.s32 $0x9480  }
0x4b7: {  	[tilespmem:s28], [sflag:$0x1] =	stream.indirect_vreg.gather [hbm4b:s1+s3], $0x80, v35, vm15, $0xb8;
	[tilespmem:$0x15480] =	vst v63  }
0x4b8: {  	s7 =	simm.s32 $0x9C80  }
0x4b9: {  	[tilespmem:s7], [sflag:$0x1] =	stream.indirect_vreg.gather [hbm4b:s5+s3], $0x80, v35, vm15, $0xb8;
	[tilespmem:$0x15480] =	vst v63  }
0x4ba: {  	s21 =	simm.s32 $0xA480  }
0x4bb: {  	[tilespmem:s21], [sflag:$0x1] =	stream.indirect_vreg.gather [hbm4b:s6+s3], $0x80, v35, vm15, $0xb8;
	[tilespmem:$0x15480] =	vst v63  }
0x4bc: {  	_ =	swait.ge [sflag:s31], $0xA800  }
0x4bd: {  	[sflag:s31] =	ssyncset.done $0x0  }
0x4be: {  	s28 =	rddreg [dreg:$0xe];
	[sflag:s31] =	ssyncadd.s32 $0xFFFF5800  }
0x4bf: {  	[hbm4b:s28+s3] =	stream.linear.scatter [tilespmem:s4], [sflag:$0x3], $0xA800, $0x38;
	[tilespmem:$0x15480] =	vst v63  }
0x4c0: {  	_ =	swait.ge [sflag:s8], $0xA800  }
0x4c1: {  	[sflag:s8] =	ssyncset.done $0x0  }
0x4c2: {  	[sflag:s8] =	ssyncadd.s32 $0xFFFF5800  }
0x4c3: {  	v35 =	vld [tilespmem:$0x3B8];
	_ =	sdelay $0x4  }
0x4c4: {  	v36 =	vshrl.u32 v35, $0x3  }
0x4c5: {  	v36 =	vmul.u32 $0x30, v36  }
0x4c6: {  	v35 =	vand.u32 $0x7, v35  }
0x4c7: {  	v35 =	vor.u32 v35, v36  }
0x4c8: {  	v36 =	vperm.xlane v35, v43;
	_ =	sdelay $0x1  }
0x4c9: {  	v36 =	vadd.s32 v33, v36;
	_ =	sdelay $0x3  }
0x4ca: {  	v35 =	vperm.xlane v35, v45  }
0x4cb: {  	[tilespmem:s4], [sflag:$0x2] =	stream.indirect_vreg.gather [hbm4b:s1+s3], $0x80, v36, vm15, $0xb8;
	[tilespmem:$0x15480] =	vst v63  }
0x4cc: {  	s29 =	simm.s32 $0xB480;
	v35 =	vadd.s32 v33, v35  }
0x4cd: {  	[tilespmem:s29], [sflag:$0x2] =	stream.indirect_vreg.gather [hbm4b:s5+s3], $0x80, v36, vm15, $0xb8;
	[tilespmem:$0x15480] =	vst v63  }
0x4ce: {  	s30 =	simm.s32 $0xBC80  }
0x4cf: {  	[tilespmem:s30], [sflag:$0x2] =	stream.indirect_vreg.gather [hbm4b:s6+s3], $0x80, v36, vm15, $0xb8;
	[tilespmem:$0x15480] =	vst v63  }
0x4d0: {  	s30 =	simm.s32 $0xC480  }
0x4d1: {  	[tilespmem:s30], [sflag:$0x2] =	stream.indirect_vreg.gather [hbm4b:s1+s3], $0x80, v35, vm15, $0xb8;
	[tilespmem:$0x15480] =	vst v63  }
0x4d2: {  	s11 =	simm.s32 $0xCC80  }
0x4d3: {  	[tilespmem:s11], [sflag:$0x2] =	stream.indirect_vreg.gather [hbm4b:s5+s3], $0x80, v35, vm15, $0xb8;
	[tilespmem:$0x15480] =	vst v63  }
0x4d4: {  	s22 =	simm.s32 $0xD480  }
0x4d5: {  	[tilespmem:s22], [sflag:$0x2] =	stream.indirect_vreg.gather [hbm4b:s6+s3], $0x80, v35, vm15, $0xb8;
	[tilespmem:$0x15480] =	vst v63  }
0x4d6: {  	v35 =	vld [tilespmem:$0x3C8];
	_ =	sdelay $0x4  }
0x4d7: {  	v36 =	vshrl.u32 v35, $0x3  }
0x4d8: {  	v36 =	vmul.u32 $0x30, v36  }
0x4d9: {  	v35 =	vand.u32 $0x7, v35  }
0x4da: {  	v35 =	vor.u32 v35, v36  }
0x4db: {  	v36 =	vperm.xlane v35, v43;
	_ =	sdelay $0x1  }
0x4dc: {  	v36 =	vadd.s32 v33, v36;
	_ =	sdelay $0x3  }
0x4dd: {  	s11 =	simm.s32 $0xDC80;
	v35 =	vperm.xlane v35, v45  }
0x4de: {  	[tilespmem:s11], [sflag:$0x2] =	stream.indirect_vreg.gather [hbm4b:s1+s3], $0x80, v36, vm15, $0xb8;
	[tilespmem:$0x15480] =	vst v63  }
0x4df: {  	s12 =	simm.s32 $0xE480;
	v35 =	vadd.s32 v33, v35  }
0x4e0: {  	[tilespmem:s12], [sflag:$0x2] =	stream.indirect_vreg.gather [hbm4b:s5+s3], $0x80, v36, vm15, $0xb8;
	[tilespmem:$0x15480] =	vst v63  }
0x4e1: {  	s13 =	simm.s32 $0xEC80  }
0x4e2: {  	[tilespmem:s13], [sflag:$0x2] =	stream.indirect_vreg.gather [hbm4b:s6+s3], $0x80, v36, vm15, $0xb8;
	[tilespmem:$0x15480] =	vst v63  }
0x4e3: {  	s14 =	simm.s32 $0xF480  }
0x4e4: {  	[tilespmem:s14], [sflag:$0x2] =	stream.indirect_vreg.gather [hbm4b:s1+s3], $0x80, v35, vm15, $0xb8;
	[tilespmem:$0x15480] =	vst v63  }
0x4e5: {  	s15 =	simm.s32 $0xFC80  }
0x4e6: {  	[tilespmem:s15], [sflag:$0x2] =	stream.indirect_vreg.gather [hbm4b:s5+s3], $0x80, v35, vm15, $0xb8;
	[tilespmem:$0x15480] =	vst v63  }
0x4e7: {  	s25 =	simm.s32 $0x10480  }
0x4e8: {  	[tilespmem:s25], [sflag:$0x2] =	stream.indirect_vreg.gather [hbm4b:s6+s3], $0x80, v35, vm15, $0xb8;
	[tilespmem:$0x15480] =	vst v63  }
0x4e9: {  	v35 =	vld [tilespmem:$0x3D8];
	_ =	sdelay $0x4  }
0x4ea: {  	v36 =	vshrl.u32 v35, $0x3  }
0x4eb: {  	v36 =	vmul.u32 $0x30, v36  }
0x4ec: {  	v35 =	vand.u32 $0x7, v35  }
0x4ed: {  	v35 =	vor.u32 v35, v36  }
0x4ee: {  	v36 =	vperm.xlane v35, v43;
	_ =	sdelay $0x1  }
0x4ef: {  	v36 =	vadd.s32 v33, v36;
	_ =	sdelay $0x3  }
0x4f0: {  	s26 =	simm.s32 $0x10C80;
	v35 =	vperm.xlane v35, v45  }
0x4f1: {  	[tilespmem:s26], [sflag:$0x2] =	stream.indirect_vreg.gather [hbm4b:s1+s3], $0x80, v36, vm15, $0xb8;
	[tilespmem:$0x15480] =	vst v63  }
0x4f2: {  	s16 =	simm.s32 $0x11480;
	v35 =	vadd.s32 v33, v35  }
0x4f3: {  	[tilespmem:s16], [sflag:$0x2] =	stream.indirect_vreg.gather [hbm4b:s5+s3], $0x80, v36, vm15, $0xb8;
	[tilespmem:$0x15480] =	vst v63  }
0x4f4: {  	s17 =	simm.s32 $0x11C80  }
0x4f5: {  	[tilespmem:s17], [sflag:$0x2] =	stream.indirect_vreg.gather [hbm4b:s6+s3], $0x80, v36, vm15, $0xb8;
	[tilespmem:$0x15480] =	vst v63  }
0x4f6: {  	s18 =	simm.s32 $0x12480  }
0x4f7: {  	[tilespmem:s18], [sflag:$0x2] =	stream.indirect_vreg.gather [hbm4b:s1+s3], $0x80, v35, vm15, $0xb8;
	[tilespmem:$0x15480] =	vst v63  }
0x4f8: {  	s19 =	simm.s32 $0x12C80  }
0x4f9: {  	[tilespmem:s19], [sflag:$0x2] =	stream.indirect_vreg.gather [hbm4b:s5+s3], $0x80, v35, vm15, $0xb8;
	[tilespmem:$0x15480] =	vst v63  }
0x4fa: {  	s19 =	simm.s32 $0x13480  }
0x4fb: {  	[tilespmem:s19], [sflag:$0x2] =	stream.indirect_vreg.gather [hbm4b:s6+s3], $0x80, v35, vm15, $0xb8;
	[tilespmem:$0x15480] =	vst v63  }
0x4fc: {  	v35 =	vld.msk [tilespmem:$0x3E8], $0xff;
	_ =	sdelay $0x4  }
0x4fd: {  	v36 =	vshrl.u32 v35, $0x3  }
0x4fe: {  	v36 =	vmul.u32 $0x30, v36  }
0x4ff: {  	v35 =	vand.u32 $0x7, v35  }
0x500: {  	v35 =	vor.u32 v35, v36  }
0x501: {  	v35 =	vperm.xlane v35, v43;
	_ =	sdelay $0x1  }
0x502: {  	v35 =	vadd.s32 v33, v35;
	_ =	sdelay $0x3  }
0x503: {  	s20 =	simm.s32 $0x13C80  }
0x504: {  	[tilespmem:s20], [sflag:$0x2] =	stream.indirect_vreg.gather [hbm4b:s1+s3], $0x80, v35, vm15, $0xb8;
	[tilespmem:$0x15480] =	vst v63  }
0x505: {  	s24 =	simm.s32 $0x14480  }
0x506: {  	[tilespmem:s24], [sflag:$0x2] =	stream.indirect_vreg.gather [hbm4b:s5+s3], $0x80, v35, vm15, $0xb8;
	[tilespmem:$0x15480] =	vst v63  }
0x507: {  	s24 =	simm.s32 $0x14C80  }
0x508: {  	[tilespmem:s24], [sflag:$0x2] =	stream.indirect_vreg.gather [hbm4b:s6+s3], $0x80, v35, vm15, $0xb8;
	[tilespmem:$0x15480] =	vst v63  }
0x509: {  	_ =	swait.ge [sflag:s2], $0xA800  }
0x50a: {  	[sflag:s2] =	ssyncset.done $0x0  }
0x50b: {  	s0 =	rddreg [dreg:$0xf];
	[sflag:s2] =	ssyncadd.s32 $0xFFFF5800  }
0x50c: {  	[hbm4b:s0+s3] =	stream.linear.scatter [tilespmem:s10], [sflag:$0x3], $0xA800, $0x38;
	[tilespmem:$0x15480] =	vst v63  }
0x50d: {  	_ =	swait.ge [sflag:s8], $0xA800  }
0x50e: {  	[sflag:s8] =	ssyncset.done $0x0  }
0x50f: {  	[sflag:s8] =	ssyncadd.s32 $0xFFFF5800  }
0x510: {  	v35 =	vld [tilespmem:$0x400];
	_ =	sdelay $0x4  }
0x511: {  	v36 =	vshrl.u32 v35, $0x3  }
0x512: {  	v36 =	vmul.u32 $0x30, v36  }
0x513: {  	v35 =	vand.u32 $0x7, v35  }
0x514: {  	v35 =	vor.u32 v35, v36  }
0x515: {  	v36 =	vperm.xlane v35, v43;
	_ =	sdelay $0x1  }
0x516: {  	v36 =	vadd.s32 v33, v36;
	_ =	sdelay $0x3  }
0x517: {  	v35 =	vperm.xlane v35, v45  }
0x518: {  	[tilespmem:s10], [sflag:$0x1] =	stream.indirect_vreg.gather [hbm4b:s1+s3], $0x80, v36, vm15, $0xb8;
	[tilespmem:$0x15480] =	vst v63  }
0x519: {  	s23 =	simm.s32 $0xC80;
	v35 =	vadd.s32 v33, v35  }
0x51a: {  	[tilespmem:s23], [sflag:$0x1] =	stream.indirect_vreg.gather [hbm4b:s5+s3], $0x80, v36, vm15, $0xb8;
	[tilespmem:$0x15480] =	vst v63  }
0x51b: {  	s23 =	simm.s32 $0x1480  }
0x51c: {  	[tilespmem:s23], [sflag:$0x1] =	stream.indirect_vreg.gather [hbm4b:s6+s3], $0x80, v36, vm15, $0xb8;
	[tilespmem:$0x15480] =	vst v63  }
0x51d: {  	s23 =	simm.s32 $0x1C80  }
0x51e: {  	[tilespmem:s23], [sflag:$0x1] =	stream.indirect_vreg.gather [hbm4b:s1+s3], $0x80, v35, vm15, $0xb8;
	[tilespmem:$0x15480] =	vst v63  }
0x51f: {  	s23 =	simm.s32 $0x2480  }
0x520: {  	[tilespmem:s23], [sflag:$0x1] =	stream.indirect_vreg.gather [hbm4b:s5+s3], $0x80, v35, vm15, $0xb8;
	[tilespmem:$0x15480] =	vst v63  }
0x521: {  	s23 =	simm.s32 $0x2C80  }
0x522: {  	[tilespmem:s23], [sflag:$0x1] =	stream.indirect_vreg.gather [hbm4b:s6+s3], $0x80, v35, vm15, $0xb8;
	[tilespmem:$0x15480] =	vst v63  }
0x523: {  	v35 =	vld [tilespmem:$0x410];
	_ =	sdelay $0x4  }
0x524: {  	v36 =	vshrl.u32 v35, $0x3  }
0x525: {  	v36 =	vmul.u32 $0x30, v36  }
0x526: {  	v35 =	vand.u32 $0x7, v35  }
0x527: {  	v35 =	vor.u32 v35, v36  }
0x528: {  	v36 =	vperm.xlane v35, v43;
	_ =	sdelay $0x1  }
0x529: {  	v36 =	vadd.s32 v33, v36;
	_ =	sdelay $0x3  }
0x52a: {  	s23 =	simm.s32 $0x3480;
	v35 =	vperm.xlane v35, v45  }
0x52b: {  	[tilespmem:s23], [sflag:$0x1] =	stream.indirect_vreg.gather [hbm4b:s1+s3], $0x80, v36, vm15, $0xb8;
	[tilespmem:$0x15480] =	vst v63  }
0x52c: {  	v35 =	vadd.s32 v33, v35;
	s23 =	simm.s32 $0x3C80  }
0x52d: {  	[tilespmem:s23], [sflag:$0x1] =	stream.indirect_vreg.gather [hbm4b:s5+s3], $0x80, v36, vm15, $0xb8;
	[tilespmem:$0x15480] =	vst v63  }
0x52e: {  	s23 =	simm.s32 $0x4480  }
0x52f: {  	[tilespmem:s23], [sflag:$0x1] =	stream.indirect_vreg.gather [hbm4b:s6+s3], $0x80, v36, vm15, $0xb8;
	[tilespmem:$0x15480] =	vst v63  }
0x530: {  	s23 =	simm.s32 $0x4C80  }
0x531: {  	[tilespmem:s23], [sflag:$0x1] =	stream.indirect_vreg.gather [hbm4b:s1+s3], $0x80, v35, vm15, $0xb8;
	[tilespmem:$0x15480] =	vst v63  }
0x532: {  	s23 =	simm.s32 $0x5480  }
0x533: {  	[tilespmem:s23], [sflag:$0x1] =	stream.indirect_vreg.gather [hbm4b:s5+s3], $0x80, v35, vm15, $0xb8;
	[tilespmem:$0x15480] =	vst v63  }
0x534: {  	s23 =	simm.s32 $0x5C80  }
0x535: {  	[tilespmem:s23], [sflag:$0x1] =	stream.indirect_vreg.gather [hbm4b:s6+s3], $0x80, v35, vm15, $0xb8;
	[tilespmem:$0x15480] =	vst v63  }
0x536: {  	v35 =	vld [tilespmem:$0x420];
	_ =	sdelay $0x4  }
0x537: {  	v36 =	vshrl.u32 v35, $0x3  }
0x538: {  	v36 =	vmul.u32 $0x30, v36  }
0x539: {  	v35 =	vand.u32 $0x7, v35  }
0x53a: {  	v35 =	vor.u32 v35, v36  }
0x53b: {  	v36 =	vperm.xlane v35, v43;
	_ =	sdelay $0x1  }
0x53c: {  	v36 =	vadd.s32 v33, v36;
	_ =	sdelay $0x3  }
0x53d: {  	s23 =	simm.s32 $0x6480;
	v35 =	vperm.xlane v35, v45  }
0x53e: {  	[tilespmem:s23], [sflag:$0x1] =	stream.indirect_vreg.gather [hbm4b:s1+s3], $0x80, v36, vm15, $0xb8;
	[tilespmem:$0x15480] =	vst v63  }
0x53f: {  	v35 =	vadd.s32 v33, v35;
	s23 =	simm.s32 $0x6C80  }
0x540: {  	[tilespmem:s23], [sflag:$0x1] =	stream.indirect_vreg.gather [hbm4b:s5+s3], $0x80, v36, vm15, $0xb8;
	[tilespmem:$0x15480] =	vst v63  }
0x541: {  	s23 =	simm.s32 $0x7480  }
0x542: {  	[tilespmem:s23], [sflag:$0x1] =	stream.indirect_vreg.gather [hbm4b:s6+s3], $0x80, v36, vm15, $0xb8;
	[tilespmem:$0x15480] =	vst v63  }
0x543: {  	s23 =	simm.s32 $0x7C80  }
0x544: {  	[tilespmem:s23], [sflag:$0x1] =	stream.indirect_vreg.gather [hbm4b:s1+s3], $0x80, v35, vm15, $0xb8;
	[tilespmem:$0x15480] =	vst v63  }
0x545: {  	s23 =	simm.s32 $0x8480  }
0x546: {  	[tilespmem:s23], [sflag:$0x1] =	stream.indirect_vreg.gather [hbm4b:s5+s3], $0x80, v35, vm15, $0xb8;
	[tilespmem:$0x15480] =	vst v63  }
0x547: {  	s23 =	simm.s32 $0x8C80  }
0x548: {  	[tilespmem:s23], [sflag:$0x1] =	stream.indirect_vreg.gather [hbm4b:s6+s3], $0x80, v35, vm15, $0xb8;
	[tilespmem:$0x15480] =	vst v63  }
0x549: {  	v35 =	vld.msk [tilespmem:$0x430], $0xff;
	_ =	sdelay $0x4  }
0x54a: {  	v36 =	vshrl.u32 v35, $0x3  }
0x54b: {  	v36 =	vmul.u32 $0x30, v36  }
0x54c: {  	v35 =	vand.u32 $0x7, v35  }
0x54d: {  	v35 =	vor.u32 v35, v36  }
0x54e: {  	v35 =	vperm.xlane v35, v43;
	_ =	sdelay $0x1  }
0x54f: {  	v35 =	vadd.s32 v33, v35;
	_ =	sdelay $0x3  }
0x550: {  	s23 =	simm.s32 $0x9480  }
0x551: {  	[tilespmem:s23], [sflag:$0x1] =	stream.indirect_vreg.gather [hbm4b:s1+s3], $0x80, v35, vm15, $0xb8;
	[tilespmem:$0x15480] =	vst v63  }
0x552: {  	s23 =	simm.s32 $0x9C80  }
0x553: {  	[tilespmem:s23], [sflag:$0x1] =	stream.indirect_vreg.gather [hbm4b:s5+s3], $0x80, v35, vm15, $0xb8;
	[tilespmem:$0x15480] =	vst v63  }
0x554: {  	s23 =	simm.s32 $0xA480  }
0x555: {  	[tilespmem:s23], [sflag:$0x1] =	stream.indirect_vreg.gather [hbm4b:s6+s3], $0x80, v35, vm15, $0xb8;
	[tilespmem:$0x15480] =	vst v63  }
0x556: {  	_ =	swait.ge [sflag:s31], $0xA800  }
0x557: {  	[sflag:s31] =	ssyncset.done $0x0  }
0x558: {  	s23 =	rddreg [dreg:$0x10];
	[sflag:s31] =	ssyncadd.s32 $0xFFFF5800  }
0x559: {  	[hbm4b:s23+s3] =	stream.linear.scatter [tilespmem:s4], [sflag:$0x3], $0xA800, $0x38;
	[tilespmem:$0x15480] =	vst v63  }
0x55a: {  	_ =	swait.ge [sflag:s8], $0xA800  }
0x55b: {  	[sflag:s8] =	ssyncset.done $0x0  }
0x55c: {  	[sflag:s8] =	ssyncadd.s32 $0xFFFF5800  }
0x55d: {  	v35 =	vld [tilespmem:$0x438];
	_ =	sdelay $0x4  }
0x55e: {  	v36 =	vshrl.u32 v35, $0x3  }
0x55f: {  	v36 =	vmul.u32 $0x30, v36  }
0x560: {  	v35 =	vand.u32 $0x7, v35  }
0x561: {  	v35 =	vor.u32 v35, v36  }
0x562: {  	v36 =	vperm.xlane v35, v43;
	_ =	sdelay $0x1  }
0x563: {  	v36 =	vadd.s32 v33, v36;
	_ =	sdelay $0x3  }
0x564: {  	v35 =	vperm.xlane v35, v45  }
0x565: {  	[tilespmem:s4], [sflag:$0x2] =	stream.indirect_vreg.gather [hbm4b:s1+s3], $0x80, v36, vm15, $0xb8;
	[tilespmem:$0x15480] =	vst v63  }
0x566: {  	s7 =	simm.s32 $0xB480;
	v35 =	vadd.s32 v33, v35  }
0x567: {  	[tilespmem:s7], [sflag:$0x2] =	stream.indirect_vreg.gather [hbm4b:s5+s3], $0x80, v36, vm15, $0xb8;
	[tilespmem:$0x15480] =	vst v63  }
0x568: {  	s28 =	simm.s32 $0xBC80  }
0x569: {  	[tilespmem:s28], [sflag:$0x2] =	stream.indirect_vreg.gather [hbm4b:s6+s3], $0x80, v36, vm15, $0xb8;
	[tilespmem:$0x15480] =	vst v63  }
0x56a: {  	s30 =	simm.s32 $0xC480  }
0x56b: {  	[tilespmem:s30], [sflag:$0x2] =	stream.indirect_vreg.gather [hbm4b:s1+s3], $0x80, v35, vm15, $0xb8;
	[tilespmem:$0x15480] =	vst v63  }
0x56c: {  	s29 =	simm.s32 $0xCC80  }
0x56d: {  	[tilespmem:s29], [sflag:$0x2] =	stream.indirect_vreg.gather [hbm4b:s5+s3], $0x80, v35, vm15, $0xb8;
	[tilespmem:$0x15480] =	vst v63  }
0x56e: {  	s21 =	simm.s32 $0xD480  }
0x56f: {  	[tilespmem:s21], [sflag:$0x2] =	stream.indirect_vreg.gather [hbm4b:s6+s3], $0x80, v35, vm15, $0xb8;
	[tilespmem:$0x15480] =	vst v63  }
0x570: {  	v35 =	vld [tilespmem:$0x448];
	_ =	sdelay $0x4  }
0x571: {  	v36 =	vshrl.u32 v35, $0x3  }
0x572: {  	v36 =	vmul.u32 $0x30, v36  }
0x573: {  	v35 =	vand.u32 $0x7, v35  }
0x574: {  	v35 =	vor.u32 v35, v36  }
0x575: {  	v36 =	vperm.xlane v35, v43;
	_ =	sdelay $0x1  }
0x576: {  	v36 =	vadd.s32 v33, v36;
	_ =	sdelay $0x3  }
0x577: {  	s22 =	simm.s32 $0xDC80;
	v35 =	vperm.xlane v35, v45  }
0x578: {  	[tilespmem:s22], [sflag:$0x2] =	stream.indirect_vreg.gather [hbm4b:s1+s3], $0x80, v36, vm15, $0xb8;
	[tilespmem:$0x15480] =	vst v63  }
0x579: {  	s11 =	simm.s32 $0xE480;
	v35 =	vadd.s32 v33, v35  }
0x57a: {  	[tilespmem:s11], [sflag:$0x2] =	stream.indirect_vreg.gather [hbm4b:s5+s3], $0x80, v36, vm15, $0xb8;
	[tilespmem:$0x15480] =	vst v63  }
0x57b: {  	s12 =	simm.s32 $0xEC80  }
0x57c: {  	[tilespmem:s12], [sflag:$0x2] =	stream.indirect_vreg.gather [hbm4b:s6+s3], $0x80, v36, vm15, $0xb8;
	[tilespmem:$0x15480] =	vst v63  }
0x57d: {  	s13 =	simm.s32 $0xF480  }
0x57e: {  	[tilespmem:s13], [sflag:$0x2] =	stream.indirect_vreg.gather [hbm4b:s1+s3], $0x80, v35, vm15, $0xb8;
	[tilespmem:$0x15480] =	vst v63  }
0x57f: {  	s14 =	simm.s32 $0xFC80  }
0x580: {  	[tilespmem:s14], [sflag:$0x2] =	stream.indirect_vreg.gather [hbm4b:s5+s3], $0x80, v35, vm15, $0xb8;
	[tilespmem:$0x15480] =	vst v63  }
0x581: {  	s25 =	simm.s32 $0x10480  }
0x582: {  	[tilespmem:s25], [sflag:$0x2] =	stream.indirect_vreg.gather [hbm4b:s6+s3], $0x80, v35, vm15, $0xb8;
	[tilespmem:$0x15480] =	vst v63  }
0x583: {  	v35 =	vld [tilespmem:$0x458];
	_ =	sdelay $0x4  }
0x584: {  	v36 =	vshrl.u32 v35, $0x3  }
0x585: {  	v36 =	vmul.u32 $0x30, v36  }
0x586: {  	v35 =	vand.u32 $0x7, v35  }
0x587: {  	v35 =	vor.u32 v35, v36  }
0x588: {  	v36 =	vperm.xlane v35, v43;
	_ =	sdelay $0x1  }
0x589: {  	v36 =	vadd.s32 v33, v36;
	_ =	sdelay $0x3  }
0x58a: {  	s26 =	simm.s32 $0x10C80;
	v35 =	vperm.xlane v35, v45  }
0x58b: {  	[tilespmem:s26], [sflag:$0x2] =	stream.indirect_vreg.gather [hbm4b:s1+s3], $0x80, v36, vm15, $0xb8;
	[tilespmem:$0x15480] =	vst v63  }
0x58c: {  	s15 =	simm.s32 $0x11480;
	v35 =	vadd.s32 v33, v35  }
0x58d: {  	[tilespmem:s15], [sflag:$0x2] =	stream.indirect_vreg.gather [hbm4b:s5+s3], $0x80, v36, vm15, $0xb8;
	[tilespmem:$0x15480] =	vst v63  }
0x58e: {  	s16 =	simm.s32 $0x11C80  }
0x58f: {  	[tilespmem:s16], [sflag:$0x2] =	stream.indirect_vreg.gather [hbm4b:s6+s3], $0x80, v36, vm15, $0xb8;
	[tilespmem:$0x15480] =	vst v63  }
0x590: {  	s17 =	simm.s32 $0x12480  }
0x591: {  	[tilespmem:s17], [sflag:$0x2] =	stream.indirect_vreg.gather [hbm4b:s1+s3], $0x80, v35, vm15, $0xb8;
	[tilespmem:$0x15480] =	vst v63  }
0x592: {  	s18 =	simm.s32 $0x12C80  }
0x593: {  	[tilespmem:s18], [sflag:$0x2] =	stream.indirect_vreg.gather [hbm4b:s5+s3], $0x80, v35, vm15, $0xb8;
	[tilespmem:$0x15480] =	vst v63  }
0x594: {  	s28 =	simm.s32 $0x13480  }
0x595: {  	[tilespmem:s28], [sflag:$0x2] =	stream.indirect_vreg.gather [hbm4b:s6+s3], $0x80, v35, vm15, $0xb8;
	[tilespmem:$0x15480] =	vst v63  }
0x596: {  	v35 =	vld.msk [tilespmem:$0x468], $0xff;
	_ =	sdelay $0x4  }
0x597: {  	v45 =	vshrl.u32 v35, $0x3  }
0x598: {  	v36 =	vmul.u32 $0x30, v45  }
0x599: {  	v35 =	vand.u32 $0x7, v35  }
0x59a: {  	v35 =	vor.u32 v35, v36  }
0x59b: {  	v35 =	vperm.xlane v35, v43;
	_ =	sdelay $0x1  }
0x59c: {  	v33 =	vadd.s32 v33, v35;
	_ =	sdelay $0x3  }
0x59d: {  	s19 =	simm.s32 $0x13C80  }
0x59e: {  	[tilespmem:s19], [sflag:$0x2] =	stream.indirect_vreg.gather [hbm4b:s1+s3], $0x80, v33, vm15, $0xb8;
	[tilespmem:$0x15480] =	vst v63  }
0x59f: {  	s20 =	simm.s32 $0x14480  }
0x5a0: {  	[tilespmem:s20], [sflag:$0x2] =	stream.indirect_vreg.gather [hbm4b:s5+s3], $0x80, v33, vm15, $0xb8;
	[tilespmem:$0x15480] =	vst v63  }
0x5a1: {  	s24 =	simm.s32 $0x14C80  }
0x5a2: {  	[tilespmem:s24], [sflag:$0x2] =	stream.indirect_vreg.gather [hbm4b:s6+s3], $0x80, v33, vm15, $0xb8;
	[tilespmem:$0x15480] =	vst v63  }
0x5a3: {  	s23 =	rddreg [dreg:$0x13];
	_ =	swait.ge [sflag:s2], $0xA800  }
0x5a4: {  	[sflag:s2] =	ssyncset.done $0x0  }
0x5a5: {  	s29 =	rddreg [dreg:$0x11];
	[sflag:s2] =	ssyncadd.s32 $0xFFFF5800  }
0x5a6: {  	[hbm4b:s29+s3] =	stream.linear.scatter [tilespmem:s10], [sflag:$0x3], $0xA800, $0x38;
	[tilespmem:$0x15480] =	vst v63  }
0x5a7: {  	_ =	swait.ge [sflag:s8], $0xA800  }
0x5a8: {  	[sflag:s8] =	ssyncset.done $0x0  }
0x5a9: {  	[sflag:s8] =	ssyncadd.s32 $0xFFFF5800  }
0x5aa: {  	_ =	swait.ge [sflag:s31], $0xA800  }
0x5ab: {  	p0 =	sne.s32 s23, $0x1;
	[sflag:s31] =	ssyncset.done $0x0  }
.Ltmp0:
0x5ac: {  	s30 =	rddreg [dreg:$0x12];
	[sflag:s31] =	ssyncadd.s32 $0xFFFF5800;
	(pc) =	sbr.rel @p0 .LBB2_1-.Ltmp0, $4  }
0x5ad: {  	[hbm4b:s30+s3] =	stream.linear.scatter [tilespmem:s4], [sflag:$0x3], $0xA800, $0x38;
	[tilespmem:$0x15480] =	vst v63  }
0x5ae: {  	_ =	swait.ge [sflag:s8], $0xA800  }
0x5af: {  	[sflag:s8] =	ssyncset.done $0x0  }
0x5b0: {  	s7 =	sadd.s32 $0xFFFFFFFF, s23;
	[sflag:s8] =	ssyncadd.s32 $0xFFFF5800  }
0x5b1: {  	_ =	sfence.sel $0x180000  }
0x5b2: {  	[bflag:$0x0] =	sbarrier.arrive $0xFFFF  }
0x5b3: {  	_ =	strace $0x90000047  }
0x5b4: {  	s0 =	stileid.u32;
	[bflag:$0x2] =	sbarrier.arrive $0xFFFF  }
0x5b5: {  	p0 =	sne.s32 s0, $0x0;
	s0 =	rddreg [dreg:$0x3]  }
0x5b6: {  	s0 =	sadd.s32 @!p0 $0x100000, s0  }
0x5b7: {  	[sflag:s0] =	ssyncadd.tile.s32 @!p0 $0x1;
	_ =	shalt  }
.Lfunc_end2:
_tile_overlayer_lowered:
.L_overlay_start_2:
0x5b8: {  	(tag) =	ssettag $0x2  }
0x5b9: {  	s0 =	rddreg [dreg:$0x0];
	s2 =	stileid.u32  }
0x5ba: {  	s1 =	rddreg [dreg:$0x1];
	p0 =	sne.s32 s2, $0x0  }
0x5bb: {  	s3 =	rddreg [dreg:$0x2];
	[bflag:$0x3] =	sbarrier.arrive $0xFFFF;
	s2 =	simm.s32 @!p0 $0x1C03  }
0x5bc: {  	[timem:s3], [sflag:s2] =	dma.local @!p0 [hbm:s0], s1  }
0x5bd: {  	s0 =	simm.s32 @!p0 $0x3  }
0x5be: {  	_ =	swait.ge @!p0 [sflag:s0], s1  }
0x5bf: {  	s1 =	ssub.s32 @!p0 $0x0, s1;
	[sflag:s0] =	ssyncset.done @!p0 $0x0  }
0x5c0: {  	[sflag:s0] =	ssyncadd.s32 @!p0 s1  }
0x5c1: {  	[bflag:$0x3] =	sbarrier.arrive $0xFFFF  }
0x5c2: {  	_ =	shalt  }

</sc_bundles>
